<compile_context>
chip_gen: v7x
topology: tpu7x:2x2x1
jax: 0.10.2.dev20260603
libtpu: 0.0.44.dev20260713+nightly
codegen_flags: <defaults>
</compile_context>

<pallas_src>
import functools
import numpy as np
import jax
import jax.numpy as jnp
from jax import lax
from jax.experimental import pallas as pl
from jax.experimental.pallas import tpu as pltpu
from jax.experimental.pallas import tpu_sc as plsc

N0 = 20000
W = 16
NA = 1280
NT = W * NA
NTAB = 24576
NCH = NA // 16
NEG_INF = np.float32(-np.inf)
IMAX = np.int32(2147483647)
IMIN = np.int32(-2147483648)


def _iota():
    return lax.iota(jnp.int32, 16)


def _sumi(vec):
    return jnp.sum(vec.astype(jnp.float32)).astype(jnp.int32)


def _ext(vec, idx):
    return _sumi(jnp.where(_iota() == idx, vec, 0))


def _ln(x):
    u = lax.bitcast_convert_type(x, jnp.int32)
    e = ((u >> 23) & 0xFF) - 127
    m = lax.bitcast_convert_type((u & 0x007FFFFF) | 0x3F800000, jnp.float32)
    big = m > jnp.float32(1.4142135)
    m = jnp.where(big, m * jnp.float32(0.5), m)
    e = (e + jnp.where(big, 1, 0)).astype(jnp.float32)
    z = (m - 1.0) / (m + 1.0)
    z2 = z * z
    p = z * (2.0 + z2 * (2.0 / 3.0 + z2 * (0.4 + z2 * (2.0 / 7.0 + z2 * (2.0 / 9.0)))))
    return e * jnp.float32(0.6931471805599453) + p


def _orderable(k):
    u = lax.bitcast_convert_type(k, jnp.int32)
    return u ^ ((u >> 31) & 0x7FFFFFFF)


def _body(a_hbm, gtc_hbm, wh_hbm, gpos_hbm, gneg_hbm, logt_hbm,
          off_hbm, lab_hbm,
          av, maskv, lrankv, pamaxv, pargv, iouv, labelv, keyv, selv,
          gtcv, whv, gmaxv, gtmaxlocv, cntv, histv, gslv, logtv, offv,
          histall, gmaxall, cntall,
          sh_gtmax, sh_cnt, sh_hist):
    wid = lax.axis_index("s")
    base = wid * NA
    iot = _iota()
    onesi = jnp.ones((16,), jnp.int32)
    zerosi = jnp.zeros((16,), jnp.int32)

    for f in range(4):
        pltpu.sync_copy(a_hbm.at[pl.ds(f * NT + base, NA)], av.at[pl.ds(f * NA, NA)])
    pltpu.sync_copy(gtc_hbm, gtcv)
    pltpu.sync_copy(wh_hbm, whv)
    wv = whv[pl.ds(0, 16)]
    hv = whv[pl.ds(16, 16)]

    def p1_chunk(c, car):
        cmask, rbase = car
        ax1 = av[pl.ds(0 * NA + c * 16, 16)]
        ay1 = av[pl.ds(1 * NA + c * 16, 16)]
        ax2 = av[pl.ds(2 * NA + c * 16, 16)]
        ay2 = av[pl.ds(3 * NA + c * 16, 16)]
        mx = (ax1 >= 0.0) & (ay1 >= 0.0) & (ax2 <= wv) & (ay2 <= hv)
        mi = jnp.where(mx, 1, 0)
        maskv[pl.ds(c * 16, 16)] = mi
        mf = jnp.where(mx, 1.0, 0.0)
        cs = (plsc.cumsum(mf) - mf).astype(jnp.int32)
        lrankv[pl.ds(c * 16, 16)] = rbase + cs
        area_a = (ax2 - ax1) * (ay2 - ay1)

        def p1_gt(jq, icar):
            pamax, parg = icar
            for dj in range(8):
                j = jq * 8 + dj
                jf = jnp.full((16,), j, jnp.int32)
                gx1 = plsc.load_gather(gtcv, [zerosi, jf])
                gy1 = plsc.load_gather(gtcv, [onesi, jf])
                gx2 = plsc.load_gather(gtcv, [onesi + onesi, jf])
                gy2 = plsc.load_gather(gtcv, [onesi + onesi + onesi, jf])
                ix1 = jnp.maximum(ax1, gx1)
                iy1 = jnp.maximum(ay1, gy1)
                ix2 = jnp.minimum(ax2, gx2)
                iy2 = jnp.minimum(ay2, gy2)
                iw = jnp.maximum(ix2 - ix1, 0.0)
                ih = jnp.maximum(iy2 - iy1, 0.0)
                inter = iw * ih
                area_b = (gx2 - gx1) * (gy2 - gy1)
                iou = jnp.where(mx, inter / (area_a + area_b - inter), NEG_INF)
                iouv[pl.ds(j * NA + c * 16, 16)] = iou
                better = iou > pamax
                pamax = jnp.where(better, iou, pamax)
                parg = jnp.where(better, jf, parg)
            return pamax, parg

        pamax0 = jnp.full((16,), NEG_INF, jnp.float32)
        pamax, parg = lax.fori_loop(0, 4, p1_gt, (pamax0, zerosi))
        pamaxv[pl.ds(c * 16, 16)] = pamax
        pargv[pl.ds(c * 16, 16)] = parg
        nm = _sumi(mi)
        return cmask + nm, rbase + nm

    ninf16 = jnp.full((16,), NEG_INF, jnp.float32)
    cmask, _ = lax.fori_loop(
        0, NCH, p1_chunk, (jnp.int32(0), jnp.int32(0)))

    def rowmax_j(j, car):
        glo, ghi = car

        def rm_c(cq, acc):
            a0 = iouv[pl.ds(j * NA + cq * 64, 16)]
            a1 = iouv[pl.ds(j * NA + cq * 64 + 16, 16)]
            a2 = iouv[pl.ds(j * NA + cq * 64 + 32, 16)]
            a3 = iouv[pl.ds(j * NA + cq * 64 + 48, 16)]
            return jnp.maximum(acc, jnp.maximum(jnp.maximum(a0, a1),
                                                jnp.maximum(a2, a3)))

        s = jnp.max(lax.fori_loop(0, NCH // 4, rm_c, ninf16))
        sb = jnp.full((16,), s, jnp.float32)
        glo = jnp.where(iot == j, jnp.maximum(glo, sb), glo)
        ghi = jnp.where(iot == (j - 16), jnp.maximum(ghi, sb), ghi)
        return glo, ghi

    glo, ghi = lax.fori_loop(0, 32, rowmax_j, (ninf16, ninf16))
    gtmaxlocv[pl.ds(0, 16)] = glo
    gtmaxlocv[pl.ds(16, 16)] = ghi
    pltpu.sync_copy(gtmaxlocv, sh_gtmax.at[wid])
    plsc.subcore_barrier()

    pltpu.sync_copy(sh_gtmax, gmaxall)

    def gmax_w(w, car):
        glo, ghi = car
        return (jnp.maximum(glo, gmaxall[w, pl.ds(0, 16)]),
                jnp.maximum(ghi, gmaxall[w, pl.ds(16, 16)]))

    glo, ghi = lax.fori_loop(0, W, gmax_w, (ninf16, ninf16))
    gmaxv[pl.ds(0, 16)] = glo
    gmaxv[pl.ds(16, 16)] = ghi
    gmin = jnp.min(jnp.minimum(glo, ghi))

    def p2_chunk(c, car):
        cpos, cneg, spos, sneg = car
        pam = pamaxv[pl.ds(c * 16, 16)]
        mi = maskv[pl.ds(c * 16, 16)]
        mx = mi != 0
        lr = lrankv[pl.ds(c * 16, 16)]

        def p2_gt(jq, acc):
            e = []
            for dj in range(8):
                j = jq * 8 + dj
                gmb = plsc.load_gather(gmaxv, [jnp.full((16,), j, jnp.int32)])
                eq = (iouv[pl.ds(j * NA + c * 16, 16)] == gmb) & mx
                e.append(jnp.where(eq, 1, 0))
            return acc | ((e[0] | e[1]) | (e[2] | e[3])) | ((e[4] | e[5]) | (e[6] | e[7]))

        maybe = jnp.max(pam) >= gmin
        isgt = lax.cond(maybe,
                        lambda: lax.fori_loop(0, 4, p2_gt, zerosi),
                        lambda: zerosi) != 0
        one = isgt | (mx & (pam >= jnp.float32(0.7)))
        neg = mx & (pam <= jnp.float32(0.3)) & jnp.logical_not(one)
        lab = jnp.where(one, 1, jnp.where(neg, 0, -1))
        labelv[pl.ds(c * 16, 16)] = lab

        ax1 = av[pl.ds(0 * NA + c * 16, 16)]
        ay1 = av[pl.ds(1 * NA + c * 16, 16)]
        ax2 = av[pl.ds(2 * NA + c * 16, 16)]
        ay2 = av[pl.ds(3 * NA + c * 16, 16)]
        parg = pargv[pl.ds(c * 16, 16)]
        gx1 = plsc.load_gather(gtcv, [zerosi, parg])
        gy1 = plsc.load_gather(gtcv, [onesi, parg])
        gx2 = plsc.load_gather(gtcv, [onesi + onesi, parg])
        gy2 = plsc.load_gather(gtcv, [onesi + onesi + onesi, parg])
        aw = ax2 - ax1
        ah = ay2 - ay1
        acx = ax1 + 0.5 * aw
        acy = ay1 + 0.5 * ah
        gw = gx2 - gx1
        gh = gy2 - gy1
        gcx = gx1 + 0.5 * gw
        gcy = gy1 + 0.5 * gh
        zf = jnp.zeros((16,), jnp.float32)
        offv[pl.ds(0 * NA + c * 16, 16)] = jnp.where(mx, (gcx - acx) / aw, zf)
        offv[pl.ds(1 * NA + c * 16, 16)] = jnp.where(mx, (gcy - acy) / ah, zf)
        offv[pl.ds(2 * NA + c * 16, 16)] = jnp.where(mx, _ln(gw / aw), zf)
        offv[pl.ds(3 * NA + c * 16, 16)] = jnp.where(mx, _ln(gh / ah), zf)

        onei = jnp.where(one, 1, 0)
        negi = jnp.where(neg, 1, 0)
        return (cpos + _sumi(onei), cneg + _sumi(negi),
                spos + _sumi(jnp.where(one, lr, 0)),
                sneg + _sumi(jnp.where(neg, lr, 0)))

    cpos, cneg, spos, sneg = lax.fori_loop(
        0, NCH, p2_chunk, (jnp.int32(0),) * 4)
    for f in range(4):
        pltpu.sync_copy(offv.at[pl.ds(f * NA, NA)], off_hbm.at[pl.ds(f * NT + base, NA)])
    cv = jnp.where(iot == 0, cmask, 0)
    cv = jnp.where(iot == 1, cpos, cv)
    cv = jnp.where(iot == 2, cneg, cv)
    cv = jnp.where(iot == 3, spos, cv)
    cv = jnp.where(iot == 4, sneg, cv)
    cntv[pl.ds(0, 16)] = cv
    pltpu.sync_copy(cntv, sh_cnt.at[wid])
    plsc.subcore_barrier()

    pltpu.sync_copy(sh_cnt, cntall)

    def red_w(w, car):
        rb_all, rb_my, npos, posb, nneg, negb, rsp, rsn = car
        row = cntall[w, pl.ds(0, 16)]
        cm = _ext(row, 0)
        cp = _ext(row, 1)
        cn = _ext(row, 2)
        sp = _ext(row, 3)
        sn = _ext(row, 4)
        before = jnp.where(w < wid, 1, 0)
        return (rb_all + cm, rb_my + before * cm, npos + cp,
                posb + before * cp, nneg + cn, negb + before * cn,
                rsp + cp * rb_all + sp, rsn + cn * rb_all + sn)

    (_, rankbase, npos, posbase, nneg, negbase, rsumpos, rsumneg) = lax.fori_loop(
        0, W, red_w, (jnp.int32(0),) * 8)

    rb8 = pl.multiple_of((rankbase >> 3) << 3, 8)
    rrem = rankbase - rb8
    pltpu.sync_copy(logt_hbm.at[pl.ds(rb8, NA + 8)], logtv)

    Kp = jnp.int32(128)
    condp = (npos > Kp) & (rsumpos > 0)
    Kn = jnp.int32(256) - jnp.where(condp, Kp, npos)
    condn = (nneg > Kn) & (rsumneg > 0)
    cpi = jnp.where(condp, 1, 0)
    cni = jnp.where(condn, 1, 0)

    pb8 = pl.multiple_of((posbase >> 3) << 3, 8)
    prem = posbase - pb8
    nb8 = pl.multiple_of((negbase >> 3) << 3, 8)
    nrem = negbase - nb8
    pltpu.sync_copy(gpos_hbm.at[pl.ds(pb8, NA + 8)], gslv.at[pl.ds(0, NA + 8)])
    pltpu.sync_copy(gneg_hbm.at[pl.ds(nb8, NA + 8)], gslv.at[pl.ds(NA + 8, NA + 8)])

    def key_chunk(c, car):
        jbp, jbn = car
        lab = labelv[pl.ds(c * 16, 16)]
        lg = plsc.load_gather(logtv, [lrankv[pl.ds(c * 16, 16)] + rrem])
        selp = lab == 1
        spf = jnp.where(selp, 1.0, 0.0)
        jlp = jbp + (plsc.cumsum(spf) - spf).astype(jnp.int32)
        gvp = plsc.load_gather(gslv, [jlp + prem])
        vp = _orderable(gvp + lg)
        actp = selp & (cpi != 0)
        keyv[pl.ds(c * 16, 16)] = jnp.where(actp, vp, IMAX)
        selv[pl.ds(c * 16, 16)] = jnp.where(actp, 1, 0)
        seln = lab == 0
        snf = jnp.where(seln, 1.0, 0.0)
        jln = jbn + (plsc.cumsum(snf) - snf).astype(jnp.int32)
        gvn = plsc.load_gather(gslv, [jln + (NA + 8 + nrem)])
        vn = _orderable(gvn + lg)
        actn = seln & (cni != 0)
        keyv[pl.ds(NA + c * 16, 16)] = jnp.where(actn, vn, IMAX)
        selv[pl.ds(NA + c * 16, 16)] = jnp.where(actn, 1, 0)
        return jbp + _sumi(jnp.where(selp, 1, 0)), jbn + _sumi(jnp.where(seln, 1, 0))

    lax.fori_loop(0, NCH, key_chunk, (jnp.int32(0), jnp.int32(0)))

    def radix_round(r, pc):
        Pp, Cp, Pn, Cn = pc
        shift = 24 - 8 * r

        def zero_h(h, _):
            histv[pl.ds(h * 16, 16)] = zerosi
            return 0

        lax.fori_loop(0, 32, zero_h, 0)

        def hist_chunk(c, _):
            vp = keyv[pl.ds(c * 16, 16)]
            wp = vp ^ IMIN
            digp = lax.shift_right_logical(wp, shift) & 255
            hbp = lax.shift_right_logical(
                lax.shift_right_logical(wp, shift + 7), 1)
            actp = (selv[pl.ds(c * 16, 16)] != 0) & (hbp == Pp)
            plsc.addupdate_scatter(histv, [digp], onesi, mask=actp)
            vn = keyv[pl.ds(NA + c * 16, 16)]
            wn = vn ^ IMIN
            dign = (lax.shift_right_logical(wn, shift) & 255) + 256
            hbn = lax.shift_right_logical(
                lax.shift_right_logical(wn, shift + 7), 1)
            actn = (selv[pl.ds(NA + c * 16, 16)] != 0) & (hbn == Pn)
            plsc.addupdate_scatter(histv, [dign], onesi, mask=actn)
            return 0

        lax.fori_loop(0, NCH, hist_chunk, 0)
        pltpu.sync_copy(histv, sh_hist.at[wid])
        plsc.subcore_barrier()

        pltpu.sync_copy(sh_hist, histall)

        def merge_w(w, _):
            def merge_h(h, _):
                cur = jnp.where(w == 0, zerosi, histv[pl.ds(h * 16, 16)])
                histv[pl.ds(h * 16, 16)] = cur + histall[w, pl.ds(h * 16, 16)]
                return 0

            return lax.fori_loop(0, 32, merge_h, 0)

        lax.fori_loop(0, W, merge_w, 0)

        def find_digit(K, C, off):
            K1f = (K - C).astype(jnp.float32)

            def find_h(h, car):
                cum, found, bdig, cexcl = car
                accf = histv[pl.ds(off + h * 16, 16)].astype(jnp.float32)
                csf = plsc.cumsum(accf)
                cand = (cum.astype(jnp.float32) + csf) >= K1f
                idx = jnp.min(jnp.where(cand, iot.astype(jnp.float32), 16.0)).astype(jnp.int32)
                hit = (found == 0) & (idx < 16)
                csi = jnp.sum(jnp.where(iot == idx, csf - accf, 0.0)).astype(jnp.int32)
                bdig = jnp.where(hit, h * 16 + idx, bdig)
                cexcl = jnp.where(hit, cum + csi, cexcl)
                found = jnp.where(hit, 1, found)
                cum = cum + jnp.sum(jnp.where(iot == 15, csf, 0.0)).astype(jnp.int32)
                return cum, found, bdig, cexcl

            _, _, bdig, cexcl = lax.fori_loop(
                0, 16, find_h, (jnp.int32(0),) * 4)
            return bdig, cexcl

        bp, cep = find_digit(Kp, Cp, 0)
        bn, cen = find_digit(Kn, Cn, 256)
        plsc.subcore_barrier()
        return (Pp << 8) | bp, Cp + cep, (Pn << 8) | bn, Cn + cen

    Pp, _, Pn, _ = lax.fori_loop(
        0, 4, radix_round, (jnp.int32(0),) * 4)
    Tp = Pp ^ IMIN
    Tn = Pn ^ IMIN

    def apply_chunk(c, _):
        lab = labelv[pl.ds(c * 16, 16)]
        rmp = (selv[pl.ds(c * 16, 16)] != 0) & (keyv[pl.ds(c * 16, 16)] > Tp)
        rmn = (selv[pl.ds(NA + c * 16, 16)] != 0) & (keyv[pl.ds(NA + c * 16, 16)] > Tn)
        labelv[pl.ds(c * 16, 16)] = jnp.where(rmp | rmn, -1, lab)
        return 0

    lax.fori_loop(0, NCH, apply_chunk, 0)

    pltpu.sync_copy(labelv, lab_hbm.at[pl.ds(base, NA)])


_LOGTAB = np.full((NTAB,), 0.0, np.float32)
_LOGTAB[0] = -np.inf
_LOGTAB[1:] = np.log(np.arange(1, NTAB, dtype=np.float32))


@jax.jit
def kernel(gt_bbox, anchors, img_size):
    f32 = jnp.float32
    a_pad = jnp.concatenate(
        [anchors.astype(f32), jnp.full((NT - N0, 4), -1.0, f32)], axis=0)
    a_flat = a_pad.T.reshape(-1)
    gtc = gt_bbox.astype(f32).T
    w = img_size[1].astype(f32)
    h = img_size[0].astype(f32)
    wh = jnp.concatenate([jnp.full((16,), w, f32), jnp.full((16,), h, f32)])
    key = jax.random.key(42)
    kpos, kneg = jax.random.split(key)
    gpos = jax.random.gumbel(kpos, (N0,), f32)
    gneg = jax.random.gumbel(kneg, (N0,), f32)
    pad = jnp.zeros((NTAB - N0,), f32)
    gpos = jnp.concatenate([gpos, pad])
    gneg = jnp.concatenate([gneg, pad])
    logtab = jnp.asarray(_LOGTAB)

    mesh = plsc.VectorSubcoreMesh(
        core_axis_name="c", subcore_axis_name="s", num_cores=1)
    off_flat, label = pl.kernel(
        _body,
        out_type=[jax.ShapeDtypeStruct((4 * NT,), jnp.float32),
                  jax.ShapeDtypeStruct((NT,), jnp.int32)],
        mesh=mesh,
        compiler_params=pltpu.CompilerParams(needs_layout_passes=False),
        scratch_types=[
            pltpu.VMEM((4 * NA,), jnp.float32),
            pltpu.VMEM((NA,), jnp.int32),
            pltpu.VMEM((NA,), jnp.int32),
            pltpu.VMEM((NA,), jnp.float32),
            pltpu.VMEM((NA,), jnp.int32),
            pltpu.VMEM((32 * NA,), jnp.float32),
            pltpu.VMEM((NA,), jnp.int32),
            pltpu.VMEM((2 * NA,), jnp.int32),
            pltpu.VMEM((2 * NA,), jnp.int32),
            pltpu.VMEM((4, 32), jnp.float32),
            pltpu.VMEM((32,), jnp.float32),
            pltpu.VMEM((32,), jnp.float32),
            pltpu.VMEM((32,), jnp.float32),
            pltpu.VMEM((16,), jnp.int32),
            pltpu.VMEM((512,), jnp.int32),
            pltpu.VMEM((2 * (NA + 8),), jnp.float32),
            pltpu.VMEM((NA + 8,), jnp.float32),
            pltpu.VMEM((4 * NA,), jnp.float32),
            pltpu.VMEM((W, 512), jnp.int32),
            pltpu.VMEM((W, 32), jnp.float32),
            pltpu.VMEM((W, 16), jnp.int32),
            pltpu.VMEM_SHARED((W, 32), jnp.float32),
            pltpu.VMEM_SHARED((W, 16), jnp.int32),
            pltpu.VMEM_SHARED((W, 512), jnp.int32),
        ],
    )(a_flat, gtc, wh, gpos, gneg, logtab)

    offset = off_flat.reshape(4, NT)[:, :N0].T
    return offset, label[:N0]

# --- scband reference (transcript-rebuilt; emitter-appended) ---
"""Pipeline reference for scband-anchor-target-layer-85220741088090 (READ-ONLY COPY).

The authoritative reference and input builder live on the scoring server;
editing this copy changes nothing except your own understanding.
"""

import jax, jax.numpy as jnp
import numpy as np


def cal_IoU(a, b):
    inter_x1 = jnp.maximum(a[:, None, 0], b[None, :, 0])
    inter_y1 = jnp.maximum(a[:, None, 1], b[None, :, 1])
    inter_x2 = jnp.minimum(a[:, None, 2], b[None, :, 2])
    inter_y2 = jnp.minimum(a[:, None, 3], b[None, :, 3])
    iw = jnp.clip(inter_x2 - inter_x1, 0.0, None)
    ih = jnp.clip(inter_y2 - inter_y1, 0.0, None)
    inter = iw * ih
    area_a = (a[:, 2] - a[:, 0]) * (a[:, 3] - a[:, 1])
    area_b = (b[:, 2] - b[:, 0]) * (b[:, 3] - b[:, 1])
    return inter / (area_a[:, None] + area_b[None, :] - inter)


def cal_offset_scale(anchors, gt):
    aw = anchors[:, 2] - anchors[:, 0]
    ah = anchors[:, 3] - anchors[:, 1]
    acx = anchors[:, 0] + 0.5 * aw
    acy = anchors[:, 1] + 0.5 * ah
    gw = gt[:, 2] - gt[:, 0]
    gh = gt[:, 3] - gt[:, 1]
    gcx = gt[:, 0] + 0.5 * gw
    gcy = gt[:, 1] + 0.5 * gh
    dx = (gcx - acx) / aw
    dy = (gcy - acy) / ah
    dw = jnp.log(gw / aw)
    dh = jnp.log(gh / ah)
    return jnp.stack([dx, dy, dw, dh], axis=1)


def map_data2anchor(data, anchor_idx, anchor_num, default_value):
    out_shape = (anchor_num,) + data.shape[1:]
    out = jnp.full(out_shape, default_value, dtype=data.dtype)
    return out.at[anchor_idx].set(data)


def _make_boxes(key, n, img_w, img_h, min_size, max_size):
    k1, k2, k3, k4 = jax.random.split(key, 4)
    cx = jax.random.uniform(k1, (n,), minval=0.0, maxval=float(img_w))
    cy = jax.random.uniform(k2, (n,), minval=0.0, maxval=float(img_h))
    w = jax.random.uniform(k3, (n,), minval=min_size, maxval=max_size)
    h = jax.random.uniform(k4, (n,), minval=min_size, maxval=max_size)
    return jnp.stack([cx - 0.5 * w, cy - 0.5 * h, cx + 0.5 * w, cy + 0.5 * h], axis=1).astype(jnp.float32)


def setup_inputs(seed: int = 0):
    key = jax.random.key(seed)
    ka, kg = jax.random.split(key)
    img_h, img_w = 600, 800
    anchors = _make_boxes(ka, 20000, img_w, img_h, 16.0, 256.0)
    gt_bbox = _make_boxes(kg, 32, img_w - 200, img_h - 200, 32.0, 160.0)
    gt_bbox = gt_bbox + 100.0
    return {"gt_bbox": gt_bbox, "anchors": anchors, "img_size": jnp.array([img_h, img_w], dtype=jnp.int32)}


def reference(gt_bbox, anchors, img_size):
    n_sample = 256
    pos_iou_thresh = 0.7
    neg_iou_thresh = 0.3
    pos_ratio = 0.5
    img_h = img_size[0].astype(anchors.dtype)
    img_w = img_size[1].astype(anchors.dtype)
    anchor_num = anchors.shape[0]
    mask = (anchors[:, 0] >= 0) & (anchors[:, 1] >= 0) & (anchors[:, 2] <= img_w) & (anchors[:, 3] <= img_h)
    rank = jnp.cumsum(mask) - 1
    comp_to_full = jnp.zeros((anchor_num,), dtype=jnp.int32).at[
        jnp.where(mask, rank, anchor_num)
    ].set(jnp.arange(anchor_num, dtype=jnp.int32), mode="drop")
    iou = cal_IoU(anchors, gt_bbox)
    gt_max_iou = jnp.max(jnp.where(mask[:, None], iou, -jnp.inf), axis=0)
    per_anchor_max_iou = iou.max(axis=1)
    argmax_iou = iou.argmax(axis=1)
    is_gt_max = jnp.any((iou == gt_max_iou[None, :]) & mask[:, None], axis=1)
    label = jnp.full((anchor_num,), -1, dtype=jnp.int32)
    label = jnp.where(mask & (per_anchor_max_iou <= neg_iou_thresh), 0, label)
    label = jnp.where(is_gt_max, 1, label)
    label = jnp.where(mask & (per_anchor_max_iou >= pos_iou_thresh), 1, label)

    key = jax.random.key(42)
    kpos, kneg = jax.random.split(key)

    def remove_redundant_label(label, expect_num, target_label, rkey):
        sel = label == target_label
        n_idx = jnp.sum(sel)
        idx_sorted = jnp.sort(jnp.where(sel, rank.astype(jnp.float32), jnp.inf))
        idx_sum = jnp.sum(jnp.where(sel, rank.astype(jnp.float32), 0.0))
        num_sample = n_idx - expect_num
        cond = (n_idx > expect_num) & (idx_sum > 0)
        pos = jnp.arange(anchor_num, dtype=jnp.int32)
        g_full = jax.random.gumbel(rkey, (anchor_num,), dtype=jnp.float32)
        g = jnp.where(pos < n_idx, -g_full - jnp.log(idx_sorted / idx_sum), jnp.inf)
        order = jnp.argsort(g)
        remove_comp = jnp.clip(idx_sorted[order], 0.0, float(anchor_num)).astype(jnp.int32)
        valid = cond & (pos < num_sample)
        remove_full = jnp.where(valid, comp_to_full[remove_comp], anchor_num)
        return label.at[remove_full].set(-1, mode="drop")

    positive_num = int(round(n_sample * pos_ratio))
    label = remove_redundant_label(label, positive_num, 1, kpos)
    negative_num = n_sample - jnp.sum(label == 1)
    label = remove_redundant_label(label, negative_num, 0, kneg)

    offset_scale = cal_offset_scale(anchors, gt_bbox[argmax_iou])
    offset_full = jnp.where(mask[:, None], offset_scale, jnp.zeros_like(offset_scale))
    label_full = label
    return (offset_full, label_full)

if __name__ == "__main__":
    import jax
    _d = setup_inputs()
    print(jax.jit(kernel)(*tuple(_d.values())))

</pallas_src>

<mosaic_0001>
#map = affine_map<(d0, d1) -> (0)>
#map1 = affine_map<(d0, d1) -> (0, 0)>
module attributes {stable_mosaic.version = 14 : i64} {
  func.func @_body(%arg0: i32, %arg1: i32, %arg2: memref<81920xf32, #tpu.memory_space<hbm>>, %arg3: memref<4x32xf32, #tpu.memory_space<hbm>>, %arg4: memref<32xf32, #tpu.memory_space<hbm>>, %arg5: memref<24576xf32, #tpu.memory_space<hbm>>, %arg6: memref<24576xf32, #tpu.memory_space<hbm>>, %arg7: memref<24576xf32, #tpu.memory_space<hbm>>, %arg8: memref<81920xf32, #tpu.memory_space<hbm>>, %arg9: memref<20480xi32, #tpu.memory_space<hbm>>, %arg10: memref<5120xf32, #tpu.memory_space<vmem>>, %arg11: memref<1280xi32, #tpu.memory_space<vmem>>, %arg12: memref<1280xi32, #tpu.memory_space<vmem>>, %arg13: memref<1280xf32, #tpu.memory_space<vmem>>, %arg14: memref<1280xi32, #tpu.memory_space<vmem>>, %arg15: memref<40960xf32, #tpu.memory_space<vmem>>, %arg16: memref<1280xi32, #tpu.memory_space<vmem>>, %arg17: memref<2560xi32, #tpu.memory_space<vmem>>, %arg18: memref<2560xi32, #tpu.memory_space<vmem>>, %arg19: memref<4x32xf32, #tpu.memory_space<vmem>>, %arg20: memref<32xf32, #tpu.memory_space<vmem>>, %arg21: memref<32xf32, #tpu.memory_space<vmem>>, %arg22: memref<32xf32, #tpu.memory_space<vmem>>, %arg23: memref<16xi32, #tpu.memory_space<vmem>>, %arg24: memref<512xi32, #tpu.memory_space<vmem>>, %arg25: memref<2576xf32, #tpu.memory_space<vmem>>, %arg26: memref<1288xf32, #tpu.memory_space<vmem>>, %arg27: memref<5120xf32, #tpu.memory_space<vmem>>, %arg28: memref<16x512xi32, #tpu.memory_space<vmem>>, %arg29: memref<16x32xf32, #tpu.memory_space<vmem>>, %arg30: memref<16x16xi32, #tpu.memory_space<vmem>>, %arg31: memref<16x32xf32, #tpu.memory_space<vmem_shared>>, %arg32: memref<16x16xi32, #tpu.memory_space<vmem_shared>>, %arg33: memref<16x512xi32, #tpu.memory_space<vmem_shared>>) attributes {dimension_semantics = [#tpu.dimension_semantics<core_parallel>, #tpu.dimension_semantics<subcore_parallel>], iteration_bounds = array<i64: 1, 16>, scalar_prefetch = 0 : i64, scratch_operands = 24 : i64, tpu.core_type = #tpu.core_type<sc_vector_subcore>, window_params = [{transform_indices = #map}, {transform_indices = #map1}, {transform_indices = #map}, {transform_indices = #map}, {transform_indices = #map}, {transform_indices = #map}, {transform_indices = #map}, {transform_indices = #map}]} {
    %mul3A = arith.constant 1280 : i32
    %mul3A_0 = arith.muli %arg1, %mul3A : i32
    %iota3A = tpu.iota {dimensions = array<i32: 0>} : vector<16xi32>
    %broadcast_in_dim3A = arith.constant 1 : i32
    %broadcast_in_dim3A_1 = vector.broadcast %broadcast_in_dim3A : i32 to vector<16xi32>
    %broadcast_in_dim3A_2 = arith.constant 0 : i32
    %broadcast_in_dim3A_3 = vector.broadcast %broadcast_in_dim3A_2 : i32 to vector<16xi32>
    %add3A = arith.constant 0 : i32
    %add3A_4 = arith.addi %add3A, %mul3A_0 : i32
    "tpu.region"() ({
      %run_scoped3A = tpu.sem_alloc : memref<!tpu.dma_semaphore, #tpu.memory_space<semaphore_mem>>
      %dma_start3A = arith.constant 0 : i32
      %dma_start3A_164 = tpu.memref_slice %arg10[%dma_start3A] : memref<5120xf32, #tpu.memory_space<vmem>> -> memref<1280xf32, #tpu.memory_space<vmem>>
      %dma_start3A_165 = tpu.memref_slice %arg2[%add3A_4] : memref<81920xf32, #tpu.memory_space<hbm>> -> memref<1280xf32, #tpu.memory_space<hbm>>
      %dma_start3A_166 = arith.constant 0 : i32
      %dma_start3A_167 = tpu.memref_slice %arg10[%dma_start3A_166] : memref<5120xf32, #tpu.memory_space<vmem>> -> memref<1280xf32, #tpu.memory_space<vmem>>
      %dma_start3A_168 = tpu.memref_slice %arg2[%add3A_4] : memref<81920xf32, #tpu.memory_space<hbm>> -> memref<1280xf32, #tpu.memory_space<hbm>>
      tpu.enqueue_dma source(%dma_start3A_168 : memref<1280xf32, #tpu.memory_space<hbm>>) target(%dma_start3A_167 : memref<1280xf32, #tpu.memory_space<vmem>>) target_semaphore(%run_scoped3A : memref<!tpu.dma_semaphore, #tpu.memory_space<semaphore_mem>>)
      %dma_wait3A = arith.constant 0 : i32
      %dma_wait3A_169 = tpu.memref_slice %arg10[%dma_wait3A] : memref<5120xf32, #tpu.memory_space<vmem>> -> memref<1280xf32, #tpu.memory_space<vmem>>
      %dma_wait3A_170 = tpu.memref_slice %arg2[%add3A_4] : memref<81920xf32, #tpu.memory_space<hbm>> -> memref<1280xf32, #tpu.memory_space<hbm>>
      %dma_wait3A_171 = arith.constant 0 : i32
      %dma_wait3A_172 = tpu.memref_slice %arg10[%dma_wait3A_171] : memref<5120xf32, #tpu.memory_space<vmem>> -> memref<1280xf32, #tpu.memory_space<vmem>>
      %dma_wait3A_173 = tpu.memref_slice %arg2[%add3A_4] : memref<81920xf32, #tpu.memory_space<hbm>> -> memref<1280xf32, #tpu.memory_space<hbm>>
      tpu.wait_dma2 semaphore(%run_scoped3A : memref<!tpu.dma_semaphore, #tpu.memory_space<semaphore_mem>>) src(%dma_wait3A_173 : memref<1280xf32, #tpu.memory_space<hbm>>) dst(%dma_wait3A_172 : memref<1280xf32, #tpu.memory_space<vmem>>)
      tpu.yield
    }) : () -> ()
    %add3A_5 = arith.constant 20480 : i32
    %add3A_6 = arith.addi %add3A_5, %mul3A_0 : i32
    "tpu.region"() ({
      %run_scoped3A = tpu.sem_alloc : memref<!tpu.dma_semaphore, #tpu.memory_space<semaphore_mem>>
      %dma_start3A = arith.constant 1280 : i32
      %dma_start3A_164 = tpu.memref_slice %arg10[%dma_start3A] : memref<5120xf32, #tpu.memory_space<vmem>> -> memref<1280xf32, #tpu.memory_space<vmem>>
      %dma_start3A_165 = tpu.memref_slice %arg2[%add3A_6] : memref<81920xf32, #tpu.memory_space<hbm>> -> memref<1280xf32, #tpu.memory_space<hbm>>
      %dma_start3A_166 = arith.constant 1280 : i32
      %dma_start3A_167 = tpu.memref_slice %arg10[%dma_start3A_166] : memref<5120xf32, #tpu.memory_space<vmem>> -> memref<1280xf32, #tpu.memory_space<vmem>>
      %dma_start3A_168 = tpu.memref_slice %arg2[%add3A_6] : memref<81920xf32, #tpu.memory_space<hbm>> -> memref<1280xf32, #tpu.memory_space<hbm>>
      tpu.enqueue_dma source(%dma_start3A_168 : memref<1280xf32, #tpu.memory_space<hbm>>) target(%dma_start3A_167 : memref<1280xf32, #tpu.memory_space<vmem>>) target_semaphore(%run_scoped3A : memref<!tpu.dma_semaphore, #tpu.memory_space<semaphore_mem>>)
      %dma_wait3A = arith.constant 1280 : i32
      %dma_wait3A_169 = tpu.memref_slice %arg10[%dma_wait3A] : memref<5120xf32, #tpu.memory_space<vmem>> -> memref<1280xf32, #tpu.memory_space<vmem>>
      %dma_wait3A_170 = tpu.memref_slice %arg2[%add3A_6] : memref<81920xf32, #tpu.memory_space<hbm>> -> memref<1280xf32, #tpu.memory_space<hbm>>
      %dma_wait3A_171 = arith.constant 1280 : i32
      %dma_wait3A_172 = tpu.memref_slice %arg10[%dma_wait3A_171] : memref<5120xf32, #tpu.memory_space<vmem>> -> memref<1280xf32, #tpu.memory_space<vmem>>
      %dma_wait3A_173 = tpu.memref_slice %arg2[%add3A_6] : memref<81920xf32, #tpu.memory_space<hbm>> -> memref<1280xf32, #tpu.memory_space<hbm>>
      tpu.wait_dma2 semaphore(%run_scoped3A : memref<!tpu.dma_semaphore, #tpu.memory_space<semaphore_mem>>) src(%dma_wait3A_173 : memref<1280xf32, #tpu.memory_space<hbm>>) dst(%dma_wait3A_172 : memref<1280xf32, #tpu.memory_space<vmem>>)
      tpu.yield
    }) : () -> ()
    %add3A_7 = arith.constant 40960 : i32
    %add3A_8 = arith.addi %add3A_7, %mul3A_0 : i32
    "tpu.region"() ({
      %run_scoped3A = tpu.sem_alloc : memref<!tpu.dma_semaphore, #tpu.memory_space<semaphore_mem>>
      %dma_start3A = arith.constant 2560 : i32
      %dma_start3A_164 = tpu.memref_slice %arg10[%dma_start3A] : memref<5120xf32, #tpu.memory_space<vmem>> -> memref<1280xf32, #tpu.memory_space<vmem>>
      %dma_start3A_165 = tpu.memref_slice %arg2[%add3A_8] : memref<81920xf32, #tpu.memory_space<hbm>> -> memref<1280xf32, #tpu.memory_space<hbm>>
      %dma_start3A_166 = arith.constant 2560 : i32
      %dma_start3A_167 = tpu.memref_slice %arg10[%dma_start3A_166] : memref<5120xf32, #tpu.memory_space<vmem>> -> memref<1280xf32, #tpu.memory_space<vmem>>
      %dma_start3A_168 = tpu.memref_slice %arg2[%add3A_8] : memref<81920xf32, #tpu.memory_space<hbm>> -> memref<1280xf32, #tpu.memory_space<hbm>>
      tpu.enqueue_dma source(%dma_start3A_168 : memref<1280xf32, #tpu.memory_space<hbm>>) target(%dma_start3A_167 : memref<1280xf32, #tpu.memory_space<vmem>>) target_semaphore(%run_scoped3A : memref<!tpu.dma_semaphore, #tpu.memory_space<semaphore_mem>>)
      %dma_wait3A = arith.constant 2560 : i32
      %dma_wait3A_169 = tpu.memref_slice %arg10[%dma_wait3A] : memref<5120xf32, #tpu.memory_space<vmem>> -> memref<1280xf32, #tpu.memory_space<vmem>>
      %dma_wait3A_170 = tpu.memref_slice %arg2[%add3A_8] : memref<81920xf32, #tpu.memory_space<hbm>> -> memref<1280xf32, #tpu.memory_space<hbm>>
      %dma_wait3A_171 = arith.constant 2560 : i32
      %dma_wait3A_172 = tpu.memref_slice %arg10[%dma_wait3A_171] : memref<5120xf32, #tpu.memory_space<vmem>> -> memref<1280xf32, #tpu.memory_space<vmem>>
      %dma_wait3A_173 = tpu.memref_slice %arg2[%add3A_8] : memref<81920xf32, #tpu.memory_space<hbm>> -> memref<1280xf32, #tpu.memory_space<hbm>>
      tpu.wait_dma2 semaphore(%run_scoped3A : memref<!tpu.dma_semaphore, #tpu.memory_space<semaphore_mem>>) src(%dma_wait3A_173 : memref<1280xf32, #tpu.memory_space<hbm>>) dst(%dma_wait3A_172 : memref<1280xf32, #tpu.memory_space<vmem>>)
      tpu.yield
    }) : () -> ()
    %add3A_9 = arith.constant 61440 : i32
    %add3A_10 = arith.addi %add3A_9, %mul3A_0 : i32
    "tpu.region"() ({
      %run_scoped3A = tpu.sem_alloc : memref<!tpu.dma_semaphore, #tpu.memory_space<semaphore_mem>>
      %dma_start3A = arith.constant 3840 : i32
      %dma_start3A_164 = tpu.memref_slice %arg10[%dma_start3A] : memref<5120xf32, #tpu.memory_space<vmem>> -> memref<1280xf32, #tpu.memory_space<vmem>>
      %dma_start3A_165 = tpu.memref_slice %arg2[%add3A_10] : memref<81920xf32, #tpu.memory_space<hbm>> -> memref<1280xf32, #tpu.memory_space<hbm>>
      %dma_start3A_166 = arith.constant 3840 : i32
      %dma_start3A_167 = tpu.memref_slice %arg10[%dma_start3A_166] : memref<5120xf32, #tpu.memory_space<vmem>> -> memref<1280xf32, #tpu.memory_space<vmem>>
      %dma_start3A_168 = tpu.memref_slice %arg2[%add3A_10] : memref<81920xf32, #tpu.memory_space<hbm>> -> memref<1280xf32, #tpu.memory_space<hbm>>
      tpu.enqueue_dma source(%dma_start3A_168 : memref<1280xf32, #tpu.memory_space<hbm>>) target(%dma_start3A_167 : memref<1280xf32, #tpu.memory_space<vmem>>) target_semaphore(%run_scoped3A : memref<!tpu.dma_semaphore, #tpu.memory_space<semaphore_mem>>)
      %dma_wait3A = arith.constant 3840 : i32
      %dma_wait3A_169 = tpu.memref_slice %arg10[%dma_wait3A] : memref<5120xf32, #tpu.memory_space<vmem>> -> memref<1280xf32, #tpu.memory_space<vmem>>
      %dma_wait3A_170 = tpu.memref_slice %arg2[%add3A_10] : memref<81920xf32, #tpu.memory_space<hbm>> -> memref<1280xf32, #tpu.memory_space<hbm>>
      %dma_wait3A_171 = arith.constant 3840 : i32
      %dma_wait3A_172 = tpu.memref_slice %arg10[%dma_wait3A_171] : memref<5120xf32, #tpu.memory_space<vmem>> -> memref<1280xf32, #tpu.memory_space<vmem>>
      %dma_wait3A_173 = tpu.memref_slice %arg2[%add3A_10] : memref<81920xf32, #tpu.memory_space<hbm>> -> memref<1280xf32, #tpu.memory_space<hbm>>
      tpu.wait_dma2 semaphore(%run_scoped3A : memref<!tpu.dma_semaphore, #tpu.memory_space<semaphore_mem>>) src(%dma_wait3A_173 : memref<1280xf32, #tpu.memory_space<hbm>>) dst(%dma_wait3A_172 : memref<1280xf32, #tpu.memory_space<vmem>>)
      tpu.yield
    }) : () -> ()
    "tpu.region"() ({
      %run_scoped3A = tpu.sem_alloc : memref<!tpu.dma_semaphore, #tpu.memory_space<semaphore_mem>>
      tpu.enqueue_dma source(%arg3 : memref<4x32xf32, #tpu.memory_space<hbm>>) target(%arg19 : memref<4x32xf32, #tpu.memory_space<vmem>>) target_semaphore(%run_scoped3A : memref<!tpu.dma_semaphore, #tpu.memory_space<semaphore_mem>>)
      tpu.wait_dma2 semaphore(%run_scoped3A : memref<!tpu.dma_semaphore, #tpu.memory_space<semaphore_mem>>) src(%arg3 : memref<4x32xf32, #tpu.memory_space<hbm>>) dst(%arg19 : memref<4x32xf32, #tpu.memory_space<vmem>>)
      tpu.yield
    }) : () -> ()
    "tpu.region"() ({
      %run_scoped3A = tpu.sem_alloc : memref<!tpu.dma_semaphore, #tpu.memory_space<semaphore_mem>>
      tpu.enqueue_dma source(%arg4 : memref<32xf32, #tpu.memory_space<hbm>>) target(%arg20 : memref<32xf32, #tpu.memory_space<vmem>>) target_semaphore(%run_scoped3A : memref<!tpu.dma_semaphore, #tpu.memory_space<semaphore_mem>>)
      tpu.wait_dma2 semaphore(%run_scoped3A : memref<!tpu.dma_semaphore, #tpu.memory_space<semaphore_mem>>) src(%arg4 : memref<32xf32, #tpu.memory_space<hbm>>) dst(%arg20 : memref<32xf32, #tpu.memory_space<vmem>>)
      tpu.yield
    }) : () -> ()
    %get3A = arith.constant 0 : index
    %get3A_11 = tpu.vector_load %arg20[%get3A] {strides = array<i32>} : memref<32xf32, #tpu.memory_space<vmem>>, vector<16xf32>,
    %get3A_12 = arith.constant 16 : index
    %get3A_13 = tpu.vector_load %arg20[%get3A_12] {strides = array<i32>} : memref<32xf32, #tpu.memory_space<vmem>>, vector<16xf32>,
    %broadcast_in_dim3A_14 = arith.constant 0xFF800000 : f32
    %broadcast_in_dim3A_15 = vector.broadcast %broadcast_in_dim3A_14 : f32 to vector<16xf32>
    %scan3A = arith.constant 0 : i32
    %scan3A_16 = arith.constant 0 : i32
    %scan3A_17 = arith.constant 0 : i32
    %scan3A_18 = arith.constant 80 : i32
    %scan3A_19 = arith.addi %scan3A_17, %scan3A_18 : i32
    %scan3A_20 = arith.constant 1 : i32
    %scan3A_21:2 = scf.for %scan3A_164 = %scan3A_17 to %scan3A_19 step %scan3A_20 iter_args(%scan3A_165 = %scan3A, %scan3A_166 = %scan3A_16) -> (i32, i32)  : i32 {
      %mul3A_167 = arith.constant 16 : i32
      %mul3A_168 = arith.muli %scan3A_164, %mul3A_167 : i32
      %add3A_169 = arith.constant 0 : i32
      %add3A_170 = arith.addi %add3A_169, %mul3A_168 : i32
      %get3A_171 = arith.index_cast %add3A_170 : i32 to index
      %get3A_172 = tpu.vector_load %arg10[%get3A_171] {strides = array<i32>} : memref<5120xf32, #tpu.memory_space<vmem>>, vector<16xf32>,
      %mul3A_173 = arith.constant 16 : i32
      %mul3A_174 = arith.muli %scan3A_164, %mul3A_173 : i32
      %add3A_175 = arith.constant 1280 : i32
      %add3A_176 = arith.addi %add3A_175, %mul3A_174 : i32
      %get3A_177 = arith.index_cast %add3A_176 : i32 to index
      %get3A_178 = tpu.vector_load %arg10[%get3A_177] {strides = array<i32>} : memref<5120xf32, #tpu.memory_space<vmem>>, vector<16xf32>,
      %mul3A_179 = arith.constant 16 : i32
      %mul3A_180 = arith.muli %scan3A_164, %mul3A_179 : i32
      %add3A_181 = arith.constant 2560 : i32
      %add3A_182 = arith.addi %add3A_181, %mul3A_180 : i32
      %get3A_183 = arith.index_cast %add3A_182 : i32 to index
      %get3A_184 = tpu.vector_load %arg10[%get3A_183] {strides = array<i32>} : memref<5120xf32, #tpu.memory_space<vmem>>, vector<16xf32>,
      %mul3A_185 = arith.constant 16 : i32
      %mul3A_186 = arith.muli %scan3A_164, %mul3A_185 : i32
      %add3A_187 = arith.constant 3840 : i32
      %add3A_188 = arith.addi %add3A_187, %mul3A_186 : i32
      %get3A_189 = arith.index_cast %add3A_188 : i32 to index
      %get3A_190 = tpu.vector_load %arg10[%get3A_189] {strides = array<i32>} : memref<5120xf32, #tpu.memory_space<vmem>>, vector<16xf32>,
      %ge3A = arith.constant 0.000000e+00 : f32
      %ge3A_191 = vector.broadcast %ge3A : f32 to vector<16xf32>
      %ge3A_192 = arith.cmpf oge, %get3A_172, %ge3A_191 : vector<16xf32>
      %ge3A_193 = arith.constant 0.000000e+00 : f32
      %ge3A_194 = vector.broadcast %ge3A_193 : f32 to vector<16xf32>
      %ge3A_195 = arith.cmpf oge, %get3A_178, %ge3A_194 : vector<16xf32>
      %and3A_196 = arith.andi %ge3A_192, %ge3A_195 : vector<16xi1>
      %le3A = arith.cmpf ole, %get3A_184, %get3A_11 : vector<16xf32>
      %and3A_197 = arith.andi %and3A_196, %le3A : vector<16xi1>
      %le3A_198 = arith.cmpf ole, %get3A_190, %get3A_13 : vector<16xf32>
      %and3A_199 = arith.andi %and3A_197, %le3A_198 : vector<16xi1>
      %jit3A_200 = arith.constant 1 : i32
      %jit3A_201 = arith.constant 0 : i32
      %broadcast_in_dim3A_202 = vector.broadcast %jit3A_200 : i32 to vector<16xi32>
      %broadcast_in_dim3A_203 = vector.broadcast %jit3A_201 : i32 to vector<16xi32>
      %select_n3A_204 = arith.select %and3A_199, %broadcast_in_dim3A_202, %broadcast_in_dim3A_203 : vector<16xi1>, vector<16xi32>
      %mul3A_205 = arith.constant 16 : i32
      %mul3A_206 = arith.muli %scan3A_164, %mul3A_205 : i32
      %swap3A_207 = arith.index_cast %mul3A_206 : i32 to index
      %swap3A_208 = tpu.vector_load %arg11[%swap3A_207] {strides = array<i32>} : memref<1280xi32, #tpu.memory_space<vmem>>, vector<16xi32>,
      tpu.vector_store %arg11[%swap3A_207], %select_n3A_204 {strides = array<i32>} : memref<1280xi32, #tpu.memory_space<vmem>>, vector<16xi32>,
      %jit3A_209 = arith.constant 1.000000e+00 : f32
      %jit3A_210 = arith.constant 0.000000e+00 : f32
      %broadcast_in_dim3A_211 = vector.broadcast %jit3A_209 : f32 to vector<16xf32>
      %broadcast_in_dim3A_212 = vector.broadcast %jit3A_210 : f32 to vector<16xf32>
      %select_n3A_213 = arith.select %and3A_199, %broadcast_in_dim3A_211, %broadcast_in_dim3A_212 : vector<16xi1>, vector<16xf32>
      %broadcast_in_dim3A_214 = arith.constant true
      %broadcast_in_dim3A_215 = vector.broadcast %broadcast_in_dim3A_214 : i1 to vector<16xi1>
      %masked_cumsum3A = tpu.scan <sum>, %select_n3A_213 masked %broadcast_in_dim3A_215 : vector<16xf32>, vector<16xi1> -> vector<16xf32>
      %sub3A_216 = arith.subf %masked_cumsum3A, %select_n3A_213 : vector<16xf32>
      %convert_element_type3A = arith.fptosi %sub3A_216 : vector<16xf32> to vector<16xi32>
      %add3A_217 = vector.broadcast %scan3A_166 : i32 to vector<16xi32>
      %add3A_218 = arith.addi %add3A_217, %convert_element_type3A : vector<16xi32>
      %mul3A_219 = arith.constant 16 : i32
      %mul3A_220 = arith.muli %scan3A_164, %mul3A_219 : i32
      %swap3A_221 = arith.index_cast %mul3A_220 : i32 to index
      %swap3A_222 = tpu.vector_load %arg12[%swap3A_221] {strides = array<i32>} : memref<1280xi32, #tpu.memory_space<vmem>>, vector<16xi32>,
      tpu.vector_store %arg12[%swap3A_221], %add3A_218 {strides = array<i32>} : memref<1280xi32, #tpu.memory_space<vmem>>, vector<16xi32>,
      %sub3A_223 = arith.subf %get3A_184, %get3A_172 : vector<16xf32>
      %sub3A_224 = arith.subf %get3A_190, %get3A_178 : vector<16xf32>
      %mul3A_225 = arith.mulf %sub3A_223, %sub3A_224 : vector<16xf32>
      %broadcast_in_dim3A_226 = arith.constant 0xFF800000 : f32
      %broadcast_in_dim3A_227 = vector.broadcast %broadcast_in_dim3A_226 : f32 to vector<16xf32>
      %scan3A_228 = arith.constant 0 : i32
      %scan3A_229 = arith.constant 4 : i32
      %scan3A_230 = arith.addi %scan3A_228, %scan3A_229 : i32
      %scan3A_231 = arith.constant 1 : i32
      %scan3A_232:2 = scf.for %scan3A_249 = %scan3A_228 to %scan3A_230 step %scan3A_231 iter_args(%scan3A_250 = %broadcast_in_dim3A_227, %scan3A_251 = %broadcast_in_dim3A_3) -> (vector<16xf32>, vector<16xi32>)  : i32 {
        %mul3A_252 = arith.constant 8 : i32
        %mul3A_253 = arith.muli %scan3A_249, %mul3A_252 : i32
        %add3A_254 = arith.constant 0 : i32
        %add3A_255 = arith.addi %mul3A_253, %add3A_254 : i32
        %broadcast_in_dim3A_256 = vector.broadcast %add3A_255 : i32 to vector<16xi32>
        %gather3A = tpu.vector_load_idx %arg19[%broadcast_in_dim3A_3, %broadcast_in_dim3A_256] : memref<4x32xf32, #tpu.memory_space<vmem>>[vector<16xi32>, vector<16xi32>], vector<16xf32>,
        %gather3A_257 = tpu.vector_load_idx %arg19[%broadcast_in_dim3A_1, %broadcast_in_dim3A_256] : memref<4x32xf32, #tpu.memory_space<vmem>>[vector<16xi32>, vector<16xi32>], vector<16xf32>,
        %add3A_258 = arith.addi %broadcast_in_dim3A_1, %broadcast_in_dim3A_1 : vector<16xi32>
        %gather3A_259 = tpu.vector_load_idx %arg19[%add3A_258, %broadcast_in_dim3A_256] : memref<4x32xf32, #tpu.memory_space<vmem>>[vector<16xi32>, vector<16xi32>], vector<16xf32>,
        %add3A_260 = arith.addi %broadcast_in_dim3A_1, %broadcast_in_dim3A_1 : vector<16xi32>
        %add3A_261 = arith.addi %add3A_260, %broadcast_in_dim3A_1 : vector<16xi32>
        %gather3A_262 = tpu.vector_load_idx %arg19[%add3A_261, %broadcast_in_dim3A_256] : memref<4x32xf32, #tpu.memory_space<vmem>>[vector<16xi32>, vector<16xi32>], vector<16xf32>,
        %max3A = arith.maximumf %get3A_172, %gather3A : vector<16xf32>
        %max3A_263 = arith.maximumf %get3A_178, %gather3A_257 : vector<16xf32>
        %min3A_264 = arith.minimumf %get3A_184, %gather3A_259 : vector<16xf32>
        %min3A_265 = arith.minimumf %get3A_190, %gather3A_262 : vector<16xf32>
        %sub3A_266 = arith.subf %min3A_264, %max3A : vector<16xf32>
        %max3A_267 = arith.constant 0.000000e+00 : f32
        %max3A_268 = vector.broadcast %max3A_267 : f32 to vector<16xf32>
        %max3A_269 = arith.maximumf %sub3A_266, %max3A_268 : vector<16xf32>
        %sub3A_270 = arith.subf %min3A_265, %max3A_263 : vector<16xf32>
        %max3A_271 = arith.constant 0.000000e+00 : f32
        %max3A_272 = vector.broadcast %max3A_271 : f32 to vector<16xf32>
        %max3A_273 = arith.maximumf %sub3A_270, %max3A_272 : vector<16xf32>
        %mul3A_274 = arith.mulf %max3A_269, %max3A_273 : vector<16xf32>
        %sub3A_275 = arith.subf %gather3A_259, %gather3A : vector<16xf32>
        %sub3A_276 = arith.subf %gather3A_262, %gather3A_257 : vector<16xf32>
        %mul3A_277 = arith.mulf %sub3A_275, %sub3A_276 : vector<16xf32>
        %add3A_278 = arith.addf %mul3A_225, %mul3A_277 : vector<16xf32>
        %sub3A_279 = arith.subf %add3A_278, %mul3A_274 : vector<16xf32>
        %div3A = arith.divf %mul3A_274, %sub3A_279 : vector<16xf32>
        %jit3A_280 = arith.constant 0xFF800000 : f32
        %broadcast_in_dim3A_281 = vector.broadcast %jit3A_280 : f32 to vector<16xf32>
        %select_n3A_282 = arith.select %and3A_199, %div3A, %broadcast_in_dim3A_281 : vector<16xi1>, vector<16xf32>
        %mul3A_283 = arith.constant 1280 : i32
        %mul3A_284 = arith.muli %add3A_255, %mul3A_283 : i32
        %mul3A_285 = arith.constant 16 : i32
        %mul3A_286 = arith.muli %scan3A_164, %mul3A_285 : i32
        %add3A_287 = arith.addi %mul3A_284, %mul3A_286 : i32
        %swap3A_288 = arith.index_cast %add3A_287 : i32 to index
        %swap3A_289 = tpu.vector_load %arg15[%swap3A_288] {strides = array<i32>} : memref<40960xf32, #tpu.memory_space<vmem>>, vector<16xf32>,
        tpu.vector_store %arg15[%swap3A_288], %select_n3A_282 {strides = array<i32>} : memref<40960xf32, #tpu.memory_space<vmem>>, vector<16xf32>,
        %gt3A_290 = arith.cmpf ogt, %select_n3A_282, %scan3A_250 : vector<16xf32>
        %select_n3A_291 = arith.select %gt3A_290, %select_n3A_282, %scan3A_250 : vector<16xi1>, vector<16xf32>
        %select_n3A_292 = arith.select %gt3A_290, %broadcast_in_dim3A_256, %scan3A_251 : vector<16xi1>, vector<16xi32>
        %mul3A_293 = arith.constant 8 : i32
        %mul3A_294 = arith.muli %scan3A_249, %mul3A_293 : i32
        %add3A_295 = arith.constant 1 : i32
        %add3A_296 = arith.addi %mul3A_294, %add3A_295 : i32
        %broadcast_in_dim3A_297 = vector.broadcast %add3A_296 : i32 to vector<16xi32>
        %gather3A_298 = tpu.vector_load_idx %arg19[%broadcast_in_dim3A_3, %broadcast_in_dim3A_297] : memref<4x32xf32, #tpu.memory_space<vmem>>[vector<16xi32>, vector<16xi32>], vector<16xf32>,
        %gather3A_299 = tpu.vector_load_idx %arg19[%broadcast_in_dim3A_1, %broadcast_in_dim3A_297] : memref<4x32xf32, #tpu.memory_space<vmem>>[vector<16xi32>, vector<16xi32>], vector<16xf32>,
        %add3A_300 = arith.addi %broadcast_in_dim3A_1, %broadcast_in_dim3A_1 : vector<16xi32>
        %gather3A_301 = tpu.vector_load_idx %arg19[%add3A_300, %broadcast_in_dim3A_297] : memref<4x32xf32, #tpu.memory_space<vmem>>[vector<16xi32>, vector<16xi32>], vector<16xf32>,
        %add3A_302 = arith.addi %broadcast_in_dim3A_1, %broadcast_in_dim3A_1 : vector<16xi32>
        %add3A_303 = arith.addi %add3A_302, %broadcast_in_dim3A_1 : vector<16xi32>
        %gather3A_304 = tpu.vector_load_idx %arg19[%add3A_303, %broadcast_in_dim3A_297] : memref<4x32xf32, #tpu.memory_space<vmem>>[vector<16xi32>, vector<16xi32>], vector<16xf32>,
        %max3A_305 = arith.maximumf %get3A_172, %gather3A_298 : vector<16xf32>
        %max3A_306 = arith.maximumf %get3A_178, %gather3A_299 : vector<16xf32>
        %min3A_307 = arith.minimumf %get3A_184, %gather3A_301 : vector<16xf32>
        %min3A_308 = arith.minimumf %get3A_190, %gather3A_304 : vector<16xf32>
        %sub3A_309 = arith.subf %min3A_307, %max3A_305 : vector<16xf32>
        %max3A_310 = arith.constant 0.000000e+00 : f32
        %max3A_311 = vector.broadcast %max3A_310 : f32 to vector<16xf32>
        %max3A_312 = arith.maximumf %sub3A_309, %max3A_311 : vector<16xf32>
        %sub3A_313 = arith.subf %min3A_308, %max3A_306 : vector<16xf32>
        %max3A_314 = arith.constant 0.000000e+00 : f32
        %max3A_315 = vector.broadcast %max3A_314 : f32 to vector<16xf32>
        %max3A_316 = arith.maximumf %sub3A_313, %max3A_315 : vector<16xf32>
        %mul3A_317 = arith.mulf %max3A_312, %max3A_316 : vector<16xf32>
        %sub3A_318 = arith.subf %gather3A_301, %gather3A_298 : vector<16xf32>
        %sub3A_319 = arith.subf %gather3A_304, %gather3A_299 : vector<16xf32>
        %mul3A_320 = arith.mulf %sub3A_318, %sub3A_319 : vector<16xf32>
        %add3A_321 = arith.addf %mul3A_225, %mul3A_320 : vector<16xf32>
        %sub3A_322 = arith.subf %add3A_321, %mul3A_317 : vector<16xf32>
        %div3A_323 = arith.divf %mul3A_317, %sub3A_322 : vector<16xf32>
        %jit3A_324 = arith.constant 0xFF800000 : f32
        %broadcast_in_dim3A_325 = vector.broadcast %jit3A_324 : f32 to vector<16xf32>
        %select_n3A_326 = arith.select %and3A_199, %div3A_323, %broadcast_in_dim3A_325 : vector<16xi1>, vector<16xf32>
        %mul3A_327 = arith.constant 1280 : i32
        %mul3A_328 = arith.muli %add3A_296, %mul3A_327 : i32
        %mul3A_329 = arith.constant 16 : i32
        %mul3A_330 = arith.muli %scan3A_164, %mul3A_329 : i32
        %add3A_331 = arith.addi %mul3A_328, %mul3A_330 : i32
        %swap3A_332 = arith.index_cast %add3A_331 : i32 to index
        %swap3A_333 = tpu.vector_load %arg15[%swap3A_332] {strides = array<i32>} : memref<40960xf32, #tpu.memory_space<vmem>>, vector<16xf32>,
        tpu.vector_store %arg15[%swap3A_332], %select_n3A_326 {strides = array<i32>} : memref<40960xf32, #tpu.memory_space<vmem>>, vector<16xf32>,
        %gt3A_334 = arith.cmpf ogt, %select_n3A_326, %select_n3A_291 : vector<16xf32>
        %select_n3A_335 = arith.select %gt3A_334, %select_n3A_326, %select_n3A_291 : vector<16xi1>, vector<16xf32>
        %select_n3A_336 = arith.select %gt3A_334, %broadcast_in_dim3A_297, %select_n3A_292 : vector<16xi1>, vector<16xi32>
        %mul3A_337 = arith.constant 8 : i32
        %mul3A_338 = arith.muli %scan3A_249, %mul3A_337 : i32
        %add3A_339 = arith.constant 2 : i32
        %add3A_340 = arith.addi %mul3A_338, %add3A_339 : i32
        %broadcast_in_dim3A_341 = vector.broadcast %add3A_340 : i32 to vector<16xi32>
        %gather3A_342 = tpu.vector_load_idx %arg19[%broadcast_in_dim3A_3, %broadcast_in_dim3A_341] : memref<4x32xf32, #tpu.memory_space<vmem>>[vector<16xi32>, vector<16xi32>], vector<16xf32>,
        %gather3A_343 = tpu.vector_load_idx %arg19[%broadcast_in_dim3A_1, %broadcast_in_dim3A_341] : memref<4x32xf32, #tpu.memory_space<vmem>>[vector<16xi32>, vector<16xi32>], vector<16xf32>,
        %add3A_344 = arith.addi %broadcast_in_dim3A_1, %broadcast_in_dim3A_1 : vector<16xi32>
        %gather3A_345 = tpu.vector_load_idx %arg19[%add3A_344, %broadcast_in_dim3A_341] : memref<4x32xf32, #tpu.memory_space<vmem>>[vector<16xi32>, vector<16xi32>], vector<16xf32>,
        %add3A_346 = arith.addi %broadcast_in_dim3A_1, %broadcast_in_dim3A_1 : vector<16xi32>
        %add3A_347 = arith.addi %add3A_346, %broadcast_in_dim3A_1 : vector<16xi32>
        %gather3A_348 = tpu.vector_load_idx %arg19[%add3A_347, %broadcast_in_dim3A_341] : memref<4x32xf32, #tpu.memory_space<vmem>>[vector<16xi32>, vector<16xi32>], vector<16xf32>,
        %max3A_349 = arith.maximumf %get3A_172, %gather3A_342 : vector<16xf32>
        %max3A_350 = arith.maximumf %get3A_178, %gather3A_343 : vector<16xf32>
        %min3A_351 = arith.minimumf %get3A_184, %gather3A_345 : vector<16xf32>
        %min3A_352 = arith.minimumf %get3A_190, %gather3A_348 : vector<16xf32>
        %sub3A_353 = arith.subf %min3A_351, %max3A_349 : vector<16xf32>
        %max3A_354 = arith.constant 0.000000e+00 : f32
        %max3A_355 = vector.broadcast %max3A_354 : f32 to vector<16xf32>
        %max3A_356 = arith.maximumf %sub3A_353, %max3A_355 : vector<16xf32>
        %sub3A_357 = arith.subf %min3A_352, %max3A_350 : vector<16xf32>
        %max3A_358 = arith.constant 0.000000e+00 : f32
        %max3A_359 = vector.broadcast %max3A_358 : f32 to vector<16xf32>
        %max3A_360 = arith.maximumf %sub3A_357, %max3A_359 : vector<16xf32>
        %mul3A_361 = arith.mulf %max3A_356, %max3A_360 : vector<16xf32>
        %sub3A_362 = arith.subf %gather3A_345, %gather3A_342 : vector<16xf32>
        %sub3A_363 = arith.subf %gather3A_348, %gather3A_343 : vector<16xf32>
        %mul3A_364 = arith.mulf %sub3A_362, %sub3A_363 : vector<16xf32>
        %add3A_365 = arith.addf %mul3A_225, %mul3A_364 : vector<16xf32>
        %sub3A_366 = arith.subf %add3A_365, %mul3A_361 : vector<16xf32>
        %div3A_367 = arith.divf %mul3A_361, %sub3A_366 : vector<16xf32>
        %jit3A_368 = arith.constant 0xFF800000 : f32
        %broadcast_in_dim3A_369 = vector.broadcast %jit3A_368 : f32 to vector<16xf32>
        %select_n3A_370 = arith.select %and3A_199, %div3A_367, %broadcast_in_dim3A_369 : vector<16xi1>, vector<16xf32>
        %mul3A_371 = arith.constant 1280 : i32
        %mul3A_372 = arith.muli %add3A_340, %mul3A_371 : i32
        %mul3A_373 = arith.constant 16 : i32
        %mul3A_374 = arith.muli %scan3A_164, %mul3A_373 : i32
        %add3A_375 = arith.addi %mul3A_372, %mul3A_374 : i32
        %swap3A_376 = arith.index_cast %add3A_375 : i32 to index
        %swap3A_377 = tpu.vector_load %arg15[%swap3A_376] {strides = array<i32>} : memref<40960xf32, #tpu.memory_space<vmem>>, vector<16xf32>,
        tpu.vector_store %arg15[%swap3A_376], %select_n3A_370 {strides = array<i32>} : memref<40960xf32, #tpu.memory_space<vmem>>, vector<16xf32>,
        %gt3A_378 = arith.cmpf ogt, %select_n3A_370, %select_n3A_335 : vector<16xf32>
        %select_n3A_379 = arith.select %gt3A_378, %select_n3A_370, %select_n3A_335 : vector<16xi1>, vector<16xf32>
        %select_n3A_380 = arith.select %gt3A_378, %broadcast_in_dim3A_341, %select_n3A_336 : vector<16xi1>, vector<16xi32>
        %mul3A_381 = arith.constant 8 : i32
        %mul3A_382 = arith.muli %scan3A_249, %mul3A_381 : i32
        %add3A_383 = arith.constant 3 : i32
        %add3A_384 = arith.addi %mul3A_382, %add3A_383 : i32
        %broadcast_in_dim3A_385 = vector.broadcast %add3A_384 : i32 to vector<16xi32>
        %gather3A_386 = tpu.vector_load_idx %arg19[%broadcast_in_dim3A_3, %broadcast_in_dim3A_385] : memref<4x32xf32, #tpu.memory_space<vmem>>[vector<16xi32>, vector<16xi32>], vector<16xf32>,
        %gather3A_387 = tpu.vector_load_idx %arg19[%broadcast_in_dim3A_1, %broadcast_in_dim3A_385] : memref<4x32xf32, #tpu.memory_space<vmem>>[vector<16xi32>, vector<16xi32>], vector<16xf32>,
        %add3A_388 = arith.addi %broadcast_in_dim3A_1, %broadcast_in_dim3A_1 : vector<16xi32>
        %gather3A_389 = tpu.vector_load_idx %arg19[%add3A_388, %broadcast_in_dim3A_385] : memref<4x32xf32, #tpu.memory_space<vmem>>[vector<16xi32>, vector<16xi32>], vector<16xf32>,
        %add3A_390 = arith.addi %broadcast_in_dim3A_1, %broadcast_in_dim3A_1 : vector<16xi32>
        %add3A_391 = arith.addi %add3A_390, %broadcast_in_dim3A_1 : vector<16xi32>
        %gather3A_392 = tpu.vector_load_idx %arg19[%add3A_391, %broadcast_in_dim3A_385] : memref<4x32xf32, #tpu.memory_space<vmem>>[vector<16xi32>, vector<16xi32>], vector<16xf32>,
        %max3A_393 = arith.maximumf %get3A_172, %gather3A_386 : vector<16xf32>
        %max3A_394 = arith.maximumf %get3A_178, %gather3A_387 : vector<16xf32>
        %min3A_395 = arith.minimumf %get3A_184, %gather3A_389 : vector<16xf32>
        %min3A_396 = arith.minimumf %get3A_190, %gather3A_392 : vector<16xf32>
        %sub3A_397 = arith.subf %min3A_395, %max3A_393 : vector<16xf32>
        %max3A_398 = arith.constant 0.000000e+00 : f32
        %max3A_399 = vector.broadcast %max3A_398 : f32 to vector<16xf32>
        %max3A_400 = arith.maximumf %sub3A_397, %max3A_399 : vector<16xf32>
        %sub3A_401 = arith.subf %min3A_396, %max3A_394 : vector<16xf32>
        %max3A_402 = arith.constant 0.000000e+00 : f32
        %max3A_403 = vector.broadcast %max3A_402 : f32 to vector<16xf32>
        %max3A_404 = arith.maximumf %sub3A_401, %max3A_403 : vector<16xf32>
        %mul3A_405 = arith.mulf %max3A_400, %max3A_404 : vector<16xf32>
        %sub3A_406 = arith.subf %gather3A_389, %gather3A_386 : vector<16xf32>
        %sub3A_407 = arith.subf %gather3A_392, %gather3A_387 : vector<16xf32>
        %mul3A_408 = arith.mulf %sub3A_406, %sub3A_407 : vector<16xf32>
        %add3A_409 = arith.addf %mul3A_225, %mul3A_408 : vector<16xf32>
        %sub3A_410 = arith.subf %add3A_409, %mul3A_405 : vector<16xf32>
        %div3A_411 = arith.divf %mul3A_405, %sub3A_410 : vector<16xf32>
        %jit3A_412 = arith.constant 0xFF800000 : f32
        %broadcast_in_dim3A_413 = vector.broadcast %jit3A_412 : f32 to vector<16xf32>
        %select_n3A_414 = arith.select %and3A_199, %div3A_411, %broadcast_in_dim3A_413 : vector<16xi1>, vector<16xf32>
        %mul3A_415 = arith.constant 1280 : i32
        %mul3A_416 = arith.muli %add3A_384, %mul3A_415 : i32
        %mul3A_417 = arith.constant 16 : i32
        %mul3A_418 = arith.muli %scan3A_164, %mul3A_417 : i32
        %add3A_419 = arith.addi %mul3A_416, %mul3A_418 : i32
        %swap3A_420 = arith.index_cast %add3A_419 : i32 to index
        %swap3A_421 = tpu.vector_load %arg15[%swap3A_420] {strides = array<i32>} : memref<40960xf32, #tpu.memory_space<vmem>>, vector<16xf32>,
        tpu.vector_store %arg15[%swap3A_420], %select_n3A_414 {strides = array<i32>} : memref<40960xf32, #tpu.memory_space<vmem>>, vector<16xf32>,
        %gt3A_422 = arith.cmpf ogt, %select_n3A_414, %select_n3A_379 : vector<16xf32>
        %select_n3A_423 = arith.select %gt3A_422, %select_n3A_414, %select_n3A_379 : vector<16xi1>, vector<16xf32>
        %select_n3A_424 = arith.select %gt3A_422, %broadcast_in_dim3A_385, %select_n3A_380 : vector<16xi1>, vector<16xi32>
        %mul3A_425 = arith.constant 8 : i32
        %mul3A_426 = arith.muli %scan3A_249, %mul3A_425 : i32
        %add3A_427 = arith.constant 4 : i32
        %add3A_428 = arith.addi %mul3A_426, %add3A_427 : i32
        %broadcast_in_dim3A_429 = vector.broadcast %add3A_428 : i32 to vector<16xi32>
        %gather3A_430 = tpu.vector_load_idx %arg19[%broadcast_in_dim3A_3, %broadcast_in_dim3A_429] : memref<4x32xf32, #tpu.memory_space<vmem>>[vector<16xi32>, vector<16xi32>], vector<16xf32>,
        %gather3A_431 = tpu.vector_load_idx %arg19[%broadcast_in_dim3A_1, %broadcast_in_dim3A_429] : memref<4x32xf32, #tpu.memory_space<vmem>>[vector<16xi32>, vector<16xi32>], vector<16xf32>,
        %add3A_432 = arith.addi %broadcast_in_dim3A_1, %broadcast_in_dim3A_1 : vector<16xi32>
        %gather3A_433 = tpu.vector_load_idx %arg19[%add3A_432, %broadcast_in_dim3A_429] : memref<4x32xf32, #tpu.memory_space<vmem>>[vector<16xi32>, vector<16xi32>], vector<16xf32>,
        %add3A_434 = arith.addi %broadcast_in_dim3A_1, %broadcast_in_dim3A_1 : vector<16xi32>
        %add3A_435 = arith.addi %add3A_434, %broadcast_in_dim3A_1 : vector<16xi32>
        %gather3A_436 = tpu.vector_load_idx %arg19[%add3A_435, %broadcast_in_dim3A_429] : memref<4x32xf32, #tpu.memory_space<vmem>>[vector<16xi32>, vector<16xi32>], vector<16xf32>,
        %max3A_437 = arith.maximumf %get3A_172, %gather3A_430 : vector<16xf32>
        %max3A_438 = arith.maximumf %get3A_178, %gather3A_431 : vector<16xf32>
        %min3A_439 = arith.minimumf %get3A_184, %gather3A_433 : vector<16xf32>
        %min3A_440 = arith.minimumf %get3A_190, %gather3A_436 : vector<16xf32>
        %sub3A_441 = arith.subf %min3A_439, %max3A_437 : vector<16xf32>
        %max3A_442 = arith.constant 0.000000e+00 : f32
        %max3A_443 = vector.broadcast %max3A_442 : f32 to vector<16xf32>
        %max3A_444 = arith.maximumf %sub3A_441, %max3A_443 : vector<16xf32>
        %sub3A_445 = arith.subf %min3A_440, %max3A_438 : vector<16xf32>
        %max3A_446 = arith.constant 0.000000e+00 : f32
        %max3A_447 = vector.broadcast %max3A_446 : f32 to vector<16xf32>
        %max3A_448 = arith.maximumf %sub3A_445, %max3A_447 : vector<16xf32>
        %mul3A_449 = arith.mulf %max3A_444, %max3A_448 : vector<16xf32>
        %sub3A_450 = arith.subf %gather3A_433, %gather3A_430 : vector<16xf32>
        %sub3A_451 = arith.subf %gather3A_436, %gather3A_431 : vector<16xf32>
        %mul3A_452 = arith.mulf %sub3A_450, %sub3A_451 : vector<16xf32>
        %add3A_453 = arith.addf %mul3A_225, %mul3A_452 : vector<16xf32>
        %sub3A_454 = arith.subf %add3A_453, %mul3A_449 : vector<16xf32>
        %div3A_455 = arith.divf %mul3A_449, %sub3A_454 : vector<16xf32>
        %jit3A_456 = arith.constant 0xFF800000 : f32
        %broadcast_in_dim3A_457 = vector.broadcast %jit3A_456 : f32 to vector<16xf32>
        %select_n3A_458 = arith.select %and3A_199, %div3A_455, %broadcast_in_dim3A_457 : vector<16xi1>, vector<16xf32>
        %mul3A_459 = arith.constant 1280 : i32
        %mul3A_460 = arith.muli %add3A_428, %mul3A_459 : i32
        %mul3A_461 = arith.constant 16 : i32
        %mul3A_462 = arith.muli %scan3A_164, %mul3A_461 : i32
        %add3A_463 = arith.addi %mul3A_460, %mul3A_462 : i32
        %swap3A_464 = arith.index_cast %add3A_463 : i32 to index
        %swap3A_465 = tpu.vector_load %arg15[%swap3A_464] {strides = array<i32>} : memref<40960xf32, #tpu.memory_space<vmem>>, vector<16xf32>,
        tpu.vector_store %arg15[%swap3A_464], %select_n3A_458 {strides = array<i32>} : memref<40960xf32, #tpu.memory_space<vmem>>, vector<16xf32>,
        %gt3A_466 = arith.cmpf ogt, %select_n3A_458, %select_n3A_423 : vector<16xf32>
        %select_n3A_467 = arith.select %gt3A_466, %select_n3A_458, %select_n3A_423 : vector<16xi1>, vector<16xf32>
        %select_n3A_468 = arith.select %gt3A_466, %broadcast_in_dim3A_429, %select_n3A_424 : vector<16xi1>, vector<16xi32>
        %mul3A_469 = arith.constant 8 : i32
        %mul3A_470 = arith.muli %scan3A_249, %mul3A_469 : i32
        %add3A_471 = arith.constant 5 : i32
        %add3A_472 = arith.addi %mul3A_470, %add3A_471 : i32
        %broadcast_in_dim3A_473 = vector.broadcast %add3A_472 : i32 to vector<16xi32>
        %gather3A_474 = tpu.vector_load_idx %arg19[%broadcast_in_dim3A_3, %broadcast_in_dim3A_473] : memref<4x32xf32, #tpu.memory_space<vmem>>[vector<16xi32>, vector<16xi32>], vector<16xf32>,
        %gather3A_475 = tpu.vector_load_idx %arg19[%broadcast_in_dim3A_1, %broadcast_in_dim3A_473] : memref<4x32xf32, #tpu.memory_space<vmem>>[vector<16xi32>, vector<16xi32>], vector<16xf32>,
        %add3A_476 = arith.addi %broadcast_in_dim3A_1, %broadcast_in_dim3A_1 : vector<16xi32>
        %gather3A_477 = tpu.vector_load_idx %arg19[%add3A_476, %broadcast_in_dim3A_473] : memref<4x32xf32, #tpu.memory_space<vmem>>[vector<16xi32>, vector<16xi32>], vector<16xf32>,
        %add3A_478 = arith.addi %broadcast_in_dim3A_1, %broadcast_in_dim3A_1 : vector<16xi32>
        %add3A_479 = arith.addi %add3A_478, %broadcast_in_dim3A_1 : vector<16xi32>
        %gather3A_480 = tpu.vector_load_idx %arg19[%add3A_479, %broadcast_in_dim3A_473] : memref<4x32xf32, #tpu.memory_space<vmem>>[vector<16xi32>, vector<16xi32>], vector<16xf32>,
        %max3A_481 = arith.maximumf %get3A_172, %gather3A_474 : vector<16xf32>
        %max3A_482 = arith.maximumf %get3A_178, %gather3A_475 : vector<16xf32>
        %min3A_483 = arith.minimumf %get3A_184, %gather3A_477 : vector<16xf32>
        %min3A_484 = arith.minimumf %get3A_190, %gather3A_480 : vector<16xf32>
        %sub3A_485 = arith.subf %min3A_483, %max3A_481 : vector<16xf32>
        %max3A_486 = arith.constant 0.000000e+00 : f32
        %max3A_487 = vector.broadcast %max3A_486 : f32 to vector<16xf32>
        %max3A_488 = arith.maximumf %sub3A_485, %max3A_487 : vector<16xf32>
        %sub3A_489 = arith.subf %min3A_484, %max3A_482 : vector<16xf32>
        %max3A_490 = arith.constant 0.000000e+00 : f32
        %max3A_491 = vector.broadcast %max3A_490 : f32 to vector<16xf32>
        %max3A_492 = arith.maximumf %sub3A_489, %max3A_491 : vector<16xf32>
        %mul3A_493 = arith.mulf %max3A_488, %max3A_492 : vector<16xf32>
        %sub3A_494 = arith.subf %gather3A_477, %gather3A_474 : vector<16xf32>
        %sub3A_495 = arith.subf %gather3A_480, %gather3A_475 : vector<16xf32>
        %mul3A_496 = arith.mulf %sub3A_494, %sub3A_495 : vector<16xf32>
        %add3A_497 = arith.addf %mul3A_225, %mul3A_496 : vector<16xf32>
        %sub3A_498 = arith.subf %add3A_497, %mul3A_493 : vector<16xf32>
        %div3A_499 = arith.divf %mul3A_493, %sub3A_498 : vector<16xf32>
        %jit3A_500 = arith.constant 0xFF800000 : f32
        %broadcast_in_dim3A_501 = vector.broadcast %jit3A_500 : f32 to vector<16xf32>
        %select_n3A_502 = arith.select %and3A_199, %div3A_499, %broadcast_in_dim3A_501 : vector<16xi1>, vector<16xf32>
        %mul3A_503 = arith.constant 1280 : i32
        %mul3A_504 = arith.muli %add3A_472, %mul3A_503 : i32
        %mul3A_505 = arith.constant 16 : i32
        %mul3A_506 = arith.muli %scan3A_164, %mul3A_505 : i32
        %add3A_507 = arith.addi %mul3A_504, %mul3A_506 : i32
        %swap3A_508 = arith.index_cast %add3A_507 : i32 to index
        %swap3A_509 = tpu.vector_load %arg15[%swap3A_508] {strides = array<i32>} : memref<40960xf32, #tpu.memory_space<vmem>>, vector<16xf32>,
        tpu.vector_store %arg15[%swap3A_508], %select_n3A_502 {strides = array<i32>} : memref<40960xf32, #tpu.memory_space<vmem>>, vector<16xf32>,
        %gt3A_510 = arith.cmpf ogt, %select_n3A_502, %select_n3A_467 : vector<16xf32>
        %select_n3A_511 = arith.select %gt3A_510, %select_n3A_502, %select_n3A_467 : vector<16xi1>, vector<16xf32>
        %select_n3A_512 = arith.select %gt3A_510, %broadcast_in_dim3A_473, %select_n3A_468 : vector<16xi1>, vector<16xi32>
        %mul3A_513 = arith.constant 8 : i32
        %mul3A_514 = arith.muli %scan3A_249, %mul3A_513 : i32
        %add3A_515 = arith.constant 6 : i32
        %add3A_516 = arith.addi %mul3A_514, %add3A_515 : i32
        %broadcast_in_dim3A_517 = vector.broadcast %add3A_516 : i32 to vector<16xi32>
        %gather3A_518 = tpu.vector_load_idx %arg19[%broadcast_in_dim3A_3, %broadcast_in_dim3A_517] : memref<4x32xf32, #tpu.memory_space<vmem>>[vector<16xi32>, vector<16xi32>], vector<16xf32>,
        %gather3A_519 = tpu.vector_load_idx %arg19[%broadcast_in_dim3A_1, %broadcast_in_dim3A_517] : memref<4x32xf32, #tpu.memory_space<vmem>>[vector<16xi32>, vector<16xi32>], vector<16xf32>,
        %add3A_520 = arith.addi %broadcast_in_dim3A_1, %broadcast_in_dim3A_1 : vector<16xi32>
        %gather3A_521 = tpu.vector_load_idx %arg19[%add3A_520, %broadcast_in_dim3A_517] : memref<4x32xf32, #tpu.memory_space<vmem>>[vector<16xi32>, vector<16xi32>], vector<16xf32>,
        %add3A_522 = arith.addi %broadcast_in_dim3A_1, %broadcast_in_dim3A_1 : vector<16xi32>
        %add3A_523 = arith.addi %add3A_522, %broadcast_in_dim3A_1 : vector<16xi32>
        %gather3A_524 = tpu.vector_load_idx %arg19[%add3A_523, %broadcast_in_dim3A_517] : memref<4x32xf32, #tpu.memory_space<vmem>>[vector<16xi32>, vector<16xi32>], vector<16xf32>,
        %max3A_525 = arith.maximumf %get3A_172, %gather3A_518 : vector<16xf32>
        %max3A_526 = arith.maximumf %get3A_178, %gather3A_519 : vector<16xf32>
        %min3A_527 = arith.minimumf %get3A_184, %gather3A_521 : vector<16xf32>
        %min3A_528 = arith.minimumf %get3A_190, %gather3A_524 : vector<16xf32>
        %sub3A_529 = arith.subf %min3A_527, %max3A_525 : vector<16xf32>
        %max3A_530 = arith.constant 0.000000e+00 : f32
        %max3A_531 = vector.broadcast %max3A_530 : f32 to vector<16xf32>
        %max3A_532 = arith.maximumf %sub3A_529, %max3A_531 : vector<16xf32>
        %sub3A_533 = arith.subf %min3A_528, %max3A_526 : vector<16xf32>
        %max3A_534 = arith.constant 0.000000e+00 : f32
        %max3A_535 = vector.broadcast %max3A_534 : f32 to vector<16xf32>
        %max3A_536 = arith.maximumf %sub3A_533, %max3A_535 : vector<16xf32>
        %mul3A_537 = arith.mulf %max3A_532, %max3A_536 : vector<16xf32>
        %sub3A_538 = arith.subf %gather3A_521, %gather3A_518 : vector<16xf32>
        %sub3A_539 = arith.subf %gather3A_524, %gather3A_519 : vector<16xf32>
        %mul3A_540 = arith.mulf %sub3A_538, %sub3A_539 : vector<16xf32>
        %add3A_541 = arith.addf %mul3A_225, %mul3A_540 : vector<16xf32>
        %sub3A_542 = arith.subf %add3A_541, %mul3A_537 : vector<16xf32>
        %div3A_543 = arith.divf %mul3A_537, %sub3A_542 : vector<16xf32>
        %jit3A_544 = arith.constant 0xFF800000 : f32
        %broadcast_in_dim3A_545 = vector.broadcast %jit3A_544 : f32 to vector<16xf32>
        %select_n3A_546 = arith.select %and3A_199, %div3A_543, %broadcast_in_dim3A_545 : vector<16xi1>, vector<16xf32>
        %mul3A_547 = arith.constant 1280 : i32
        %mul3A_548 = arith.muli %add3A_516, %mul3A_547 : i32
        %mul3A_549 = arith.constant 16 : i32
        %mul3A_550 = arith.muli %scan3A_164, %mul3A_549 : i32
        %add3A_551 = arith.addi %mul3A_548, %mul3A_550 : i32
        %swap3A_552 = arith.index_cast %add3A_551 : i32 to index
        %swap3A_553 = tpu.vector_load %arg15[%swap3A_552] {strides = array<i32>} : memref<40960xf32, #tpu.memory_space<vmem>>, vector<16xf32>,
        tpu.vector_store %arg15[%swap3A_552], %select_n3A_546 {strides = array<i32>} : memref<40960xf32, #tpu.memory_space<vmem>>, vector<16xf32>,
        %gt3A_554 = arith.cmpf ogt, %select_n3A_546, %select_n3A_511 : vector<16xf32>
        %select_n3A_555 = arith.select %gt3A_554, %select_n3A_546, %select_n3A_511 : vector<16xi1>, vector<16xf32>
        %select_n3A_556 = arith.select %gt3A_554, %broadcast_in_dim3A_517, %select_n3A_512 : vector<16xi1>, vector<16xi32>
        %mul3A_557 = arith.constant 8 : i32
        %mul3A_558 = arith.muli %scan3A_249, %mul3A_557 : i32
        %add3A_559 = arith.constant 7 : i32
        %add3A_560 = arith.addi %mul3A_558, %add3A_559 : i32
        %broadcast_in_dim3A_561 = vector.broadcast %add3A_560 : i32 to vector<16xi32>
        %gather3A_562 = tpu.vector_load_idx %arg19[%broadcast_in_dim3A_3, %broadcast_in_dim3A_561] : memref<4x32xf32, #tpu.memory_space<vmem>>[vector<16xi32>, vector<16xi32>], vector<16xf32>,
        %gather3A_563 = tpu.vector_load_idx %arg19[%broadcast_in_dim3A_1, %broadcast_in_dim3A_561] : memref<4x32xf32, #tpu.memory_space<vmem>>[vector<16xi32>, vector<16xi32>], vector<16xf32>,
        %add3A_564 = arith.addi %broadcast_in_dim3A_1, %broadcast_in_dim3A_1 : vector<16xi32>
        %gather3A_565 = tpu.vector_load_idx %arg19[%add3A_564, %broadcast_in_dim3A_561] : memref<4x32xf32, #tpu.memory_space<vmem>>[vector<16xi32>, vector<16xi32>], vector<16xf32>,
        %add3A_566 = arith.addi %broadcast_in_dim3A_1, %broadcast_in_dim3A_1 : vector<16xi32>
        %add3A_567 = arith.addi %add3A_566, %broadcast_in_dim3A_1 : vector<16xi32>
        %gather3A_568 = tpu.vector_load_idx %arg19[%add3A_567, %broadcast_in_dim3A_561] : memref<4x32xf32, #tpu.memory_space<vmem>>[vector<16xi32>, vector<16xi32>], vector<16xf32>,
        %max3A_569 = arith.maximumf %get3A_172, %gather3A_562 : vector<16xf32>
        %max3A_570 = arith.maximumf %get3A_178, %gather3A_563 : vector<16xf32>
        %min3A_571 = arith.minimumf %get3A_184, %gather3A_565 : vector<16xf32>
        %min3A_572 = arith.minimumf %get3A_190, %gather3A_568 : vector<16xf32>
        %sub3A_573 = arith.subf %min3A_571, %max3A_569 : vector<16xf32>
        %max3A_574 = arith.constant 0.000000e+00 : f32
        %max3A_575 = vector.broadcast %max3A_574 : f32 to vector<16xf32>
        %max3A_576 = arith.maximumf %sub3A_573, %max3A_575 : vector<16xf32>
        %sub3A_577 = arith.subf %min3A_572, %max3A_570 : vector<16xf32>
        %max3A_578 = arith.constant 0.000000e+00 : f32
        %max3A_579 = vector.broadcast %max3A_578 : f32 to vector<16xf32>
        %max3A_580 = arith.maximumf %sub3A_577, %max3A_579 : vector<16xf32>
        %mul3A_581 = arith.mulf %max3A_576, %max3A_580 : vector<16xf32>
        %sub3A_582 = arith.subf %gather3A_565, %gather3A_562 : vector<16xf32>
        %sub3A_583 = arith.subf %gather3A_568, %gather3A_563 : vector<16xf32>
        %mul3A_584 = arith.mulf %sub3A_582, %sub3A_583 : vector<16xf32>
        %add3A_585 = arith.addf %mul3A_225, %mul3A_584 : vector<16xf32>
        %sub3A_586 = arith.subf %add3A_585, %mul3A_581 : vector<16xf32>
        %div3A_587 = arith.divf %mul3A_581, %sub3A_586 : vector<16xf32>
        %jit3A_588 = arith.constant 0xFF800000 : f32
        %broadcast_in_dim3A_589 = vector.broadcast %jit3A_588 : f32 to vector<16xf32>
        %select_n3A_590 = arith.select %and3A_199, %div3A_587, %broadcast_in_dim3A_589 : vector<16xi1>, vector<16xf32>
        %mul3A_591 = arith.constant 1280 : i32
        %mul3A_592 = arith.muli %add3A_560, %mul3A_591 : i32
        %mul3A_593 = arith.constant 16 : i32
        %mul3A_594 = arith.muli %scan3A_164, %mul3A_593 : i32
        %add3A_595 = arith.addi %mul3A_592, %mul3A_594 : i32
        %swap3A_596 = arith.index_cast %add3A_595 : i32 to index
        %swap3A_597 = tpu.vector_load %arg15[%swap3A_596] {strides = array<i32>} : memref<40960xf32, #tpu.memory_space<vmem>>, vector<16xf32>,
        tpu.vector_store %arg15[%swap3A_596], %select_n3A_590 {strides = array<i32>} : memref<40960xf32, #tpu.memory_space<vmem>>, vector<16xf32>,
        %gt3A_598 = arith.cmpf ogt, %select_n3A_590, %select_n3A_555 : vector<16xf32>
        %select_n3A_599 = arith.select %gt3A_598, %select_n3A_590, %select_n3A_555 : vector<16xi1>, vector<16xf32>
        %select_n3A_600 = arith.select %gt3A_598, %broadcast_in_dim3A_561, %select_n3A_556 : vector<16xi1>, vector<16xi32>
        scf.yield %select_n3A_599, %select_n3A_600 : vector<16xf32>, vector<16xi32>
      }
      %scan3A_233 = arith.constant 4 : i32
      %mul3A_234 = arith.constant 16 : i32
      %mul3A_235 = arith.muli %scan3A_164, %mul3A_234 : i32
      %swap3A_236 = arith.index_cast %mul3A_235 : i32 to index
      %swap3A_237 = tpu.vector_load %arg13[%swap3A_236] {strides = array<i32>} : memref<1280xf32, #tpu.memory_space<vmem>>, vector<16xf32>,
      tpu.vector_store %arg13[%swap3A_236], %scan3A_232#0 {strides = array<i32>} : memref<1280xf32, #tpu.memory_space<vmem>>, vector<16xf32>,
      %mul3A_238 = arith.constant 16 : i32
      %mul3A_239 = arith.muli %scan3A_164, %mul3A_238 : i32
      %swap3A_240 = arith.index_cast %mul3A_239 : i32 to index
      %swap3A_241 = tpu.vector_load %arg14[%swap3A_240] {strides = array<i32>} : memref<1280xi32, #tpu.memory_space<vmem>>, vector<16xi32>,
      tpu.vector_store %arg14[%swap3A_240], %scan3A_232#1 {strides = array<i32>} : memref<1280xi32, #tpu.memory_space<vmem>>, vector<16xi32>,
      %convert_element_type3A_242 = arith.sitofp %select_n3A_204 : vector<16xi32> to vector<16xf32>
      %reduce_sum3A = arith.constant true
      %reduce_sum3A_243 = vector.broadcast %reduce_sum3A : i1 to vector<16xi1>
      %reduce_sum3A_244 = tpu.scan <sum>, %convert_element_type3A_242 masked %reduce_sum3A_243 : vector<16xf32>, vector<16xi1> -> vector<16xf32>
      %reduce_sum3A_245 = vector.extract %reduce_sum3A_244[15] : f32 from vector<16xf32>
      %convert_element_type3A_246 = arith.fptosi %reduce_sum3A_245 : f32 to i32
      %add3A_247 = arith.addi %scan3A_165, %convert_element_type3A_246 : i32
      %add3A_248 = arith.addi %scan3A_166, %convert_element_type3A_246 : i32
      scf.yield %add3A_247, %add3A_248 : i32, i32
    }
    %scan3A_22 = arith.constant 80 : i32
    %scan3A_23 = arith.constant 0 : i32
    %scan3A_24 = arith.constant 32 : i32
    %scan3A_25 = arith.addi %scan3A_23, %scan3A_24 : i32
    %scan3A_26 = arith.constant 1 : i32
    %scan3A_27:2 = scf.for %scan3A_164 = %scan3A_23 to %scan3A_25 step %scan3A_26 iter_args(%scan3A_165 = %broadcast_in_dim3A_15, %scan3A_166 = %broadcast_in_dim3A_15) -> (vector<16xf32>, vector<16xf32>)  : i32 {
      %scan3A_167 = arith.constant 0 : i32
      %scan3A_168 = arith.constant 20 : i32
      %scan3A_169 = arith.addi %scan3A_167, %scan3A_168 : i32
      %scan3A_170 = arith.constant 1 : i32
      %scan3A_171 = scf.for %scan3A_186 = %scan3A_167 to %scan3A_169 step %scan3A_170 iter_args(%scan3A_187 = %broadcast_in_dim3A_15) -> (vector<16xf32>)  : i32 {
        %mul3A_188 = arith.constant 1280 : i32
        %mul3A_189 = arith.muli %scan3A_164, %mul3A_188 : i32
        %mul3A_190 = arith.constant 64 : i32
        %mul3A_191 = arith.muli %scan3A_186, %mul3A_190 : i32
        %add3A_192 = arith.addi %mul3A_189, %mul3A_191 : i32
        %get3A_193 = arith.index_cast %add3A_192 : i32 to index
        %get3A_194 = tpu.vector_load %arg15[%get3A_193] {strides = array<i32>} : memref<40960xf32, #tpu.memory_space<vmem>>, vector<16xf32>,
        %mul3A_195 = arith.constant 1280 : i32
        %mul3A_196 = arith.muli %scan3A_164, %mul3A_195 : i32
        %mul3A_197 = arith.constant 64 : i32
        %mul3A_198 = arith.muli %scan3A_186, %mul3A_197 : i32
        %add3A_199 = arith.addi %mul3A_196, %mul3A_198 : i32
        %add3A_200 = arith.constant 16 : i32
        %add3A_201 = arith.addi %add3A_199, %add3A_200 : i32
        %get3A_202 = arith.index_cast %add3A_201 : i32 to index
        %get3A_203 = tpu.vector_load %arg15[%get3A_202] {strides = array<i32>} : memref<40960xf32, #tpu.memory_space<vmem>>, vector<16xf32>,
        %mul3A_204 = arith.constant 1280 : i32
        %mul3A_205 = arith.muli %scan3A_164, %mul3A_204 : i32
        %mul3A_206 = arith.constant 64 : i32
        %mul3A_207 = arith.muli %scan3A_186, %mul3A_206 : i32
        %add3A_208 = arith.addi %mul3A_205, %mul3A_207 : i32
        %add3A_209 = arith.constant 32 : i32
        %add3A_210 = arith.addi %add3A_208, %add3A_209 : i32
        %get3A_211 = arith.index_cast %add3A_210 : i32 to index
        %get3A_212 = tpu.vector_load %arg15[%get3A_211] {strides = array<i32>} : memref<40960xf32, #tpu.memory_space<vmem>>, vector<16xf32>,
        %mul3A_213 = arith.constant 1280 : i32
        %mul3A_214 = arith.muli %scan3A_164, %mul3A_213 : i32
        %mul3A_215 = arith.constant 64 : i32
        %mul3A_216 = arith.muli %scan3A_186, %mul3A_215 : i32
        %add3A_217 = arith.addi %mul3A_214, %mul3A_216 : i32
        %add3A_218 = arith.constant 48 : i32
        %add3A_219 = arith.addi %add3A_217, %add3A_218 : i32
        %get3A_220 = arith.index_cast %add3A_219 : i32 to index
        %get3A_221 = tpu.vector_load %arg15[%get3A_220] {strides = array<i32>} : memref<40960xf32, #tpu.memory_space<vmem>>, vector<16xf32>,
        %max3A_222 = arith.maximumf %get3A_194, %get3A_203 : vector<16xf32>
        %max3A_223 = arith.maximumf %get3A_212, %get3A_221 : vector<16xf32>
        %max3A_224 = arith.maximumf %max3A_222, %max3A_223 : vector<16xf32>
        %max3A_225 = arith.maximumf %scan3A_187, %max3A_224 : vector<16xf32>
        scf.yield %max3A_225 : vector<16xf32>
      }
      %scan3A_172 = arith.constant 20 : i32
      %reduce_max3A = arith.constant true
      %reduce_max3A_173 = vector.broadcast %reduce_max3A : i1 to vector<16xi1>
      %reduce_max3A_174 = tpu.scan <max>, %scan3A_171 masked %reduce_max3A_173 : vector<16xf32>, vector<16xi1> -> vector<16xf32>
      %reduce_max3A_175 = vector.extract %reduce_max3A_174[15] : f32 from vector<16xf32>
      %broadcast_in_dim3A_176 = vector.broadcast %reduce_max3A_175 : f32 to vector<16xf32>
      %eq3A_177 = vector.broadcast %scan3A_164 : i32 to vector<16xi32>
      %eq3A_178 = arith.cmpi eq, %iota3A, %eq3A_177 : vector<16xi32>
      %max3A = arith.maximumf %scan3A_165, %broadcast_in_dim3A_176 : vector<16xf32>
      %select_n3A_179 = arith.select %eq3A_178, %max3A, %scan3A_165 : vector<16xi1>, vector<16xf32>
      %sub3A_180 = arith.constant 16 : i32
      %sub3A_181 = arith.subi %scan3A_164, %sub3A_180 : i32
      %eq3A_182 = vector.broadcast %sub3A_181 : i32 to vector<16xi32>
      %eq3A_183 = arith.cmpi eq, %iota3A, %eq3A_182 : vector<16xi32>
      %max3A_184 = arith.maximumf %scan3A_166, %broadcast_in_dim3A_176 : vector<16xf32>
      %select_n3A_185 = arith.select %eq3A_183, %max3A_184, %scan3A_166 : vector<16xi1>, vector<16xf32>
      scf.yield %select_n3A_179, %select_n3A_185 : vector<16xf32>, vector<16xf32>
    }
    %scan3A_28 = arith.constant 32 : i32
    %swap3A = arith.constant 0 : index
    %swap3A_29 = tpu.vector_load %arg22[%swap3A] {strides = array<i32>} : memref<32xf32, #tpu.memory_space<vmem>>, vector<16xf32>,
    tpu.vector_store %arg22[%swap3A], %scan3A_27#0 {strides = array<i32>} : memref<32xf32, #tpu.memory_space<vmem>>, vector<16xf32>,
    %swap3A_30 = arith.constant 16 : index
    %swap3A_31 = tpu.vector_load %arg22[%swap3A_30] {strides = array<i32>} : memref<32xf32, #tpu.memory_space<vmem>>, vector<16xf32>,
    tpu.vector_store %arg22[%swap3A_30], %scan3A_27#1 {strides = array<i32>} : memref<32xf32, #tpu.memory_space<vmem>>, vector<16xf32>,
    "tpu.region"() ({
      %run_scoped3A = tpu.sem_alloc : memref<!tpu.dma_semaphore, #tpu.memory_space<semaphore_mem>>
      %dma_start3A = arith.constant 0 : i32
      %dma_start3A_164 = tpu.memref_slice %arg31[%arg1, %dma_start3A] : memref<16x32xf32, #tpu.memory_space<vmem_shared>> -> memref<1x32xf32, #tpu.memory_space<vmem_shared>>
      %dma_start3A_165 = tpu.memref_squeeze %dma_start3A_164 : memref<1x32xf32, #tpu.memory_space<vmem_shared>> -> memref<32xf32, #tpu.memory_space<vmem_shared>>
      %dma_start3A_166 = arith.constant 0 : i32
      %dma_start3A_167 = tpu.memref_slice %arg31[%arg1, %dma_start3A_166] : memref<16x32xf32, #tpu.memory_space<vmem_shared>> -> memref<1x32xf32, #tpu.memory_space<vmem_shared>>
      %dma_start3A_168 = tpu.memref_squeeze %dma_start3A_167 : memref<1x32xf32, #tpu.memory_space<vmem_shared>> -> memref<32xf32, #tpu.memory_space<vmem_shared>>
      tpu.enqueue_dma source(%arg22 : memref<32xf32, #tpu.memory_space<vmem>>) target(%dma_start3A_168 : memref<32xf32, #tpu.memory_space<vmem_shared>>) target_semaphore(%run_scoped3A : memref<!tpu.dma_semaphore, #tpu.memory_space<semaphore_mem>>)
      %dma_wait3A = arith.constant 0 : i32
      %dma_wait3A_169 = tpu.memref_slice %arg31[%arg1, %dma_wait3A] : memref<16x32xf32, #tpu.memory_space<vmem_shared>> -> memref<1x32xf32, #tpu.memory_space<vmem_shared>>
      %dma_wait3A_170 = tpu.memref_squeeze %dma_wait3A_169 : memref<1x32xf32, #tpu.memory_space<vmem_shared>> -> memref<32xf32, #tpu.memory_space<vmem_shared>>
      %dma_wait3A_171 = arith.constant 0 : i32
      %dma_wait3A_172 = tpu.memref_slice %arg31[%arg1, %dma_wait3A_171] : memref<16x32xf32, #tpu.memory_space<vmem_shared>> -> memref<1x32xf32, #tpu.memory_space<vmem_shared>>
      %dma_wait3A_173 = tpu.memref_squeeze %dma_wait3A_172 : memref<1x32xf32, #tpu.memory_space<vmem_shared>> -> memref<32xf32, #tpu.memory_space<vmem_shared>>
      tpu.wait_dma2 semaphore(%run_scoped3A : memref<!tpu.dma_semaphore, #tpu.memory_space<semaphore_mem>>) src(%arg22 : memref<32xf32, #tpu.memory_space<vmem>>) dst(%dma_wait3A_173 : memref<32xf32, #tpu.memory_space<vmem_shared>>)
      tpu.yield
    }) : () -> ()
    %barrier3A = arith.constant 0 : index
    tpu.barrier barrier_id(%barrier3A)
    "tpu.region"() ({
      %run_scoped3A = tpu.sem_alloc : memref<!tpu.dma_semaphore, #tpu.memory_space<semaphore_mem>>
      tpu.enqueue_dma source(%arg31 : memref<16x32xf32, #tpu.memory_space<vmem_shared>>) target(%arg29 : memref<16x32xf32, #tpu.memory_space<vmem>>) target_semaphore(%run_scoped3A : memref<!tpu.dma_semaphore, #tpu.memory_space<semaphore_mem>>)
      tpu.wait_dma2 semaphore(%run_scoped3A : memref<!tpu.dma_semaphore, #tpu.memory_space<semaphore_mem>>) src(%arg31 : memref<16x32xf32, #tpu.memory_space<vmem_shared>>) dst(%arg29 : memref<16x32xf32, #tpu.memory_space<vmem>>)
      tpu.yield
    }) : () -> ()
    %scan3A_32 = arith.constant 0 : i32
    %scan3A_33 = arith.constant 16 : i32
    %scan3A_34 = arith.addi %scan3A_32, %scan3A_33 : i32
    %scan3A_35 = arith.constant 1 : i32
    %scan3A_36:2 = scf.for %scan3A_164 = %scan3A_32 to %scan3A_34 step %scan3A_35 iter_args(%scan3A_165 = %broadcast_in_dim3A_15, %scan3A_166 = %broadcast_in_dim3A_15) -> (vector<16xf32>, vector<16xf32>)  : i32 {
      %get3A_167 = arith.index_cast %scan3A_164 : i32 to index
      %get3A_168 = arith.constant 0 : index
      %get3A_169 = tpu.vector_load %arg29[%get3A_167, %get3A_168] {strides = array<i32>} : memref<16x32xf32, #tpu.memory_space<vmem>>, vector<16xf32>,
      %max3A = arith.maximumf %scan3A_165, %get3A_169 : vector<16xf32>
      %get3A_170 = arith.index_cast %scan3A_164 : i32 to index
      %get3A_171 = arith.constant 16 : index
      %get3A_172 = tpu.vector_load %arg29[%get3A_170, %get3A_171] {strides = array<i32>} : memref<16x32xf32, #tpu.memory_space<vmem>>, vector<16xf32>,
      %max3A_173 = arith.maximumf %scan3A_166, %get3A_172 : vector<16xf32>
      scf.yield %max3A, %max3A_173 : vector<16xf32>, vector<16xf32>
    }
    %scan3A_37 = arith.constant 16 : i32
    %swap3A_38 = arith.constant 0 : index
    %swap3A_39 = tpu.vector_load %arg21[%swap3A_38] {strides = array<i32>} : memref<32xf32, #tpu.memory_space<vmem>>, vector<16xf32>,
    tpu.vector_store %arg21[%swap3A_38], %scan3A_36#0 {strides = array<i32>} : memref<32xf32, #tpu.memory_space<vmem>>, vector<16xf32>,
    %swap3A_40 = arith.constant 16 : index
    %swap3A_41 = tpu.vector_load %arg21[%swap3A_40] {strides = array<i32>} : memref<32xf32, #tpu.memory_space<vmem>>, vector<16xf32>,
    tpu.vector_store %arg21[%swap3A_40], %scan3A_36#1 {strides = array<i32>} : memref<32xf32, #tpu.memory_space<vmem>>, vector<16xf32>,
    %min3A = arith.minimumf %scan3A_36#0, %scan3A_36#1 : vector<16xf32>
    %reduce_min3A = arith.constant true
    %reduce_min3A_42 = vector.broadcast %reduce_min3A : i1 to vector<16xi1>
    %reduce_min3A_43 = tpu.scan <min>, %min3A masked %reduce_min3A_42 : vector<16xf32>, vector<16xi1> -> vector<16xf32>
    %reduce_min3A_44 = vector.extract %reduce_min3A_43[15] : f32 from vector<16xf32>
    %scan3A_45 = arith.constant 0 : i32
    %scan3A_46 = arith.constant 0 : i32
    %scan3A_47 = arith.constant 0 : i32
    %scan3A_48 = arith.constant 0 : i32
    %scan3A_49 = arith.constant 0 : i32
    %scan3A_50 = arith.constant 80 : i32
    %scan3A_51 = arith.addi %scan3A_49, %scan3A_50 : i32
    %scan3A_52 = arith.constant 1 : i32
    %scan3A_53:4 = scf.for %scan3A_164 = %scan3A_49 to %scan3A_51 step %scan3A_52 iter_args(%scan3A_165 = %scan3A_45, %scan3A_166 = %scan3A_46, %scan3A_167 = %scan3A_47, %scan3A_168 = %scan3A_48) -> (i32, i32, i32, i32)  : i32 {
      %mul3A_169 = arith.constant 16 : i32
      %mul3A_170 = arith.muli %scan3A_164, %mul3A_169 : i32
      %get3A_171 = arith.index_cast %mul3A_170 : i32 to index
      %get3A_172 = tpu.vector_load %arg13[%get3A_171] {strides = array<i32>} : memref<1280xf32, #tpu.memory_space<vmem>>, vector<16xf32>,
      %mul3A_173 = arith.constant 16 : i32
      %mul3A_174 = arith.muli %scan3A_164, %mul3A_173 : i32
      %get3A_175 = arith.index_cast %mul3A_174 : i32 to index
      %get3A_176 = tpu.vector_load %arg11[%get3A_175] {strides = array<i32>} : memref<1280xi32, #tpu.memory_space<vmem>>, vector<16xi32>,
      %ne3A = arith.constant 0 : i32
      %ne3A_177 = vector.broadcast %ne3A : i32 to vector<16xi32>
      %ne3A_178 = arith.cmpi ne, %get3A_176, %ne3A_177 : vector<16xi32>
      %mul3A_179 = arith.constant 16 : i32
      %mul3A_180 = arith.muli %scan3A_164, %mul3A_179 : i32
      %get3A_181 = arith.index_cast %mul3A_180 : i32 to index
      %get3A_182 = tpu.vector_load %arg12[%get3A_181] {strides = array<i32>} : memref<1280xi32, #tpu.memory_space<vmem>>, vector<16xi32>,
      %reduce_max3A = arith.constant true
      %reduce_max3A_183 = vector.broadcast %reduce_max3A : i1 to vector<16xi1>
      %reduce_max3A_184 = tpu.scan <max>, %get3A_172 masked %reduce_max3A_183 : vector<16xf32>, vector<16xi1> -> vector<16xf32>
      %reduce_max3A_185 = vector.extract %reduce_max3A_184[15] : f32 from vector<16xf32>
      %ge3A = arith.cmpf oge, %reduce_max3A_185, %reduce_min3A_44 : f32
      %convert_element_type3A = arith.extui %ge3A : i1 to i32
      %cond3A = arith.constant 0 : i32
      %cond3A_186 = arith.cmpi ne, %convert_element_type3A, %cond3A : i32
      %cond3A_187 = scf.if %cond3A_186 -> (vector<16xi32>) {
        %scan3A_467 = arith.constant 0 : i32
        %scan3A_468 = arith.constant 4 : i32
        %scan3A_469 = arith.addi %scan3A_467, %scan3A_468 : i32
        %scan3A_470 = arith.constant 1 : i32
        %scan3A_471 = scf.for %scan3A_473 = %scan3A_467 to %scan3A_469 step %scan3A_470 iter_args(%scan3A_474 = %broadcast_in_dim3A_3) -> (vector<16xi32>)  : i32 {
          %mul3A_475 = arith.constant 8 : i32
          %mul3A_476 = arith.muli %scan3A_473, %mul3A_475 : i32
          %add3A_477 = arith.constant 0 : i32
          %add3A_478 = arith.addi %mul3A_476, %add3A_477 : i32
          %broadcast_in_dim3A_479 = vector.broadcast %add3A_478 : i32 to vector<16xi32>
          %gather3A_480 = tpu.vector_load_idx %arg21[%broadcast_in_dim3A_479] : memref<32xf32, #tpu.memory_space<vmem>>[vector<16xi32>], vector<16xf32>,
          %mul3A_481 = arith.constant 1280 : i32
          %mul3A_482 = arith.muli %add3A_478, %mul3A_481 : i32
          %mul3A_483 = arith.constant 16 : i32
          %mul3A_484 = arith.muli %scan3A_164, %mul3A_483 : i32
          %add3A_485 = arith.addi %mul3A_482, %mul3A_484 : i32
          %get3A_486 = arith.index_cast %add3A_485 : i32 to index
          %get3A_487 = tpu.vector_load %arg15[%get3A_486] {strides = array<i32>} : memref<40960xf32, #tpu.memory_space<vmem>>, vector<16xf32>,
          %eq3A_488 = arith.cmpf oeq, %get3A_487, %gather3A_480 : vector<16xf32>
          %and3A_489 = arith.andi %eq3A_488, %ne3A_178 : vector<16xi1>
          %jit3A_490 = arith.constant 1 : i32
          %jit3A_491 = arith.constant 0 : i32
          %broadcast_in_dim3A_492 = vector.broadcast %jit3A_490 : i32 to vector<16xi32>
          %broadcast_in_dim3A_493 = vector.broadcast %jit3A_491 : i32 to vector<16xi32>
          %select_n3A_494 = arith.select %and3A_489, %broadcast_in_dim3A_492, %broadcast_in_dim3A_493 : vector<16xi1>, vector<16xi32>
          %mul3A_495 = arith.constant 8 : i32
          %mul3A_496 = arith.muli %scan3A_473, %mul3A_495 : i32
          %add3A_497 = arith.constant 1 : i32
          %add3A_498 = arith.addi %mul3A_496, %add3A_497 : i32
          %broadcast_in_dim3A_499 = vector.broadcast %add3A_498 : i32 to vector<16xi32>
          %gather3A_500 = tpu.vector_load_idx %arg21[%broadcast_in_dim3A_499] : memref<32xf32, #tpu.memory_space<vmem>>[vector<16xi32>], vector<16xf32>,
          %mul3A_501 = arith.constant 1280 : i32
          %mul3A_502 = arith.muli %add3A_498, %mul3A_501 : i32
          %mul3A_503 = arith.constant 16 : i32
          %mul3A_504 = arith.muli %scan3A_164, %mul3A_503 : i32
          %add3A_505 = arith.addi %mul3A_502, %mul3A_504 : i32
          %get3A_506 = arith.index_cast %add3A_505 : i32 to index
          %get3A_507 = tpu.vector_load %arg15[%get3A_506] {strides = array<i32>} : memref<40960xf32, #tpu.memory_space<vmem>>, vector<16xf32>,
          %eq3A_508 = arith.cmpf oeq, %get3A_507, %gather3A_500 : vector<16xf32>
          %and3A_509 = arith.andi %eq3A_508, %ne3A_178 : vector<16xi1>
          %jit3A_510 = arith.constant 1 : i32
          %jit3A_511 = arith.constant 0 : i32
          %broadcast_in_dim3A_512 = vector.broadcast %jit3A_510 : i32 to vector<16xi32>
          %broadcast_in_dim3A_513 = vector.broadcast %jit3A_511 : i32 to vector<16xi32>
          %select_n3A_514 = arith.select %and3A_509, %broadcast_in_dim3A_512, %broadcast_in_dim3A_513 : vector<16xi1>, vector<16xi32>
          %mul3A_515 = arith.constant 8 : i32
          %mul3A_516 = arith.muli %scan3A_473, %mul3A_515 : i32
          %add3A_517 = arith.constant 2 : i32
          %add3A_518 = arith.addi %mul3A_516, %add3A_517 : i32
          %broadcast_in_dim3A_519 = vector.broadcast %add3A_518 : i32 to vector<16xi32>
          %gather3A_520 = tpu.vector_load_idx %arg21[%broadcast_in_dim3A_519] : memref<32xf32, #tpu.memory_space<vmem>>[vector<16xi32>], vector<16xf32>,
          %mul3A_521 = arith.constant 1280 : i32
          %mul3A_522 = arith.muli %add3A_518, %mul3A_521 : i32
          %mul3A_523 = arith.constant 16 : i32
          %mul3A_524 = arith.muli %scan3A_164, %mul3A_523 : i32
          %add3A_525 = arith.addi %mul3A_522, %mul3A_524 : i32
          %get3A_526 = arith.index_cast %add3A_525 : i32 to index
          %get3A_527 = tpu.vector_load %arg15[%get3A_526] {strides = array<i32>} : memref<40960xf32, #tpu.memory_space<vmem>>, vector<16xf32>,
          %eq3A_528 = arith.cmpf oeq, %get3A_527, %gather3A_520 : vector<16xf32>
          %and3A_529 = arith.andi %eq3A_528, %ne3A_178 : vector<16xi1>
          %jit3A_530 = arith.constant 1 : i32
          %jit3A_531 = arith.constant 0 : i32
          %broadcast_in_dim3A_532 = vector.broadcast %jit3A_530 : i32 to vector<16xi32>
          %broadcast_in_dim3A_533 = vector.broadcast %jit3A_531 : i32 to vector<16xi32>
          %select_n3A_534 = arith.select %and3A_529, %broadcast_in_dim3A_532, %broadcast_in_dim3A_533 : vector<16xi1>, vector<16xi32>
          %mul3A_535 = arith.constant 8 : i32
          %mul3A_536 = arith.muli %scan3A_473, %mul3A_535 : i32
          %add3A_537 = arith.constant 3 : i32
          %add3A_538 = arith.addi %mul3A_536, %add3A_537 : i32
          %broadcast_in_dim3A_539 = vector.broadcast %add3A_538 : i32 to vector<16xi32>
          %gather3A_540 = tpu.vector_load_idx %arg21[%broadcast_in_dim3A_539] : memref<32xf32, #tpu.memory_space<vmem>>[vector<16xi32>], vector<16xf32>,
          %mul3A_541 = arith.constant 1280 : i32
          %mul3A_542 = arith.muli %add3A_538, %mul3A_541 : i32
          %mul3A_543 = arith.constant 16 : i32
          %mul3A_544 = arith.muli %scan3A_164, %mul3A_543 : i32
          %add3A_545 = arith.addi %mul3A_542, %mul3A_544 : i32
          %get3A_546 = arith.index_cast %add3A_545 : i32 to index
          %get3A_547 = tpu.vector_load %arg15[%get3A_546] {strides = array<i32>} : memref<40960xf32, #tpu.memory_space<vmem>>, vector<16xf32>,
          %eq3A_548 = arith.cmpf oeq, %get3A_547, %gather3A_540 : vector<16xf32>
          %and3A_549 = arith.andi %eq3A_548, %ne3A_178 : vector<16xi1>
          %jit3A_550 = arith.constant 1 : i32
          %jit3A_551 = arith.constant 0 : i32
          %broadcast_in_dim3A_552 = vector.broadcast %jit3A_550 : i32 to vector<16xi32>
          %broadcast_in_dim3A_553 = vector.broadcast %jit3A_551 : i32 to vector<16xi32>
          %select_n3A_554 = arith.select %and3A_549, %broadcast_in_dim3A_552, %broadcast_in_dim3A_553 : vector<16xi1>, vector<16xi32>
          %mul3A_555 = arith.constant 8 : i32
          %mul3A_556 = arith.muli %scan3A_473, %mul3A_555 : i32
          %add3A_557 = arith.constant 4 : i32
          %add3A_558 = arith.addi %mul3A_556, %add3A_557 : i32
          %broadcast_in_dim3A_559 = vector.broadcast %add3A_558 : i32 to vector<16xi32>
          %gather3A_560 = tpu.vector_load_idx %arg21[%broadcast_in_dim3A_559] : memref<32xf32, #tpu.memory_space<vmem>>[vector<16xi32>], vector<16xf32>,
          %mul3A_561 = arith.constant 1280 : i32
          %mul3A_562 = arith.muli %add3A_558, %mul3A_561 : i32
          %mul3A_563 = arith.constant 16 : i32
          %mul3A_564 = arith.muli %scan3A_164, %mul3A_563 : i32
          %add3A_565 = arith.addi %mul3A_562, %mul3A_564 : i32
          %get3A_566 = arith.index_cast %add3A_565 : i32 to index
          %get3A_567 = tpu.vector_load %arg15[%get3A_566] {strides = array<i32>} : memref<40960xf32, #tpu.memory_space<vmem>>, vector<16xf32>,
          %eq3A_568 = arith.cmpf oeq, %get3A_567, %gather3A_560 : vector<16xf32>
          %and3A_569 = arith.andi %eq3A_568, %ne3A_178 : vector<16xi1>
          %jit3A_570 = arith.constant 1 : i32
          %jit3A_571 = arith.constant 0 : i32
          %broadcast_in_dim3A_572 = vector.broadcast %jit3A_570 : i32 to vector<16xi32>
          %broadcast_in_dim3A_573 = vector.broadcast %jit3A_571 : i32 to vector<16xi32>
          %select_n3A_574 = arith.select %and3A_569, %broadcast_in_dim3A_572, %broadcast_in_dim3A_573 : vector<16xi1>, vector<16xi32>
          %mul3A_575 = arith.constant 8 : i32
          %mul3A_576 = arith.muli %scan3A_473, %mul3A_575 : i32
          %add3A_577 = arith.constant 5 : i32
          %add3A_578 = arith.addi %mul3A_576, %add3A_577 : i32
          %broadcast_in_dim3A_579 = vector.broadcast %add3A_578 : i32 to vector<16xi32>
          %gather3A_580 = tpu.vector_load_idx %arg21[%broadcast_in_dim3A_579] : memref<32xf32, #tpu.memory_space<vmem>>[vector<16xi32>], vector<16xf32>,
          %mul3A_581 = arith.constant 1280 : i32
          %mul3A_582 = arith.muli %add3A_578, %mul3A_581 : i32
          %mul3A_583 = arith.constant 16 : i32
          %mul3A_584 = arith.muli %scan3A_164, %mul3A_583 : i32
          %add3A_585 = arith.addi %mul3A_582, %mul3A_584 : i32
          %get3A_586 = arith.index_cast %add3A_585 : i32 to index
          %get3A_587 = tpu.vector_load %arg15[%get3A_586] {strides = array<i32>} : memref<40960xf32, #tpu.memory_space<vmem>>, vector<16xf32>,
          %eq3A_588 = arith.cmpf oeq, %get3A_587, %gather3A_580 : vector<16xf32>
          %and3A_589 = arith.andi %eq3A_588, %ne3A_178 : vector<16xi1>
          %jit3A_590 = arith.constant 1 : i32
          %jit3A_591 = arith.constant 0 : i32
          %broadcast_in_dim3A_592 = vector.broadcast %jit3A_590 : i32 to vector<16xi32>
          %broadcast_in_dim3A_593 = vector.broadcast %jit3A_591 : i32 to vector<16xi32>
          %select_n3A_594 = arith.select %and3A_589, %broadcast_in_dim3A_592, %broadcast_in_dim3A_593 : vector<16xi1>, vector<16xi32>
          %mul3A_595 = arith.constant 8 : i32
          %mul3A_596 = arith.muli %scan3A_473, %mul3A_595 : i32
          %add3A_597 = arith.constant 6 : i32
          %add3A_598 = arith.addi %mul3A_596, %add3A_597 : i32
          %broadcast_in_dim3A_599 = vector.broadcast %add3A_598 : i32 to vector<16xi32>
          %gather3A_600 = tpu.vector_load_idx %arg21[%broadcast_in_dim3A_599] : memref<32xf32, #tpu.memory_space<vmem>>[vector<16xi32>], vector<16xf32>,
          %mul3A_601 = arith.constant 1280 : i32
          %mul3A_602 = arith.muli %add3A_598, %mul3A_601 : i32
          %mul3A_603 = arith.constant 16 : i32
          %mul3A_604 = arith.muli %scan3A_164, %mul3A_603 : i32
          %add3A_605 = arith.addi %mul3A_602, %mul3A_604 : i32
          %get3A_606 = arith.index_cast %add3A_605 : i32 to index
          %get3A_607 = tpu.vector_load %arg15[%get3A_606] {strides = array<i32>} : memref<40960xf32, #tpu.memory_space<vmem>>, vector<16xf32>,
          %eq3A_608 = arith.cmpf oeq, %get3A_607, %gather3A_600 : vector<16xf32>
          %and3A_609 = arith.andi %eq3A_608, %ne3A_178 : vector<16xi1>
          %jit3A_610 = arith.constant 1 : i32
          %jit3A_611 = arith.constant 0 : i32
          %broadcast_in_dim3A_612 = vector.broadcast %jit3A_610 : i32 to vector<16xi32>
          %broadcast_in_dim3A_613 = vector.broadcast %jit3A_611 : i32 to vector<16xi32>
          %select_n3A_614 = arith.select %and3A_609, %broadcast_in_dim3A_612, %broadcast_in_dim3A_613 : vector<16xi1>, vector<16xi32>
          %mul3A_615 = arith.constant 8 : i32
          %mul3A_616 = arith.muli %scan3A_473, %mul3A_615 : i32
          %add3A_617 = arith.constant 7 : i32
          %add3A_618 = arith.addi %mul3A_616, %add3A_617 : i32
          %broadcast_in_dim3A_619 = vector.broadcast %add3A_618 : i32 to vector<16xi32>
          %gather3A_620 = tpu.vector_load_idx %arg21[%broadcast_in_dim3A_619] : memref<32xf32, #tpu.memory_space<vmem>>[vector<16xi32>], vector<16xf32>,
          %mul3A_621 = arith.constant 1280 : i32
          %mul3A_622 = arith.muli %add3A_618, %mul3A_621 : i32
          %mul3A_623 = arith.constant 16 : i32
          %mul3A_624 = arith.muli %scan3A_164, %mul3A_623 : i32
          %add3A_625 = arith.addi %mul3A_622, %mul3A_624 : i32
          %get3A_626 = arith.index_cast %add3A_625 : i32 to index
          %get3A_627 = tpu.vector_load %arg15[%get3A_626] {strides = array<i32>} : memref<40960xf32, #tpu.memory_space<vmem>>, vector<16xf32>,
          %eq3A_628 = arith.cmpf oeq, %get3A_627, %gather3A_620 : vector<16xf32>
          %and3A_629 = arith.andi %eq3A_628, %ne3A_178 : vector<16xi1>
          %jit3A_630 = arith.constant 1 : i32
          %jit3A_631 = arith.constant 0 : i32
          %broadcast_in_dim3A_632 = vector.broadcast %jit3A_630 : i32 to vector<16xi32>
          %broadcast_in_dim3A_633 = vector.broadcast %jit3A_631 : i32 to vector<16xi32>
          %select_n3A_634 = arith.select %and3A_629, %broadcast_in_dim3A_632, %broadcast_in_dim3A_633 : vector<16xi1>, vector<16xi32>
          %or3A_635 = arith.ori %select_n3A_494, %select_n3A_514 : vector<16xi32>
          %or3A_636 = arith.ori %select_n3A_534, %select_n3A_554 : vector<16xi32>
          %or3A_637 = arith.ori %or3A_635, %or3A_636 : vector<16xi32>
          %or3A_638 = arith.ori %scan3A_474, %or3A_637 : vector<16xi32>
          %or3A_639 = arith.ori %select_n3A_574, %select_n3A_594 : vector<16xi32>
          %or3A_640 = arith.ori %select_n3A_614, %select_n3A_634 : vector<16xi32>
          %or3A_641 = arith.ori %or3A_639, %or3A_640 : vector<16xi32>
          %or3A_642 = arith.ori %or3A_638, %or3A_641 : vector<16xi32>
          scf.yield %or3A_642 : vector<16xi32>
        }
        %scan3A_472 = arith.constant 4 : i32
        scf.yield %scan3A_471 : vector<16xi32>
      } else {
        scf.yield %broadcast_in_dim3A_3 : vector<16xi32>
      }
      %ne3A_188 = arith.constant 0 : i32
      %ne3A_189 = vector.broadcast %ne3A_188 : i32 to vector<16xi32>
      %ne3A_190 = arith.cmpi ne, %cond3A_187, %ne3A_189 : vector<16xi32>
      %ge3A_191 = arith.constant 0.699999988 : f32
      %ge3A_192 = vector.broadcast %ge3A_191 : f32 to vector<16xf32>
      %ge3A_193 = arith.cmpf oge, %get3A_172, %ge3A_192 : vector<16xf32>
      %and3A_194 = arith.andi %ne3A_178, %ge3A_193 : vector<16xi1>
      %or3A = arith.ori %ne3A_190, %and3A_194 : vector<16xi1>
      %le3A = arith.constant 3.000000e-01 : f32
      %le3A_195 = vector.broadcast %le3A : f32 to vector<16xf32>
      %le3A_196 = arith.cmpf ole, %get3A_172, %le3A_195 : vector<16xf32>
      %and3A_197 = arith.andi %ne3A_178, %le3A_196 : vector<16xi1>
      %not3A = arith.constant dense<true> : vector<16xi1>
      %not3A_198 = arith.xori %or3A, %not3A : vector<16xi1>
      %and3A_199 = arith.andi %and3A_197, %not3A_198 : vector<16xi1>
      %jit3A_200 = arith.constant 0 : i32
      %jit3A_201 = arith.constant -1 : i32
      %broadcast_in_dim3A_202 = vector.broadcast %jit3A_200 : i32 to vector<16xi32>
      %broadcast_in_dim3A_203 = vector.broadcast %jit3A_201 : i32 to vector<16xi32>
      %select_n3A_204 = arith.select %and3A_199, %broadcast_in_dim3A_202, %broadcast_in_dim3A_203 : vector<16xi1>, vector<16xi32>
      %jit3A_205 = arith.constant 1 : i32
      %broadcast_in_dim3A_206 = vector.broadcast %jit3A_205 : i32 to vector<16xi32>
      %select_n3A_207 = arith.select %or3A, %broadcast_in_dim3A_206, %select_n3A_204 : vector<16xi1>, vector<16xi32>
      %mul3A_208 = arith.constant 16 : i32
      %mul3A_209 = arith.muli %scan3A_164, %mul3A_208 : i32
      %swap3A_210 = arith.index_cast %mul3A_209 : i32 to index
      %swap3A_211 = tpu.vector_load %arg16[%swap3A_210] {strides = array<i32>} : memref<1280xi32, #tpu.memory_space<vmem>>, vector<16xi32>,
      tpu.vector_store %arg16[%swap3A_210], %select_n3A_207 {strides = array<i32>} : memref<1280xi32, #tpu.memory_space<vmem>>, vector<16xi32>,
      %mul3A_212 = arith.constant 16 : i32
      %mul3A_213 = arith.muli %scan3A_164, %mul3A_212 : i32
      %add3A_214 = arith.constant 0 : i32
      %add3A_215 = arith.addi %add3A_214, %mul3A_213 : i32
      %get3A_216 = arith.index_cast %add3A_215 : i32 to index
      %get3A_217 = tpu.vector_load %arg10[%get3A_216] {strides = array<i32>} : memref<5120xf32, #tpu.memory_space<vmem>>, vector<16xf32>,
      %mul3A_218 = arith.constant 16 : i32
      %mul3A_219 = arith.muli %scan3A_164, %mul3A_218 : i32
      %add3A_220 = arith.constant 1280 : i32
      %add3A_221 = arith.addi %add3A_220, %mul3A_219 : i32
      %get3A_222 = arith.index_cast %add3A_221 : i32 to index
      %get3A_223 = tpu.vector_load %arg10[%get3A_222] {strides = array<i32>} : memref<5120xf32, #tpu.memory_space<vmem>>, vector<16xf32>,
      %mul3A_224 = arith.constant 16 : i32
      %mul3A_225 = arith.muli %scan3A_164, %mul3A_224 : i32
      %add3A_226 = arith.constant 2560 : i32
      %add3A_227 = arith.addi %add3A_226, %mul3A_225 : i32
      %get3A_228 = arith.index_cast %add3A_227 : i32 to index
      %get3A_229 = tpu.vector_load %arg10[%get3A_228] {strides = array<i32>} : memref<5120xf32, #tpu.memory_space<vmem>>, vector<16xf32>,
      %mul3A_230 = arith.constant 16 : i32
      %mul3A_231 = arith.muli %scan3A_164, %mul3A_230 : i32
      %add3A_232 = arith.constant 3840 : i32
      %add3A_233 = arith.addi %add3A_232, %mul3A_231 : i32
      %get3A_234 = arith.index_cast %add3A_233 : i32 to index
      %get3A_235 = tpu.vector_load %arg10[%get3A_234] {strides = array<i32>} : memref<5120xf32, #tpu.memory_space<vmem>>, vector<16xf32>,
      %mul3A_236 = arith.constant 16 : i32
      %mul3A_237 = arith.muli %scan3A_164, %mul3A_236 : i32
      %get3A_238 = arith.index_cast %mul3A_237 : i32 to index
      %get3A_239 = tpu.vector_load %arg14[%get3A_238] {strides = array<i32>} : memref<1280xi32, #tpu.memory_space<vmem>>, vector<16xi32>,
      %gather3A = tpu.vector_load_idx %arg19[%broadcast_in_dim3A_3, %get3A_239] : memref<4x32xf32, #tpu.memory_space<vmem>>[vector<16xi32>, vector<16xi32>], vector<16xf32>,
      %gather3A_240 = tpu.vector_load_idx %arg19[%broadcast_in_dim3A_1, %get3A_239] : memref<4x32xf32, #tpu.memory_space<vmem>>[vector<16xi32>, vector<16xi32>], vector<16xf32>,
      %add3A_241 = arith.addi %broadcast_in_dim3A_1, %broadcast_in_dim3A_1 : vector<16xi32>
      %gather3A_242 = tpu.vector_load_idx %arg19[%add3A_241, %get3A_239] : memref<4x32xf32, #tpu.memory_space<vmem>>[vector<16xi32>, vector<16xi32>], vector<16xf32>,
      %add3A_243 = arith.addi %broadcast_in_dim3A_1, %broadcast_in_dim3A_1 : vector<16xi32>
      %add3A_244 = arith.addi %add3A_243, %broadcast_in_dim3A_1 : vector<16xi32>
      %gather3A_245 = tpu.vector_load_idx %arg19[%add3A_244, %get3A_239] : memref<4x32xf32, #tpu.memory_space<vmem>>[vector<16xi32>, vector<16xi32>], vector<16xf32>,
      %sub3A_246 = arith.subf %get3A_229, %get3A_217 : vector<16xf32>
      %sub3A_247 = arith.subf %get3A_235, %get3A_223 : vector<16xf32>
      %mul3A_248 = arith.constant 5.000000e-01 : f32
      %mul3A_249 = vector.broadcast %mul3A_248 : f32 to vector<16xf32>
      %mul3A_250 = arith.mulf %mul3A_249, %sub3A_246 : vector<16xf32>
      %add3A_251 = arith.addf %get3A_217, %mul3A_250 : vector<16xf32>
      %mul3A_252 = arith.constant 5.000000e-01 : f32
      %mul3A_253 = vector.broadcast %mul3A_252 : f32 to vector<16xf32>
      %mul3A_254 = arith.mulf %mul3A_253, %sub3A_247 : vector<16xf32>
      %add3A_255 = arith.addf %get3A_223, %mul3A_254 : vector<16xf32>
      %sub3A_256 = arith.subf %gather3A_242, %gather3A : vector<16xf32>
      %sub3A_257 = arith.subf %gather3A_245, %gather3A_240 : vector<16xf32>
      %mul3A_258 = arith.constant 5.000000e-01 : f32
      %mul3A_259 = vector.broadcast %mul3A_258 : f32 to vector<16xf32>
      %mul3A_260 = arith.mulf %mul3A_259, %sub3A_256 : vector<16xf32>
      %add3A_261 = arith.addf %gather3A, %mul3A_260 : vector<16xf32>
      %mul3A_262 = arith.constant 5.000000e-01 : f32
      %mul3A_263 = vector.broadcast %mul3A_262 : f32 to vector<16xf32>
      %mul3A_264 = arith.mulf %mul3A_263, %sub3A_257 : vector<16xf32>
      %add3A_265 = arith.addf %gather3A_240, %mul3A_264 : vector<16xf32>
      %broadcast_in_dim3A_266 = arith.constant 0.000000e+00 : f32
      %broadcast_in_dim3A_267 = vector.broadcast %broadcast_in_dim3A_266 : f32 to vector<16xf32>
      %sub3A_268 = arith.subf %add3A_261, %add3A_251 : vector<16xf32>
      %div3A = arith.divf %sub3A_268, %sub3A_246 : vector<16xf32>
      %select_n3A_269 = arith.select %ne3A_178, %div3A, %broadcast_in_dim3A_267 : vector<16xi1>, vector<16xf32>
      %mul3A_270 = arith.constant 16 : i32
      %mul3A_271 = arith.muli %scan3A_164, %mul3A_270 : i32
      %add3A_272 = arith.constant 0 : i32
      %add3A_273 = arith.addi %add3A_272, %mul3A_271 : i32
      %swap3A_274 = arith.index_cast %add3A_273 : i32 to index
      %swap3A_275 = tpu.vector_load %arg27[%swap3A_274] {strides = array<i32>} : memref<5120xf32, #tpu.memory_space<vmem>>, vector<16xf32>,
      tpu.vector_store %arg27[%swap3A_274], %select_n3A_269 {strides = array<i32>} : memref<5120xf32, #tpu.memory_space<vmem>>, vector<16xf32>,
      %sub3A_276 = arith.subf %add3A_265, %add3A_255 : vector<16xf32>
      %div3A_277 = arith.divf %sub3A_276, %sub3A_247 : vector<16xf32>
      %select_n3A_278 = arith.select %ne3A_178, %div3A_277, %broadcast_in_dim3A_267 : vector<16xi1>, vector<16xf32>
      %mul3A_279 = arith.constant 16 : i32
      %mul3A_280 = arith.muli %scan3A_164, %mul3A_279 : i32
      %add3A_281 = arith.constant 1280 : i32
      %add3A_282 = arith.addi %add3A_281, %mul3A_280 : i32
      %swap3A_283 = arith.index_cast %add3A_282 : i32 to index
      %swap3A_284 = tpu.vector_load %arg27[%swap3A_283] {strides = array<i32>} : memref<5120xf32, #tpu.memory_space<vmem>>, vector<16xf32>,
      tpu.vector_store %arg27[%swap3A_283], %select_n3A_278 {strides = array<i32>} : memref<5120xf32, #tpu.memory_space<vmem>>, vector<16xf32>,
      %div3A_285 = arith.divf %sub3A_256, %sub3A_246 : vector<16xf32>
      %bitcast_convert_type3A = tpu.bitcast %div3A_285 : vector<16xf32> -> vector<16xi32>
      %shift_right_arithmetic3A_286 = arith.constant 23 : i32
      %shift_right_arithmetic3A_287 = vector.broadcast %shift_right_arithmetic3A_286 : i32 to vector<16xi32>
      %shift_right_arithmetic3A_288 = arith.shrsi %bitcast_convert_type3A, %shift_right_arithmetic3A_287 : vector<16xi32>
      %and3A_289 = arith.constant 255 : i32
      %and3A_290 = vector.broadcast %and3A_289 : i32 to vector<16xi32>
      %and3A_291 = arith.andi %shift_right_arithmetic3A_288, %and3A_290 : vector<16xi32>
      %sub3A_292 = arith.constant 127 : i32
      %sub3A_293 = vector.broadcast %sub3A_292 : i32 to vector<16xi32>
      %sub3A_294 = arith.subi %and3A_291, %sub3A_293 : vector<16xi32>
      %and3A_295 = arith.constant 8388607 : i32
      %and3A_296 = vector.broadcast %and3A_295 : i32 to vector<16xi32>
      %and3A_297 = arith.andi %bitcast_convert_type3A, %and3A_296 : vector<16xi32>
      %or3A_298 = arith.constant 1065353216 : i32
      %or3A_299 = vector.broadcast %or3A_298 : i32 to vector<16xi32>
      %or3A_300 = arith.ori %and3A_297, %or3A_299 : vector<16xi32>
      %bitcast_convert_type3A_301 = tpu.bitcast %or3A_300 : vector<16xi32> -> vector<16xf32>
      %gt3A_302 = arith.constant 1.41421354 : f32
      %gt3A_303 = vector.broadcast %gt3A_302 : f32 to vector<16xf32>
      %gt3A_304 = arith.cmpf ogt, %bitcast_convert_type3A_301, %gt3A_303 : vector<16xf32>
      %mul3A_305 = arith.constant 5.000000e-01 : f32
      %mul3A_306 = vector.broadcast %mul3A_305 : f32 to vector<16xf32>
      %mul3A_307 = arith.mulf %bitcast_convert_type3A_301, %mul3A_306 : vector<16xf32>
      %select_n3A_308 = arith.select %gt3A_304, %mul3A_307, %bitcast_convert_type3A_301 : vector<16xi1>, vector<16xf32>
      %jit3A_309 = arith.constant 1 : i32
      %jit3A_310 = arith.constant 0 : i32
      %broadcast_in_dim3A_311 = vector.broadcast %jit3A_309 : i32 to vector<16xi32>
      %broadcast_in_dim3A_312 = vector.broadcast %jit3A_310 : i32 to vector<16xi32>
      %select_n3A_313 = arith.select %gt3A_304, %broadcast_in_dim3A_311, %broadcast_in_dim3A_312 : vector<16xi1>, vector<16xi32>
      %add3A_314 = arith.addi %sub3A_294, %select_n3A_313 : vector<16xi32>
      %convert_element_type3A_315 = arith.sitofp %add3A_314 : vector<16xi32> to vector<16xf32>
      %sub3A_316 = arith.constant 1.000000e+00 : f32
      %sub3A_317 = vector.broadcast %sub3A_316 : f32 to vector<16xf32>
      %sub3A_318 = arith.subf %select_n3A_308, %sub3A_317 : vector<16xf32>
      %add3A_319 = arith.constant 1.000000e+00 : f32
      %add3A_320 = vector.broadcast %add3A_319 : f32 to vector<16xf32>
      %add3A_321 = arith.addf %select_n3A_308, %add3A_320 : vector<16xf32>
      %div3A_322 = arith.divf %sub3A_318, %add3A_321 : vector<16xf32>
      %mul3A_323 = arith.mulf %div3A_322, %div3A_322 : vector<16xf32>
      %mul3A_324 = arith.constant 0.222222224 : f32
      %mul3A_325 = vector.broadcast %mul3A_324 : f32 to vector<16xf32>
      %mul3A_326 = arith.mulf %mul3A_323, %mul3A_325 : vector<16xf32>
      %add3A_327 = arith.constant 0.285714298 : f32
      %add3A_328 = vector.broadcast %add3A_327 : f32 to vector<16xf32>
      %add3A_329 = arith.addf %add3A_328, %mul3A_326 : vector<16xf32>
      %mul3A_330 = arith.mulf %mul3A_323, %add3A_329 : vector<16xf32>
      %add3A_331 = arith.constant 4.000000e-01 : f32
      %add3A_332 = vector.broadcast %add3A_331 : f32 to vector<16xf32>
      %add3A_333 = arith.addf %add3A_332, %mul3A_330 : vector<16xf32>
      %mul3A_334 = arith.mulf %mul3A_323, %add3A_333 : vector<16xf32>
      %add3A_335 = arith.constant 0.666666686 : f32
      %add3A_336 = vector.broadcast %add3A_335 : f32 to vector<16xf32>
      %add3A_337 = arith.addf %add3A_336, %mul3A_334 : vector<16xf32>
      %mul3A_338 = arith.mulf %mul3A_323, %add3A_337 : vector<16xf32>
      %add3A_339 = arith.constant 2.000000e+00 : f32
      %add3A_340 = vector.broadcast %add3A_339 : f32 to vector<16xf32>
      %add3A_341 = arith.addf %add3A_340, %mul3A_338 : vector<16xf32>
      %mul3A_342 = arith.mulf %div3A_322, %add3A_341 : vector<16xf32>
      %mul3A_343 = arith.constant 0.693147182 : f32
      %mul3A_344 = vector.broadcast %mul3A_343 : f32 to vector<16xf32>
      %mul3A_345 = arith.mulf %convert_element_type3A_315, %mul3A_344 : vector<16xf32>
      %add3A_346 = arith.addf %mul3A_345, %mul3A_342 : vector<16xf32>
      %select_n3A_347 = arith.select %ne3A_178, %add3A_346, %broadcast_in_dim3A_267 : vector<16xi1>, vector<16xf32>
      %mul3A_348 = arith.constant 16 : i32
      %mul3A_349 = arith.muli %scan3A_164, %mul3A_348 : i32
      %add3A_350 = arith.constant 2560 : i32
      %add3A_351 = arith.addi %add3A_350, %mul3A_349 : i32
      %swap3A_352 = arith.index_cast %add3A_351 : i32 to index
      %swap3A_353 = tpu.vector_load %arg27[%swap3A_352] {strides = array<i32>} : memref<5120xf32, #tpu.memory_space<vmem>>, vector<16xf32>,
      tpu.vector_store %arg27[%swap3A_352], %select_n3A_347 {strides = array<i32>} : memref<5120xf32, #tpu.memory_space<vmem>>, vector<16xf32>,
      %div3A_354 = arith.divf %sub3A_257, %sub3A_247 : vector<16xf32>
      %bitcast_convert_type3A_355 = tpu.bitcast %div3A_354 : vector<16xf32> -> vector<16xi32>
      %shift_right_arithmetic3A_356 = arith.constant 23 : i32
      %shift_right_arithmetic3A_357 = vector.broadcast %shift_right_arithmetic3A_356 : i32 to vector<16xi32>
      %shift_right_arithmetic3A_358 = arith.shrsi %bitcast_convert_type3A_355, %shift_right_arithmetic3A_357 : vector<16xi32>
      %and3A_359 = arith.constant 255 : i32
      %and3A_360 = vector.broadcast %and3A_359 : i32 to vector<16xi32>
      %and3A_361 = arith.andi %shift_right_arithmetic3A_358, %and3A_360 : vector<16xi32>
      %sub3A_362 = arith.constant 127 : i32
      %sub3A_363 = vector.broadcast %sub3A_362 : i32 to vector<16xi32>
      %sub3A_364 = arith.subi %and3A_361, %sub3A_363 : vector<16xi32>
      %and3A_365 = arith.constant 8388607 : i32
      %and3A_366 = vector.broadcast %and3A_365 : i32 to vector<16xi32>
      %and3A_367 = arith.andi %bitcast_convert_type3A_355, %and3A_366 : vector<16xi32>
      %or3A_368 = arith.constant 1065353216 : i32
      %or3A_369 = vector.broadcast %or3A_368 : i32 to vector<16xi32>
      %or3A_370 = arith.ori %and3A_367, %or3A_369 : vector<16xi32>
      %bitcast_convert_type3A_371 = tpu.bitcast %or3A_370 : vector<16xi32> -> vector<16xf32>
      %gt3A_372 = arith.constant 1.41421354 : f32
      %gt3A_373 = vector.broadcast %gt3A_372 : f32 to vector<16xf32>
      %gt3A_374 = arith.cmpf ogt, %bitcast_convert_type3A_371, %gt3A_373 : vector<16xf32>
      %mul3A_375 = arith.constant 5.000000e-01 : f32
      %mul3A_376 = vector.broadcast %mul3A_375 : f32 to vector<16xf32>
      %mul3A_377 = arith.mulf %bitcast_convert_type3A_371, %mul3A_376 : vector<16xf32>
      %select_n3A_378 = arith.select %gt3A_374, %mul3A_377, %bitcast_convert_type3A_371 : vector<16xi1>, vector<16xf32>
      %jit3A_379 = arith.constant 1 : i32
      %jit3A_380 = arith.constant 0 : i32
      %broadcast_in_dim3A_381 = vector.broadcast %jit3A_379 : i32 to vector<16xi32>
      %broadcast_in_dim3A_382 = vector.broadcast %jit3A_380 : i32 to vector<16xi32>
      %select_n3A_383 = arith.select %gt3A_374, %broadcast_in_dim3A_381, %broadcast_in_dim3A_382 : vector<16xi1>, vector<16xi32>
      %add3A_384 = arith.addi %sub3A_364, %select_n3A_383 : vector<16xi32>
      %convert_element_type3A_385 = arith.sitofp %add3A_384 : vector<16xi32> to vector<16xf32>
      %sub3A_386 = arith.constant 1.000000e+00 : f32
      %sub3A_387 = vector.broadcast %sub3A_386 : f32 to vector<16xf32>
      %sub3A_388 = arith.subf %select_n3A_378, %sub3A_387 : vector<16xf32>
      %add3A_389 = arith.constant 1.000000e+00 : f32
      %add3A_390 = vector.broadcast %add3A_389 : f32 to vector<16xf32>
      %add3A_391 = arith.addf %select_n3A_378, %add3A_390 : vector<16xf32>
      %div3A_392 = arith.divf %sub3A_388, %add3A_391 : vector<16xf32>
      %mul3A_393 = arith.mulf %div3A_392, %div3A_392 : vector<16xf32>
      %mul3A_394 = arith.constant 0.222222224 : f32
      %mul3A_395 = vector.broadcast %mul3A_394 : f32 to vector<16xf32>
      %mul3A_396 = arith.mulf %mul3A_393, %mul3A_395 : vector<16xf32>
      %add3A_397 = arith.constant 0.285714298 : f32
      %add3A_398 = vector.broadcast %add3A_397 : f32 to vector<16xf32>
      %add3A_399 = arith.addf %add3A_398, %mul3A_396 : vector<16xf32>
      %mul3A_400 = arith.mulf %mul3A_393, %add3A_399 : vector<16xf32>
      %add3A_401 = arith.constant 4.000000e-01 : f32
      %add3A_402 = vector.broadcast %add3A_401 : f32 to vector<16xf32>
      %add3A_403 = arith.addf %add3A_402, %mul3A_400 : vector<16xf32>
      %mul3A_404 = arith.mulf %mul3A_393, %add3A_403 : vector<16xf32>
      %add3A_405 = arith.constant 0.666666686 : f32
      %add3A_406 = vector.broadcast %add3A_405 : f32 to vector<16xf32>
      %add3A_407 = arith.addf %add3A_406, %mul3A_404 : vector<16xf32>
      %mul3A_408 = arith.mulf %mul3A_393, %add3A_407 : vector<16xf32>
      %add3A_409 = arith.constant 2.000000e+00 : f32
      %add3A_410 = vector.broadcast %add3A_409 : f32 to vector<16xf32>
      %add3A_411 = arith.addf %add3A_410, %mul3A_408 : vector<16xf32>
      %mul3A_412 = arith.mulf %div3A_392, %add3A_411 : vector<16xf32>
      %mul3A_413 = arith.constant 0.693147182 : f32
      %mul3A_414 = vector.broadcast %mul3A_413 : f32 to vector<16xf32>
      %mul3A_415 = arith.mulf %convert_element_type3A_385, %mul3A_414 : vector<16xf32>
      %add3A_416 = arith.addf %mul3A_415, %mul3A_412 : vector<16xf32>
      %select_n3A_417 = arith.select %ne3A_178, %add3A_416, %broadcast_in_dim3A_267 : vector<16xi1>, vector<16xf32>
      %mul3A_418 = arith.constant 16 : i32
      %mul3A_419 = arith.muli %scan3A_164, %mul3A_418 : i32
      %add3A_420 = arith.constant 3840 : i32
      %add3A_421 = arith.addi %add3A_420, %mul3A_419 : i32
      %swap3A_422 = arith.index_cast %add3A_421 : i32 to index
      %swap3A_423 = tpu.vector_load %arg27[%swap3A_422] {strides = array<i32>} : memref<5120xf32, #tpu.memory_space<vmem>>, vector<16xf32>,
      tpu.vector_store %arg27[%swap3A_422], %select_n3A_417 {strides = array<i32>} : memref<5120xf32, #tpu.memory_space<vmem>>, vector<16xf32>,
      %jit3A_424 = arith.constant 1 : i32
      %jit3A_425 = arith.constant 0 : i32
      %broadcast_in_dim3A_426 = vector.broadcast %jit3A_424 : i32 to vector<16xi32>
      %broadcast_in_dim3A_427 = vector.broadcast %jit3A_425 : i32 to vector<16xi32>
      %select_n3A_428 = arith.select %or3A, %broadcast_in_dim3A_426, %broadcast_in_dim3A_427 : vector<16xi1>, vector<16xi32>
      %jit3A_429 = arith.constant 1 : i32
      %jit3A_430 = arith.constant 0 : i32
      %broadcast_in_dim3A_431 = vector.broadcast %jit3A_429 : i32 to vector<16xi32>
      %broadcast_in_dim3A_432 = vector.broadcast %jit3A_430 : i32 to vector<16xi32>
      %select_n3A_433 = arith.select %and3A_199, %broadcast_in_dim3A_431, %broadcast_in_dim3A_432 : vector<16xi1>, vector<16xi32>
      %convert_element_type3A_434 = arith.sitofp %select_n3A_428 : vector<16xi32> to vector<16xf32>
      %reduce_sum3A = arith.constant true
      %reduce_sum3A_435 = vector.broadcast %reduce_sum3A : i1 to vector<16xi1>
      %reduce_sum3A_436 = tpu.scan <sum>, %convert_element_type3A_434 masked %reduce_sum3A_435 : vector<16xf32>, vector<16xi1> -> vector<16xf32>
      %reduce_sum3A_437 = vector.extract %reduce_sum3A_436[15] : f32 from vector<16xf32>
      %convert_element_type3A_438 = arith.fptosi %reduce_sum3A_437 : f32 to i32
      %add3A_439 = arith.addi %scan3A_165, %convert_element_type3A_438 : i32
      %convert_element_type3A_440 = arith.sitofp %select_n3A_433 : vector<16xi32> to vector<16xf32>
      %reduce_sum3A_441 = arith.constant true
      %reduce_sum3A_442 = vector.broadcast %reduce_sum3A_441 : i1 to vector<16xi1>
      %reduce_sum3A_443 = tpu.scan <sum>, %convert_element_type3A_440 masked %reduce_sum3A_442 : vector<16xf32>, vector<16xi1> -> vector<16xf32>
      %reduce_sum3A_444 = vector.extract %reduce_sum3A_443[15] : f32 from vector<16xf32>
      %convert_element_type3A_445 = arith.fptosi %reduce_sum3A_444 : f32 to i32
      %add3A_446 = arith.addi %scan3A_166, %convert_element_type3A_445 : i32
      %jit3A_447 = arith.constant 0 : i32
      %broadcast_in_dim3A_448 = vector.broadcast %jit3A_447 : i32 to vector<16xi32>
      %select_n3A_449 = arith.select %or3A, %get3A_182, %broadcast_in_dim3A_448 : vector<16xi1>, vector<16xi32>
      %convert_element_type3A_450 = arith.sitofp %select_n3A_449 : vector<16xi32> to vector<16xf32>
      %reduce_sum3A_451 = arith.constant true
      %reduce_sum3A_452 = vector.broadcast %reduce_sum3A_451 : i1 to vector<16xi1>
      %reduce_sum3A_453 = tpu.scan <sum>, %convert_element_type3A_450 masked %reduce_sum3A_452 : vector<16xf32>, vector<16xi1> -> vector<16xf32>
      %reduce_sum3A_454 = vector.extract %reduce_sum3A_453[15] : f32 from vector<16xf32>
      %convert_element_type3A_455 = arith.fptosi %reduce_sum3A_454 : f32 to i32
      %add3A_456 = arith.addi %scan3A_167, %convert_element_type3A_455 : i32
      %jit3A_457 = arith.constant 0 : i32
      %broadcast_in_dim3A_458 = vector.broadcast %jit3A_457 : i32 to vector<16xi32>
      %select_n3A_459 = arith.select %and3A_199, %get3A_182, %broadcast_in_dim3A_458 : vector<16xi1>, vector<16xi32>
      %convert_element_type3A_460 = arith.sitofp %select_n3A_459 : vector<16xi32> to vector<16xf32>
      %reduce_sum3A_461 = arith.constant true
      %reduce_sum3A_462 = vector.broadcast %reduce_sum3A_461 : i1 to vector<16xi1>
      %reduce_sum3A_463 = tpu.scan <sum>, %convert_element_type3A_460 masked %reduce_sum3A_462 : vector<16xf32>, vector<16xi1> -> vector<16xf32>
      %reduce_sum3A_464 = vector.extract %reduce_sum3A_463[15] : f32 from vector<16xf32>
      %convert_element_type3A_465 = arith.fptosi %reduce_sum3A_464 : f32 to i32
      %add3A_466 = arith.addi %scan3A_168, %convert_element_type3A_465 : i32
      scf.yield %add3A_439, %add3A_446, %add3A_456, %add3A_466 : i32, i32, i32, i32
    }
    %scan3A_54 = arith.constant 80 : i32
    %add3A_55 = arith.constant 0 : i32
    %add3A_56 = arith.addi %add3A_55, %mul3A_0 : i32
    "tpu.region"() ({
      %run_scoped3A = tpu.sem_alloc : memref<!tpu.dma_semaphore, #tpu.memory_space<semaphore_mem>>
      %dma_start3A = arith.constant 0 : i32
      %dma_start3A_164 = tpu.memref_slice %arg27[%dma_start3A] : memref<5120xf32, #tpu.memory_space<vmem>> -> memref<1280xf32, #tpu.memory_space<vmem>>
      %dma_start3A_165 = tpu.memref_slice %arg8[%add3A_56] : memref<81920xf32, #tpu.memory_space<hbm>> -> memref<1280xf32, #tpu.memory_space<hbm>>
      %dma_start3A_166 = tpu.memref_slice %arg8[%add3A_56] : memref<81920xf32, #tpu.memory_space<hbm>> -> memref<1280xf32, #tpu.memory_space<hbm>>
      %dma_start3A_167 = arith.constant 0 : i32
      %dma_start3A_168 = tpu.memref_slice %arg27[%dma_start3A_167] : memref<5120xf32, #tpu.memory_space<vmem>> -> memref<1280xf32, #tpu.memory_space<vmem>>
      tpu.enqueue_dma source(%dma_start3A_168 : memref<1280xf32, #tpu.memory_space<vmem>>) target(%dma_start3A_166 : memref<1280xf32, #tpu.memory_space<hbm>>) target_semaphore(%run_scoped3A : memref<!tpu.dma_semaphore, #tpu.memory_space<semaphore_mem>>)
      %dma_wait3A = arith.constant 0 : i32
      %dma_wait3A_169 = tpu.memref_slice %arg27[%dma_wait3A] : memref<5120xf32, #tpu.memory_space<vmem>> -> memref<1280xf32, #tpu.memory_space<vmem>>
      %dma_wait3A_170 = tpu.memref_slice %arg8[%add3A_56] : memref<81920xf32, #tpu.memory_space<hbm>> -> memref<1280xf32, #tpu.memory_space<hbm>>
      %dma_wait3A_171 = tpu.memref_slice %arg8[%add3A_56] : memref<81920xf32, #tpu.memory_space<hbm>> -> memref<1280xf32, #tpu.memory_space<hbm>>
      %dma_wait3A_172 = arith.constant 0 : i32
      %dma_wait3A_173 = tpu.memref_slice %arg27[%dma_wait3A_172] : memref<5120xf32, #tpu.memory_space<vmem>> -> memref<1280xf32, #tpu.memory_space<vmem>>
      tpu.wait_dma2 semaphore(%run_scoped3A : memref<!tpu.dma_semaphore, #tpu.memory_space<semaphore_mem>>) src(%dma_wait3A_173 : memref<1280xf32, #tpu.memory_space<vmem>>) dst(%dma_wait3A_171 : memref<1280xf32, #tpu.memory_space<hbm>>)
      tpu.yield
    }) : () -> ()
    %add3A_57 = arith.constant 20480 : i32
    %add3A_58 = arith.addi %add3A_57, %mul3A_0 : i32
    "tpu.region"() ({
      %run_scoped3A = tpu.sem_alloc : memref<!tpu.dma_semaphore, #tpu.memory_space<semaphore_mem>>
      %dma_start3A = arith.constant 1280 : i32
      %dma_start3A_164 = tpu.memref_slice %arg27[%dma_start3A] : memref<5120xf32, #tpu.memory_space<vmem>> -> memref<1280xf32, #tpu.memory_space<vmem>>
      %dma_start3A_165 = tpu.memref_slice %arg8[%add3A_58] : memref<81920xf32, #tpu.memory_space<hbm>> -> memref<1280xf32, #tpu.memory_space<hbm>>
      %dma_start3A_166 = tpu.memref_slice %arg8[%add3A_58] : memref<81920xf32, #tpu.memory_space<hbm>> -> memref<1280xf32, #tpu.memory_space<hbm>>
      %dma_start3A_167 = arith.constant 1280 : i32
      %dma_start3A_168 = tpu.memref_slice %arg27[%dma_start3A_167] : memref<5120xf32, #tpu.memory_space<vmem>> -> memref<1280xf32, #tpu.memory_space<vmem>>
      tpu.enqueue_dma source(%dma_start3A_168 : memref<1280xf32, #tpu.memory_space<vmem>>) target(%dma_start3A_166 : memref<1280xf32, #tpu.memory_space<hbm>>) target_semaphore(%run_scoped3A : memref<!tpu.dma_semaphore, #tpu.memory_space<semaphore_mem>>)
      %dma_wait3A = arith.constant 1280 : i32
      %dma_wait3A_169 = tpu.memref_slice %arg27[%dma_wait3A] : memref<5120xf32, #tpu.memory_space<vmem>> -> memref<1280xf32, #tpu.memory_space<vmem>>
      %dma_wait3A_170 = tpu.memref_slice %arg8[%add3A_58] : memref<81920xf32, #tpu.memory_space<hbm>> -> memref<1280xf32, #tpu.memory_space<hbm>>
      %dma_wait3A_171 = tpu.memref_slice %arg8[%add3A_58] : memref<81920xf32, #tpu.memory_space<hbm>> -> memref<1280xf32, #tpu.memory_space<hbm>>
      %dma_wait3A_172 = arith.constant 1280 : i32
      %dma_wait3A_173 = tpu.memref_slice %arg27[%dma_wait3A_172] : memref<5120xf32, #tpu.memory_space<vmem>> -> memref<1280xf32, #tpu.memory_space<vmem>>
      tpu.wait_dma2 semaphore(%run_scoped3A : memref<!tpu.dma_semaphore, #tpu.memory_space<semaphore_mem>>) src(%dma_wait3A_173 : memref<1280xf32, #tpu.memory_space<vmem>>) dst(%dma_wait3A_171 : memref<1280xf32, #tpu.memory_space<hbm>>)
      tpu.yield
    }) : () -> ()
    %add3A_59 = arith.constant 40960 : i32
    %add3A_60 = arith.addi %add3A_59, %mul3A_0 : i32
    "tpu.region"() ({
      %run_scoped3A = tpu.sem_alloc : memref<!tpu.dma_semaphore, #tpu.memory_space<semaphore_mem>>
      %dma_start3A = arith.constant 2560 : i32
      %dma_start3A_164 = tpu.memref_slice %arg27[%dma_start3A] : memref<5120xf32, #tpu.memory_space<vmem>> -> memref<1280xf32, #tpu.memory_space<vmem>>
      %dma_start3A_165 = tpu.memref_slice %arg8[%add3A_60] : memref<81920xf32, #tpu.memory_space<hbm>> -> memref<1280xf32, #tpu.memory_space<hbm>>
      %dma_start3A_166 = tpu.memref_slice %arg8[%add3A_60] : memref<81920xf32, #tpu.memory_space<hbm>> -> memref<1280xf32, #tpu.memory_space<hbm>>
      %dma_start3A_167 = arith.constant 2560 : i32
      %dma_start3A_168 = tpu.memref_slice %arg27[%dma_start3A_167] : memref<5120xf32, #tpu.memory_space<vmem>> -> memref<1280xf32, #tpu.memory_space<vmem>>
      tpu.enqueue_dma source(%dma_start3A_168 : memref<1280xf32, #tpu.memory_space<vmem>>) target(%dma_start3A_166 : memref<1280xf32, #tpu.memory_space<hbm>>) target_semaphore(%run_scoped3A : memref<!tpu.dma_semaphore, #tpu.memory_space<semaphore_mem>>)
      %dma_wait3A = arith.constant 2560 : i32
      %dma_wait3A_169 = tpu.memref_slice %arg27[%dma_wait3A] : memref<5120xf32, #tpu.memory_space<vmem>> -> memref<1280xf32, #tpu.memory_space<vmem>>
      %dma_wait3A_170 = tpu.memref_slice %arg8[%add3A_60] : memref<81920xf32, #tpu.memory_space<hbm>> -> memref<1280xf32, #tpu.memory_space<hbm>>
      %dma_wait3A_171 = tpu.memref_slice %arg8[%add3A_60] : memref<81920xf32, #tpu.memory_space<hbm>> -> memref<1280xf32, #tpu.memory_space<hbm>>
      %dma_wait3A_172 = arith.constant 2560 : i32
      %dma_wait3A_173 = tpu.memref_slice %arg27[%dma_wait3A_172] : memref<5120xf32, #tpu.memory_space<vmem>> -> memref<1280xf32, #tpu.memory_space<vmem>>
      tpu.wait_dma2 semaphore(%run_scoped3A : memref<!tpu.dma_semaphore, #tpu.memory_space<semaphore_mem>>) src(%dma_wait3A_173 : memref<1280xf32, #tpu.memory_space<vmem>>) dst(%dma_wait3A_171 : memref<1280xf32, #tpu.memory_space<hbm>>)
      tpu.yield
    }) : () -> ()
    %add3A_61 = arith.constant 61440 : i32
    %add3A_62 = arith.addi %add3A_61, %mul3A_0 : i32
    "tpu.region"() ({
      %run_scoped3A = tpu.sem_alloc : memref<!tpu.dma_semaphore, #tpu.memory_space<semaphore_mem>>
      %dma_start3A = arith.constant 3840 : i32
      %dma_start3A_164 = tpu.memref_slice %arg27[%dma_start3A] : memref<5120xf32, #tpu.memory_space<vmem>> -> memref<1280xf32, #tpu.memory_space<vmem>>
      %dma_start3A_165 = tpu.memref_slice %arg8[%add3A_62] : memref<81920xf32, #tpu.memory_space<hbm>> -> memref<1280xf32, #tpu.memory_space<hbm>>
      %dma_start3A_166 = tpu.memref_slice %arg8[%add3A_62] : memref<81920xf32, #tpu.memory_space<hbm>> -> memref<1280xf32, #tpu.memory_space<hbm>>
      %dma_start3A_167 = arith.constant 3840 : i32
      %dma_start3A_168 = tpu.memref_slice %arg27[%dma_start3A_167] : memref<5120xf32, #tpu.memory_space<vmem>> -> memref<1280xf32, #tpu.memory_space<vmem>>
      tpu.enqueue_dma source(%dma_start3A_168 : memref<1280xf32, #tpu.memory_space<vmem>>) target(%dma_start3A_166 : memref<1280xf32, #tpu.memory_space<hbm>>) target_semaphore(%run_scoped3A : memref<!tpu.dma_semaphore, #tpu.memory_space<semaphore_mem>>)
      %dma_wait3A = arith.constant 3840 : i32
      %dma_wait3A_169 = tpu.memref_slice %arg27[%dma_wait3A] : memref<5120xf32, #tpu.memory_space<vmem>> -> memref<1280xf32, #tpu.memory_space<vmem>>
      %dma_wait3A_170 = tpu.memref_slice %arg8[%add3A_62] : memref<81920xf32, #tpu.memory_space<hbm>> -> memref<1280xf32, #tpu.memory_space<hbm>>
      %dma_wait3A_171 = tpu.memref_slice %arg8[%add3A_62] : memref<81920xf32, #tpu.memory_space<hbm>> -> memref<1280xf32, #tpu.memory_space<hbm>>
      %dma_wait3A_172 = arith.constant 3840 : i32
      %dma_wait3A_173 = tpu.memref_slice %arg27[%dma_wait3A_172] : memref<5120xf32, #tpu.memory_space<vmem>> -> memref<1280xf32, #tpu.memory_space<vmem>>
      tpu.wait_dma2 semaphore(%run_scoped3A : memref<!tpu.dma_semaphore, #tpu.memory_space<semaphore_mem>>) src(%dma_wait3A_173 : memref<1280xf32, #tpu.memory_space<vmem>>) dst(%dma_wait3A_171 : memref<1280xf32, #tpu.memory_space<hbm>>)
      tpu.yield
    }) : () -> ()
    %eq3A = arith.constant 0 : i32
    %eq3A_63 = vector.broadcast %eq3A : i32 to vector<16xi32>
    %eq3A_64 = arith.cmpi eq, %iota3A, %eq3A_63 : vector<16xi32>
    %jit3A = arith.constant 0 : i32
    %broadcast_in_dim3A_65 = vector.broadcast %scan3A_21#0 : i32 to vector<16xi32>
    %broadcast_in_dim3A_66 = vector.broadcast %jit3A : i32 to vector<16xi32>
    %select_n3A = arith.select %eq3A_64, %broadcast_in_dim3A_65, %broadcast_in_dim3A_66 : vector<16xi1>, vector<16xi32>
    %eq3A_67 = arith.constant 1 : i32
    %eq3A_68 = vector.broadcast %eq3A_67 : i32 to vector<16xi32>
    %eq3A_69 = arith.cmpi eq, %iota3A, %eq3A_68 : vector<16xi32>
    %broadcast_in_dim3A_70 = vector.broadcast %scan3A_53#0 : i32 to vector<16xi32>
    %select_n3A_71 = arith.select %eq3A_69, %broadcast_in_dim3A_70, %select_n3A : vector<16xi1>, vector<16xi32>
    %eq3A_72 = arith.constant 2 : i32
    %eq3A_73 = vector.broadcast %eq3A_72 : i32 to vector<16xi32>
    %eq3A_74 = arith.cmpi eq, %iota3A, %eq3A_73 : vector<16xi32>
    %broadcast_in_dim3A_75 = vector.broadcast %scan3A_53#1 : i32 to vector<16xi32>
    %select_n3A_76 = arith.select %eq3A_74, %broadcast_in_dim3A_75, %select_n3A_71 : vector<16xi1>, vector<16xi32>
    %eq3A_77 = arith.constant 3 : i32
    %eq3A_78 = vector.broadcast %eq3A_77 : i32 to vector<16xi32>
    %eq3A_79 = arith.cmpi eq, %iota3A, %eq3A_78 : vector<16xi32>
    %broadcast_in_dim3A_80 = vector.broadcast %scan3A_53#2 : i32 to vector<16xi32>
    %select_n3A_81 = arith.select %eq3A_79, %broadcast_in_dim3A_80, %select_n3A_76 : vector<16xi1>, vector<16xi32>
    %eq3A_82 = arith.constant 4 : i32
    %eq3A_83 = vector.broadcast %eq3A_82 : i32 to vector<16xi32>
    %eq3A_84 = arith.cmpi eq, %iota3A, %eq3A_83 : vector<16xi32>
    %broadcast_in_dim3A_85 = vector.broadcast %scan3A_53#3 : i32 to vector<16xi32>
    %select_n3A_86 = arith.select %eq3A_84, %broadcast_in_dim3A_85, %select_n3A_81 : vector<16xi1>, vector<16xi32>
    %swap3A_87 = arith.constant 0 : index
    %swap3A_88 = tpu.vector_load %arg23[%swap3A_87] {strides = array<i32>} : memref<16xi32, #tpu.memory_space<vmem>>, vector<16xi32>,
    tpu.vector_store %arg23[%swap3A_87], %select_n3A_86 {strides = array<i32>} : memref<16xi32, #tpu.memory_space<vmem>>, vector<16xi32>,
    "tpu.region"() ({
      %run_scoped3A = tpu.sem_alloc : memref<!tpu.dma_semaphore, #tpu.memory_space<semaphore_mem>>
      %dma_start3A = arith.constant 0 : i32
      %dma_start3A_164 = tpu.memref_slice %arg32[%arg1, %dma_start3A] : memref<16x16xi32, #tpu.memory_space<vmem_shared>> -> memref<1x16xi32, #tpu.memory_space<vmem_shared>>
      %dma_start3A_165 = tpu.memref_squeeze %dma_start3A_164 : memref<1x16xi32, #tpu.memory_space<vmem_shared>> -> memref<16xi32, #tpu.memory_space<vmem_shared>>
      %dma_start3A_166 = arith.constant 0 : i32
      %dma_start3A_167 = tpu.memref_slice %arg32[%arg1, %dma_start3A_166] : memref<16x16xi32, #tpu.memory_space<vmem_shared>> -> memref<1x16xi32, #tpu.memory_space<vmem_shared>>
      %dma_start3A_168 = tpu.memref_squeeze %dma_start3A_167 : memref<1x16xi32, #tpu.memory_space<vmem_shared>> -> memref<16xi32, #tpu.memory_space<vmem_shared>>
      tpu.enqueue_dma source(%arg23 : memref<16xi32, #tpu.memory_space<vmem>>) target(%dma_start3A_168 : memref<16xi32, #tpu.memory_space<vmem_shared>>) target_semaphore(%run_scoped3A : memref<!tpu.dma_semaphore, #tpu.memory_space<semaphore_mem>>)
      %dma_wait3A = arith.constant 0 : i32
      %dma_wait3A_169 = tpu.memref_slice %arg32[%arg1, %dma_wait3A] : memref<16x16xi32, #tpu.memory_space<vmem_shared>> -> memref<1x16xi32, #tpu.memory_space<vmem_shared>>
      %dma_wait3A_170 = tpu.memref_squeeze %dma_wait3A_169 : memref<1x16xi32, #tpu.memory_space<vmem_shared>> -> memref<16xi32, #tpu.memory_space<vmem_shared>>
      %dma_wait3A_171 = arith.constant 0 : i32
      %dma_wait3A_172 = tpu.memref_slice %arg32[%arg1, %dma_wait3A_171] : memref<16x16xi32, #tpu.memory_space<vmem_shared>> -> memref<1x16xi32, #tpu.memory_space<vmem_shared>>
      %dma_wait3A_173 = tpu.memref_squeeze %dma_wait3A_172 : memref<1x16xi32, #tpu.memory_space<vmem_shared>> -> memref<16xi32, #tpu.memory_space<vmem_shared>>
      tpu.wait_dma2 semaphore(%run_scoped3A : memref<!tpu.dma_semaphore, #tpu.memory_space<semaphore_mem>>) src(%arg23 : memref<16xi32, #tpu.memory_space<vmem>>) dst(%dma_wait3A_173 : memref<16xi32, #tpu.memory_space<vmem_shared>>)
      tpu.yield
    }) : () -> ()
    %barrier3A_89 = arith.constant 0 : index
    tpu.barrier barrier_id(%barrier3A_89)
    "tpu.region"() ({
      %run_scoped3A = tpu.sem_alloc : memref<!tpu.dma_semaphore, #tpu.memory_space<semaphore_mem>>
      tpu.enqueue_dma source(%arg32 : memref<16x16xi32, #tpu.memory_space<vmem_shared>>) target(%arg30 : memref<16x16xi32, #tpu.memory_space<vmem>>) target_semaphore(%run_scoped3A : memref<!tpu.dma_semaphore, #tpu.memory_space<semaphore_mem>>)
      tpu.wait_dma2 semaphore(%run_scoped3A : memref<!tpu.dma_semaphore, #tpu.memory_space<semaphore_mem>>) src(%arg32 : memref<16x16xi32, #tpu.memory_space<vmem_shared>>) dst(%arg30 : memref<16x16xi32, #tpu.memory_space<vmem>>)
      tpu.yield
    }) : () -> ()
    %scan3A_90 = arith.constant 0 : i32
    %scan3A_91 = arith.constant 0 : i32
    %scan3A_92 = arith.constant 0 : i32
    %scan3A_93 = arith.constant 0 : i32
    %scan3A_94 = arith.constant 0 : i32
    %scan3A_95 = arith.constant 0 : i32
    %scan3A_96 = arith.constant 0 : i32
    %scan3A_97 = arith.constant 0 : i32
    %scan3A_98 = arith.constant 0 : i32
    %scan3A_99 = arith.constant 16 : i32
    %scan3A_100 = arith.addi %scan3A_98, %scan3A_99 : i32
    %scan3A_101 = arith.constant 1 : i32
    %scan3A_102:8 = scf.for %scan3A_164 = %scan3A_98 to %scan3A_100 step %scan3A_101 iter_args(%scan3A_165 = %scan3A_90, %scan3A_166 = %scan3A_91, %scan3A_167 = %scan3A_92, %scan3A_168 = %scan3A_93, %scan3A_169 = %scan3A_94, %scan3A_170 = %scan3A_95, %scan3A_171 = %scan3A_96, %scan3A_172 = %scan3A_97) -> (i32, i32, i32, i32, i32, i32, i32, i32)  : i32 {
      %get3A_173 = arith.index_cast %scan3A_164 : i32 to index
      %get3A_174 = arith.constant 0 : index
      %get3A_175 = tpu.vector_load %arg30[%get3A_173, %get3A_174] {strides = array<i32>} : memref<16x16xi32, #tpu.memory_space<vmem>>, vector<16xi32>,
      %iota3A_176 = tpu.iota {dimensions = array<i32: 0>} : vector<16xi32>
      %eq3A_177 = arith.constant 0 : i32
      %eq3A_178 = vector.broadcast %eq3A_177 : i32 to vector<16xi32>
      %eq3A_179 = arith.cmpi eq, %iota3A_176, %eq3A_178 : vector<16xi32>
      %jit3A_180 = arith.constant 0 : i32
      %broadcast_in_dim3A_181 = vector.broadcast %jit3A_180 : i32 to vector<16xi32>
      %select_n3A_182 = arith.select %eq3A_179, %get3A_175, %broadcast_in_dim3A_181 : vector<16xi1>, vector<16xi32>
      %convert_element_type3A = arith.sitofp %select_n3A_182 : vector<16xi32> to vector<16xf32>
      %reduce_sum3A = arith.constant true
      %reduce_sum3A_183 = vector.broadcast %reduce_sum3A : i1 to vector<16xi1>
      %reduce_sum3A_184 = tpu.scan <sum>, %convert_element_type3A masked %reduce_sum3A_183 : vector<16xf32>, vector<16xi1> -> vector<16xf32>
      %reduce_sum3A_185 = vector.extract %reduce_sum3A_184[15] : f32 from vector<16xf32>
      %convert_element_type3A_186 = arith.fptosi %reduce_sum3A_185 : f32 to i32
      %iota3A_187 = tpu.iota {dimensions = array<i32: 0>} : vector<16xi32>
      %eq3A_188 = arith.constant 1 : i32
      %eq3A_189 = vector.broadcast %eq3A_188 : i32 to vector<16xi32>
      %eq3A_190 = arith.cmpi eq, %iota3A_187, %eq3A_189 : vector<16xi32>
      %jit3A_191 = arith.constant 0 : i32
      %broadcast_in_dim3A_192 = vector.broadcast %jit3A_191 : i32 to vector<16xi32>
      %select_n3A_193 = arith.select %eq3A_190, %get3A_175, %broadcast_in_dim3A_192 : vector<16xi1>, vector<16xi32>
      %convert_element_type3A_194 = arith.sitofp %select_n3A_193 : vector<16xi32> to vector<16xf32>
      %reduce_sum3A_195 = arith.constant true
      %reduce_sum3A_196 = vector.broadcast %reduce_sum3A_195 : i1 to vector<16xi1>
      %reduce_sum3A_197 = tpu.scan <sum>, %convert_element_type3A_194 masked %reduce_sum3A_196 : vector<16xf32>, vector<16xi1> -> vector<16xf32>
      %reduce_sum3A_198 = vector.extract %reduce_sum3A_197[15] : f32 from vector<16xf32>
      %convert_element_type3A_199 = arith.fptosi %reduce_sum3A_198 : f32 to i32
      %iota3A_200 = tpu.iota {dimensions = array<i32: 0>} : vector<16xi32>
      %eq3A_201 = arith.constant 2 : i32
      %eq3A_202 = vector.broadcast %eq3A_201 : i32 to vector<16xi32>
      %eq3A_203 = arith.cmpi eq, %iota3A_200, %eq3A_202 : vector<16xi32>
      %jit3A_204 = arith.constant 0 : i32
      %broadcast_in_dim3A_205 = vector.broadcast %jit3A_204 : i32 to vector<16xi32>
      %select_n3A_206 = arith.select %eq3A_203, %get3A_175, %broadcast_in_dim3A_205 : vector<16xi1>, vector<16xi32>
      %convert_element_type3A_207 = arith.sitofp %select_n3A_206 : vector<16xi32> to vector<16xf32>
      %reduce_sum3A_208 = arith.constant true
      %reduce_sum3A_209 = vector.broadcast %reduce_sum3A_208 : i1 to vector<16xi1>
      %reduce_sum3A_210 = tpu.scan <sum>, %convert_element_type3A_207 masked %reduce_sum3A_209 : vector<16xf32>, vector<16xi1> -> vector<16xf32>
      %reduce_sum3A_211 = vector.extract %reduce_sum3A_210[15] : f32 from vector<16xf32>
      %convert_element_type3A_212 = arith.fptosi %reduce_sum3A_211 : f32 to i32
      %iota3A_213 = tpu.iota {dimensions = array<i32: 0>} : vector<16xi32>
      %eq3A_214 = arith.constant 3 : i32
      %eq3A_215 = vector.broadcast %eq3A_214 : i32 to vector<16xi32>
      %eq3A_216 = arith.cmpi eq, %iota3A_213, %eq3A_215 : vector<16xi32>
      %jit3A_217 = arith.constant 0 : i32
      %broadcast_in_dim3A_218 = vector.broadcast %jit3A_217 : i32 to vector<16xi32>
      %select_n3A_219 = arith.select %eq3A_216, %get3A_175, %broadcast_in_dim3A_218 : vector<16xi1>, vector<16xi32>
      %convert_element_type3A_220 = arith.sitofp %select_n3A_219 : vector<16xi32> to vector<16xf32>
      %reduce_sum3A_221 = arith.constant true
      %reduce_sum3A_222 = vector.broadcast %reduce_sum3A_221 : i1 to vector<16xi1>
      %reduce_sum3A_223 = tpu.scan <sum>, %convert_element_type3A_220 masked %reduce_sum3A_222 : vector<16xf32>, vector<16xi1> -> vector<16xf32>
      %reduce_sum3A_224 = vector.extract %reduce_sum3A_223[15] : f32 from vector<16xf32>
      %convert_element_type3A_225 = arith.fptosi %reduce_sum3A_224 : f32 to i32
      %iota3A_226 = tpu.iota {dimensions = array<i32: 0>} : vector<16xi32>
      %eq3A_227 = arith.constant 4 : i32
      %eq3A_228 = vector.broadcast %eq3A_227 : i32 to vector<16xi32>
      %eq3A_229 = arith.cmpi eq, %iota3A_226, %eq3A_228 : vector<16xi32>
      %jit3A_230 = arith.constant 0 : i32
      %broadcast_in_dim3A_231 = vector.broadcast %jit3A_230 : i32 to vector<16xi32>
      %select_n3A_232 = arith.select %eq3A_229, %get3A_175, %broadcast_in_dim3A_231 : vector<16xi1>, vector<16xi32>
      %convert_element_type3A_233 = arith.sitofp %select_n3A_232 : vector<16xi32> to vector<16xf32>
      %reduce_sum3A_234 = arith.constant true
      %reduce_sum3A_235 = vector.broadcast %reduce_sum3A_234 : i1 to vector<16xi1>
      %reduce_sum3A_236 = tpu.scan <sum>, %convert_element_type3A_233 masked %reduce_sum3A_235 : vector<16xf32>, vector<16xi1> -> vector<16xf32>
      %reduce_sum3A_237 = vector.extract %reduce_sum3A_236[15] : f32 from vector<16xf32>
      %convert_element_type3A_238 = arith.fptosi %reduce_sum3A_237 : f32 to i32
      %lt3A = arith.cmpi slt, %scan3A_164, %arg1 : i32
      %jit3A_239 = arith.constant 1 : i32
      %jit3A_240 = arith.constant 0 : i32
      %select_n3A_241 = arith.select %lt3A, %jit3A_239, %jit3A_240 : i32
      %add3A_242 = arith.addi %scan3A_165, %convert_element_type3A_186 : i32
      %mul3A_243 = arith.muli %select_n3A_241, %convert_element_type3A_186 : i32
      %add3A_244 = arith.addi %scan3A_166, %mul3A_243 : i32
      %add3A_245 = arith.addi %scan3A_167, %convert_element_type3A_199 : i32
      %mul3A_246 = arith.muli %select_n3A_241, %convert_element_type3A_199 : i32
      %add3A_247 = arith.addi %scan3A_168, %mul3A_246 : i32
      %add3A_248 = arith.addi %scan3A_169, %convert_element_type3A_212 : i32
      %mul3A_249 = arith.muli %select_n3A_241, %convert_element_type3A_212 : i32
      %add3A_250 = arith.addi %scan3A_170, %mul3A_249 : i32
      %mul3A_251 = arith.muli %convert_element_type3A_199, %scan3A_165 : i32
      %add3A_252 = arith.addi %scan3A_171, %mul3A_251 : i32
      %add3A_253 = arith.addi %add3A_252, %convert_element_type3A_225 : i32
      %mul3A_254 = arith.muli %convert_element_type3A_212, %scan3A_165 : i32
      %add3A_255 = arith.addi %scan3A_172, %mul3A_254 : i32
      %add3A_256 = arith.addi %add3A_255, %convert_element_type3A_238 : i32
      scf.yield %add3A_242, %add3A_244, %add3A_245, %add3A_247, %add3A_248, %add3A_250, %add3A_253, %add3A_256 : i32, i32, i32, i32, i32, i32, i32, i32
    }
    %scan3A_103 = arith.constant 16 : i32
    %shift_right_arithmetic3A = arith.constant 3 : i32
    %shift_right_arithmetic3A_104 = arith.shrsi %scan3A_102#1, %shift_right_arithmetic3A : i32
    %shift_left3A = arith.constant 3 : i32
    %shift_left3A_105 = arith.shli %shift_right_arithmetic3A_104, %shift_left3A : i32
    %multiple_of3A = tpu.assume_multiple %shift_left3A_105, 8 : i32
    %sub3A = arith.subi %scan3A_102#1, %multiple_of3A : i32
    "tpu.region"() ({
      %run_scoped3A = tpu.sem_alloc : memref<!tpu.dma_semaphore, #tpu.memory_space<semaphore_mem>>
      %dma_start3A = tpu.memref_slice %arg7[%multiple_of3A] : memref<24576xf32, #tpu.memory_space<hbm>> -> memref<1288xf32, #tpu.memory_space<hbm>>
      %dma_start3A_164 = tpu.memref_slice %arg7[%multiple_of3A] : memref<24576xf32, #tpu.memory_space<hbm>> -> memref<1288xf32, #tpu.memory_space<hbm>>
      tpu.enqueue_dma source(%dma_start3A_164 : memref<1288xf32, #tpu.memory_space<hbm>>) target(%arg26 : memref<1288xf32, #tpu.memory_space<vmem>>) target_semaphore(%run_scoped3A : memref<!tpu.dma_semaphore, #tpu.memory_space<semaphore_mem>>)
      %dma_wait3A = tpu.memref_slice %arg7[%multiple_of3A] : memref<24576xf32, #tpu.memory_space<hbm>> -> memref<1288xf32, #tpu.memory_space<hbm>>
      %dma_wait3A_165 = tpu.memref_slice %arg7[%multiple_of3A] : memref<24576xf32, #tpu.memory_space<hbm>> -> memref<1288xf32, #tpu.memory_space<hbm>>
      tpu.wait_dma2 semaphore(%run_scoped3A : memref<!tpu.dma_semaphore, #tpu.memory_space<semaphore_mem>>) src(%dma_wait3A_165 : memref<1288xf32, #tpu.memory_space<hbm>>) dst(%arg26 : memref<1288xf32, #tpu.memory_space<vmem>>)
      tpu.yield
    }) : () -> ()
    %gt3A = arith.constant 128 : i32
    %gt3A_106 = arith.cmpi sgt, %scan3A_102#2, %gt3A : i32
    %gt3A_107 = arith.constant 0 : i32
    %gt3A_108 = arith.cmpi sgt, %scan3A_102#6, %gt3A_107 : i32
    %and3A = arith.andi %gt3A_106, %gt3A_108 : i1
    %jit3A_109 = arith.constant 128 : i32
    %select_n3A_110 = arith.select %and3A, %jit3A_109, %scan3A_102#2 : i32
    %sub3A_111 = arith.constant 256 : i32
    %sub3A_112 = arith.subi %sub3A_111, %select_n3A_110 : i32
    %gt3A_113 = arith.cmpi sgt, %scan3A_102#4, %sub3A_112 : i32
    %gt3A_114 = arith.constant 0 : i32
    %gt3A_115 = arith.cmpi sgt, %scan3A_102#7, %gt3A_114 : i32
    %and3A_116 = arith.andi %gt3A_113, %gt3A_115 : i1
    %jit3A_117 = arith.constant 1 : i32
    %jit3A_118 = arith.constant 0 : i32
    %select_n3A_119 = arith.select %and3A, %jit3A_117, %jit3A_118 : i32
    %jit3A_120 = arith.constant 1 : i32
    %jit3A_121 = arith.constant 0 : i32
    %select_n3A_122 = arith.select %and3A_116, %jit3A_120, %jit3A_121 : i32
    %shift_right_arithmetic3A_123 = arith.constant 3 : i32
    %shift_right_arithmetic3A_124 = arith.shrsi %scan3A_102#3, %shift_right_arithmetic3A_123 : i32
    %shift_left3A_125 = arith.constant 3 : i32
    %shift_left3A_126 = arith.shli %shift_right_arithmetic3A_124, %shift_left3A_125 : i32
    %multiple_of3A_127 = tpu.assume_multiple %shift_left3A_126, 8 : i32
    %sub3A_128 = arith.subi %scan3A_102#3, %multiple_of3A_127 : i32
    %shift_right_arithmetic3A_129 = arith.constant 3 : i32
    %shift_right_arithmetic3A_130 = arith.shrsi %scan3A_102#5, %shift_right_arithmetic3A_129 : i32
    %shift_left3A_131 = arith.constant 3 : i32
    %shift_left3A_132 = arith.shli %shift_right_arithmetic3A_130, %shift_left3A_131 : i32
    %multiple_of3A_133 = tpu.assume_multiple %shift_left3A_132, 8 : i32
    %sub3A_134 = arith.subi %scan3A_102#5, %multiple_of3A_133 : i32
    "tpu.region"() ({
      %run_scoped3A = tpu.sem_alloc : memref<!tpu.dma_semaphore, #tpu.memory_space<semaphore_mem>>
      %dma_start3A = arith.constant 0 : i32
      %dma_start3A_164 = tpu.memref_slice %arg25[%dma_start3A] : memref<2576xf32, #tpu.memory_space<vmem>> -> memref<1288xf32, #tpu.memory_space<vmem>>
      %dma_start3A_165 = tpu.memref_slice %arg5[%multiple_of3A_127] : memref<24576xf32, #tpu.memory_space<hbm>> -> memref<1288xf32, #tpu.memory_space<hbm>>
      %dma_start3A_166 = arith.constant 0 : i32
      %dma_start3A_167 = tpu.memref_slice %arg25[%dma_start3A_166] : memref<2576xf32, #tpu.memory_space<vmem>> -> memref<1288xf32, #tpu.memory_space<vmem>>
      %dma_start3A_168 = tpu.memref_slice %arg5[%multiple_of3A_127] : memref<24576xf32, #tpu.memory_space<hbm>> -> memref<1288xf32, #tpu.memory_space<hbm>>
      tpu.enqueue_dma source(%dma_start3A_168 : memref<1288xf32, #tpu.memory_space<hbm>>) target(%dma_start3A_167 : memref<1288xf32, #tpu.memory_space<vmem>>) target_semaphore(%run_scoped3A : memref<!tpu.dma_semaphore, #tpu.memory_space<semaphore_mem>>)
      %dma_wait3A = arith.constant 0 : i32
      %dma_wait3A_169 = tpu.memref_slice %arg25[%dma_wait3A] : memref<2576xf32, #tpu.memory_space<vmem>> -> memref<1288xf32, #tpu.memory_space<vmem>>
      %dma_wait3A_170 = tpu.memref_slice %arg5[%multiple_of3A_127] : memref<24576xf32, #tpu.memory_space<hbm>> -> memref<1288xf32, #tpu.memory_space<hbm>>
      %dma_wait3A_171 = arith.constant 0 : i32
      %dma_wait3A_172 = tpu.memref_slice %arg25[%dma_wait3A_171] : memref<2576xf32, #tpu.memory_space<vmem>> -> memref<1288xf32, #tpu.memory_space<vmem>>
      %dma_wait3A_173 = tpu.memref_slice %arg5[%multiple_of3A_127] : memref<24576xf32, #tpu.memory_space<hbm>> -> memref<1288xf32, #tpu.memory_space<hbm>>
      tpu.wait_dma2 semaphore(%run_scoped3A : memref<!tpu.dma_semaphore, #tpu.memory_space<semaphore_mem>>) src(%dma_wait3A_173 : memref<1288xf32, #tpu.memory_space<hbm>>) dst(%dma_wait3A_172 : memref<1288xf32, #tpu.memory_space<vmem>>)
      tpu.yield
    }) : () -> ()
    "tpu.region"() ({
      %run_scoped3A = tpu.sem_alloc : memref<!tpu.dma_semaphore, #tpu.memory_space<semaphore_mem>>
      %dma_start3A = arith.constant 1288 : i32
      %dma_start3A_164 = tpu.memref_slice %arg25[%dma_start3A] : memref<2576xf32, #tpu.memory_space<vmem>> -> memref<1288xf32, #tpu.memory_space<vmem>>
      %dma_start3A_165 = tpu.memref_slice %arg6[%multiple_of3A_133] : memref<24576xf32, #tpu.memory_space<hbm>> -> memref<1288xf32, #tpu.memory_space<hbm>>
      %dma_start3A_166 = arith.constant 1288 : i32
      %dma_start3A_167 = tpu.memref_slice %arg25[%dma_start3A_166] : memref<2576xf32, #tpu.memory_space<vmem>> -> memref<1288xf32, #tpu.memory_space<vmem>>
      %dma_start3A_168 = tpu.memref_slice %arg6[%multiple_of3A_133] : memref<24576xf32, #tpu.memory_space<hbm>> -> memref<1288xf32, #tpu.memory_space<hbm>>
      tpu.enqueue_dma source(%dma_start3A_168 : memref<1288xf32, #tpu.memory_space<hbm>>) target(%dma_start3A_167 : memref<1288xf32, #tpu.memory_space<vmem>>) target_semaphore(%run_scoped3A : memref<!tpu.dma_semaphore, #tpu.memory_space<semaphore_mem>>)
      %dma_wait3A = arith.constant 1288 : i32
      %dma_wait3A_169 = tpu.memref_slice %arg25[%dma_wait3A] : memref<2576xf32, #tpu.memory_space<vmem>> -> memref<1288xf32, #tpu.memory_space<vmem>>
      %dma_wait3A_170 = tpu.memref_slice %arg6[%multiple_of3A_133] : memref<24576xf32, #tpu.memory_space<hbm>> -> memref<1288xf32, #tpu.memory_space<hbm>>
      %dma_wait3A_171 = arith.constant 1288 : i32
      %dma_wait3A_172 = tpu.memref_slice %arg25[%dma_wait3A_171] : memref<2576xf32, #tpu.memory_space<vmem>> -> memref<1288xf32, #tpu.memory_space<vmem>>
      %dma_wait3A_173 = tpu.memref_slice %arg6[%multiple_of3A_133] : memref<24576xf32, #tpu.memory_space<hbm>> -> memref<1288xf32, #tpu.memory_space<hbm>>
      tpu.wait_dma2 semaphore(%run_scoped3A : memref<!tpu.dma_semaphore, #tpu.memory_space<semaphore_mem>>) src(%dma_wait3A_173 : memref<1288xf32, #tpu.memory_space<hbm>>) dst(%dma_wait3A_172 : memref<1288xf32, #tpu.memory_space<vmem>>)
      tpu.yield
    }) : () -> ()
    %scan3A_135 = arith.constant 0 : i32
    %scan3A_136 = arith.constant 0 : i32
    %scan3A_137 = arith.constant 0 : i32
    %scan3A_138 = arith.constant 80 : i32
    %scan3A_139 = arith.addi %scan3A_137, %scan3A_138 : i32
    %scan3A_140 = arith.constant 1 : i32
    %scan3A_141:2 = scf.for %scan3A_164 = %scan3A_137 to %scan3A_139 step %scan3A_140 iter_args(%scan3A_165 = %scan3A_135, %scan3A_166 = %scan3A_136) -> (i32, i32)  : i32 {
      %mul3A_167 = arith.constant 16 : i32
      %mul3A_168 = arith.muli %scan3A_164, %mul3A_167 : i32
      %get3A_169 = arith.index_cast %mul3A_168 : i32 to index
      %get3A_170 = tpu.vector_load %arg16[%get3A_169] {strides = array<i32>} : memref<1280xi32, #tpu.memory_space<vmem>>, vector<16xi32>,
      %mul3A_171 = arith.constant 16 : i32
      %mul3A_172 = arith.muli %scan3A_164, %mul3A_171 : i32
      %get3A_173 = arith.index_cast %mul3A_172 : i32 to index
      %get3A_174 = tpu.vector_load %arg12[%get3A_173] {strides = array<i32>} : memref<1280xi32, #tpu.memory_space<vmem>>, vector<16xi32>,
      %add3A_175 = vector.broadcast %sub3A : i32 to vector<16xi32>
      %add3A_176 = arith.addi %get3A_174, %add3A_175 : vector<16xi32>
      %gather3A = tpu.vector_load_idx %arg26[%add3A_176] : memref<1288xf32, #tpu.memory_space<vmem>>[vector<16xi32>], vector<16xf32>,
      %eq3A_177 = arith.constant 1 : i32
      %eq3A_178 = vector.broadcast %eq3A_177 : i32 to vector<16xi32>
      %eq3A_179 = arith.cmpi eq, %get3A_170, %eq3A_178 : vector<16xi32>
      %jit3A_180 = arith.constant 1.000000e+00 : f32
      %jit3A_181 = arith.constant 0.000000e+00 : f32
      %broadcast_in_dim3A_182 = vector.broadcast %jit3A_180 : f32 to vector<16xf32>
      %broadcast_in_dim3A_183 = vector.broadcast %jit3A_181 : f32 to vector<16xf32>
      %select_n3A_184 = arith.select %eq3A_179, %broadcast_in_dim3A_182, %broadcast_in_dim3A_183 : vector<16xi1>, vector<16xf32>
      %broadcast_in_dim3A_185 = arith.constant true
      %broadcast_in_dim3A_186 = vector.broadcast %broadcast_in_dim3A_185 : i1 to vector<16xi1>
      %masked_cumsum3A = tpu.scan <sum>, %select_n3A_184 masked %broadcast_in_dim3A_186 : vector<16xf32>, vector<16xi1> -> vector<16xf32>
      %sub3A_187 = arith.subf %masked_cumsum3A, %select_n3A_184 : vector<16xf32>
      %convert_element_type3A = arith.fptosi %sub3A_187 : vector<16xf32> to vector<16xi32>
      %add3A_188 = vector.broadcast %scan3A_165 : i32 to vector<16xi32>
      %add3A_189 = arith.addi %add3A_188, %convert_element_type3A : vector<16xi32>
      %add3A_190 = vector.broadcast %sub3A_128 : i32 to vector<16xi32>
      %add3A_191 = arith.addi %add3A_189, %add3A_190 : vector<16xi32>
      %gather3A_192 = tpu.vector_load_idx %arg25[%add3A_191] : memref<2576xf32, #tpu.memory_space<vmem>>[vector<16xi32>], vector<16xf32>,
      %add3A_193 = arith.addf %gather3A_192, %gather3A : vector<16xf32>
      %bitcast_convert_type3A = tpu.bitcast %add3A_193 : vector<16xf32> -> vector<16xi32>
      %shift_right_arithmetic3A_194 = arith.constant 31 : i32
      %shift_right_arithmetic3A_195 = vector.broadcast %shift_right_arithmetic3A_194 : i32 to vector<16xi32>
      %shift_right_arithmetic3A_196 = arith.shrsi %bitcast_convert_type3A, %shift_right_arithmetic3A_195 : vector<16xi32>
      %and3A_197 = arith.constant 2147483647 : i32
      %and3A_198 = vector.broadcast %and3A_197 : i32 to vector<16xi32>
      %and3A_199 = arith.andi %shift_right_arithmetic3A_196, %and3A_198 : vector<16xi32>
      %xor3A_200 = arith.xori %bitcast_convert_type3A, %and3A_199 : vector<16xi32>
      %ne3A = arith.constant 0 : i32
      %ne3A_201 = arith.cmpi ne, %select_n3A_119, %ne3A : i32
      %and3A_202 = vector.broadcast %ne3A_201 : i1 to vector<16xi1>
      %and3A_203 = arith.andi %eq3A_179, %and3A_202 : vector<16xi1>
      %jit3A_204 = arith.constant 2147483647 : i32
      %broadcast_in_dim3A_205 = vector.broadcast %jit3A_204 : i32 to vector<16xi32>
      %select_n3A_206 = arith.select %and3A_203, %xor3A_200, %broadcast_in_dim3A_205 : vector<16xi1>, vector<16xi32>
      %mul3A_207 = arith.constant 16 : i32
      %mul3A_208 = arith.muli %scan3A_164, %mul3A_207 : i32
      %swap3A_209 = arith.index_cast %mul3A_208 : i32 to index
      %swap3A_210 = tpu.vector_load %arg17[%swap3A_209] {strides = array<i32>} : memref<2560xi32, #tpu.memory_space<vmem>>, vector<16xi32>,
      tpu.vector_store %arg17[%swap3A_209], %select_n3A_206 {strides = array<i32>} : memref<2560xi32, #tpu.memory_space<vmem>>, vector<16xi32>,
      %jit3A_211 = arith.constant 1 : i32
      %jit3A_212 = arith.constant 0 : i32
      %broadcast_in_dim3A_213 = vector.broadcast %jit3A_211 : i32 to vector<16xi32>
      %broadcast_in_dim3A_214 = vector.broadcast %jit3A_212 : i32 to vector<16xi32>
      %select_n3A_215 = arith.select %and3A_203, %broadcast_in_dim3A_213, %broadcast_in_dim3A_214 : vector<16xi1>, vector<16xi32>
      %mul3A_216 = arith.constant 16 : i32
      %mul3A_217 = arith.muli %scan3A_164, %mul3A_216 : i32
      %swap3A_218 = arith.index_cast %mul3A_217 : i32 to index
      %swap3A_219 = tpu.vector_load %arg18[%swap3A_218] {strides = array<i32>} : memref<2560xi32, #tpu.memory_space<vmem>>, vector<16xi32>,
      tpu.vector_store %arg18[%swap3A_218], %select_n3A_215 {strides = array<i32>} : memref<2560xi32, #tpu.memory_space<vmem>>, vector<16xi32>,
      %eq3A_220 = arith.constant 0 : i32
      %eq3A_221 = vector.broadcast %eq3A_220 : i32 to vector<16xi32>
      %eq3A_222 = arith.cmpi eq, %get3A_170, %eq3A_221 : vector<16xi32>
      %jit3A_223 = arith.constant 1.000000e+00 : f32
      %jit3A_224 = arith.constant 0.000000e+00 : f32
      %broadcast_in_dim3A_225 = vector.broadcast %jit3A_223 : f32 to vector<16xf32>
      %broadcast_in_dim3A_226 = vector.broadcast %jit3A_224 : f32 to vector<16xf32>
      %select_n3A_227 = arith.select %eq3A_222, %broadcast_in_dim3A_225, %broadcast_in_dim3A_226 : vector<16xi1>, vector<16xf32>
      %broadcast_in_dim3A_228 = arith.constant true
      %broadcast_in_dim3A_229 = vector.broadcast %broadcast_in_dim3A_228 : i1 to vector<16xi1>
      %masked_cumsum3A_230 = tpu.scan <sum>, %select_n3A_227 masked %broadcast_in_dim3A_229 : vector<16xf32>, vector<16xi1> -> vector<16xf32>
      %sub3A_231 = arith.subf %masked_cumsum3A_230, %select_n3A_227 : vector<16xf32>
      %convert_element_type3A_232 = arith.fptosi %sub3A_231 : vector<16xf32> to vector<16xi32>
      %add3A_233 = vector.broadcast %scan3A_166 : i32 to vector<16xi32>
      %add3A_234 = arith.addi %add3A_233, %convert_element_type3A_232 : vector<16xi32>
      %add3A_235 = arith.constant 1288 : i32
      %add3A_236 = arith.addi %add3A_235, %sub3A_134 : i32
      %add3A_237 = vector.broadcast %add3A_236 : i32 to vector<16xi32>
      %add3A_238 = arith.addi %add3A_234, %add3A_237 : vector<16xi32>
      %gather3A_239 = tpu.vector_load_idx %arg25[%add3A_238] : memref<2576xf32, #tpu.memory_space<vmem>>[vector<16xi32>], vector<16xf32>,
      %add3A_240 = arith.addf %gather3A_239, %gather3A : vector<16xf32>
      %bitcast_convert_type3A_241 = tpu.bitcast %add3A_240 : vector<16xf32> -> vector<16xi32>
      %shift_right_arithmetic3A_242 = arith.constant 31 : i32
      %shift_right_arithmetic3A_243 = vector.broadcast %shift_right_arithmetic3A_242 : i32 to vector<16xi32>
      %shift_right_arithmetic3A_244 = arith.shrsi %bitcast_convert_type3A_241, %shift_right_arithmetic3A_243 : vector<16xi32>
      %and3A_245 = arith.constant 2147483647 : i32
      %and3A_246 = vector.broadcast %and3A_245 : i32 to vector<16xi32>
      %and3A_247 = arith.andi %shift_right_arithmetic3A_244, %and3A_246 : vector<16xi32>
      %xor3A_248 = arith.xori %bitcast_convert_type3A_241, %and3A_247 : vector<16xi32>
      %ne3A_249 = arith.constant 0 : i32
      %ne3A_250 = arith.cmpi ne, %select_n3A_122, %ne3A_249 : i32
      %and3A_251 = vector.broadcast %ne3A_250 : i1 to vector<16xi1>
      %and3A_252 = arith.andi %eq3A_222, %and3A_251 : vector<16xi1>
      %jit3A_253 = arith.constant 2147483647 : i32
      %broadcast_in_dim3A_254 = vector.broadcast %jit3A_253 : i32 to vector<16xi32>
      %select_n3A_255 = arith.select %and3A_252, %xor3A_248, %broadcast_in_dim3A_254 : vector<16xi1>, vector<16xi32>
      %mul3A_256 = arith.constant 16 : i32
      %mul3A_257 = arith.muli %scan3A_164, %mul3A_256 : i32
      %add3A_258 = arith.constant 1280 : i32
      %add3A_259 = arith.addi %add3A_258, %mul3A_257 : i32
      %swap3A_260 = arith.index_cast %add3A_259 : i32 to index
      %swap3A_261 = tpu.vector_load %arg17[%swap3A_260] {strides = array<i32>} : memref<2560xi32, #tpu.memory_space<vmem>>, vector<16xi32>,
      tpu.vector_store %arg17[%swap3A_260], %select_n3A_255 {strides = array<i32>} : memref<2560xi32, #tpu.memory_space<vmem>>, vector<16xi32>,
      %jit3A_262 = arith.constant 1 : i32
      %jit3A_263 = arith.constant 0 : i32
      %broadcast_in_dim3A_264 = vector.broadcast %jit3A_262 : i32 to vector<16xi32>
      %broadcast_in_dim3A_265 = vector.broadcast %jit3A_263 : i32 to vector<16xi32>
      %select_n3A_266 = arith.select %and3A_252, %broadcast_in_dim3A_264, %broadcast_in_dim3A_265 : vector<16xi1>, vector<16xi32>
      %mul3A_267 = arith.constant 16 : i32
      %mul3A_268 = arith.muli %scan3A_164, %mul3A_267 : i32
      %add3A_269 = arith.constant 1280 : i32
      %add3A_270 = arith.addi %add3A_269, %mul3A_268 : i32
      %swap3A_271 = arith.index_cast %add3A_270 : i32 to index
      %swap3A_272 = tpu.vector_load %arg18[%swap3A_271] {strides = array<i32>} : memref<2560xi32, #tpu.memory_space<vmem>>, vector<16xi32>,
      tpu.vector_store %arg18[%swap3A_271], %select_n3A_266 {strides = array<i32>} : memref<2560xi32, #tpu.memory_space<vmem>>, vector<16xi32>,
      %jit3A_273 = arith.constant 1 : i32
      %jit3A_274 = arith.constant 0 : i32
      %broadcast_in_dim3A_275 = vector.broadcast %jit3A_273 : i32 to vector<16xi32>
      %broadcast_in_dim3A_276 = vector.broadcast %jit3A_274 : i32 to vector<16xi32>
      %select_n3A_277 = arith.select %eq3A_179, %broadcast_in_dim3A_275, %broadcast_in_dim3A_276 : vector<16xi1>, vector<16xi32>
      %convert_element_type3A_278 = arith.sitofp %select_n3A_277 : vector<16xi32> to vector<16xf32>
      %reduce_sum3A = arith.constant true
      %reduce_sum3A_279 = vector.broadcast %reduce_sum3A : i1 to vector<16xi1>
      %reduce_sum3A_280 = tpu.scan <sum>, %convert_element_type3A_278 masked %reduce_sum3A_279 : vector<16xf32>, vector<16xi1> -> vector<16xf32>
      %reduce_sum3A_281 = vector.extract %reduce_sum3A_280[15] : f32 from vector<16xf32>
      %convert_element_type3A_282 = arith.fptosi %reduce_sum3A_281 : f32 to i32
      %add3A_283 = arith.addi %scan3A_165, %convert_element_type3A_282 : i32
      %jit3A_284 = arith.constant 1 : i32
      %jit3A_285 = arith.constant 0 : i32
      %broadcast_in_dim3A_286 = vector.broadcast %jit3A_284 : i32 to vector<16xi32>
      %broadcast_in_dim3A_287 = vector.broadcast %jit3A_285 : i32 to vector<16xi32>
      %select_n3A_288 = arith.select %eq3A_222, %broadcast_in_dim3A_286, %broadcast_in_dim3A_287 : vector<16xi1>, vector<16xi32>
      %convert_element_type3A_289 = arith.sitofp %select_n3A_288 : vector<16xi32> to vector<16xf32>
      %reduce_sum3A_290 = arith.constant true
      %reduce_sum3A_291 = vector.broadcast %reduce_sum3A_290 : i1 to vector<16xi1>
      %reduce_sum3A_292 = tpu.scan <sum>, %convert_element_type3A_289 masked %reduce_sum3A_291 : vector<16xf32>, vector<16xi1> -> vector<16xf32>
      %reduce_sum3A_293 = vector.extract %reduce_sum3A_292[15] : f32 from vector<16xf32>
      %convert_element_type3A_294 = arith.fptosi %reduce_sum3A_293 : f32 to i32
      %add3A_295 = arith.addi %scan3A_166, %convert_element_type3A_294 : i32
      scf.yield %add3A_283, %add3A_295 : i32, i32
    }
    %scan3A_142 = arith.constant 80 : i32
    %scan3A_143 = arith.constant 128 : i32
    %scan3A_144 = arith.constant 0 : i32
    %scan3A_145 = arith.constant 0 : i32
    %scan3A_146 = arith.constant 0 : i32
    %scan3A_147 = arith.constant 0 : i32
    %scan3A_148 = arith.constant 0 : i32
    %scan3A_149 = arith.constant 4 : i32
    %scan3A_150 = arith.addi %scan3A_148, %scan3A_149 : i32
    %scan3A_151 = arith.constant 1 : i32
    %scan3A_152:4 = scf.for %scan3A_164 = %scan3A_148 to %scan3A_150 step %scan3A_151 iter_args(%scan3A_165 = %scan3A_144, %scan3A_166 = %scan3A_145, %scan3A_167 = %scan3A_146, %scan3A_168 = %scan3A_147) -> (i32, i32, i32, i32)  : i32 {
      %mul3A_169 = arith.constant 8 : i32
      %mul3A_170 = arith.muli %mul3A_169, %scan3A_164 : i32
      %sub3A_171 = arith.constant 24 : i32
      %sub3A_172 = arith.subi %sub3A_171, %mul3A_170 : i32
      %scan3A_173 = arith.constant 0 : i32
      %scan3A_174 = arith.constant 0 : i32
      %scan3A_175 = arith.constant 32 : i32
      %scan3A_176 = arith.addi %scan3A_174, %scan3A_175 : i32
      %scan3A_177 = arith.constant 1 : i32
      %scan3A_178 = scf.for %scan3A_226 = %scan3A_174 to %scan3A_176 step %scan3A_177 iter_args(%scan3A_227 = %scan3A_173) -> (i32)  : i32 {
        %mul3A_228 = arith.constant 16 : i32
        %mul3A_229 = arith.muli %scan3A_226, %mul3A_228 : i32
        %swap3A_230 = arith.index_cast %mul3A_229 : i32 to index
        %swap3A_231 = tpu.vector_load %arg24[%swap3A_230] {strides = array<i32>} : memref<512xi32, #tpu.memory_space<vmem>>, vector<16xi32>,
        tpu.vector_store %arg24[%swap3A_230], %broadcast_in_dim3A_3 {strides = array<i32>} : memref<512xi32, #tpu.memory_space<vmem>>, vector<16xi32>,
        %scan3A_232 = arith.constant 0 : i32
        scf.yield %scan3A_232 : i32
      }
      %scan3A_179 = arith.constant 32 : i32
      %scan3A_180 = arith.constant 0 : i32
      %scan3A_181 = arith.constant 0 : i32
      %scan3A_182 = arith.constant 80 : i32
      %scan3A_183 = arith.addi %scan3A_181, %scan3A_182 : i32
      %scan3A_184 = arith.constant 1 : i32
      %scan3A_185 = scf.for %scan3A_226 = %scan3A_181 to %scan3A_183 step %scan3A_184 iter_args(%scan3A_227 = %scan3A_180) -> (i32)  : i32 {
        %mul3A_228 = arith.constant 16 : i32
        %mul3A_229 = arith.muli %scan3A_226, %mul3A_228 : i32
        %get3A_230 = arith.index_cast %mul3A_229 : i32 to index
        %get3A_231 = tpu.vector_load %arg17[%get3A_230] {strides = array<i32>} : memref<2560xi32, #tpu.memory_space<vmem>>, vector<16xi32>,
        %xor3A_232 = arith.constant -2147483648 : i32
        %xor3A_233 = vector.broadcast %xor3A_232 : i32 to vector<16xi32>
        %xor3A_234 = arith.xori %get3A_231, %xor3A_233 : vector<16xi32>
        %shift_right_logical3A = vector.broadcast %sub3A_172 : i32 to vector<16xi32>
        %shift_right_logical3A_235 = arith.shrui %xor3A_234, %shift_right_logical3A : vector<16xi32>
        %and3A_236 = arith.constant 255 : i32
        %and3A_237 = vector.broadcast %and3A_236 : i32 to vector<16xi32>
        %and3A_238 = arith.andi %shift_right_logical3A_235, %and3A_237 : vector<16xi32>
        %add3A_239 = arith.constant 7 : i32
        %add3A_240 = arith.addi %sub3A_172, %add3A_239 : i32
        %shift_right_logical3A_241 = vector.broadcast %add3A_240 : i32 to vector<16xi32>
        %shift_right_logical3A_242 = arith.shrui %xor3A_234, %shift_right_logical3A_241 : vector<16xi32>
        %shift_right_logical3A_243 = arith.constant 1 : i32
        %shift_right_logical3A_244 = vector.broadcast %shift_right_logical3A_243 : i32 to vector<16xi32>
        %shift_right_logical3A_245 = arith.shrui %shift_right_logical3A_242, %shift_right_logical3A_244 : vector<16xi32>
        %mul3A_246 = arith.constant 16 : i32
        %mul3A_247 = arith.muli %scan3A_226, %mul3A_246 : i32
        %get3A_248 = arith.index_cast %mul3A_247 : i32 to index
        %get3A_249 = tpu.vector_load %arg18[%get3A_248] {strides = array<i32>} : memref<2560xi32, #tpu.memory_space<vmem>>, vector<16xi32>,
        %ne3A = arith.constant 0 : i32
        %ne3A_250 = vector.broadcast %ne3A : i32 to vector<16xi32>
        %ne3A_251 = arith.cmpi ne, %get3A_249, %ne3A_250 : vector<16xi32>
        %eq3A_252 = vector.broadcast %scan3A_165 : i32 to vector<16xi32>
        %eq3A_253 = arith.cmpi eq, %shift_right_logical3A_245, %eq3A_252 : vector<16xi32>
        %and3A_254 = arith.andi %ne3A_251, %eq3A_253 : vector<16xi1>
        tpu.vector_store_idx %arg24[%and3A_238], %broadcast_in_dim3A_1 masked %and3A_254 {add = true} : memref<512xi32, #tpu.memory_space<vmem>>[vector<16xi32>], vector<16xi32>, vector<16xi1>
        %mul3A_255 = arith.constant 16 : i32
        %mul3A_256 = arith.muli %scan3A_226, %mul3A_255 : i32
        %add3A_257 = arith.constant 1280 : i32
        %add3A_258 = arith.addi %add3A_257, %mul3A_256 : i32
        %get3A_259 = arith.index_cast %add3A_258 : i32 to index
        %get3A_260 = tpu.vector_load %arg17[%get3A_259] {strides = array<i32>} : memref<2560xi32, #tpu.memory_space<vmem>>, vector<16xi32>,
        %xor3A_261 = arith.constant -2147483648 : i32
        %xor3A_262 = vector.broadcast %xor3A_261 : i32 to vector<16xi32>
        %xor3A_263 = arith.xori %get3A_260, %xor3A_262 : vector<16xi32>
        %shift_right_logical3A_264 = vector.broadcast %sub3A_172 : i32 to vector<16xi32>
        %shift_right_logical3A_265 = arith.shrui %xor3A_263, %shift_right_logical3A_264 : vector<16xi32>
        %and3A_266 = arith.constant 255 : i32
        %and3A_267 = vector.broadcast %and3A_266 : i32 to vector<16xi32>
        %and3A_268 = arith.andi %shift_right_logical3A_265, %and3A_267 : vector<16xi32>
        %add3A_269 = arith.constant 256 : i32
        %add3A_270 = vector.broadcast %add3A_269 : i32 to vector<16xi32>
        %add3A_271 = arith.addi %and3A_268, %add3A_270 : vector<16xi32>
        %add3A_272 = arith.constant 7 : i32
        %add3A_273 = arith.addi %sub3A_172, %add3A_272 : i32
        %shift_right_logical3A_274 = vector.broadcast %add3A_273 : i32 to vector<16xi32>
        %shift_right_logical3A_275 = arith.shrui %xor3A_263, %shift_right_logical3A_274 : vector<16xi32>
        %shift_right_logical3A_276 = arith.constant 1 : i32
        %shift_right_logical3A_277 = vector.broadcast %shift_right_logical3A_276 : i32 to vector<16xi32>
        %shift_right_logical3A_278 = arith.shrui %shift_right_logical3A_275, %shift_right_logical3A_277 : vector<16xi32>
        %mul3A_279 = arith.constant 16 : i32
        %mul3A_280 = arith.muli %scan3A_226, %mul3A_279 : i32
        %add3A_281 = arith.constant 1280 : i32
        %add3A_282 = arith.addi %add3A_281, %mul3A_280 : i32
        %get3A_283 = arith.index_cast %add3A_282 : i32 to index
        %get3A_284 = tpu.vector_load %arg18[%get3A_283] {strides = array<i32>} : memref<2560xi32, #tpu.memory_space<vmem>>, vector<16xi32>,
        %ne3A_285 = arith.constant 0 : i32
        %ne3A_286 = vector.broadcast %ne3A_285 : i32 to vector<16xi32>
        %ne3A_287 = arith.cmpi ne, %get3A_284, %ne3A_286 : vector<16xi32>
        %eq3A_288 = vector.broadcast %scan3A_167 : i32 to vector<16xi32>
        %eq3A_289 = arith.cmpi eq, %shift_right_logical3A_278, %eq3A_288 : vector<16xi32>
        %and3A_290 = arith.andi %ne3A_287, %eq3A_289 : vector<16xi1>
        tpu.vector_store_idx %arg24[%add3A_271], %broadcast_in_dim3A_1 masked %and3A_290 {add = true} : memref<512xi32, #tpu.memory_space<vmem>>[vector<16xi32>], vector<16xi32>, vector<16xi1>
        %scan3A_291 = arith.constant 0 : i32
        scf.yield %scan3A_291 : i32
      }
      %scan3A_186 = arith.constant 80 : i32
      "tpu.region"() ({
        %run_scoped3A = tpu.sem_alloc : memref<!tpu.dma_semaphore, #tpu.memory_space<semaphore_mem>>
        %dma_start3A = arith.constant 0 : i32
        %dma_start3A_226 = tpu.memref_slice %arg33[%arg1, %dma_start3A] : memref<16x512xi32, #tpu.memory_space<vmem_shared>> -> memref<1x512xi32, #tpu.memory_space<vmem_shared>>
        %dma_start3A_227 = tpu.memref_squeeze %dma_start3A_226 : memref<1x512xi32, #tpu.memory_space<vmem_shared>> -> memref<512xi32, #tpu.memory_space<vmem_shared>>
        %dma_start3A_228 = arith.constant 0 : i32
        %dma_start3A_229 = tpu.memref_slice %arg33[%arg1, %dma_start3A_228] : memref<16x512xi32, #tpu.memory_space<vmem_shared>> -> memref<1x512xi32, #tpu.memory_space<vmem_shared>>
        %dma_start3A_230 = tpu.memref_squeeze %dma_start3A_229 : memref<1x512xi32, #tpu.memory_space<vmem_shared>> -> memref<512xi32, #tpu.memory_space<vmem_shared>>
        tpu.enqueue_dma source(%arg24 : memref<512xi32, #tpu.memory_space<vmem>>) target(%dma_start3A_230 : memref<512xi32, #tpu.memory_space<vmem_shared>>) target_semaphore(%run_scoped3A : memref<!tpu.dma_semaphore, #tpu.memory_space<semaphore_mem>>)
        %dma_wait3A = arith.constant 0 : i32
        %dma_wait3A_231 = tpu.memref_slice %arg33[%arg1, %dma_wait3A] : memref<16x512xi32, #tpu.memory_space<vmem_shared>> -> memref<1x512xi32, #tpu.memory_space<vmem_shared>>
        %dma_wait3A_232 = tpu.memref_squeeze %dma_wait3A_231 : memref<1x512xi32, #tpu.memory_space<vmem_shared>> -> memref<512xi32, #tpu.memory_space<vmem_shared>>
        %dma_wait3A_233 = arith.constant 0 : i32
        %dma_wait3A_234 = tpu.memref_slice %arg33[%arg1, %dma_wait3A_233] : memref<16x512xi32, #tpu.memory_space<vmem_shared>> -> memref<1x512xi32, #tpu.memory_space<vmem_shared>>
        %dma_wait3A_235 = tpu.memref_squeeze %dma_wait3A_234 : memref<1x512xi32, #tpu.memory_space<vmem_shared>> -> memref<512xi32, #tpu.memory_space<vmem_shared>>
        tpu.wait_dma2 semaphore(%run_scoped3A : memref<!tpu.dma_semaphore, #tpu.memory_space<semaphore_mem>>) src(%arg24 : memref<512xi32, #tpu.memory_space<vmem>>) dst(%dma_wait3A_235 : memref<512xi32, #tpu.memory_space<vmem_shared>>)
        tpu.yield
      }) : () -> ()
      %barrier3A_187 = arith.constant 0 : index
      tpu.barrier barrier_id(%barrier3A_187)
      "tpu.region"() ({
        %run_scoped3A = tpu.sem_alloc : memref<!tpu.dma_semaphore, #tpu.memory_space<semaphore_mem>>
        tpu.enqueue_dma source(%arg33 : memref<16x512xi32, #tpu.memory_space<vmem_shared>>) target(%arg28 : memref<16x512xi32, #tpu.memory_space<vmem>>) target_semaphore(%run_scoped3A : memref<!tpu.dma_semaphore, #tpu.memory_space<semaphore_mem>>)
        tpu.wait_dma2 semaphore(%run_scoped3A : memref<!tpu.dma_semaphore, #tpu.memory_space<semaphore_mem>>) src(%arg33 : memref<16x512xi32, #tpu.memory_space<vmem_shared>>) dst(%arg28 : memref<16x512xi32, #tpu.memory_space<vmem>>)
        tpu.yield
      }) : () -> ()
      %scan3A_188 = arith.constant 0 : i32
      %scan3A_189 = arith.constant 0 : i32
      %scan3A_190 = arith.constant 16 : i32
      %scan3A_191 = arith.addi %scan3A_189, %scan3A_190 : i32
      %scan3A_192 = arith.constant 1 : i32
      %scan3A_193 = scf.for %scan3A_226 = %scan3A_189 to %scan3A_191 step %scan3A_192 iter_args(%scan3A_227 = %scan3A_188) -> (i32)  : i32 {
        %scan3A_228 = arith.constant 0 : i32
        %scan3A_229 = arith.constant 0 : i32
        %scan3A_230 = arith.constant 32 : i32
        %scan3A_231 = arith.addi %scan3A_229, %scan3A_230 : i32
        %scan3A_232 = arith.constant 1 : i32
        %scan3A_233 = scf.for %scan3A_235 = %scan3A_229 to %scan3A_231 step %scan3A_232 iter_args(%scan3A_236 = %scan3A_228) -> (i32)  : i32 {
          %eq3A_237 = arith.constant 0 : i32
          %eq3A_238 = arith.cmpi eq, %scan3A_226, %eq3A_237 : i32
          %mul3A_239 = arith.constant 16 : i32
          %mul3A_240 = arith.muli %scan3A_235, %mul3A_239 : i32
          %get3A_241 = arith.index_cast %mul3A_240 : i32 to index
          %get3A_242 = tpu.vector_load %arg24[%get3A_241] {strides = array<i32>} : memref<512xi32, #tpu.memory_space<vmem>>, vector<16xi32>,
          %select_n3A_243 = arith.select %eq3A_238, %broadcast_in_dim3A_3, %get3A_242 : vector<16xi32>
          %mul3A_244 = arith.constant 16 : i32
          %mul3A_245 = arith.muli %scan3A_235, %mul3A_244 : i32
          %get3A_246 = arith.index_cast %scan3A_226 : i32 to index
          %get3A_247 = arith.index_cast %mul3A_245 : i32 to index
          %get3A_248 = tpu.vector_load %arg28[%get3A_246, %get3A_247] {strides = array<i32>} : memref<16x512xi32, #tpu.memory_space<vmem>>, vector<16xi32>,
          %add3A_249 = arith.addi %select_n3A_243, %get3A_248 : vector<16xi32>
          %mul3A_250 = arith.constant 16 : i32
          %mul3A_251 = arith.muli %scan3A_235, %mul3A_250 : i32
          %swap3A_252 = arith.index_cast %mul3A_251 : i32 to index
          %swap3A_253 = tpu.vector_load %arg24[%swap3A_252] {strides = array<i32>} : memref<512xi32, #tpu.memory_space<vmem>>, vector<16xi32>,
          tpu.vector_store %arg24[%swap3A_252], %add3A_249 {strides = array<i32>} : memref<512xi32, #tpu.memory_space<vmem>>, vector<16xi32>,
          %scan3A_254 = arith.constant 0 : i32
          scf.yield %scan3A_254 : i32
        }
        %scan3A_234 = arith.constant 32 : i32
        scf.yield %scan3A_233 : i32
      }
      %scan3A_194 = arith.constant 16 : i32
      %sub3A_195 = arith.subi %scan3A_143, %scan3A_166 : i32
      %convert_element_type3A = arith.sitofp %sub3A_195 : i32 to f32
      %scan3A_196 = arith.constant 0 : i32
      %scan3A_197 = arith.constant 0 : i32
      %scan3A_198 = arith.constant 0 : i32
      %scan3A_199 = arith.constant 0 : i32
      %scan3A_200 = arith.constant 0 : i32
      %scan3A_201 = arith.constant 16 : i32
      %scan3A_202 = arith.addi %scan3A_200, %scan3A_201 : i32
      %scan3A_203 = arith.constant 1 : i32
      %scan3A_204:4 = scf.for %scan3A_226 = %scan3A_200 to %scan3A_202 step %scan3A_203 iter_args(%scan3A_227 = %scan3A_196, %scan3A_228 = %scan3A_197, %scan3A_229 = %scan3A_198, %scan3A_230 = %scan3A_199) -> (i32, i32, i32, i32)  : i32 {
        %mul3A_231 = arith.constant 16 : i32
        %mul3A_232 = arith.muli %scan3A_226, %mul3A_231 : i32
        %add3A_233 = arith.constant 0 : i32
        %add3A_234 = arith.addi %add3A_233, %mul3A_232 : i32
        %get3A_235 = arith.index_cast %add3A_234 : i32 to index
        %get3A_236 = tpu.vector_load %arg24[%get3A_235] {strides = array<i32>} : memref<512xi32, #tpu.memory_space<vmem>>, vector<16xi32>,
        %convert_element_type3A_237 = arith.sitofp %get3A_236 : vector<16xi32> to vector<16xf32>
        %broadcast_in_dim3A_238 = arith.constant true
        %broadcast_in_dim3A_239 = vector.broadcast %broadcast_in_dim3A_238 : i1 to vector<16xi1>
        %masked_cumsum3A = tpu.scan <sum>, %convert_element_type3A_237 masked %broadcast_in_dim3A_239 : vector<16xf32>, vector<16xi1> -> vector<16xf32>
        %convert_element_type3A_240 = arith.sitofp %scan3A_227 : i32 to f32
        %add3A_241 = vector.broadcast %convert_element_type3A_240 : f32 to vector<16xf32>
        %add3A_242 = arith.addf %add3A_241, %masked_cumsum3A : vector<16xf32>
        %ge3A = vector.broadcast %convert_element_type3A : f32 to vector<16xf32>
        %ge3A_243 = arith.cmpf oge, %add3A_242, %ge3A : vector<16xf32>
        %convert_element_type3A_244 = arith.sitofp %iota3A : vector<16xi32> to vector<16xf32>
        %jit3A_245 = arith.constant 1.600000e+01 : f32
        %broadcast_in_dim3A_246 = vector.broadcast %jit3A_245 : f32 to vector<16xf32>
        %select_n3A_247 = arith.select %ge3A_243, %convert_element_type3A_244, %broadcast_in_dim3A_246 : vector<16xi1>, vector<16xf32>
        %reduce_min3A_248 = arith.constant true
        %reduce_min3A_249 = vector.broadcast %reduce_min3A_248 : i1 to vector<16xi1>
        %reduce_min3A_250 = tpu.scan <min>, %select_n3A_247 masked %reduce_min3A_249 : vector<16xf32>, vector<16xi1> -> vector<16xf32>
        %reduce_min3A_251 = vector.extract %reduce_min3A_250[15] : f32 from vector<16xf32>
        %convert_element_type3A_252 = arith.fptosi %reduce_min3A_251 : f32 to i32
        %eq3A_253 = arith.constant 0 : i32
        %eq3A_254 = arith.cmpi eq, %scan3A_228, %eq3A_253 : i32
        %lt3A = arith.constant 16 : i32
        %lt3A_255 = arith.cmpi slt, %convert_element_type3A_252, %lt3A : i32
        %and3A_256 = arith.andi %eq3A_254, %lt3A_255 : i1
        %eq3A_257 = vector.broadcast %convert_element_type3A_252 : i32 to vector<16xi32>
        %eq3A_258 = arith.cmpi eq, %iota3A, %eq3A_257 : vector<16xi32>
        %sub3A_259 = arith.subf %masked_cumsum3A, %convert_element_type3A_237 : vector<16xf32>
        %jit3A_260 = arith.constant 0.000000e+00 : f32
        %broadcast_in_dim3A_261 = vector.broadcast %jit3A_260 : f32 to vector<16xf32>
        %select_n3A_262 = arith.select %eq3A_258, %sub3A_259, %broadcast_in_dim3A_261 : vector<16xi1>, vector<16xf32>
        %reduce_sum3A = arith.constant true
        %reduce_sum3A_263 = vector.broadcast %reduce_sum3A : i1 to vector<16xi1>
        %reduce_sum3A_264 = tpu.scan <sum>, %select_n3A_262 masked %reduce_sum3A_263 : vector<16xf32>, vector<16xi1> -> vector<16xf32>
        %reduce_sum3A_265 = vector.extract %reduce_sum3A_264[15] : f32 from vector<16xf32>
        %convert_element_type3A_266 = arith.fptosi %reduce_sum3A_265 : f32 to i32
        %mul3A_267 = arith.constant 16 : i32
        %mul3A_268 = arith.muli %scan3A_226, %mul3A_267 : i32
        %add3A_269 = arith.addi %mul3A_268, %convert_element_type3A_252 : i32
        %select_n3A_270 = arith.select %and3A_256, %add3A_269, %scan3A_229 : i32
        %add3A_271 = arith.addi %scan3A_227, %convert_element_type3A_266 : i32
        %select_n3A_272 = arith.select %and3A_256, %add3A_271, %scan3A_230 : i32
        %jit3A_273 = arith.constant 1 : i32
        %select_n3A_274 = arith.select %and3A_256, %jit3A_273, %scan3A_228 : i32
        %eq3A_275 = arith.constant 15 : i32
        %eq3A_276 = vector.broadcast %eq3A_275 : i32 to vector<16xi32>
        %eq3A_277 = arith.cmpi eq, %iota3A, %eq3A_276 : vector<16xi32>
        %jit3A_278 = arith.constant 0.000000e+00 : f32
        %broadcast_in_dim3A_279 = vector.broadcast %jit3A_278 : f32 to vector<16xf32>
        %select_n3A_280 = arith.select %eq3A_277, %masked_cumsum3A, %broadcast_in_dim3A_279 : vector<16xi1>, vector<16xf32>
        %reduce_sum3A_281 = arith.constant true
        %reduce_sum3A_282 = vector.broadcast %reduce_sum3A_281 : i1 to vector<16xi1>
        %reduce_sum3A_283 = tpu.scan <sum>, %select_n3A_280 masked %reduce_sum3A_282 : vector<16xf32>, vector<16xi1> -> vector<16xf32>
        %reduce_sum3A_284 = vector.extract %reduce_sum3A_283[15] : f32 from vector<16xf32>
        %convert_element_type3A_285 = arith.fptosi %reduce_sum3A_284 : f32 to i32
        %add3A_286 = arith.addi %scan3A_227, %convert_element_type3A_285 : i32
        scf.yield %add3A_286, %select_n3A_274, %select_n3A_270, %select_n3A_272 : i32, i32, i32, i32
      }
      %scan3A_205 = arith.constant 16 : i32
      %sub3A_206 = arith.subi %sub3A_112, %scan3A_168 : i32
      %convert_element_type3A_207 = arith.sitofp %sub3A_206 : i32 to f32
      %scan3A_208 = arith.constant 0 : i32
      %scan3A_209 = arith.constant 0 : i32
      %scan3A_210 = arith.constant 0 : i32
      %scan3A_211 = arith.constant 0 : i32
      %scan3A_212 = arith.constant 0 : i32
      %scan3A_213 = arith.constant 16 : i32
      %scan3A_214 = arith.addi %scan3A_212, %scan3A_213 : i32
      %scan3A_215 = arith.constant 1 : i32
      %scan3A_216:4 = scf.for %scan3A_226 = %scan3A_212 to %scan3A_214 step %scan3A_215 iter_args(%scan3A_227 = %scan3A_208, %scan3A_228 = %scan3A_209, %scan3A_229 = %scan3A_210, %scan3A_230 = %scan3A_211) -> (i32, i32, i32, i32)  : i32 {
        %mul3A_231 = arith.constant 16 : i32
        %mul3A_232 = arith.muli %scan3A_226, %mul3A_231 : i32
        %add3A_233 = arith.constant 256 : i32
        %add3A_234 = arith.addi %add3A_233, %mul3A_232 : i32
        %get3A_235 = arith.index_cast %add3A_234 : i32 to index
        %get3A_236 = tpu.vector_load %arg24[%get3A_235] {strides = array<i32>} : memref<512xi32, #tpu.memory_space<vmem>>, vector<16xi32>,
        %convert_element_type3A_237 = arith.sitofp %get3A_236 : vector<16xi32> to vector<16xf32>
        %broadcast_in_dim3A_238 = arith.constant true
        %broadcast_in_dim3A_239 = vector.broadcast %broadcast_in_dim3A_238 : i1 to vector<16xi1>
        %masked_cumsum3A = tpu.scan <sum>, %convert_element_type3A_237 masked %broadcast_in_dim3A_239 : vector<16xf32>, vector<16xi1> -> vector<16xf32>
        %convert_element_type3A_240 = arith.sitofp %scan3A_227 : i32 to f32
        %add3A_241 = vector.broadcast %convert_element_type3A_240 : f32 to vector<16xf32>
        %add3A_242 = arith.addf %add3A_241, %masked_cumsum3A : vector<16xf32>
        %ge3A = vector.broadcast %convert_element_type3A_207 : f32 to vector<16xf32>
        %ge3A_243 = arith.cmpf oge, %add3A_242, %ge3A : vector<16xf32>
        %convert_element_type3A_244 = arith.sitofp %iota3A : vector<16xi32> to vector<16xf32>
        %jit3A_245 = arith.constant 1.600000e+01 : f32
        %broadcast_in_dim3A_246 = vector.broadcast %jit3A_245 : f32 to vector<16xf32>
        %select_n3A_247 = arith.select %ge3A_243, %convert_element_type3A_244, %broadcast_in_dim3A_246 : vector<16xi1>, vector<16xf32>
        %reduce_min3A_248 = arith.constant true
        %reduce_min3A_249 = vector.broadcast %reduce_min3A_248 : i1 to vector<16xi1>
        %reduce_min3A_250 = tpu.scan <min>, %select_n3A_247 masked %reduce_min3A_249 : vector<16xf32>, vector<16xi1> -> vector<16xf32>
        %reduce_min3A_251 = vector.extract %reduce_min3A_250[15] : f32 from vector<16xf32>
        %convert_element_type3A_252 = arith.fptosi %reduce_min3A_251 : f32 to i32
        %eq3A_253 = arith.constant 0 : i32
        %eq3A_254 = arith.cmpi eq, %scan3A_228, %eq3A_253 : i32
        %lt3A = arith.constant 16 : i32
        %lt3A_255 = arith.cmpi slt, %convert_element_type3A_252, %lt3A : i32
        %and3A_256 = arith.andi %eq3A_254, %lt3A_255 : i1
        %eq3A_257 = vector.broadcast %convert_element_type3A_252 : i32 to vector<16xi32>
        %eq3A_258 = arith.cmpi eq, %iota3A, %eq3A_257 : vector<16xi32>
        %sub3A_259 = arith.subf %masked_cumsum3A, %convert_element_type3A_237 : vector<16xf32>
        %jit3A_260 = arith.constant 0.000000e+00 : f32
        %broadcast_in_dim3A_261 = vector.broadcast %jit3A_260 : f32 to vector<16xf32>
        %select_n3A_262 = arith.select %eq3A_258, %sub3A_259, %broadcast_in_dim3A_261 : vector<16xi1>, vector<16xf32>
        %reduce_sum3A = arith.constant true
        %reduce_sum3A_263 = vector.broadcast %reduce_sum3A : i1 to vector<16xi1>
        %reduce_sum3A_264 = tpu.scan <sum>, %select_n3A_262 masked %reduce_sum3A_263 : vector<16xf32>, vector<16xi1> -> vector<16xf32>
        %reduce_sum3A_265 = vector.extract %reduce_sum3A_264[15] : f32 from vector<16xf32>
        %convert_element_type3A_266 = arith.fptosi %reduce_sum3A_265 : f32 to i32
        %mul3A_267 = arith.constant 16 : i32
        %mul3A_268 = arith.muli %scan3A_226, %mul3A_267 : i32
        %add3A_269 = arith.addi %mul3A_268, %convert_element_type3A_252 : i32
        %select_n3A_270 = arith.select %and3A_256, %add3A_269, %scan3A_229 : i32
        %add3A_271 = arith.addi %scan3A_227, %convert_element_type3A_266 : i32
        %select_n3A_272 = arith.select %and3A_256, %add3A_271, %scan3A_230 : i32
        %jit3A_273 = arith.constant 1 : i32
        %select_n3A_274 = arith.select %and3A_256, %jit3A_273, %scan3A_228 : i32
        %eq3A_275 = arith.constant 15 : i32
        %eq3A_276 = vector.broadcast %eq3A_275 : i32 to vector<16xi32>
        %eq3A_277 = arith.cmpi eq, %iota3A, %eq3A_276 : vector<16xi32>
        %jit3A_278 = arith.constant 0.000000e+00 : f32
        %broadcast_in_dim3A_279 = vector.broadcast %jit3A_278 : f32 to vector<16xf32>
        %select_n3A_280 = arith.select %eq3A_277, %masked_cumsum3A, %broadcast_in_dim3A_279 : vector<16xi1>, vector<16xf32>
        %reduce_sum3A_281 = arith.constant true
        %reduce_sum3A_282 = vector.broadcast %reduce_sum3A_281 : i1 to vector<16xi1>
        %reduce_sum3A_283 = tpu.scan <sum>, %select_n3A_280 masked %reduce_sum3A_282 : vector<16xf32>, vector<16xi1> -> vector<16xf32>
        %reduce_sum3A_284 = vector.extract %reduce_sum3A_283[15] : f32 from vector<16xf32>
        %convert_element_type3A_285 = arith.fptosi %reduce_sum3A_284 : f32 to i32
        %add3A_286 = arith.addi %scan3A_227, %convert_element_type3A_285 : i32
        scf.yield %add3A_286, %select_n3A_274, %select_n3A_270, %select_n3A_272 : i32, i32, i32, i32
      }
      %scan3A_217 = arith.constant 16 : i32
      %barrier3A_218 = arith.constant 0 : index
      tpu.barrier barrier_id(%barrier3A_218)
      %shift_left3A_219 = arith.constant 8 : i32
      %shift_left3A_220 = arith.shli %scan3A_165, %shift_left3A_219 : i32
      %or3A = arith.ori %shift_left3A_220, %scan3A_204#2 : i32
      %add3A_221 = arith.addi %scan3A_166, %scan3A_204#3 : i32
      %shift_left3A_222 = arith.constant 8 : i32
      %shift_left3A_223 = arith.shli %scan3A_167, %shift_left3A_222 : i32
      %or3A_224 = arith.ori %shift_left3A_223, %scan3A_216#2 : i32
      %add3A_225 = arith.addi %scan3A_168, %scan3A_216#3 : i32
      scf.yield %or3A, %add3A_221, %or3A_224, %add3A_225 : i32, i32, i32, i32
    }
    %scan3A_153 = arith.constant 4 : i32
    %xor3A = arith.constant -2147483648 : i32
    %xor3A_154 = arith.xori %scan3A_152#0, %xor3A : i32
    %xor3A_155 = arith.constant -2147483648 : i32
    %xor3A_156 = arith.xori %scan3A_152#2, %xor3A_155 : i32
    %scan3A_157 = arith.constant 0 : i32
    %scan3A_158 = arith.constant 0 : i32
    %scan3A_159 = arith.constant 80 : i32
    %scan3A_160 = arith.addi %scan3A_158, %scan3A_159 : i32
    %scan3A_161 = arith.constant 1 : i32
    %scan3A_162 = scf.for %scan3A_164 = %scan3A_158 to %scan3A_160 step %scan3A_161 iter_args(%scan3A_165 = %scan3A_157) -> (i32)  : i32 {
      %mul3A_166 = arith.constant 16 : i32
      %mul3A_167 = arith.muli %scan3A_164, %mul3A_166 : i32
      %get3A_168 = arith.index_cast %mul3A_167 : i32 to index
      %get3A_169 = tpu.vector_load %arg16[%get3A_168] {strides = array<i32>} : memref<1280xi32, #tpu.memory_space<vmem>>, vector<16xi32>,
      %mul3A_170 = arith.constant 16 : i32
      %mul3A_171 = arith.muli %scan3A_164, %mul3A_170 : i32
      %get3A_172 = arith.index_cast %mul3A_171 : i32 to index
      %get3A_173 = tpu.vector_load %arg18[%get3A_172] {strides = array<i32>} : memref<2560xi32, #tpu.memory_space<vmem>>, vector<16xi32>,
      %ne3A = arith.constant 0 : i32
      %ne3A_174 = vector.broadcast %ne3A : i32 to vector<16xi32>
      %ne3A_175 = arith.cmpi ne, %get3A_173, %ne3A_174 : vector<16xi32>
      %mul3A_176 = arith.constant 16 : i32
      %mul3A_177 = arith.muli %scan3A_164, %mul3A_176 : i32
      %get3A_178 = arith.index_cast %mul3A_177 : i32 to index
      %get3A_179 = tpu.vector_load %arg17[%get3A_178] {strides = array<i32>} : memref<2560xi32, #tpu.memory_space<vmem>>, vector<16xi32>,
      %gt3A_180 = vector.broadcast %xor3A_154 : i32 to vector<16xi32>
      %gt3A_181 = arith.cmpi sgt, %get3A_179, %gt3A_180 : vector<16xi32>
      %and3A_182 = arith.andi %ne3A_175, %gt3A_181 : vector<16xi1>
      %mul3A_183 = arith.constant 16 : i32
      %mul3A_184 = arith.muli %scan3A_164, %mul3A_183 : i32
      %add3A_185 = arith.constant 1280 : i32
      %add3A_186 = arith.addi %add3A_185, %mul3A_184 : i32
      %get3A_187 = arith.index_cast %add3A_186 : i32 to index
      %get3A_188 = tpu.vector_load %arg18[%get3A_187] {strides = array<i32>} : memref<2560xi32, #tpu.memory_space<vmem>>, vector<16xi32>,
      %ne3A_189 = arith.constant 0 : i32
      %ne3A_190 = vector.broadcast %ne3A_189 : i32 to vector<16xi32>
      %ne3A_191 = arith.cmpi ne, %get3A_188, %ne3A_190 : vector<16xi32>
      %mul3A_192 = arith.constant 16 : i32
      %mul3A_193 = arith.muli %scan3A_164, %mul3A_192 : i32
      %add3A_194 = arith.constant 1280 : i32
      %add3A_195 = arith.addi %add3A_194, %mul3A_193 : i32
      %get3A_196 = arith.index_cast %add3A_195 : i32 to index
      %get3A_197 = tpu.vector_load %arg17[%get3A_196] {strides = array<i32>} : memref<2560xi32, #tpu.memory_space<vmem>>, vector<16xi32>,
      %gt3A_198 = vector.broadcast %xor3A_156 : i32 to vector<16xi32>
      %gt3A_199 = arith.cmpi sgt, %get3A_197, %gt3A_198 : vector<16xi32>
      %and3A_200 = arith.andi %ne3A_191, %gt3A_199 : vector<16xi1>
      %or3A = arith.ori %and3A_182, %and3A_200 : vector<16xi1>
      %jit3A_201 = arith.constant -1 : i32
      %broadcast_in_dim3A_202 = vector.broadcast %jit3A_201 : i32 to vector<16xi32>
      %select_n3A_203 = arith.select %or3A, %broadcast_in_dim3A_202, %get3A_169 : vector<16xi1>, vector<16xi32>
      %mul3A_204 = arith.constant 16 : i32
      %mul3A_205 = arith.muli %scan3A_164, %mul3A_204 : i32
      %swap3A_206 = arith.index_cast %mul3A_205 : i32 to index
      %swap3A_207 = tpu.vector_load %arg16[%swap3A_206] {strides = array<i32>} : memref<1280xi32, #tpu.memory_space<vmem>>, vector<16xi32>,
      tpu.vector_store %arg16[%swap3A_206], %select_n3A_203 {strides = array<i32>} : memref<1280xi32, #tpu.memory_space<vmem>>, vector<16xi32>,
      %scan3A_208 = arith.constant 0 : i32
      scf.yield %scan3A_208 : i32
    }
    %scan3A_163 = arith.constant 80 : i32
    "tpu.region"() ({
      %run_scoped3A = tpu.sem_alloc : memref<!tpu.dma_semaphore, #tpu.memory_space<semaphore_mem>>
      %dma_start3A = tpu.memref_slice %arg9[%mul3A_0] : memref<20480xi32, #tpu.memory_space<hbm>> -> memref<1280xi32, #tpu.memory_space<hbm>>
      %dma_start3A_164 = tpu.memref_slice %arg9[%mul3A_0] : memref<20480xi32, #tpu.memory_space<hbm>> -> memref<1280xi32, #tpu.memory_space<hbm>>
      tpu.enqueue_dma source(%arg16 : memref<1280xi32, #tpu.memory_space<vmem>>) target(%dma_start3A_164 : memref<1280xi32, #tpu.memory_space<hbm>>) target_semaphore(%run_scoped3A : memref<!tpu.dma_semaphore, #tpu.memory_space<semaphore_mem>>)
      %dma_wait3A = tpu.memref_slice %arg9[%mul3A_0] : memref<20480xi32, #tpu.memory_space<hbm>> -> memref<1280xi32, #tpu.memory_space<hbm>>
      %dma_wait3A_165 = tpu.memref_slice %arg9[%mul3A_0] : memref<20480xi32, #tpu.memory_space<hbm>> -> memref<1280xi32, #tpu.memory_space<hbm>>
      tpu.wait_dma2 semaphore(%run_scoped3A : memref<!tpu.dma_semaphore, #tpu.memory_space<semaphore_mem>>) src(%arg16 : memref<1280xi32, #tpu.memory_space<vmem>>) dst(%dma_wait3A_165 : memref<1280xi32, #tpu.memory_space<hbm>>)
      tpu.yield
    }) : () -> ()
    return
  }
}

</mosaic_0001>

<sc_bundles>
// kernel: kernel.5.cloned.1.call-start
scs
__scs_entry_jumppad:
0x0: {  	(pc) =	sbr.rel $0x88, $3  }
0x1: {  	(tag) =	ssettag $0x0;
	lr =	simm.s32 $0x1  }
0x2: {  	[smem:$0x3F9E] =	sst lr;
	_ =	strace $0xD0000000  }
0x3: {  	_ = 	snop  }
0x4: {  	_ = 	snop  }
0x5: {  	_ = 	snop  }
0x6: {  	_ = 	snop  }
0x7: {  	_ = 	snop  }
__scs_overlays_trampoline_lowered:
0x8: {  	[smem:$0x3FAD] =	sst s0  }
0x9: {  	[smem:$0x3FAE] =	sst s1  }
0xa: {  	[smem:$0x3FAF] =	sst s2  }
0xb: {  	[smem:$0x3FB0] =	sst s3  }
0xc: {  	[smem:$0x3FB1] =	sst s4  }
0xd: {  	[smem:$0x3FB2] =	sst s5  }
0xe: {  	[smem:$0x3FB3] =	sst s6  }
0xf: {  	[smem:$0x3FB4] =	sst s7  }
0x10: {  	[smem:$0x3FB5] =	sst s8  }
0x11: {  	[smem:$0x3FB6] =	sst s9;
	s0 =	simm.s32 @!p0 $0x0  }
0x12: {  	s1 =	sld [smem:$0x3F9C];
	s0 =	simm.s32 @p0 $0x1  }
0x13: {  	[smem:$0x3FB7] =	sst s0;
	s0 =	simm.s32 @!p1 $0x0  }
0x14: {  	s2 =	sld [smem:$0x3F9B];
	s0 =	simm.s32 @p1 $0x1  }
0x15: {  	[smem:$0x3FB8] =	sst s0;
	s0 =	simm.s32 @!p2 $0x0  }
0x16: {  	s3 =	sld [smem:$0x3FDB];
	s0 =	simm.s32 @p2 $0x1  }
0x17: {  	s4 =	simm.s32 $0x1BF5;
	[smem:$0x3FBA] =	sst s0  }
0x18: {  	s0 =	sld [smem:$0x3F9D];
	_ =	swait.ge [sflag:s4], $0x0  }
0x19: {  	s7 =	sld [smem:$0x3F9E]  }
0x1a: {  	s8 =	sadd.s32 $0xFFFFE003, lr  }
0x1b: {  	s9 =	sadd.s32 $0xFFFFFEF7, lr;
	s5 =	simm.s32 $0xFFFFFFFF;
	p2 =	slt.u32 s8, $0xFFFFF086  }
0x1c: {  	p1 =	slt.u32 s9, $0xF7A;
	s5 =	simm.s32 @!p2 $0x0  }
0x1d: {  	s5 =	simm.s32 @p1 $0x1;
	p0 =	seq.s32 s7, s2  }
0x1e: {  	s7 =	smul.u32 @!p0 $0xF7A, s2;
	p2 =	seq.s32 @!p0 s5, $0x0  }
0x1f: {  	s9 =	smul.u32 $0xF7A, s1;
	s8 =	simm.s32 @!p0 $0x1BF5;
	p2 =	por !p2, p0  }
0x20: {  	[sflag:s8] =	ssyncset.s32 @!p0 $0xFFFFF086;
	s6 =	sadd.s32 @!p0 s3, s7;
	s7 =	simm.s32 @!p0 $0x108  }
0x21: {  	s3 =	sadd.s32 s3, s9;
	s6 =	sadd.s32 @!p0 $0x88, s6;
	s7 =	simm.s32 @p2 $0x1082  }
0x22: {  	[simem:s7], [sflag:s8] =	dma.local @!p0 [hbm:s6], $0xF7A  }
0x23: {  	s9 =	sor.u32 $0xD0000000, s2;
	s6 =	simm.s32 $0x108;
	_ =	swait.ge @!p0 [sflag:s8], $0x0  }
0x24: {  	s3 =	sadd.s32 $0x88, s3;
	s6 =	simm.s32 @!p1 $0x1082;
	[sflag:s4] =	ssyncset.s32 $0xFFFFF086  }
0x25: {  	[simem:s6], [sflag:s4] =	dma.local [hbm:s3], $0xF7A  }
0x26: {  	[smem:$0x3F9E] =	sst s1;
	(tag) =	ssettag s2;
	_ =	strace s9  }
0x27: {  	s1 =	sld [smem:$0x3FAE]  }
0x28: {  	s2 =	sld [smem:$0x3FAF]  }
0x29: {  	s4 =	sld [smem:$0x3FB1]  }
0x2a: {  	p0 =	seq.s32 s5, $0x0;
	s5 =	sld [smem:$0x3FB2]  }
0x2b: {  	s6 =	sld [smem:$0x3FB3]  }
0x2c: {  	s7 =	sld [smem:$0x3FB4]  }
0x2d: {  	s3 =	simm.s32 $0x108;
	s8 =	sld [smem:$0x3FB5]  }
0x2e: {  	s3 =	simm.s32 @!p0 $0x1082;
	s9 =	sld [smem:$0x3FB6]  }
0x2f: {  	lr =	sadd.s32 s0, s3;
	s0 =	sld [smem:$0x3FAD]  }
0x30: {  	s3 =	sld [smem:$0x3FB0]  }
0x31: {  	[smem:$0x3FB9] =	sst s10  }
0x32: {  	s10 =	sld [smem:$0x3FB7];
	_ =	sdelay $0x3  }
0x33: {  	p0 =	seq.s32 s10, $0x1;
	s10 =	sld [smem:$0x3FB9];
	_ =	sdelay $0x3  }
0x34: {  	[smem:$0x3FB9] =	sst s10  }
0x35: {  	s10 =	sld [smem:$0x3FB8];
	_ =	sdelay $0x3  }
0x36: {  	p1 =	seq.s32 s10, $0x1;
	s10 =	sld [smem:$0x3FB9];
	_ =	sdelay $0x3  }
0x37: {  	[smem:$0x3FB9] =	sst s10  }
0x38: {  	s10 =	sld [smem:$0x3FBA]  }
0x39: {  	_ = 	snop;
	(pc) =	sbr.ind lr, $3  }
0x3a: {  	_ = 	snop  }
0x3b: {  	_ = 	snop  }
0x3c: {  	p2 =	seq.s32 s10, $0x1;
	s10 =	sld [smem:$0x3FB9]  }
0x3d: {  	_ =	shalt  }
0x3e: {  	_ =	shalt  }
0x3f: {  	_ =	shalt  }
0x40: {  	_ =	shalt  }
0x41: {  	_ =	shalt  }
0x42: {  	_ =	shalt  }
0x43: {  	_ =	shalt  }
0x44: {  	_ =	shalt  }
0x45: {  	_ =	shalt  }
0x46: {  	_ =	shalt  }
0x47: {  	_ =	shalt  }
0x48: {  	_ =	shalt  }
0x49: {  	_ =	shalt  }
0x4a: {  	_ =	shalt  }
0x4b: {  	_ =	shalt  }
0x4c: {  	_ =	shalt  }
0x4d: {  	_ =	shalt  }
0x4e: {  	_ =	shalt  }
0x4f: {  	_ =	shalt  }
0x50: {  	_ =	shalt  }
0x51: {  	_ =	shalt  }
0x52: {  	_ =	shalt  }
0x53: {  	_ =	shalt  }
0x54: {  	_ =	shalt  }
0x55: {  	_ =	shalt  }
0x56: {  	_ =	shalt  }
0x57: {  	_ =	shalt  }
0x58: {  	_ =	shalt  }
0x59: {  	_ =	shalt  }
0x5a: {  	_ =	shalt  }
0x5b: {  	_ =	shalt  }
0x5c: {  	_ =	shalt  }
0x5d: {  	_ =	shalt  }
0x5e: {  	_ =	shalt  }
0x5f: {  	_ =	shalt  }
0x60: {  	_ =	shalt  }
0x61: {  	_ =	shalt  }
0x62: {  	_ =	shalt  }
0x63: {  	_ =	shalt  }
0x64: {  	_ =	shalt  }
0x65: {  	_ =	shalt  }
0x66: {  	_ =	shalt  }
0x67: {  	_ =	shalt  }
0x68: {  	_ =	shalt  }
0x69: {  	_ =	shalt  }
0x6a: {  	_ =	shalt  }
0x6b: {  	_ =	shalt  }
0x6c: {  	_ =	shalt  }
0x6d: {  	_ =	shalt  }
0x6e: {  	_ =	shalt  }
0x6f: {  	_ =	shalt  }
0x70: {  	_ =	shalt  }
0x71: {  	_ =	shalt  }
0x72: {  	_ =	shalt  }
0x73: {  	_ =	shalt  }
0x74: {  	_ =	shalt  }
0x75: {  	_ =	shalt  }
0x76: {  	_ =	shalt  }
0x77: {  	_ =	shalt  }
0x78: {  	_ =	shalt  }
0x79: {  	_ =	shalt  }
0x7a: {  	_ =	shalt  }
0x7b: {  	_ =	shalt  }
0x7c: {  	_ =	shalt  }
0x7d: {  	_ =	shalt  }
0x7e: {  	_ =	shalt  }
0x7f: {  	_ =	shalt  }
0x80: {  	_ =	shalt  }
0x81: {  	_ =	shalt  }
0x82: {  	_ =	shalt  }
0x83: {  	_ =	shalt  }
0x84: {  	_ =	shalt  }
0x85: {  	_ =	shalt  }
0x86: {  	_ =	shalt  }
0x87: {  	_ =	shalt  }
.Lfunc_end0:
.L_simem_size_0:
called_computation_lowered:
.L_overlay_start_0:
0x88: {  	s0 =	sld [smem:$0x3FD9]  }
0x89: {  	s1 =	sld [smem:$0x3FFE];
	_ =	sdelay $0x3  }
0x8a: {  	s0 =	sadd.s32 s1, s0  }
0x8b: {  	[smem:$0x3FC5] =	sst s0  }
0x8c: {  	_ = 	snop  }
0x8d: {  	s0 =	sld [smem:$0x3FD0];
	_ =	sdelay $0x2  }
0x8e: {  	s2 =	simm.s32 $0xA;
	s3 =	simm.s32 $0x10;
	s13 =	sld [smem:$0x3FC9]  }
0x8f: {  	[smem:s3], [sflag:s2] =	dma.local [hbm:s0], $0x1  }
0x90: {  	_ =	swait.eq [sflag:s2], $0x1  }
0x91: {  	[sflag:s2] =	ssyncset.done $0x0  }
0x92: {  	s14 =	sld [smem:$0x10];
	[sflag:s2] =	ssyncadd.s32 $0xFFFFFFFF  }
0x93: {  	s15 =	sld [smem:$0x11];
	(tm) =	ssettm $0x1  }
0x94: {  	s16 =	sld [smem:$0x3FFB];
	_ =	sdelay $0x3  }
0x95: {  	_ =	strace s16  }
0x96: {  	s3 =	sld [smem:$0x3FFC];
	_ =	sdelay $0x3  }
0x97: {  	_ =	strace s3  }
0x98: {  	s3 =	sld [smem:$0x3FFD];
	_ =	sdelay $0x3  }
0x99: {  	_ =	strace s3  }
0x9a: {  	_ =	strace $0x8FFFFFFF  }
0x9b: {  	s17 =	sld [smem:$0x3FDB];
	_ =	sdelay $0x1  }
0x9c: {  	s4 =	simm.s32 $_scs_section_size  }
0x9d: {  	s5 =	simm.s32 $_size__tile_overlayer_lowered;
	s6 =	simm.s32 $_tile_overlayer_lowered  }
0x9e: {  	s20 =	simm.s32 $0x1BFF;
	s19 =	sshll.u32 s6, $0x1;
	s3 =	sadd.s32 s4, s17  }
0x9f: {  	s7 =	simm.s32 $0x0;
	s18 =	sshll.u32 s5, $0x1;
	s5 =	sadd.s32 s19, s3  }
0xa0: {  	[timem:s7], [sflag:s20] =	dma.local [hbm:s5], s18  }
0xa1: {  	_ =	swait.ge [sflag:s20], s18  }
0xa2: {  	s4 =	ssub.s32 $0x0, s18;
	[sflag:s20] =	ssyncset.done $0x0  }
0xa3: {  	[sflag:s20] =	ssyncadd.s32 s4;
	_ =	sdelay $0x1  }
0xa4: {  	s21 =	simm.s32 $0x1B8B  }
0xa5: {  	_ =	swait.ge [sflag:s21], $0x1  }
0xa6: {  	[sflag:s21] =	ssyncset.done $0x0  }
0xa7: {  	s23 =	simm.s32 $0x1B8E;
	s22 =	sld [smem:$0x3FFE];
	[sflag:s21] =	ssyncadd.s32 $0xFFFFFFFF  }
0xa8: {  	s24 =	simm.s32 $execute0_lowered;
	[smem:$0x3FD2] =	sst s23  }
0xa9: {  	s5 =	sshll.u32 s24, $0x1;
	_ =	strace $0x80000046;
	[dreg:$0x1] =	wrdreg $0xFFFFFFFF  }
0xaa: {  	s25 =	simm.s32 $_size_execute0_lowered;
	s3 =	sadd.s32 s3, s5;
	[dreg:$0x0] =	wrdreg $0x0  }
0xab: {  	s5 =	sshll.u32 s25, $0x1;
	[dreg:$0x2] =	wrdreg s3  }
0xac: {  	[dreg:$0x3] =	wrdreg s5  }
0xad: {  	[dreg:$0x4] =	wrdreg $0xC0  }
0xae: {  	_ =	task [dreg:s7], $0x5FFFF  }
0xaf: {  	[dreg:$0x1] =	wrdreg $0xFFFFFFFF  }
0xb0: {  	[dreg:$0x0] =	wrdreg $0x60  }
0xb1: {  	[dreg:$0x2] =	wrdreg s22  }
0xb2: {  	[dreg:$0x3] =	wrdreg s13  }
0xb3: {  	[dreg:$0x4] =	wrdreg s14  }
0xb4: {  	[dreg:$0x5] =	wrdreg s15  }
0xb5: {  	[dreg:$0x6] =	wrdreg $0x13B000  }
0xb6: {  	[dreg:$0x7] =	wrdreg $0x13B200  }
0xb7: {  	[dreg:$0x8] =	wrdreg $0x13B300  }
0xb8: {  	[dreg:$0x9] =	wrdreg $0x9  }
0xb9: {  	_ =	task.clear_ibuf [dreg:s7], $0xAFFFF;
	_ =	strace $0x90000046  }
0xba: {  	s26 =	simm.s32 $0x9;
	_ =	strace $0x80000048  }
0xbb: {  	_ =	swait.ge [sflag:s26], $0x1  }
0xbc: {  	[sflag:s26] =	ssyncadd.s32 $0xFFFFFFFF  }
0xbd: {  	_ =	strace $0x90000048  }
0xbe: {  	_ =	sfence  }
0xbf: {  	s28 =	sld [smem:$0x0];
	_ =	sdelay $0x1  }
0xc0: {  	s29 =	srdreg.scid  }
0xc1: {  	s30 =	sshll.u32 s29, $0xD;
	s31 =	sshrl.u32 s29, $0x2  }
0xc2: {  	s1 =	sand.u32 $0x1, s29;
	s2 =	sand.u32 $0x4000, s30;
	s0 =	sadd.s32 s31, s28  }
0xc3: {  	s1 =	sor.u32 s2, s1;
	s0 =	sshll.u32 s0, $0x11  }
0xc4: {  	s0 =	sor.u32 s0, s1  }
0xc5: {  	s0 =	sadd.s32 $0x8F2B, s0  }
0xc6: {  	[sflag:s0] =	ssyncadd.remote.s32 $0x1  }
0xc7: {  	_ =	sfence.sel $0xFFFF  }
0xc8: {  	[dreg:$0x0] =	wrdreg $0xFFFFFFFF;
	(pc) =	sbr.abs _section_cstart, $3  }
0xc9: {  	[dreg:$0x1] =	wrdreg $0xFFFFFFFF  }
0xca: {  	_ =	task.clear_ibuf [dreg:s7], $0x2FFFF;
	_ =	strace $0x9FFFFFFF  }
0xcb: {  	(tm) =	ssettm $0x7FFFFFFF  }
tec
execute0_lowered:
.L_overlay_start_1:
0x0: {  	(tag) =	ssettag $0x1  }
0x1: {  	s2 =	stileid.u32  }
0x2: {  	s0 =	rddreg [dreg:$0x0];
	s2 =	smul.u32 $0x500, s2  }
0x3: {  	s1 =	rddreg [dreg:$0x1];
	s14 =	simm.s32 $0x0  }
0x4: {  	[smem:$0x7FF] =	sst s14;
	s3 =	sadd.s32 $0x2600, s0;
	s5 =	sshrl.u32 s2, $0x3  }
0x5: {  	s24 =	simm.s32 $0x1;
	_ =	strace $0x80000047;
	s2 =	sadd.s32 s3, s5  }
0x6: {  	[tilespmem:s14], [sflag:$0x1] =	stream.linear.gather [hbm4b:s2+s14], $0x500, $0x38;
	[tilespmem:$0x13D30] =	vst v63  }
0x7: {  	_ =	swait.ge [sflag:s24], $0x500  }
0x8: {  	s16 =	simm.s32 $0x500;
	s4 =	sadd.s32 $0xA00, s5;
	[sflag:s24] =	ssyncset.done $0x0  }
0x9: {  	[dreg:$0xc] =	wrdreg s4;
	s4 =	sadd.s32 s3, s4;
	[sflag:s24] =	ssyncadd.s32 $0xFFFFFB00  }
0xa: {  	[tilespmem:s16], [sflag:$0x1] =	stream.linear.gather [hbm4b:s4+s14], $0x500, $0x38;
	[tilespmem:$0x13D30] =	vst v63  }
0xb: {  	_ =	swait.ge [sflag:s24], $0x500  }
0xc: {  	s17 =	simm.s32 $0xA00;
	s25 =	sadd.s32 $0x1400, s5;
	[sflag:s24] =	ssyncset.done $0x0  }
0xd: {  	s4 =	sadd.s32 s3, s25;
	[dreg:$0xe] =	wrdreg s25;
	[sflag:s24] =	ssyncadd.s32 $0xFFFFFB00  }
0xe: {  	[tilespmem:s17], [sflag:$0x1] =	stream.linear.gather [hbm4b:s4+s14], $0x500, $0x38;
	[tilespmem:$0x13D30] =	vst v63  }
0xf: {  	s18 =	simm.s32 $0xF00;
	_ =	swait.ge [sflag:s24], $0x500  }
0x10: {  	s26 =	sadd.s32 $0x1E00, s5;
	[dreg:$0x9] =	wrdreg s5;
	[sflag:s24] =	ssyncset.done $0x0  }
0x11: {  	s3 =	sadd.s32 s3, s26;
	[dreg:$0xd] =	wrdreg s26;
	[sflag:s24] =	ssyncadd.s32 $0xFFFFFB00  }
0x12: {  	[tilespmem:s18], [sflag:$0x1] =	stream.linear.gather [hbm4b:s3+s14], $0x500, $0x38;
	[tilespmem:$0x13D30] =	vst v63  }
0x13: {  	_ =	swait.ge [sflag:s24], $0x500  }
0x14: {  	[sflag:s24] =	ssyncset.done $0x0  }
0x15: {  	s19 =	simm.s32 $0xE100;
	[sflag:s24] =	ssyncadd.s32 $0xFFFFFB00  }
0x16: {  	[tilespmem:s19], [sflag:$0x1] =	stream.linear.gather [hbm4b:s1+s14], $0x200, $0x38;
	[tilespmem:$0x13D30] =	vst v63  }
0x17: {  	_ =	swait.ge [sflag:s24], $0x200  }
0x18: {  	s29 =	simm.s32 $0xE300;
	s30 =	sadd.s32 $0x1A00, s0;
	[sflag:s24] =	ssyncset.done $0x0  }
0x19: {  	s28 =	sadd.s32 $0x1600, s0;
	[dreg:$0xa] =	wrdreg s30;
	[sflag:s24] =	ssyncadd.s32 $0xFFFFFE00  }
0x1a: {  	[tilespmem:s29], [sflag:$0x1] =	stream.linear.gather [hbm4b:s28+s14], $0x80, $0x38;
	[tilespmem:$0x13D30] =	vst v63  }
0x1b: {  	s20 =	simm.s32 $0x2300;
	s21 =	simm.s32 $0x1E00;
	_ =	swait.ge [sflag:s24], $0x80  }
0x1c: {  	s22 =	simm.s32 $0x1900;
	s23 =	simm.s32 $0x1400;
	[sflag:s24] =	ssyncset.done $0x0  }
0x1d: {  	s13 =	simm.s32 $0x0;
	s31 =	sadd.s32 $0x4E00, s0;
	[sflag:s24] =	ssyncadd.s32 $0xFFFFFF80  }
0x1e: {  	s0 =	sadd.s32 $0x5A00, s0;
	s25 =	simm.s32 $0x0;
	[dreg:$0xb] =	wrdreg s31;
	v0 =	vld [tilespmem:$0xE300]  }
0x1f: {  	v2 =	vimm.f32 $0.0e+00;
	v3 =	vimm.s32 $0x0;
	s26 =	simm.s32 $0x0;
	[dreg:$0xf] =	wrdreg s0;
	s24 =	simm.s32 $0x0;
	v1 =	vld [tilespmem:$0xE310]  }
.LBB2_1:
0x20: {  	s28 =	sshll.u32 s26, $0x4  }
0x21: {  	v4 =	vld [tilespmem:s28+$0x0];
	s0 =	sand.u32 $0x7F0, s28  }
0x22: {  	v6 =	vld [tilespmem:s0+$0x500]  }
0x23: {  	v5 =	vld [tilespmem:s0+$0xA00]  }
0x24: {  	v7 =	vld [tilespmem:s0+$0xF00];
	_ =	sdelay $0x2  }
0x25: {  	vm0 =	vge.f32 v4, $0.0e+00;
	vm1 =	vge.f32 v6, $0.0e+00  }
0x26: {  	vm0 =	vmand vm0, vm1;
	vm1 =	vle.f32 v5, v0  }
0x27: {  	vm0 =	vmand vm0, vm1;
	vm1 =	vle.f32 v7, v1  }
0x28: {  	vm0 =	vmand vm0, vm1  }
0x29: {  	v8 =	vsel vm0, $0x3F800000, v2  }
0x2a: {  	(xrf2) =	vadd.scan.msk.f32 $0xffff, v8;
	_ =	sdelay $0x9  }
0x2b: {  	v9, _, _ =	vpop (xrf2)  }
0x2c: {  	v8 =	vsub.f32 v9, v8  }
0x2d: {  	s2 =	simm.s32 $0x0  }
0x2e: {  	v9 =	vmov s2;
	v8 =	vtrunc.f32 v8  }
0x2f: {  	v10 =	vor.u32 $0x80, v9;
	v8 =	vcvt.f32.s32 v8  }
0x30: {  	v11 =	vsel vm0, $0x1, v3;
	v12 =	vor.u32 $0x180, v9  }
0x31: {  	[tilespmem:s28+$0x1400] =	vst v11;
	v11 =	vor.u32 $0x100, v9;
	v8 =	vadd.s32 s25, v8  }
0x32: {  	[tilespmem:s28+$0x1900] =	vst v8  }
0x33: {  	v8 =	vld.idx.msk [tilespmem:v9+s19+$0x0], $0xffff  }
0x34: {  	v9 =	vld.idx.msk [tilespmem:v10+s19+$0x0], $0xffff  }
0x35: {  	v10 =	vld.idx.msk [tilespmem:v12+s19+$0x0], $0xffff  }
0x36: {  	v11 =	vld.idx.msk [tilespmem:v11+s19+$0x0], $0xffff;
	_ =	sdelay $0x2  }
0x37: {  	v13 =	vsub.f32 v7, v6;
	v12 =	vsub.f32 v5, v4  }
0x38: {  	v14 =	vmax.f32 v4, v8;
	v15 =	vmax.f32 v6, v9;
	v16 =	vmin.f32 v7, v10  }
0x39: {  	v17 =	vmin.f32 v5, v11;
	v8 =	vsub.f32 v11, v8;
	v10 =	vsub.f32 v10, v9  }
0x3a: {  	v11 =	vsub.f32 v17, v14;
	v14 =	vsub.f32 v16, v15  }
0x3b: {  	v9 =	vmul.f32 v13, v12;
	v8 =	vmul.f32 v10, v8  }
0x3c: {  	v10 =	vmax.f32 v11, $0.0e+00;
	v11 =	vmax.f32 v14, $0.0e+00  }
0x3d: {  	v10 =	vmul.f32 v11, v10;
	v8 =	vadd.f32 v8, v9;
	_ =	sdelay $0x1  }
0x3e: {  	v8 =	vsub.f32 v8, v10;
	_ =	sdelay $0x1  }
0x3f: {  	(erf) = vrcp.f32 v8;
	_ =	sdelay $0x4  }
0x40: {  	s11 =	sand.u32 $0x7, s24  }
0x41: {  	s0 =	sshll.u32 s11, $0x6  }
0x42: {  	s0 =	sshrl.u32 s0, $0x2  }
0x43: {  	s5 =	simm.s32 $0x1;
	v8 =	vmov s0  }
0x44: {  	v11 =	vmov s5;
	v12 =	vpop (erf)  }
0x45: {  	v13 =	vor.u32 $0x100, v11;
	v10 =	vmul.f32 v12, v10  }
0x46: {  	s12 =	sand.u32 $0x3FFFFF80, s14;
	v14 =	vor.u32 $0x80, v11  }
0x47: {  	s6 =	sadd.s32 $0x2800, s12;
	v12 =	vor.u32 $0x180, v11;
	v10 =	vnsel vm0, $0xFF800000, v10  }
0x48: {  	[tilespmem:v8+s6+$0x0 ss:$0x1] =	vst.idx.msk $0xffff, v10  }
0x49: {  	v11 =	vld.idx.msk [tilespmem:v11+s19+$0x0], $0xffff  }
0x4a: {  	v13 =	vld.idx.msk [tilespmem:v13+s19+$0x0], $0xffff  }
0x4b: {  	v14 =	vld.idx.msk [tilespmem:v14+s19+$0x0], $0xffff  }
0x4c: {  	v12 =	vld.idx.msk [tilespmem:v12+s19+$0x0], $0xffff;
	_ =	sdelay $0x3  }
0x4d: {  	v16 =	vmax.f32 v4, v11;
	v17 =	vmin.f32 v5, v13;
	v11 =	vsub.f32 v13, v11  }
0x4e: {  	v13 =	vmax.f32 v6, v14;
	v15 =	vmin.f32 v7, v12;
	v12 =	vsub.f32 v12, v14  }
0x4f: {  	v14 =	vsub.f32 v17, v16;
	v13 =	vsub.f32 v15, v13  }
0x50: {  	v11 =	vmul.f32 v12, v11  }
0x51: {  	v12 =	vmax.f32 v14, $0.0e+00;
	v13 =	vmax.f32 v13, $0.0e+00  }
0x52: {  	v12 =	vmul.f32 v13, v12;
	v11 =	vadd.f32 v11, v9;
	_ =	sdelay $0x1  }
0x53: {  	v11 =	vsub.f32 v11, v12;
	_ =	sdelay $0x1  }
0x54: {  	(erf) = vrcp.f32 v11;
	_ =	sdelay $0x6  }
0x55: {  	s0 =	simm.s32 $0x2  }
0x56: {  	v13 =	vmov s0  }
0x57: {  	v14 =	vor.u32 $0x80, v13;
	v11 =	vpop (erf)  }
0x58: {  	v15 =	vor.u32 $0x100, v13;
	v11 =	vmul.f32 v11, v12  }
0x59: {  	s1 =	sand.u32 $0x3FFFFF80, s16;
	v12 =	vor.u32 $0x180, v13  }
0x5a: {  	s7 =	sadd.s32 $0x2800, s1;
	v11 =	vnsel vm0, $0xFF800000, v11  }
0x5b: {  	[tilespmem:v8+s7+$0x0 ss:$0x1] =	vst.idx.msk $0xffff, v11  }
0x5c: {  	v14 =	vld.idx.msk [tilespmem:v14+s19+$0x0], $0xffff  }
0x5d: {  	v15 =	vld.idx.msk [tilespmem:v15+s19+$0x0], $0xffff  }
0x5e: {  	v12 =	vld.idx.msk [tilespmem:v12+s19+$0x0], $0xffff  }
0x5f: {  	v13 =	vld.idx.msk [tilespmem:v13+s19+$0x0], $0xffff;
	_ =	sdelay $0x3  }
0x60: {  	v17 =	vmax.f32 v6, v14;
	v18 =	vmin.f32 v5, v15;
	v16 =	vmin.f32 v7, v12  }
0x61: {  	v12 =	vsub.f32 v12, v14;
	v14 =	vmax.f32 v4, v13;
	v13 =	vsub.f32 v15, v13  }
0x62: {  	v15 =	vsub.f32 v16, v17;
	v14 =	vsub.f32 v18, v14  }
0x63: {  	v12 =	vmul.f32 v12, v13  }
0x64: {  	v13 =	vmax.f32 v14, $0.0e+00;
	v14 =	vmax.f32 v15, $0.0e+00  }
0x65: {  	v13 =	vmul.f32 v14, v13;
	v12 =	vadd.f32 v12, v9;
	_ =	sdelay $0x1  }
0x66: {  	v12 =	vsub.f32 v12, v13;
	_ =	sdelay $0x1  }
0x67: {  	(erf) = vrcp.f32 v12;
	_ =	sdelay $0x7  }
0x68: {  	s9 =	simm.s32 $0x3  }
0x69: {  	v12 =	vmov s9;
	v14 =	vpop (erf)  }
0x6a: {  	v15 =	vor.u32 $0x100, v12;
	v13 =	vmul.f32 v14, v13  }
0x6b: {  	s15 =	sand.u32 $0x3FFFFF80, s17;
	v16 =	vor.u32 $0x180, v12  }
0x6c: {  	s11 =	sadd.s32 $0x2800, s15;
	v14 =	vor.u32 $0x80, v12;
	v13 =	vnsel vm0, $0xFF800000, v13  }
0x6d: {  	[tilespmem:v8+s11+$0x0 ss:$0x1] =	vst.idx.msk $0xffff, v13  }
0x6e: {  	v12 =	vld.idx.msk [tilespmem:v12+s19+$0x0], $0xffff  }
0x6f: {  	v15 =	vld.idx.msk [tilespmem:v15+s19+$0x0], $0xffff  }
0x70: {  	v16 =	vld.idx.msk [tilespmem:v16+s19+$0x0], $0xffff  }
0x71: {  	v14 =	vld.idx.msk [tilespmem:v14+s19+$0x0], $0xffff;
	_ =	sdelay $0x3  }
0x72: {  	v17 =	vmax.f32 v4, v12;
	v18 =	vmin.f32 v5, v15;
	v12 =	vsub.f32 v15, v12  }
0x73: {  	v19 =	vmin.f32 v7, v16;
	v15 =	vmax.f32 v6, v14;
	v14 =	vsub.f32 v16, v14  }
0x74: {  	v16 =	vsub.f32 v18, v17;
	v15 =	vsub.f32 v19, v15  }
0x75: {  	v12 =	vmul.f32 v14, v12  }
0x76: {  	v14 =	vmax.f32 v16, $0.0e+00;
	v15 =	vmax.f32 v15, $0.0e+00  }
0x77: {  	v14 =	vmul.f32 v15, v14;
	v12 =	vadd.f32 v12, v9;
	_ =	sdelay $0x1  }
0x78: {  	v12 =	vsub.f32 v12, v14;
	_ =	sdelay $0x1  }
0x79: {  	(erf) = vrcp.f32 v12;
	_ =	sdelay $0x6  }
0x7a: {  	s10 =	simm.s32 $0x4  }
0x7b: {  	v12 =	vmov s10  }
0x7c: {  	v15 =	vor.u32 $0x100, v12;
	v16 =	vpop (erf)  }
0x7d: {  	v17 =	vor.u32 $0x180, v12;
	v14 =	vmul.f32 v16, v14  }
0x7e: {  	s3 =	sand.u32 $0x3FFFFF80, s18;
	v16 =	vor.u32 $0x80, v12  }
0x7f: {  	s15 =	sadd.s32 $0x2800, s3;
	v14 =	vnsel vm0, $0xFF800000, v14  }
0x80: {  	[tilespmem:v8+s15+$0x0 ss:$0x1] =	vst.idx.msk $0xffff, v14  }
0x81: {  	v15 =	vld.idx.msk [tilespmem:v15+s19+$0x0], $0xffff  }
0x82: {  	v17 =	vld.idx.msk [tilespmem:v17+s19+$0x0], $0xffff  }
0x83: {  	v16 =	vld.idx.msk [tilespmem:v16+s19+$0x0], $0xffff  }
0x84: {  	v12 =	vld.idx.msk [tilespmem:v12+s19+$0x0], $0xffff;
	_ =	sdelay $0x3  }
0x85: {  	v19 =	vmin.f32 v5, v15;
	v20 =	vmin.f32 v7, v17;
	v18 =	vmax.f32 v6, v16  }
0x86: {  	v16 =	vsub.f32 v17, v16;
	v17 =	vmax.f32 v4, v12;
	v12 =	vsub.f32 v15, v12  }
0x87: {  	v15 =	vsub.f32 v20, v18;
	v17 =	vsub.f32 v19, v17  }
0x88: {  	v12 =	vmul.f32 v16, v12  }
0x89: {  	v16 =	vmax.f32 v17, $0.0e+00;
	v15 =	vmax.f32 v15, $0.0e+00  }
0x8a: {  	v15 =	vmul.f32 v15, v16;
	v12 =	vadd.f32 v12, v9;
	_ =	sdelay $0x1  }
0x8b: {  	v12 =	vsub.f32 v12, v15;
	_ =	sdelay $0x1  }
0x8c: {  	(erf) = vrcp.f32 v12;
	_ =	sdelay $0x6  }
0x8d: {  	s3 =	simm.s32 $0x5  }
0x8e: {  	v12 =	vmov s3  }
0x8f: {  	v16 =	vor.u32 $0x80, v12;
	v17 =	vpop (erf)  }
0x90: {  	v18 =	vor.u32 $0x100, v12;
	v15 =	vmul.f32 v17, v15  }
0x91: {  	s4 =	sand.u32 $0x3FFFFF80, s23  }
0x92: {  	s12 =	sadd.s32 $0x2800, s4;
	v17 =	vor.u32 $0x180, v12;
	v15 =	vnsel vm0, $0xFF800000, v15  }
0x93: {  	[tilespmem:v8+s12+$0x0 ss:$0x1] =	vst.idx.msk $0xffff, v15  }
0x94: {  	v16 =	vld.idx.msk [tilespmem:v16+s19+$0x0], $0xffff  }
0x95: {  	v18 =	vld.idx.msk [tilespmem:v18+s19+$0x0], $0xffff  }
0x96: {  	v12 =	vld.idx.msk [tilespmem:v12+s19+$0x0], $0xffff  }
0x97: {  	v17 =	vld.idx.msk [tilespmem:v17+s19+$0x0], $0xffff;
	_ =	sdelay $0x3  }
0x98: {  	v19 =	vmax.f32 v6, v16;
	v21 =	vmax.f32 v4, v12;
	v12 =	vsub.f32 v18, v12  }
0x99: {  	v61 =	vmin.f32 v7, v17;
	v16 =	vsub.f32 v17, v16;
	v17 =	vmin.f32 v5, v18  }
0x9a: {  	v18 =	vsub.f32 v61, v19;
	v17 =	vsub.f32 v17, v21  }
0x9b: {  	v12 =	vmul.f32 v16, v12  }
0x9c: {  	v16 =	vmax.f32 v17, $0.0e+00;
	v17 =	vmax.f32 v18, $0.0e+00  }
0x9d: {  	v16 =	vmul.f32 v17, v16;
	v12 =	vadd.f32 v12, v9;
	_ =	sdelay $0x1  }
0x9e: {  	v12 =	vsub.f32 v12, v16;
	_ =	sdelay $0x1  }
0x9f: {  	(erf) = vrcp.f32 v12;
	_ =	sdelay $0x6  }
0xa0: {  	s4 =	simm.s32 $0x6  }
0xa1: {  	v12 =	vmov s4  }
0xa2: {  	v17 =	vor.u32 $0x180, v12;
	v18 =	vpop (erf)  }
0xa3: {  	v16 =	vmul.f32 v18, v16  }
0xa4: {  	s8 =	sand.u32 $0x3FFFFF80, s22;
	v19 =	vor.u32 $0x100, v12  }
0xa5: {  	s30 =	sadd.s32 $0x2800, s8;
	v18 =	vor.u32 $0x80, v12;
	v16 =	vnsel vm0, $0xFF800000, v16  }
0xa6: {  	[tilespmem:v8+s30+$0x0 ss:$0x1] =	vst.idx.msk $0xffff, v16  }
0xa7: {  	v17 =	vld.idx.msk [tilespmem:v17+s19+$0x0], $0xffff  }
0xa8: {  	v12 =	vld.idx.msk [tilespmem:v12+s19+$0x0], $0xffff  }
0xa9: {  	v19 =	vld.idx.msk [tilespmem:v19+s19+$0x0], $0xffff  }
0xaa: {  	v18 =	vld.idx.msk [tilespmem:v18+s19+$0x0], $0xffff;
	_ =	sdelay $0x3  }
0xab: {  	v62 =	vmin.f32 v7, v17;
	v63 =	vmax.f32 v4, v12;
	v12 =	vsub.f32 v19, v12  }
0xac: {  	v19 =	vmin.f32 v5, v19;
	v17 =	vsub.f32 v17, v18;
	v18 =	vmax.f32 v6, v18  }
0xad: {  	v19 =	vsub.f32 v19, v63;
	v18 =	vsub.f32 v62, v18  }
0xae: {  	v12 =	vmul.f32 v17, v12  }
0xaf: {  	v17 =	vmax.f32 v19, $0.0e+00;
	v18 =	vmax.f32 v18, $0.0e+00  }
0xb0: {  	v17 =	vmul.f32 v18, v17;
	v12 =	vadd.f32 v12, v9;
	_ =	sdelay $0x1  }
0xb1: {  	v12 =	vsub.f32 v12, v17;
	_ =	sdelay $0x1  }
0xb2: {  	(erf) = vrcp.f32 v12;
	_ =	sdelay $0x4  }
0xb3: {  	v12 =	vimm.f32 $-Inf  }
0xb4: {  	vm2 =	vgt.f32 v10, v12  }
0xb5: {  	s29 =	simm.s32 $0x7;
	v10 =	vsel vm2, v10, v12  }
0xb6: {  	v18 =	vmov s29;
	vm3 =	vgt.f32 v11, v10  }
0xb7: {  	v12 =	vor.u32 $0x180, v18;
	v10 =	vsel vm3, v11, v10;
	v11 =	vpop (erf)  }
0xb8: {  	vm4 =	vgt.f32 v13, v10;
	v11 =	vmul.f32 v11, v17;
	v17 =	vor.u32 $0x80, v18  }
0xb9: {  	s8 =	sand.u32 $0x3FFFFF80, s21;
	v10 =	vsel vm4, v13, v10  }
0xba: {  	s1 =	sadd.s32 $0x2800, s8;
	v19 =	vor.u32 $0x100, v18;
	vm5 =	vgt.f32 v14, v10;
	v11 =	vnsel vm0, $0xFF800000, v11  }
0xbb: {  	v10 =	vsel vm5, v14, v10;
	[tilespmem:v8+s1+$0x0 ss:$0x1] =	vst.idx.msk $0xffff, v11  }
0xbc: {  	vm1 =	vgt.f32 v15, v10;
	v13 =	vld.idx.msk [tilespmem:v12+s19+$0x0], $0xffff  }
0xbd: {  	s8 =	sand.u32 $0x3FFFFF80, s20;
	v14 =	vsel vm2, s2, v3;
	v10 =	vsel vm1, v15, v10;
	v15 =	vld.idx.msk [tilespmem:v17+s19+$0x0], $0xffff  }
0xbe: {  	s31 =	sadd.s32 $0x2800, s8;
	s8 =	sadd.s32 $0x2800, s7;
	vm2 =	vgt.f32 v16, v10;
	v12 =	vsel vm3, s5, v14;
	v14 =	vld.idx.msk [tilespmem:v18+s19+$0x0], $0xffff  }
0xbf: {  	s6 =	sadd.s32 $0x2800, s6;
	s7 =	sadd.s32 $0x2800, s12;
	s15 =	sadd.s32 $0x2800, s15;
	v17 =	vsel vm4, s0, v12;
	v12 =	vsel vm2, v16, v10;
	v16 =	vld.idx.msk [tilespmem:v19+s19+$0x0], $0xffff  }
0xc0: {  	s2 =	smov.u32 s31;
	s5 =	simm.s32 $0xF;
	v10 =	vsel vm5, s9, v17;
	vm3 =	vgt.f32 v11, v12;
	s9 =	sadd.s32 $0x2800, s11  }
.LBB2_2:
0xc1: {  	s31 =	sadd.s32 $0x2800, s31;
	s1 =	sadd.s32 $0x2800, s1;
	s30 =	sadd.s32 $0x2800, s30  }
0xc2: {  	p0 =	sne.s32 s5, $0x1F;
	v17 =	vmax.f32 v6, v15;
	v18 =	vmin.f32 v7, v13;
	v13 =	vsub.f32 v13, v15;
	s0 =	smov.u32 s5;
	s5 =	sadd.s32 $0x8, s5  }
0xc3: {  	v15 =	vmax.f32 v4, v14;
	v17 =	vsub.f32 v18, v17  }
0xc4: {  	v18 =	vmin.f32 v5, v16;
	v14 =	vsub.f32 v16, v14  }
0xc5: {  	v15 =	vsub.f32 v18, v15;
	v16 =	vmax.f32 v17, $0.0e+00  }
0xc6: {  	v13 =	vmul.f32 v13, v14  }
0xc7: {  	v14 =	vmax.f32 v15, $0.0e+00  }
0xc8: {  	v14 =	vmul.f32 v16, v14;
	v13 =	vadd.f32 v13, v9;
	_ =	sdelay $0x1  }
0xc9: {  	v13 =	vsub.f32 v13, v14;
	_ =	sdelay $0x1  }
0xca: {  	(erf) = vrcp.f32 v13;
	_ =	sdelay $0x8  }
0xcb: {  	s11 =	sadd.s32 $0xFFFFFFF9, s0;
	v13 =	vpop (erf)  }
0xcc: {  	v10 =	vsel vm1, s10, v10;
	v15 =	vmov s11;
	v13 =	vmul.f32 v13, v14  }
0xcd: {  	v10 =	vsel vm2, s3, v10;
	v16 =	vor.u32 $0x100, v15;
	v14 =	vor.u32 $0x80, v15  }
0xce: {  	v11 =	vsel vm3, v11, v12;
	v17 =	vor.u32 $0x180, v15;
	v12 =	vnsel vm0, $0xFF800000, v13  }
0xcf: {  	v13 =	vsel vm3, s4, v10;
	[tilespmem:v8+s2+$0x0 ss:$0x1] =	vst.idx.msk $0xffff, v12;
	vm1 =	vgt.f32 v12, v11;
	s2 =	smov.u32 s31  }
0xd0: {  	v10 =	vsel vm1, v12, v11;
	v11 =	vsel vm1, s29, v13;
	s29 =	smov.u32 s0  }
0xd1: {  	v12 =	vld.idx.msk [tilespmem:v15+s19+$0x0], $0xffff  }
0xd2: {  	v13 =	vld.idx.msk [tilespmem:v14+s19+$0x0], $0xffff  }
0xd3: {  	v14 =	vld.idx.msk [tilespmem:v17+s19+$0x0], $0xffff  }
0xd4: {  	v15 =	vld.idx.msk [tilespmem:v16+s19+$0x0], $0xffff;
	_ =	sdelay $0x4  }
0xd5: {  	v16 =	vmax.f32 v4, v12;
	v17 =	vmax.f32 v6, v13;
	v18 =	vmin.f32 v7, v14  }
0xd6: {  	v13 =	vsub.f32 v14, v13;
	v19 =	vmin.f32 v5, v15;
	v12 =	vsub.f32 v15, v12  }
0xd7: {  	v15 =	vsub.f32 v18, v17;
	v14 =	vsub.f32 v19, v16  }
0xd8: {  	v12 =	vmul.f32 v13, v12  }
0xd9: {  	v13 =	vmax.f32 v14, $0.0e+00;
	v14 =	vmax.f32 v15, $0.0e+00  }
0xda: {  	v13 =	vmul.f32 v14, v13;
	v12 =	vadd.f32 v12, v9;
	_ =	sdelay $0x1  }
0xdb: {  	v12 =	vsub.f32 v12, v13;
	_ =	sdelay $0x1  }
0xdc: {  	(erf) = vrcp.f32 v12;
	_ =	sdelay $0x7  }
0xdd: {  	s0 =	sadd.s32 $0xFFFFFFFA, s29  }
0xde: {  	v12 =	vmov s0;
	v14 =	vpop (erf)  }
0xdf: {  	v13 =	vmul.f32 v14, v13;
	v14 =	vor.u32 $0x180, v12  }
0xe0: {  	v15 =	vor.u32 $0x100, v12  }
0xe1: {  	v16 =	vor.u32 $0x80, v12;
	v13 =	vnsel vm0, $0xFF800000, v13  }
0xe2: {  	[tilespmem:v8+s6+$0x0 ss:$0x1] =	vst.idx.msk $0xffff, v13;
	vm1 =	vgt.f32 v13, v10  }
0xe3: {  	v11 =	vsel vm1, s11, v11;
	v12 =	vld.idx.msk [tilespmem:v12+s19+$0x0], $0xffff  }
0xe4: {  	v14 =	vld.idx.msk [tilespmem:v14+s19+$0x0], $0xffff  }
0xe5: {  	v15 =	vld.idx.msk [tilespmem:v15+s19+$0x0], $0xffff  }
0xe6: {  	v16 =	vld.idx.msk [tilespmem:v16+s19+$0x0], $0xffff;
	_ =	sdelay $0x3  }
0xe7: {  	v17 =	vmin.f32 v7, v14  }
0xe8: {  	v18 =	vmax.f32 v4, v12;
	v19 =	vmin.f32 v5, v15;
	v12 =	vsub.f32 v15, v12  }
0xe9: {  	v15 =	vmax.f32 v6, v16;
	v18 =	vsub.f32 v19, v18;
	v14 =	vsub.f32 v14, v16  }
0xea: {  	v15 =	vsub.f32 v17, v15  }
0xeb: {  	v16 =	vmax.f32 v18, $0.0e+00;
	v12 =	vmul.f32 v14, v12  }
0xec: {  	v14 =	vmax.f32 v15, $0.0e+00  }
0xed: {  	v14 =	vmul.f32 v14, v16;
	v12 =	vadd.f32 v12, v9;
	_ =	sdelay $0x1  }
0xee: {  	v12 =	vsub.f32 v12, v14;
	_ =	sdelay $0x1  }
0xef: {  	(erf) = vrcp.f32 v12;
	_ =	sdelay $0x7  }
0xf0: {  	s4 =	sadd.s32 $0xFFFFFFFB, s29  }
0xf1: {  	v12 =	vmov s4;
	v15 =	vpop (erf)  }
0xf2: {  	v14 =	vmul.f32 v15, v14;
	v15 =	vor.u32 $0x180, v12  }
0xf3: {  	v16 =	vor.u32 $0x80, v12  }
0xf4: {  	v14 =	vnsel vm0, $0xFF800000, v14  }
0xf5: {  	v17 =	vor.u32 $0x100, v12;
	[tilespmem:v8+s8+$0x0 ss:$0x1] =	vst.idx.msk $0xffff, v14  }
0xf6: {  	v12 =	vld.idx.msk [tilespmem:v12+s19+$0x0], $0xffff  }
0xf7: {  	v15 =	vld.idx.msk [tilespmem:v15+s19+$0x0], $0xffff  }
0xf8: {  	v16 =	vld.idx.msk [tilespmem:v16+s19+$0x0], $0xffff;
	_ =	sdelay $0x1  }
0xf9: {  	v17 =	vld.idx.msk [tilespmem:v17+s19+$0x0], $0xffff;
	_ =	sdelay $0x2  }
0xfa: {  	v18 =	vmin.f32 v7, v15  }
0xfb: {  	v19 =	vmax.f32 v6, v16;
	v15 =	vsub.f32 v15, v16  }
0xfc: {  	v16 =	vsub.f32 v18, v19  }
0xfd: {  	v18 =	vmax.f32 v4, v12;
	v19 =	vmin.f32 v5, v17;
	v12 =	vsub.f32 v17, v12  }
0xfe: {  	v17 =	vsub.f32 v19, v18  }
0xff: {  	v12 =	vmul.f32 v15, v12  }
0x100: {  	v16 =	vmax.f32 v16, $0.0e+00;
	v15 =	vmax.f32 v17, $0.0e+00  }
0x101: {  	v15 =	vmul.f32 v16, v15;
	v12 =	vadd.f32 v12, v9;
	_ =	sdelay $0x1  }
0x102: {  	v12 =	vsub.f32 v12, v15;
	_ =	sdelay $0x1  }
0x103: {  	(erf) = vrcp.f32 v12;
	_ =	sdelay $0x7  }
0x104: {  	s3 =	sadd.s32 $0xFFFFFFFC, s29  }
0x105: {  	v12 =	vmov s3;
	v16 =	vpop (erf)  }
0x106: {  	v10 =	vsel vm1, v13, v10;
	v13 =	vmul.f32 v16, v15;
	v15 =	vor.u32 $0x80, v12  }
0x107: {  	vm1 =	vgt.f32 v14, v10;
	v16 =	vor.u32 $0x100, v12  }
0x108: {  	v10 =	vsel vm1, v14, v10;
	v11 =	vsel vm1, s0, v11;
	v13 =	vnsel vm0, $0xFF800000, v13  }
0x109: {  	v14 =	vor.u32 $0x180, v12;
	[tilespmem:v8+s9+$0x0 ss:$0x1] =	vst.idx.msk $0xffff, v13;
	vm1 =	vgt.f32 v13, v10  }
0x10a: {  	v11 =	vsel vm1, s4, v11;
	v12 =	vld.idx.msk [tilespmem:v12+s19+$0x0], $0xffff  }
0x10b: {  	v15 =	vld.idx.msk [tilespmem:v15+s19+$0x0], $0xffff  }
0x10c: {  	v16 =	vld.idx.msk [tilespmem:v16+s19+$0x0], $0xffff;
	_ =	sdelay $0x1  }
0x10d: {  	v14 =	vld.idx.msk [tilespmem:v14+s19+$0x0], $0xffff;
	_ =	sdelay $0x3  }
0x10e: {  	v17 =	vmax.f32 v4, v12;
	v18 =	vmin.f32 v5, v16;
	v12 =	vsub.f32 v16, v12  }
0x10f: {  	v16 =	vsub.f32 v18, v17  }
0x110: {  	v17 =	vmax.f32 v6, v15;
	v18 =	vmin.f32 v7, v14;
	v14 =	vsub.f32 v14, v15  }
0x111: {  	v15 =	vsub.f32 v18, v17  }
0x112: {  	v12 =	vmul.f32 v14, v12  }
0x113: {  	v14 =	vmax.f32 v16, $0.0e+00;
	v15 =	vmax.f32 v15, $0.0e+00  }
0x114: {  	v14 =	vmul.f32 v15, v14;
	v12 =	vadd.f32 v12, v9;
	_ =	sdelay $0x1  }
0x115: {  	v12 =	vsub.f32 v12, v14;
	_ =	sdelay $0x1  }
0x116: {  	(erf) = vrcp.f32 v12;
	_ =	sdelay $0x6  }
0x117: {  	s10 =	sadd.s32 $0xFFFFFFFD, s29  }
0x118: {  	v12 =	vmov s10  }
0x119: {  	v15 =	vor.u32 $0x100, v12;
	v16 =	vpop (erf)  }
0x11a: {  	v14 =	vmul.f32 v16, v14;
	v16 =	vor.u32 $0x80, v12  }
0x11b: {  	v17 =	vor.u32 $0x180, v12  }
0x11c: {  	v10 =	vsel vm1, v13, v10;
	v13 =	vnsel vm0, $0xFF800000, v14  }
0x11d: {  	[tilespmem:v8+s15+$0x0 ss:$0x1] =	vst.idx.msk $0xffff, v13;
	vm1 =	vgt.f32 v13, v10  }
0x11e: {  	v13 =	vsel vm1, v13, v10;
	v10 =	vsel vm1, s3, v11;
	v11 =	vld.idx.msk [tilespmem:v15+s19+$0x0], $0xffff  }
0x11f: {  	v14 =	vld.idx.msk [tilespmem:v16+s19+$0x0], $0xffff  }
0x120: {  	v15 =	vld.idx.msk [tilespmem:v17+s19+$0x0], $0xffff  }
0x121: {  	v12 =	vld.idx.msk [tilespmem:v12+s19+$0x0], $0xffff;
	_ =	sdelay $0x3  }
0x122: {  	v16 =	vmax.f32 v6, v14  }
0x123: {  	v17 =	vmin.f32 v5, v11;
	v18 =	vmin.f32 v7, v15;
	v14 =	vsub.f32 v15, v14  }
0x124: {  	v15 =	vmax.f32 v4, v12;
	v16 =	vsub.f32 v18, v16;
	v11 =	vsub.f32 v11, v12  }
0x125: {  	v12 =	vsub.f32 v17, v15  }
0x126: {  	v11 =	vmul.f32 v14, v11  }
0x127: {  	v14 =	vmax.f32 v16, $0.0e+00;
	v12 =	vmax.f32 v12, $0.0e+00  }
0x128: {  	v12 =	vmul.f32 v14, v12;
	v11 =	vadd.f32 v11, v9;
	_ =	sdelay $0x1  }
0x129: {  	v11 =	vsub.f32 v11, v12;
	_ =	sdelay $0x1  }
0x12a: {  	(erf) = vrcp.f32 v11;
	_ =	sdelay $0x6  }
0x12b: {  	s3 =	sadd.s32 $0xFFFFFFFE, s29  }
0x12c: {  	v11 =	vmov s3  }
0x12d: {  	v14 =	vor.u32 $0x80, v11;
	v15 =	vpop (erf)  }
0x12e: {  	v12 =	vmul.f32 v15, v12;
	v15 =	vor.u32 $0x180, v11  }
0x12f: {  	v16 =	vor.u32 $0x100, v11  }
0x130: {  	v12 =	vnsel vm0, $0xFF800000, v12  }
0x131: {  	[tilespmem:v8+s7+$0x0 ss:$0x1] =	vst.idx.msk $0xffff, v12;
	vm1 =	vgt.f32 v12, v13  }
0x132: {  	v12 =	vsel vm1, v12, v13;
	v13 =	vld.idx.msk [tilespmem:v14+s19+$0x0], $0xffff  }
0x133: {  	v14 =	vld.idx.msk [tilespmem:v15+s19+$0x0], $0xffff  }
0x134: {  	v15 =	vld.idx.msk [tilespmem:v16+s19+$0x0], $0xffff  }
0x135: {  	v11 =	vld.idx.msk [tilespmem:v11+s19+$0x0], $0xffff;
	_ =	sdelay $0x3  }
0x136: {  	v16 =	vmax.f32 v6, v13;
	v17 =	vmin.f32 v7, v14;
	v13 =	vsub.f32 v14, v13  }
0x137: {  	v14 =	vmin.f32 v5, v15;
	v16 =	vsub.f32 v17, v16  }
0x138: {  	v17 =	vmax.f32 v4, v11;
	v11 =	vsub.f32 v15, v11  }
0x139: {  	v14 =	vsub.f32 v14, v17  }
0x13a: {  	v11 =	vmul.f32 v13, v11  }
0x13b: {  	v13 =	vmax.f32 v14, $0.0e+00;
	v14 =	vmax.f32 v16, $0.0e+00  }
0x13c: {  	v13 =	vmul.f32 v14, v13;
	v11 =	vadd.f32 v11, v9;
	_ =	sdelay $0x1  }
0x13d: {  	v11 =	vsub.f32 v11, v13;
	_ =	sdelay $0x1  }
0x13e: {  	(erf) = vrcp.f32 v11;
	_ =	sdelay $0x6  }
0x13f: {  	s4 =	sadd.s32 $0xFFFFFFFF, s29  }
0x140: {  	v11 =	vmov s4  }
0x141: {  	v14 =	vor.u32 $0x180, v11;
	v15 =	vpop (erf)  }
0x142: {  	v13 =	vmul.f32 v15, v13  }
0x143: {  	v15 =	vor.u32 $0x80, v11  }
0x144: {  	v16 =	vor.u32 $0x100, v11;
	v13 =	vnsel vm0, $0xFF800000, v13  }
0x145: {  	[tilespmem:v8+s30+$0x0 ss:$0x1] =	vst.idx.msk $0xffff, v13;
	vm2 =	vgt.f32 v13, v12  }
0x146: {  	v14 =	vld.idx.msk [tilespmem:v14+s19+$0x0], $0xffff  }
0x147: {  	v11 =	vld.idx.msk [tilespmem:v11+s19+$0x0], $0xffff  }
0x148: {  	v15 =	vld.idx.msk [tilespmem:v15+s19+$0x0], $0xffff  }
0x149: {  	v16 =	vld.idx.msk [tilespmem:v16+s19+$0x0], $0xffff;
	_ =	sdelay $0x3  }
0x14a: {  	v17 =	vmin.f32 v7, v14  }
0x14b: {  	v18 =	vmax.f32 v4, v11;
	v19 =	vmax.f32 v6, v15;
	v14 =	vsub.f32 v14, v15  }
0x14c: {  	v15 =	vmin.f32 v5, v16;
	v17 =	vsub.f32 v17, v19;
	v11 =	vsub.f32 v16, v11  }
0x14d: {  	v15 =	vsub.f32 v15, v18  }
0x14e: {  	v11 =	vmul.f32 v14, v11  }
0x14f: {  	v14 =	vmax.f32 v15, $0.0e+00;
	v15 =	vmax.f32 v17, $0.0e+00  }
0x150: {  	v14 =	vmul.f32 v15, v14;
	v11 =	vadd.f32 v11, v9;
	_ =	sdelay $0x1  }
0x151: {  	v11 =	vsub.f32 v11, v14;
	_ =	sdelay $0x1  }
0x152: {  	(erf) = vrcp.f32 v11;
	_ =	sdelay $0x7  }
0x153: {  	v16 =	vmov s29  }
0x154: {  	v15 =	vor.u32 $0x180, v16;
	v11 =	vpop (erf)  }
0x155: {  	v11 =	vmul.f32 v11, v14;
	v14 =	vor.u32 $0x80, v16;
	_ =	sdelay $0x1  }
0x156: {  	v12 =	vsel vm2, v13, v12;
	v17 =	vor.u32 $0x100, v16;
	v11 =	vnsel vm0, $0xFF800000, v11  }
0x157: {  	[tilespmem:v8+s1+$0x0 ss:$0x1] =	vst.idx.msk $0xffff, v11;
	vm3 =	vgt.f32 v11, v12  }
0x158: {  	v13 =	vld.idx.msk [tilespmem:v15+s19+$0x0], $0xffff  }
.Ltmp0:
0x159: {  	v15 =	vld.idx.msk [tilespmem:v14+s19+$0x0], $0xffff;
	(pc) =	sbr.rel @p0 .LBB2_2-.Ltmp0, $4  }
0x15a: {  	v14 =	vld.idx.msk [tilespmem:v16+s19+$0x0], $0xffff  }
0x15b: {  	v16 =	vld.idx.msk [tilespmem:v17+s19+$0x0], $0xffff  }
0x15c: {  	s6 =	sadd.s32 $0x2800, s6;
	s8 =	sadd.s32 $0x2800, s8  }
0x15d: {  	s9 =	sadd.s32 $0x2800, s9;
	s15 =	sadd.s32 $0x2800, s15;
	s7 =	sadd.s32 $0x2800, s7  }
0x15e: {  	v17 =	vsel vm0, $0x3F800000, v3  }
0x15f: {  	(xrf2) =	vadd.scan.msk.f32 $0xffff, v17;
	_ =	sdelay $0x6  }
0x160: {  	v6 =	vmax.f32 v6, v15;
	v7 =	vmin.f32 v7, v13;
	v5 =	vmin.f32 v5, v16  }
0x161: {  	v60 =	vsub.f32 v13, v15;
	v4 =	vmax.f32 v4, v14;
	v61 =	vsub.f32 v16, v14  }
0x162: {  	v6 =	vsub.f32 v7, v6;
	v4 =	vsub.f32 v5, v4  }
0x163: {  	v62 =	vmul.f32 v60, v61;
	v5, _, _ =	vpop (xrf2)  }
0x164: {  	v4 =	vmax.f32 v4, $0.0e+00;
	(v2sf) =	vpush v5, $0xF;
	v5 =	vmax.f32 v6, $0.0e+00  }
0x165: {  	v4 =	vmul.f32 v5, v4;
	v5 =	vadd.f32 v62, v9;
	_ =	sdelay $0x1  }
0x166: {  	v5 =	vsub.f32 v5, v4;
	_ =	sdelay $0x1  }
0x167: {  	(erf) = vrcp.f32 v5;
	_ =	sdelay $0x8  }
0x168: {  	v5 =	vpop (erf)  }
0x169: {  	s26 =	sadd.s32 $0x1, s26;
	v4 =	vmul.f32 v5, v4  }
0x16a: {  	p0 =	sne.s32 s26, $0x50  }
.Ltmp1:
0x16b: {  	v63 =	vsel vm3, v11, v12;
	s24 =	sadd.s32 $0x1, s24;
	v5 =	vsel vm1, s10, v10;
	v4 =	vnsel vm0, $0xFF800000, v4;
	(pc) =	sbr.rel @p0 .LBB2_1-.Ltmp1, $4  }
0x16c: {  	s20 =	sadd.s32 $0x10, s20;
	s21 =	sadd.s32 $0x10, s21;
	s0 =	spop (v2sf);
	v5 =	vsel vm2, s3, v5;
	vm0 =	vgt.f32 v4, v63  }
0x16d: {  	s22 =	sadd.s32 $0x10, s22;
	s23 =	sadd.s32 $0x10, s23;
	s0 =	scvt.f32.s32 s0;
	v5 =	vsel vm3, s4, v5;
	[tilespmem:v8+s2+$0x0 ss:$0x1] =	vst.idx.msk $0xffff, v4;
	v4 =	vsel vm0, v4, v63  }
0x16e: {  	s18 =	sadd.s32 $0x10, s18;
	s17 =	sadd.s32 $0x10, s17;
	s16 =	sadd.s32 $0x10, s16;
	v5 =	vsel vm0, s29, v5;
	[tilespmem:s28+$0x1E00] =	vst v4  }
0x16f: {  	s14 =	sadd.s32 $0x10, s14;
	s13 =	sadd.s32 s0, s13;
	s25 =	sadd.s32 s0, s25;
	[tilespmem:s28+$0x2300] =	vst v5  }
0x170: {  	s0 =	simm.s32 $0x0  }
0x171: {  	v0 =	vimm.f32 $-Inf;
	v2 =	vlaneseq.u32;
	s1 =	simm.s32 $0x0;
	v1 =	vimm.f32 $-Inf;
	s2 =	simm.s32 $0x0;
	s6 =	stileid.u32  }
.LBB2_5:
0x172: {  	s3 =	sadd.s32 $0x0, s1  }
0x173: {  	s4 =	sand.u32 $0x40, s0;
	s3 =	sand.u32 $0x1FF80, s3  }
0x174: {  	s3 =	sor.u32 s4, s3  }
0x175: {  	v6 =	vld [tilespmem:s3+$0x2800]  }
0x176: {  	v7 =	vld [tilespmem:s3+$0x2810]  }
0x177: {  	v8 =	vld [tilespmem:s3+$0x2820]  }
0x178: {  	s30 =	simm.s32 $0x40;
	s5 =	sadd.s32 $0x40, s1;
	v9 =	vld [tilespmem:s3+$0x2830]  }
0x179: {  	s31 =	sand.u32 $0x1FF80, s5;
	s4 =	sand.u32 $0x40, s30  }
0x17a: {  	s4 =	sor.u32 s4, s31  }
0x17b: {  	v3 =	vld [tilespmem:s4+$0x2800]  }
0x17c: {  	v4 =	vld [tilespmem:s4+$0x2810]  }
0x17d: {  	s3 =	simm.s32 $0x80;
	v5 =	vld [tilespmem:s4+$0x2820];
	v7 =	vmax.f32 v6, v7;
	v8 =	vmax.f32 v8, v9;
	v6 =	vimm.f32 $-Inf  }
.LBB2_6:
0x17e: {  	s5 =	sadd.s32 s3, s1;
	v9 =	vld [tilespmem:s4+$0x2830];
	v8 =	vmax.f32 v7, v8;
	p0 =	sne.s32 s3, $0x4C0  }
.Ltmp2:
0x17f: {  	s4 =	sand.u32 $0x1FF80, s5;
	s5 =	sand.u32 $0x40, s3;
	v6 =	vmax.f32 v6, v8;
	(pc) =	sbr.rel @p0 .LBB2_6-.Ltmp2, $4  }
0x180: {  	s4 =	sor.u32 s5, s4;
	v7 =	vmov v3  }
0x181: {  	s3 =	sadd.s32 $0x40, s3;
	v3 =	vld [tilespmem:s4+$0x2800];
	v8 =	vmov v4  }
0x182: {  	v4 =	vld [tilespmem:s4+$0x2810]  }
0x183: {  	v7 =	vmax.f32 v7, v8;
	v8 =	vmax.f32 v5, v9;
	v5 =	vld [tilespmem:s4+$0x2820]  }
0x184: {  	v9 =	vld [tilespmem:s4+$0x2830];
	_ =	sdelay $0x4  }
0x185: {  	v7 =	vmax.f32 v7, v8;
	v3 =	vmax.f32 v3, v4;
	v59 =	vmax.f32 v5, v9  }
0x186: {  	v60 =	vmax.f32 v6, v7;
	v3 =	vmax.f32 v3, v59  }
0x187: {  	v3 =	vmax.f32 v60, v3  }
0x188: {  	(xrf0) =	vmax.scan.msk.f32 $0xffff, v3;
	_ =	sdelay $0x3  }
0x189: {  	v61 =	vmov s2;
	s3 =	sadd.s32 $0xFFFFFFF0, s2;
	s2 =	sadd.s32 $0x1, s2  }
0x18a: {  	p0 =	sne.s32 s2, $0x20  }
.Ltmp3:
0x18b: {  	v3, _, _ =	vpop (xrf0);
	(pc) =	sbr.rel @p0 .LBB2_5-.Ltmp3, $4  }
0x18c: {  	v3 =	vbroadcast v3, $0xF  }
0x18d: {  	vm0 =	veq.s32 v61, v2;
	v62 =	vmov s3  }
0x18e: {  	vm1 =	veq.s32 v62, v2;
	v63 =	vmax.f32 v1, v3;
	v3 =	vmax.f32 v0, v3  }
0x18f: {  	s1 =	sadd.s32 $0x500, s1;
	v1 =	vsel vm0, v63, v1;
	v0 =	vsel vm1, v3, v0  }
0x190: {  	s0 =	sshll.u32 s6, $0x7;
	[tilespmem:$0xE400] =	vst v1;
	s2 =	rddreg [dreg:$0x4];
	s1 =	simm.s32 $0xE400  }
0x191: {  	[tilespmem:$0xE410] =	vst v0;
	s30 =	simm.s32 $0x1;
	[dreg:$0x18] =	wrdreg s0;
	s0 =	sadd.s32 s0, s2  }
0x192: {  	[spmem:s0] =	stream.linear.scatter [tilespmem:s1], [sflag:$0x1], $0x80, $0x38;
	[tilespmem:$0x13D30] =	vst v63  }
0x193: {  	_ =	swait.ge [sflag:s30], $0x80  }
0x194: {  	[sflag:s30] =	ssyncset.done $0x0  }
0x195: {  	[sflag:s30] =	ssyncadd.s32 $0xFFFFFF80  }
0x196: {  	s31 =	simm.s32 $0x12B00;
	[bflag:$0x0] =	sbarrier.arrive $0xFFFF  }
0x197: {  	[tilespmem:s31], [sflag:$0x1] =	stream.linear.gather [spmem:s2], $0x800, $0x38;
	[tilespmem:$0x13D30] =	vst v63  }
0x198: {  	_ =	swait.ge [sflag:s30], $0x800  }
0x199: {  	[sflag:s30] =	ssyncset.done $0x0  }
0x19a: {  	[sflag:s30] =	ssyncadd.s32 $0xFFFFF800  }
0x19b: {  	v0 =	vld [tilespmem:$0x12B00]  }
0x19c: {  	v1 =	vld [tilespmem:$0x12B10]  }
0x19d: {  	v2 =	vld [tilespmem:$0x12B80]  }
0x19e: {  	v3 =	vld [tilespmem:$0x12B90]  }
0x19f: {  	v4 =	vld [tilespmem:$0x12C00]  }
0x1a0: {  	v5 =	vld [tilespmem:$0x12C10]  }
0x1a1: {  	v6 =	vld [tilespmem:$0x12C80]  }
0x1a2: {  	v7 =	vld [tilespmem:$0x12C90]  }
0x1a3: {  	v8 =	vld [tilespmem:$0x12D00]  }
0x1a4: {  	v9 =	vld [tilespmem:$0x12D10]  }
0x1a5: {  	v10 =	vld [tilespmem:$0x12D80]  }
0x1a6: {  	v11 =	vld [tilespmem:$0x12D90]  }
0x1a7: {  	v12 =	vld [tilespmem:$0x12E00]  }
0x1a8: {  	v13 =	vld [tilespmem:$0x12E10]  }
0x1a9: {  	v14 =	vld [tilespmem:$0x12E80]  }
0x1aa: {  	v15 =	vld [tilespmem:$0x12E90]  }
0x1ab: {  	v16 =	vld [tilespmem:$0x12F00]  }
0x1ac: {  	v17 =	vld [tilespmem:$0x12F10]  }
0x1ad: {  	v18 =	vld [tilespmem:$0x12F80]  }
0x1ae: {  	v19 =	vld [tilespmem:$0x12F90]  }
0x1af: {  	v20 =	vld [tilespmem:$0x13000]  }
0x1b0: {  	v21 =	vld [tilespmem:$0x13010]  }
0x1b1: {  	v56 =	vld [tilespmem:$0x13100];
	v0 =	vmax.f32 v0, v2;
	v1 =	vmax.f32 v1, v3  }
0x1b2: {  	v57 =	vld [tilespmem:$0x13110];
	v0 =	vmax.f32 v0, v4;
	v1 =	vmax.f32 v1, v5  }
0x1b3: {  	v58 =	vld [tilespmem:$0x13180];
	v0 =	vmax.f32 v0, v6;
	v1 =	vmax.f32 v1, v7  }
0x1b4: {  	v59 =	vld [tilespmem:$0x13190];
	v0 =	vmax.f32 v0, v8;
	v1 =	vmax.f32 v1, v9  }
0x1b5: {  	v2 =	vld [tilespmem:$0x13080];
	v0 =	vmax.f32 v0, v10;
	v1 =	vmax.f32 v1, v11  }
0x1b6: {  	v3 =	vld [tilespmem:$0x13090];
	v0 =	vmax.f32 v0, v12;
	v1 =	vmax.f32 v1, v13  }
0x1b7: {  	v60 =	vld [tilespmem:$0x13200];
	v0 =	vmax.f32 v0, v14;
	v1 =	vmax.f32 v1, v15  }
0x1b8: {  	v61 =	vld [tilespmem:$0x13210];
	v0 =	vmax.f32 v0, v16;
	v1 =	vmax.f32 v1, v17  }
0x1b9: {  	v62 =	vld [tilespmem:$0x13280];
	v0 =	vmax.f32 v0, v18;
	v1 =	vmax.f32 v1, v19  }
0x1ba: {  	v63 =	vld [tilespmem:$0x13290];
	v0 =	vmax.f32 v0, v20;
	v1 =	vmax.f32 v1, v21  }
0x1bb: {  	v0 =	vmax.f32 v0, v2;
	v1 =	vmax.f32 v1, v3  }
0x1bc: {  	v0 =	vmax.f32 v0, v56;
	v1 =	vmax.f32 v1, v57  }
0x1bd: {  	v0 =	vmax.f32 v0, v58;
	v1 =	vmax.f32 v1, v59  }
0x1be: {  	v0 =	vmax.f32 v0, v60;
	v1 =	vmax.f32 v1, v61  }
0x1bf: {  	v0 =	vmax.f32 v0, v62;
	v1 =	vmax.f32 v1, v63  }
0x1c0: {  	v2 =	vmin.f32 v0, v1  }
0x1c1: {  	(xrf0) =	vmin.scan.msk.f32 $0xffff, v2;
	_ =	sdelay $0x5  }
0x1c2: {  	v2, _, _ =	vpop (xrf0)  }
0x1c3: {  	(v2sf) =	vpush v2, $0xF;
	_ =	sdelay $0x9  }
0x1c4: {  	s8 =	simm.s32 $0x0;
	s9 =	simm.s32 $0x2300  }
0x1c5: {  	s15 =	simm.s32 $0x1E00;
	s16 =	simm.s32 $0x1900;
	s17 =	simm.s32 $0x1400  }
.Ltmp4:
0x1c6: {  	s18 =	simm.s32 $0xF00;
	s19 =	simm.s32 $0xA00;
	(pc) =	sbr.rel .LBB2_9-.Ltmp4, $4  }
0x1c7: {  	s20 =	simm.s32 $0x500;
	s21 =	simm.s32 $0xE100;
	s22 =	simm.s32 $0xE380  }
0x1c8: {  	s23 =	simm.s32 $0x0;
	s5 =	simm.s32 $0x0;
	s6 =	simm.s32 $0x0  }
0x1c9: {  	s24 =	simm.s32 $0x0;
	[dreg:$0x10] =	wrdreg s13;
	[tilespmem:$0xE380] =	vst v0;
	s11 =	spop (v2sf)  }
0x1ca: {  	vm0 =	vmxor vm0, vm0;
	s1 =	simm.s32 $0x0;
	s2 =	simm.s32 $0x0;
	[tilespmem:$0xE390] =	vst v1;
	v0 =	vimm.s32 $0x0;
	[dreg:$0x19] =	wrdreg s11  }
.LBB2_13:
0x1cb: {  	vm1 =	vne.s32 v3, $0x0;
	vm3 =	vge.f32 v2, $6.999999880e-01  }
0x1cc: {  	vm3 =	vmand vm3, vm1  }
0x1cd: {  	vm4 =	vmor vm3, vm2  }
0x1ce: {  	vm2 =	vle.f32 v2, $3.000000120e-01;
	vm3 =	vmneg vm4  }
0x1cf: {  	vm2 =	vmand vm2, vm3  }
0x1d0: {  	vm5 =	vmand vm1, vm2  }
0x1d1: {  	vm2 =	vmneg vm5  }
0x1d2: {  	v2 =	vsel vm2, $0xFFFFFFFF, v0  }
0x1d3: {  	s0 =	sand.u32 $0x780, s25;
	s3 =	sand.u32 $0x70, s25;
	v4 =	vld [tilespmem:s25+$0x2300];
	v2 =	vsel vm4, $0x1, v2  }
0x1d4: {  	s0 =	sadd.s32 s3, s0;
	[tilespmem:s25+$0xC800] =	vst v2;
	v2 =	vld [tilespmem:s25+$0x0]  }
0x1d5: {  	v3 =	vld [tilespmem:s0+$0x500]  }
0x1d6: {  	v5 =	vld [tilespmem:s0+$0xA00]  }
0x1d7: {  	v6 =	vld [tilespmem:s0+$0xF00];
	_ =	sdelay $0x2  }
0x1d8: {  	v7 =	vadd.s32 $0x80, v4  }
0x1d9: {  	v8 =	vadd.s32 $0x100, v4;
	v5 =	vsub.f32 v5, v2  }
0x1da: {  	v9 =	vadd.s32 $0x180, v4;
	v6 =	vsub.f32 v6, v3  }
0x1db: {  	(erf) = vrcp.f32 v5  }
0x1dc: {  	v4 =	vld.idx.msk [tilespmem:v4+s21+$0x0], $0xffff;
	(erf) = vrcp.f32 v6  }
0x1dd: {  	v7 =	vld.idx.msk [tilespmem:v7+s21+$0x0], $0xffff  }
0x1de: {  	v8 =	vld.idx.msk [tilespmem:v8+s21+$0x0], $0xffff  }
0x1df: {  	v9 =	vld.idx.msk [tilespmem:v9+s21+$0x0], $0xffff;
	_ =	sdelay $0x3  }
0x1e0: {  	v8 =	vsub.f32 v8, v4  }
0x1e1: {  	v9 =	vsub.f32 v9, v7;
	v10 =	vpop (erf)  }
0x1e2: {  	v11 =	vpop (erf);
	v12 =	vmul.f32 v8, v10  }
0x1e3: {  	v13 =	vmul.f32 v9, v11  }
0x1e4: {  	v14 =	vand.u32 $0x7FFFFF, v12  }
0x1e5: {  	v14 =	vor.u32 $0x3F800000, v14;
	v15 =	vand.u32 $0x7FFFFF, v13  }
0x1e6: {  	v16 =	vmul.f32 $5.000000000e-01, v14;
	v15 =	vor.u32 $0x3F800000, v15  }
0x1e7: {  	vm3 =	vgt.f32 v14, $1.414213540e+00;
	v17 =	vmul.f32 $5.000000000e-01, v15  }
0x1e8: {  	vm2 =	vgt.f32 v15, $1.414213540e+00;
	v14 =	vsel vm3, v16, v14  }
0x1e9: {  	v15 =	vsel vm2, v17, v15;
	v47 =	vadd.f32 $1.000000000e+00, v14  }
0x1ea: {  	v48 =	vadd.f32 $1.000000000e+00, v15  }
0x1eb: {  	v1 =	vcvt.s32.f32 v1;
	v46 =	vsel vm4, $0x3F800000, v0;
	(erf) = vrcp.f32 v47  }
0x1ec: {  	(xrf2) =	vadd.scan.msk.f32 $0xffff, v46;
	v49 =	vsel vm5, $0x3F800000, v0;
	(erf) = vrcp.f32 v48  }
0x1ed: {  	v18 =	vnsel vm4, $0x0, v1;
	(xrf2) =	vadd.scan.msk.f32 $0xffff, v49  }
0x1ee: {  	(xrf2) =	vadd.scan.msk.f32 $0xffff, v18;
	_ =	sdelay $0x2  }
0x1ef: {  	v1 =	vnsel vm5, $0x0, v1  }
0x1f0: {  	(xrf2) =	vadd.scan.msk.f32 $0xffff, v1  }
0x1f1: {  	v14 =	vadd.f32 $-1.000000000e+00, v14  }
0x1f2: {  	v15 =	vadd.f32 $-1.000000000e+00, v15;
	v50 =	vpop (erf)  }
0x1f3: {  	v14 =	vmul.f32 v50, v14;
	v51 =	vpop (erf)  }
0x1f4: {  	v1, _, _ =	vpop (xrf2);
	v15 =	vmul.f32 v51, v15  }
0x1f5: {  	(v2sf) =	vpush v1, $0xF;
	v17, _, _ =	vpop (xrf2);
	v52 =	vmul.f32 v14, v14  }
0x1f6: {  	v1, _, _ =	vpop (xrf2);
	(v2sf) =	vpush v17, $0xF;
	v53 =	vmul.f32 v15, v15  }
0x1f7: {  	(v2sf) =	vpush v1, $0xF;
	v1 =	vmul.f32 $2.222222240e-01, v52  }
0x1f8: {  	v56 =	vmul.f32 $5.000000000e-01, v9;
	v55 =	vmul.f32 $2.222222240e-01, v53  }
0x1f9: {  	v6 =	vmul.f32 $5.000000000e-01, v6;
	v1 =	vadd.f32 $2.857142980e-01, v1  }
0x1fa: {  	v58 =	vadd.f32 v56, v7;
	v54, _, _ =	vpop (xrf2);
	v18 =	vadd.f32 $2.857142980e-01, v55  }
0x1fb: {  	v3 =	vadd.f32 v6, v3;
	(v2sf) =	vpush v54, $0xF;
	v1 =	vmul.f32 v1, v52  }
0x1fc: {  	v5 =	vmul.f32 $5.000000000e-01, v5;
	v57 =	vmul.f32 v18, v53  }
0x1fd: {  	v3 =	vsub.f32 v58, v3;
	v8 =	vmul.f32 $5.000000000e-01, v8;
	v1 =	vadd.f32 $4.000000060e-01, v1  }
0x1fe: {  	v2 =	vadd.f32 v5, v2;
	v59 =	vadd.f32 $4.000000060e-01, v57  }
0x1ff: {  	v3 =	vmul.f32 v3, v11;
	v4 =	vadd.f32 v8, v4;
	v1 =	vmul.f32 v1, v52  }
0x200: {  	v60 =	vshrl.u32 v12, $0x17;
	v62 =	vshrl.u32 v13, $0x17;
	v5 =	vmul.f32 v59, v53  }
0x201: {  	v2 =	vsub.f32 v4, v2;
	v4 =	vand.u32 $0xFF, v60;
	v1 =	vadd.f32 $6.666666860e-01, v1  }
0x202: {  	v6 =	vand.u32 $0xFF, v62;
	v61 =	vsel vm3, $0x1, v0;
	v5 =	vadd.f32 $6.666666860e-01, v5  }
0x203: {  	v4 =	vadd.s32 v61, v4;
	v63 =	vsel vm2, $0x1, v0;
	v1 =	vmul.f32 v1, v52  }
0x204: {  	v6 =	vadd.s32 v63, v6;
	v4 =	vadd.s32 $0xFFFFFF81, v4;
	v5 =	vmul.f32 v5, v53  }
0x205: {  	s24 =	sadd.s32 $0x1, s24;
	s23 =	sadd.s32 $0x1, s23;
	v4 =	vcvt.s32.f32 v4;
	v6 =	vadd.s32 $0xFFFFFF81, v6;
	v1 =	vadd.f32 $2.000000000e+00, v1  }
0x206: {  	s9 =	sadd.s32 $0x10, s9;
	s15 =	sadd.s32 $0x10, s15;
	s16 =	sadd.s32 $0x10, s16;
	v2 =	vmul.f32 v2, v10;
	v6 =	vcvt.s32.f32 v6;
	v5 =	vadd.f32 $2.000000000e+00, v5  }
0x207: {  	s17 =	sadd.s32 $0x10, s17;
	s18 =	sadd.s32 $0x10, s18;
	s28 =	spop (v2sf);
	v4 =	vmul.f32 $6.931471820e-01, v4;
	v1 =	vmul.f32 v1, v14  }
0x208: {  	p0 =	sne.s32 s24, $0x50;
	s3 =	scvt.f32.s32 s28;
	v6 =	vmul.f32 $6.931471820e-01, v6;
	s4 =	spop (v2sf);
	v5 =	vmul.f32 v5, v15  }
.Ltmp5:
0x209: {  	s19 =	sadd.s32 $0x10, s19;
	v2 =	vnsel vm1, $0x0, v2;
	s7 =	spop (v2sf);
	v1 =	vadd.f32 v1, v4;
	(pc) =	sbr.rel @!p0 .LBB2_14-.Ltmp5, $4  }
0x20a: {  	s20 =	sadd.s32 $0x10, s20;
	[tilespmem:s25+$0xF700] =	vst v2;
	v2 =	vnsel vm1, $0x0, v3;
	s4 =	scvt.f32.s32 s4;
	s10 =	spop (v2sf);
	v3 =	vadd.f32 v5, v6  }
0x20b: {  	s30 =	sadd.s32 $0xA00, s0;
	[tilespmem:s0+$0xFC00] =	vst v2;
	s7 =	scvt.f32.s32 s7;
	s29 =	scvt.f32.s32 s10;
	v1 =	vnsel vm1, $0x0, v1  }
0x20c: {  	s8 =	sadd.s32 $0x10, s8;
	s31 =	sadd.s32 $0xF00, s0;
	s6 =	sadd.s32 s3, s6;
	[tilespmem:s30+$0xF700] =	vst v1;
	v1 =	vnsel vm1, $0x0, v3  }
0x20d: {  	s5 =	sadd.s32 s4, s5;
	s2 =	sadd.s32 s7, s2;
	s1 =	sadd.s32 s29, s1;
	[tilespmem:s31+$0xF700] =	vst v1  }
.LBB2_9:
0x20e: {  	s25 =	sshll.u32 s24, $0x4  }
0x20f: {  	v2 =	vld [tilespmem:s25+$0x1E00];
	_ =	sdelay $0x4  }
0x210: {  	(xrf0) =	vmax.scan.msk.f32 $0xffff, v2;
	_ =	sdelay $0x5  }
0x211: {  	v1, _, _ =	vpop (xrf0)  }
0x212: {  	(v2sf) =	vpush v1, $0xF;
	_ =	sdelay $0xe  }
0x213: {  	s0 =	spop (v2sf)  }
0x214: {  	p0 =	sge.f32 s0, s11  }
.Ltmp6:
0x215: {  	v3 =	vld [tilespmem:s25+$0x1400];
	(pc) =	sbr.rel @!p0 .LBB2_13-.Ltmp6, $2  }
0x216: {  	_ =	sdelay $0x2  }
0x217: {  	vm2 =	vmmov vm0;
	v1 =	vld [tilespmem:s25+$0x1900]  }
0x218: {  	s3 =	simm.s32 $0x7  }
0x219: {  	s0 =	sand.u32 $0x7, s23;
	v4 =	vmov s3  }
0x21a: {  	s28 =	sand.u32 $0x3FFFFF80, s17;
	s0 =	sshll.u32 s0, $0x6  }
0x21b: {  	s12 =	sand.u32 $0x3FFFFF80, s18;
	s29 =	simm.s32 $0x0;
	[dreg:$0x8] =	wrdreg s0  }
0x21c: {  	s4 =	sand.u32 $0x3FFFFF80, s8;
	s31 =	simm.s32 $0x3;
	v5 =	vmov s29;
	s13 =	rddreg [dreg:$0x8]  }
0x21d: {  	s14 =	simm.s32 $0x5;
	s4 =	sadd.s32 $0x2800, s4;
	v9 =	vmov s31;
	v5 =	vand.u32 $0xFFFFFFF8, v5;
	s3 =	sshrl.u32 s13, $0x2  }
0x21e: {  	s10 =	sand.u32 $0x3FFFFF80, s20;
	s12 =	sadd.s32 $0x2800, s12;
	v11 =	vmov s14;
	v9 =	vand.u32 $0xFFFFFFFB, v9;
	v5 =	vbroadcast v5, $0x0;
	s29 =	sadd.s32 s3, s4;
	v6 =	vld.idx.msk [tilespmem:v4+s22+$0x0], $0xffff  }
0x21f: {  	s11 =	sand.u32 $0x3FFFFF80, s19;
	s10 =	sadd.s32 $0x2800, s10;
	v11 =	vand.u32 $0xFFFFFFFD, v11;
	v9 =	vbroadcast v9, $0x0;
	s31 =	sadd.s32 s3, s12;
	v7 =	vld [tilespmem:s29+$0x0]  }
0x220: {  	s30 =	simm.s32 $0x1;
	s28 =	sadd.s32 $0x2800, s28;
	v11 =	vbroadcast v11, $0x0;
	s29 =	sadd.s32 s3, s10;
	v20 =	vld [tilespmem:s31+$0x0]  }
0x221: {  	s11 =	sadd.s32 $0x2800, s11;
	v4 =	vmov s30;
	s30 =	simm.s32 $0x2;
	s31 =	sadd.s32 s3, s28;
	v18 =	vld [tilespmem:s29+$0x0]  }
0x222: {  	s7 =	sand.u32 $0x3FFFFF80, s9;
	v8 =	vmov s30;
	v4 =	vand.u32 $0xFFFFFFF9, v4;
	s29 =	sadd.s32 s3, s11;
	s30 =	simm.s32 $0x4;
	v21 =	vld [tilespmem:s31+$0x0]  }
0x223: {  	v8 =	vand.u32 $0xFFFFFFFA, v8;
	v4 =	vbroadcast v4, $0x0;
	v19 =	vld [tilespmem:s29+$0x0];
	v10 =	vmov s30;
	s30 =	sadd.s32 $0x2800, s7;
	s7 =	simm.s32 $0x6  }
0x224: {  	s26 =	sand.u32 $0x3FFFFF80, s16;
	v8 =	vbroadcast v8, $0x0;
	v10 =	vand.u32 $0xFFFFFFFC, v10;
	v12 =	vmov s7;
	v5 =	vld.idx.msk [tilespmem:v5+s22+$0x0], $0xffff  }
0x225: {  	s29 =	sadd.s32 $0x2800, s26;
	v25 =	vld.idx.msk [tilespmem:v9+s22+$0x0], $0xffff;
	v10 =	vbroadcast v10, $0x0;
	v12 =	vand.u32 $0xFFFFFFFE, v12  }
0x226: {  	s13 =	sadd.s32 s3, s29;
	v27 =	vld.idx.msk [tilespmem:v11+s22+$0x0], $0xffff;
	v12 =	vbroadcast v12, $0x0  }
0x227: {  	s14 =	sadd.s32 s3, s30;
	v22 =	vld [tilespmem:s13+$0x0]  }
0x228: {  	s26 =	simm.s32 $0xF;
	v23 =	vld [tilespmem:s14+$0x0]  }
0x229: {  	vm1 =	vne.s32 v3, $0x0;
	s7 =	simm.s32 $0x8;
	s14 =	simm.s32 $0x9;
	s13 =	simm.s32 $0xB;
	v24 =	vld.idx.msk [tilespmem:v4+s22+$0x0], $0xffff;
	v4 =	vmov s26  }
0x22a: {  	s0 =	simm.s32 $0xA;
	s31 =	sand.u32 $0x3FFFFF80, s15;
	v9 =	vmov s7;
	s7 =	simm.s32 $0xC;
	v13 =	vmov s14;
	v14 =	vmov s13;
	v8 =	vld.idx.msk [tilespmem:v8+s22+$0x0], $0xffff  }
0x22b: {  	v15 =	vmov s7;
	s14 =	simm.s32 $0xD;
	s13 =	simm.s32 $0xE;
	v11 =	vand.u32 $0xFFFFFFF8, v9;
	v26 =	vld.idx.msk [tilespmem:v10+s22+$0x0], $0xffff;
	v10 =	vmov s0;
	s0 =	sadd.s32 $0x2800, s31  }
0x22c: {  	v17 =	vmov s14;
	v9 =	vmov s13;
	v29 =	vand.u32 $0xFFFFFFFB, v14;
	s26 =	rddreg [dreg:$0x8];
	v28 =	vld.idx.msk [tilespmem:v12+s22+$0x0], $0xffff;
	s14 =	sadd.s32 s3, s0  }
0x22d: {  	s4 =	sadd.s32 $0x2800, s4;
	v11 =	vbroadcast v11, $0x0;
	v16 =	vand.u32 $0xFFFFFFFC, v15;
	v12 =	vand.u32 $0xFFFFFFF9, v13;
	s3 =	sshrl.u32 s26, $0x2;
	v30 =	vld [tilespmem:s14+$0x0]  }
0x22e: {  	s10 =	sadd.s32 $0x2800, s10;
	v17 =	vand.u32 $0xFFFFFFFD, v17;
	v13 =	vand.u32 $0xFFFFFFFA, v10;
	s26 =	sadd.s32 s3, s4;
	v10 =	vbroadcast v12, $0x0;
	v12 =	vld.idx.msk [tilespmem:v4+s22+$0x0], $0xffff  }
0x22f: {  	s11 =	sadd.s32 $0x2800, s11;
	vm2 =	veq.f32 v7, v5;
	vm6 =	veq.f32 v20, v25;
	vm5 =	veq.f32 v23, v6;
	s13 =	sadd.s32 s3, s10;
	v15 =	vld [tilespmem:s26+$0x0]  }
0x230: {  	s28 =	sadd.s32 $0x2800, s28;
	vm8 =	veq.f32 v22, v27;
	v6 =	vimm.s32 $0x0;
	v14 =	vbroadcast v13, $0x0;
	s14 =	sadd.s32 s3, s11;
	v4 =	vld [tilespmem:s13+$0x0]  }
0x231: {  	v13 =	vbroadcast v29, $0x0;
	vm3 =	veq.f32 v18, v24;
	s26 =	sadd.s32 $0x2800, s12;
	v5 =	vld [tilespmem:s14+$0x0];
	s14 =	sadd.s32 s3, s28;
	vm4 =	veq.f32 v19, v8  }
0x232: {  	s29 =	sadd.s32 $0x2800, s29;
	s13 =	sadd.s32 s3, s26;
	vm2 =	vmor vm2, vm3;
	v8 =	vld [tilespmem:s14+$0x0];
	vm7 =	veq.f32 v21, v26;
	vm9 =	veq.f32 v30, v28  }
0x233: {  	s30 =	sadd.s32 $0x2800, s30;
	s31 =	simm.s32 $0x17;
	s12 =	sadd.s32 s3, s29;
	v7 =	vld [tilespmem:s13+$0x0];
	vm3 =	vmor vm4, vm6;
	vm4 =	vmor vm7, vm8;
	vm5 =	vmor vm9, vm5  }
.LBB2_11:
0x234: {  	v16 =	vbroadcast v16, $0x0;
	v18 =	vld [tilespmem:s12+$0x0];
	v9 =	vand.u32 $0xFFFFFFFE, v9  }
0x235: {  	s7 =	sadd.s32 s3, s30;
	v22 =	vld.idx.msk [tilespmem:v11+s22+$0x0], $0xffff;
	v11 =	vbroadcast v9, $0x0  }
0x236: {  	v21 =	vld [tilespmem:s7+$0x0];
	v19 =	vmov v12;
	v12 =	vbroadcast v17, $0x0  }
0x237: {  	vm2 =	vmor vm2, vm3;
	vm3 =	vmor vm4, vm5;
	v23 =	vld.idx.msk [tilespmem:v10+s22+$0x0], $0xffff  }
0x238: {  	s14 =	sadd.s32 $0xFFFFFFFA, s31;
	vm2 =	vmor vm2, vm3;
	v24 =	vld.idx.msk [tilespmem:v14+s22+$0x0], $0xffff  }
0x239: {  	v14 =	vmov s31;
	v25 =	vld.idx.msk [tilespmem:v13+s22+$0x0], $0xffff;
	v10 =	vmov s14;
	s7 =	sadd.s32 $0xFFFFFFFB, s31;
	vm2 =	vmand vm1, vm2  }
0x23a: {  	s13 =	sadd.s32 $0xFFFFFFF9, s31;
	s14 =	sadd.s32 $0xFFFFFFFC, s31;
	v13 =	vmov s7;
	v10 =	vand.u32 $0xFFFFFFF9, v10;
	v9 =	vsel vm2, $0x1, v0;
	v26 =	vld.idx.msk [tilespmem:v16+s22+$0x0], $0xffff  }
0x23b: {  	s0 =	sadd.s32 $0x2800, s0;
	v20 =	vmovc v15;
	v15 =	vmov s14;
	s14 =	sadd.s32 $0xFFFFFFFF, s31;
	v6 =	vor.u32 v9, v6;
	v9 =	vmov s13;
	v28 =	vld.idx.msk [tilespmem:v11+s22+$0x0], $0xffff  }
0x23c: {  	s12 =	rddreg [dreg:$0x8];
	v13 =	vand.u32 $0xFFFFFFFA, v13;
	s13 =	sadd.s32 $0xFFFFFFFD, s31;
	v27 =	vld.idx.msk [tilespmem:v12+s22+$0x0], $0xffff;
	v12 =	vand.u32 $0xFFFFFFF8, v9;
	v9 =	vmov s14;
	s14 =	sadd.s32 s3, s0  }
0x23d: {  	s4 =	sadd.s32 $0x2800, s4;
	v10 =	vbroadcast v10, $0x0;
	v29 =	vand.u32 $0xFFFFFFFB, v15;
	v16 =	vmov s13;
	s13 =	sadd.s32 $0xFFFFFFFE, s31;
	s3 =	sshrl.u32 s12, $0x2;
	v30 =	vld [tilespmem:s14+$0x0]  }
0x23e: {  	p0 =	sne.s32 s31, $0x1F;
	s10 =	sadd.s32 $0x2800, s10;
	vm2 =	veq.f32 v20, v22;
	v17 =	vmov s13;
	v11 =	vbroadcast v12, $0x0;
	s13 =	sadd.s32 s3, s4;
	v12 =	vld.idx.msk [tilespmem:v14+s22+$0x0], $0xffff  }
.Ltmp7:
0x23f: {  	s11 =	sadd.s32 $0x2800, s11;
	vm3 =	veq.f32 v4, v23;
	vm5 =	veq.f32 v21, v19;
	vm4 =	veq.f32 v5, v24;
	s14 =	sadd.s32 s3, s10;
	v15 =	vld [tilespmem:s13+$0x0];
	(pc) =	sbr.rel @p0 .LBB2_11-.Ltmp7, $4  }
0x240: {  	s26 =	sadd.s32 $0x2800, s26;
	vm6 =	veq.f32 v7, v25;
	v16 =	vand.u32 $0xFFFFFFFC, v16;
	vm2 =	vmor vm2, vm3;
	s12 =	sadd.s32 s3, s11;
	v4 =	vld [tilespmem:s14+$0x0]  }
0x241: {  	s28 =	sadd.s32 $0x2800, s28;
	vm3 =	vmor vm4, vm6;
	v17 =	vand.u32 $0xFFFFFFFD, v17;
	v14 =	vbroadcast v13, $0x0;
	s13 =	sadd.s32 s3, s26;
	v5 =	vld [tilespmem:s12+$0x0]  }
0x242: {  	s29 =	sadd.s32 $0x2800, s29;
	vm7 =	veq.f32 v8, v26;
	s14 =	sadd.s32 s3, s28;
	v7 =	vld [tilespmem:s13+$0x0];
	vm8 =	veq.f32 v18, v27;
	vm9 =	veq.f32 v30, v28  }
0x243: {  	s30 =	sadd.s32 $0x2800, s30;
	s31 =	sadd.s32 $0x8, s31;
	v13 =	vbroadcast v29, $0x0;
	s12 =	sadd.s32 s3, s29;
	v8 =	vld [tilespmem:s14+$0x0];
	vm4 =	vmor vm7, vm8;
	vm5 =	vmor vm9, vm5  }
0x244: {  	_ =	sdelay $0x2  }
0x245: {  	v18 =	vld [tilespmem:s12+$0x0]  }
0x246: {  	v16 =	vbroadcast v16, $0x0;
	v11 =	vld.idx.msk [tilespmem:v11+s22+$0x0], $0xffff  }
0x247: {  	v17 =	vbroadcast v17, $0x0;
	v9 =	vand.u32 $0xFFFFFFFE, v9;
	v10 =	vld.idx.msk [tilespmem:v10+s22+$0x0], $0xffff  }
0x248: {  	s4 =	sadd.s32 s3, s30;
	v14 =	vld.idx.msk [tilespmem:v14+s22+$0x0], $0xffff;
	v9 =	vbroadcast v9, $0x0  }
0x249: {  	s0 =	sadd.s32 $0x2800, s0;
	v19 =	vld [tilespmem:s4+$0x0]  }
0x24a: {  	v13 =	vld.idx.msk [tilespmem:v13+s22+$0x0], $0xffff;
	s0 =	sadd.s32 s3, s0  }
0x24b: {  	v20 =	vld [tilespmem:s0+$0x0]  }
0x24c: {  	v16 =	vld.idx.msk [tilespmem:v16+s22+$0x0], $0xffff  }
0x24d: {  	v17 =	vld.idx.msk [tilespmem:v17+s22+$0x0], $0xffff  }
0x24e: {  	v9 =	vld.idx.msk [tilespmem:v9+s22+$0x0], $0xffff;
	_ =	sdelay $0x1  }
0x24f: {  	vm2 =	vmor vm2, vm3;
	vm3 =	vmor vm4, vm5  }
0x250: {  	vm15 =	veq.f32 v15, v11;
	vm12 =	veq.f32 v4, v10;
	vm7 =	veq.f32 v5, v14  }
0x251: {  	vm6 =	veq.f32 v19, v12;
	vm8 =	veq.f32 v7, v13;
	vm4 =	vmor vm15, vm12  }
0x252: {  	vm9 =	veq.f32 v8, v16;
	vm10 =	veq.f32 v18, v17;
	vm13 =	veq.f32 v20, v9  }
0x253: {  	vm7 =	vmor vm7, vm8;
	vm14 =	vmor vm9, vm10;
	vm5 =	vmor vm13, vm6  }
0x254: {  	vm2 =	vmor vm2, vm3;
	vm3 =	vmor vm4, vm7;
	vm15 =	vmor vm14, vm5  }
.Ltmp8:
0x255: {  	vm2 =	vmand vm1, vm2;
	vm3 =	vmor vm3, vm15;
	(pc) =	sbr.rel .LBB2_13-.Ltmp8, $4  }
0x256: {  	v4 =	vsel vm2, $0x1, v0;
	vm1 =	vmand vm1, vm3  }
0x257: {  	v4 =	vor.u32 v4, v6;
	v5 =	vsel vm1, $0x1, v0  }
0x258: {  	s13 =	rddreg [dreg:$0x10];
	v4 =	vor.u32 v5, v4  }
0x259: {  	s11 =	rddreg [dreg:$0x19];
	vm2 =	vne.s32 v4, $0x0  }
.LBB2_14:
0x25a: {  	s0 =	rddreg [dreg:$0x9]  }
0x25b: {  	s8 =	rddreg [dreg:$0xf];
	s3 =	simm.s32 $0x0  }
0x25c: {  	s4 =	simm.s32 $0xF700;
	s14 =	simm.s32 $0x1;
	s0 =	sadd.s32 s8, s0  }
0x25d: {  	[hbm4b:s0+s3] =	stream.linear.scatter [tilespmem:s4], [sflag:$0x1], $0x500, $0x38;
	[tilespmem:$0x13D30] =	vst v63  }
0x25e: {  	_ =	swait.ge [sflag:s14], $0x500  }
0x25f: {  	[sflag:s14] =	ssyncset.done $0x0;
	s15 =	rddreg [dreg:$0xc]  }
0x260: {  	s7 =	simm.s32 $0xFC00;
	s4 =	sadd.s32 s8, s15;
	[sflag:s14] =	ssyncadd.s32 $0xFFFFFB00  }
0x261: {  	[hbm4b:s4+s3] =	stream.linear.scatter [tilespmem:s7], [sflag:$0x1], $0x500, $0x38;
	[tilespmem:$0x13D30] =	vst v63  }
0x262: {  	_ =	swait.ge [sflag:s14], $0x500  }
0x263: {  	[sflag:s14] =	ssyncset.done $0x0;
	s16 =	rddreg [dreg:$0xe]  }
0x264: {  	s17 =	simm.s32 $0x10100;
	s4 =	sadd.s32 s8, s16;
	[sflag:s14] =	ssyncadd.s32 $0xFFFFFB00  }
0x265: {  	[hbm4b:s4+s3] =	stream.linear.scatter [tilespmem:s17], [sflag:$0x1], $0x500, $0x38;
	[tilespmem:$0x13D30] =	vst v63  }
0x266: {  	_ =	swait.ge [sflag:s14], $0x500  }
0x267: {  	[sflag:s14] =	ssyncset.done $0x0;
	s18 =	rddreg [dreg:$0xd]  }
0x268: {  	v0 =	vmov s13;
	vm0 =	vcmask $0x300;
	s19 =	simm.s32 $0x10600;
	s4 =	sadd.s32 s8, s18;
	[sflag:s14] =	ssyncadd.s32 $0xFFFFFB00  }
0x269: {  	vm1 =	vcmask $0x704;
	v0 =	vnsel vm0, $0x0, v0;
	[hbm4b:s4+s3] =	stream.linear.scatter [tilespmem:s19], [sflag:$0x1], $0x500, $0x38;
	[tilespmem:$0x13D30] =	vst v63  }
0x26a: {  	vm2 =	vcmask $0xB08;
	v0 =	vsel vm1, s6, v0;
	_ =	swait.ge [sflag:s14], $0x500  }
0x26b: {  	vm3 =	vcmask $0xF0C;
	v0 =	vsel vm2, s5, v0;
	[sflag:s14] =	ssyncset.done $0x0  }
0x26c: {  	vm4 =	vcmask $0x1310;
	v0 =	vsel vm3, s2, v0;
	s21 =	rddreg [dreg:$0x18];
	[sflag:s14] =	ssyncadd.s32 $0xFFFFFB00  }
0x26d: {  	v0 =	vsel vm4, s1, v0;
	s20 =	rddreg [dreg:$0x5]  }
0x26e: {  	s22 =	simm.s32 $0xE480;
	[tilespmem:$0xE480] =	vst v0;
	s1 =	sadd.s32 s21, s20  }
0x26f: {  	[spmem:s1] =	stream.linear.scatter [tilespmem:s22], [sflag:$0x1], $0x80, $0x38;
	[tilespmem:$0x13D30] =	vst v63  }
0x270: {  	_ =	swait.ge [sflag:s14], $0x80  }
0x271: {  	[sflag:s14] =	ssyncset.done $0x0  }
0x272: {  	[sflag:s14] =	ssyncadd.s32 $0xFFFFFF80  }
0x273: {  	s23 =	simm.s32 $0x13300;
	[bflag:$0x0] =	sbarrier.arrive $0xFFFF  }
0x274: {  	[tilespmem:s23], [sflag:$0x1] =	stream.linear.gather [spmem:s20], $0x800, $0x38;
	[tilespmem:$0x13D30] =	vst v63  }
0x275: {  	_ =	swait.ge [sflag:s14], $0x800  }
0x276: {  	[sflag:s14] =	ssyncset.done $0x0  }
0x277: {  	[sflag:s14] =	ssyncadd.s32 $0xFFFFF800  }
0x278: {  	v0 =	vld [tilespmem:s23+$0x0];
	_ =	sdelay $0x3  }
0x279: {  	vm5 =	vcmask $0xB10  }
0x27a: {  	vm6 =	vcmask $0xF14;
	v1 =	vsel vm5, $0x0, v0  }
0x27b: {  	vm7 =	vcmask $0x308;
	v2 =	vsel vm6, $0x0, v0;
	v1 =	vcvt.s32.f32 v1  }
0x27c: {  	vm8 =	vcmask $0x70C;
	v3 =	vsel vm7, $0x0, v0;
	v2 =	vcvt.s32.f32 v2  }
0x27d: {  	(xrf2) =	vadd.scan.msk.f32 $0xffff, v1;
	v1 =	vcvt.s32.f32 v3;
	v3 =	vsel vm8, $0x0, v0  }
0x27e: {  	(xrf2) =	vadd.scan.msk.f32 $0xffff, v2;
	v2 =	vcvt.s32.f32 v3  }
0x27f: {  	(xrf2) =	vadd.scan.msk.f32 $0xffff, v1  }
0x280: {  	(xrf2) =	vadd.scan.msk.f32 $0xffff, v2;
	_ =	sdelay $0x1  }
0x281: {  	vm9 =	vmmov $0x1  }
0x282: {  	v0 =	vnsel vm9, $0x0, v0  }
0x283: {  	v0 =	vcvt.s32.f32 v0  }
0x284: {  	s24 =	simm.s32 $0x13380  }
0x285: {  	(xrf2) =	vadd.scan.msk.f32 $0xffff, v0;
	v0 =	vld [tilespmem:s24+$0x0]  }
0x286: {  	v1, _, _ =	vpop (xrf2)  }
0x287: {  	v2, _, _ =	vpop (xrf2);
	(v2sf) =	vpush v1, $0xF  }
0x288: {  	v1, _, _ =	vpop (xrf2);
	(v2sf) =	vpush v2, $0xF  }
0x289: {  	(v2sf) =	vpush v1, $0xF;
	v1, _, _ =	vpop (xrf2)  }
0x28a: {  	s25 =	simm.s32 $0x13400;
	(v2sf) =	vpush v1, $0xF;
	v1 =	vsel vm5, $0x0, v0  }
0x28b: {  	v3 =	vsel vm6, $0x0, v0;
	v2 =	vld [tilespmem:s25+$0x0];
	v1 =	vcvt.s32.f32 v1  }
0x28c: {  	v4 =	vsel vm7, $0x0, v0;
	v3 =	vcvt.s32.f32 v3  }
0x28d: {  	(xrf2) =	vadd.scan.msk.f32 $0xffff, v1;
	v1 =	vcvt.s32.f32 v4;
	v4 =	vsel vm8, $0x0, v0  }
0x28e: {  	(xrf2) =	vadd.scan.msk.f32 $0xffff, v3;
	v3 =	vcvt.s32.f32 v4  }
0x28f: {  	v0 =	vnsel vm9, $0x0, v0;
	(xrf2) =	vadd.scan.msk.f32 $0xffff, v1  }
0x290: {  	v0 =	vcvt.s32.f32 v0;
	v1 =	vsel vm5, $0x0, v2;
	(xrf2) =	vadd.scan.msk.f32 $0xffff, v3  }
0x291: {  	v1 =	vcvt.s32.f32 v1;
	v3 =	vsel vm6, $0x0, v2  }
0x292: {  	(xrf2) =	vadd.scan.msk.f32 $0xffff, v0;
	v0 =	vcvt.s32.f32 v3;
	v3 =	vsel vm7, $0x0, v2  }
0x293: {  	(xrf2) =	vadd.scan.msk.f32 $0xffff, v1;
	v1 =	vcvt.s32.f32 v3;
	_ =	sdelay $0x2  }
0x294: {  	v4, _, _ =	vpop (xrf2);
	(xrf2) =	vadd.scan.msk.f32 $0xffff, v0  }
0x295: {  	(v2sf) =	vpush v4, $0xF;
	(xrf2) =	vadd.scan.msk.f32 $0xffff, v1;
	v1, _, _ =	vpop (xrf2)  }
0x296: {  	s26 =	spop (v2sf);
	v3, _, _ =	vpop (xrf2);
	(v2sf) =	vpush v1, $0xF  }
0x297: {  	s28 =	spop (v2sf);
	v4, _, _ =	vpop (xrf2);
	(v2sf) =	vpush v3, $0xF  }
0x298: {  	s29 =	spop (v2sf);
	v6, _, _ =	vpop (xrf2);
	(v2sf) =	vpush v4, $0xF  }
0x299: {  	s9 =	simm.s32 $0x13480;
	s30 =	spop (v2sf);
	(v2sf) =	vpush v6, $0xF  }
0x29a: {  	v5 =	vsel vm8, $0x0, v2;
	v0 =	vld [tilespmem:s9+$0x0]  }
0x29b: {  	v1 =	vcvt.s32.f32 v5  }
0x29c: {  	s11 =	simm.s32 $0x1  }
0x29d: {  	s13 =	simm.s32 $0x0;
	s21 =	stileid.u32;
	v2 =	vnsel vm9, $0x0, v2;
	s0 =	scvt.f32.s32 s26;
	(xrf2) =	vadd.scan.msk.f32 $0xffff, v1  }
0x29e: {  	s7 =	simm.s32 $0x3;
	v2 =	vcvt.s32.f32 v2;
	s2 =	scvt.f32.s32 s28;
	s8 =	scvt.f32.s32 s29  }
0x29f: {  	s1 =	simm.s32 $0x2;
	p0 =	sgt.u32 s21, $0x0;
	v3 =	vsel vm5, $0x0, v0;
	s10 =	scvt.f32.s32 s30  }
0x2a0: {  	s0 =	sadd.s32 $0x0, s0;
	s2 =	sadd.s32 $0x0, s2;
	v3 =	vcvt.s32.f32 v3;
	s31 =	smul.u32 s8, s3;
	(xrf2) =	vadd.scan.msk.f32 $0xffff, v2  }
0x2a1: {  	s6 =	sadd.s32 $0x0, s8;
	v5, _, _ =	vpop (xrf2);
	s8 =	simm.s32 @!p0 $0x0;
	s5 =	sadd.s32 $0x0, s10  }
0x2a2: {  	s12 =	smul.u32 s10, s3;
	v1, _, _ =	vpop (xrf2);
	s10 =	simm.s32 @!p0 $0x0;
	s8 =	sadd.s32 $0x0, s8  }
0x2a3: {  	v4 =	vsel vm6, $0x0, v0;
	p0 =	por p0, p0;
	(xrf2) =	vadd.scan.msk.f32 $0xffff, v3;
	s4 =	sadd.s32 s31, s0;
	s0 =	sadd.s32 $0x0, s10;
	v2, _, _ =	vpop (xrf2)  }
0x2a4: {  	v4 =	vcvt.s32.f32 v4;
	(v2sf) =	vpush v5, $0xF;
	s10 =	simm.s32 $0x4;
	s2 =	sadd.s32 s12, s2;
	v3, _, _ =	vpop (xrf2);
	s17 =	spop (v2sf)  }
.LBB2_15:
0x2a5: {  	p1 =	sne.s32 s10, $0xF;
	(v2sf) =	vpush v1, $0xF;
	s12 =	spop (v2sf)  }
0x2a6: {  	v1 =	vsel vm7, $0x0, v0;
	(xrf2) =	vadd.scan.msk.f32 $0xffff, v4;
	(v2sf) =	vpush v2, $0xF;
	s14 =	spop (v2sf)  }
0x2a7: {  	p2 =	slt.u32 s11, s21;
	s15 =	scvt.f32.s32 s17;
	v1 =	vcvt.s32.f32 v1;
	(v2sf) =	vpush v3, $0xF;
	v2, _, _ =	vpop (xrf2);
	s11 =	spop (v2sf)  }
0x2a8: {  	s9 =	sadd.s32 $0x80, s9;
	(v2sf) =	vpush v2, $0xF;
	s11 =	scvt.f32.s32 s11;
	s16 =	spop (v2sf)  }
0x2a9: {  	s12 =	scvt.f32.s32 s12;
	s3 =	sadd.s32 s15, s3;
	v2 =	vsel vm8, $0x0, v0;
	(xrf2) =	vadd.scan.msk.f32 $0xffff, v1;
	s16 =	scvt.f32.s32 s16  }
0x2aa: {  	s14 =	scvt.f32.s32 s14;
	v2 =	vcvt.s32.f32 v2;
	v3 =	vld [tilespmem:s9+$0x0];
	v5, _, _ =	vpop (xrf2);
	s6 =	sadd.s32 s11, s6;
	s17 =	smul.u32 s11, s3  }
0x2ab: {  	s15 =	simm.s32 @!p0 $0x0;
	s5 =	sadd.s32 s16, s5;
	s18 =	smul.u32 s16, s3  }
0x2ac: {  	v0 =	vnsel vm9, $0x0, v0;
	s4 =	sadd.s32 s12, s4;
	s2 =	sadd.s32 s14, s2;
	s11 =	simm.s32 @!p2 $0x0;
	(xrf2) =	vadd.scan.msk.f32 $0xffff, v2  }
0x2ad: {  	v4 =	vcvt.s32.f32 v0;
	s16 =	simm.s32 @!p2 $0x0;
	s4 =	sadd.s32 s17, s4;
	v1, _, _ =	vpop (xrf2);
	s2 =	sadd.s32 s18, s2  }
0x2ae: {  	s13 =	sadd.s32 s13, s15;
	s8 =	sadd.s32 s8, s11;
	s0 =	sadd.s32 s0, s16  }
.Ltmp9:
0x2af: {  	s11 =	smov.u32 s1;
	s1 =	smov.u32 s7;
	v6 =	vsel vm5, $0x0, v3;
	(xrf2) =	vadd.scan.msk.f32 $0xffff, v4;
	v0 =	vmov v3;
	(pc) =	sbr.rel @p1 .LBB2_15-.Ltmp9, $3  }
0x2b0: {  	p0 =	por p2, p2;
	s7 =	smov.u32 s10;
	v6 =	vcvt.s32.f32 v6;
	v2, _, _ =	vpop (xrf2);
	_ =	sdelay $0x1  }
0x2b1: {  	v4 =	vsel vm6, $0x0, v0;
	(xrf2) =	vadd.scan.msk.f32 $0xffff, v6  }
0x2b2: {  	s10 =	sadd.s32 $0x1, s10;
	v4 =	vcvt.s32.f32 v4;
	v3, _, _ =	vpop (xrf2);
	(v2sf) =	vpush v5, $0xF;
	s17 =	spop (v2sf)  }
0x2b3: {  	v5 =	vsel vm7, $0x0, v0  }
0x2b4: {  	v6 =	vsel vm8, $0x0, v0;
	v5 =	vcvt.s32.f32 v5  }
0x2b5: {  	v0 =	vnsel vm9, $0x0, v0;
	(xrf2) =	vadd.scan.msk.f32 $0xffff, v4;
	v4 =	vcvt.s32.f32 v6  }
0x2b6: {  	v0 =	vcvt.s32.f32 v0;
	(xrf2) =	vadd.scan.msk.f32 $0xffff, v5  }
0x2b7: {  	(xrf2) =	vadd.scan.msk.f32 $0xffff, v4  }
0x2b8: {  	(xrf2) =	vadd.scan.msk.f32 $0xffff, v0;
	_ =	sdelay $0x1  }
0x2b9: {  	(v2sf) =	vpush v1, $0xF  }
0x2ba: {  	(v2sf) =	vpush v2, $0xF  }
0x2bb: {  	(v2sf) =	vpush v3, $0xF;
	v0, _, _ =	vpop (xrf2)  }
0x2bc: {  	v1, _, _ =	vpop (xrf2);
	(v2sf) =	vpush v0, $0xF  }
0x2bd: {  	(v2sf) =	vpush v1, $0xF;
	v0, _, _ =	vpop (xrf2)  }
0x2be: {  	(v2sf) =	vpush v0, $0xF;
	v1, _, _ =	vpop (xrf2)  }
0x2bf: {  	(v2sf) =	vpush v1, $0xF;
	v0, _, _ =	vpop (xrf2)  }
0x2c0: {  	(v2sf) =	vpush v0, $0xF;
	v0, _, _ =	vpop (xrf2)  }
0x2c1: {  	(v2sf) =	vpush v0, $0xF;
	v0, _, _ =	vpop (xrf2)  }
0x2c2: {  	(v2sf) =	vpush v0, $0xF  }
0x2c3: {  	s15 =	spop (v2sf)  }
0x2c4: {  	s12 =	spop (v2sf)  }
0x2c5: {  	s14 =	spop (v2sf)  }
0x2c6: {  	s18 =	spop (v2sf)  }
0x2c7: {  	s9 =	spop (v2sf)  }
0x2c8: {  	s16 =	spop (v2sf)  }
0x2c9: {  	s10 =	spop (v2sf)  }
0x2ca: {  	s17 =	scvt.f32.s32 s17;
	s19 =	spop (v2sf)  }
0x2cb: {  	p1 =	slt.u32 s11, s21;
	p2 =	slt.u32 s7, s21;
	s24 =	spop (v2sf)  }
0x2cc: {  	s29 =	rddreg [dreg:$0xb];
	s7 =	simm.s32 $0x0;
	s31 =	spop (v2sf)  }
0x2cd: {  	s22 =	sadd.s32 s17, s3;
	s17 =	simm.s32 @!p0 $0x0;
	s11 =	spop (v2sf)  }
0x2ce: {  	s13 =	sadd.s32 s13, s17;
	s17 =	scvt.f32.s32 s9;
	s9 =	spop (v2sf)  }
0x2cf: {  	p3 =	por p1, p1;
	p0 =	slt.u32 s1, s21;
	s20 =	spop (v2sf)  }
0x2d0: {  	s25 =	sadd.s32 s17, s22;
	s17 =	simm.s32 @!p3 $0x0;
	s26 =	spop (v2sf)  }
0x2d1: {  	p3 =	por p0, p0;
	s1 =	scvt.f32.s32 s31;
	s21 =	spop (v2sf)  }
0x2d2: {  	s23 =	sadd.s32 s13, s17;
	s13 =	scvt.f32.s32 s19;
	s3 =	scvt.f32.s32 s21  }
0x2d3: {  	s28 =	sadd.s32 s1, s25;
	s1 =	simm.s32 @!p3 $0x0;
	p3 =	por p2, p2  }
0x2d4: {  	s17 =	scvt.f32.s32 s18;
	s1 =	sadd.s32 s23, s1;
	s3 =	simm.s32 @!p3 $0x0  }
0x2d5: {  	s24 =	scvt.f32.s32 s24;
	s23 =	sadd.s32 s1, s3;
	s3 =	scvt.f32.s32 s14  }
0x2d6: {  	s5 =	sadd.s32 s17, s5;
	s14 =	scvt.f32.s32 s20;
	s20 =	smul.u32 s13, s25  }
0x2d7: {  	s5 =	sadd.s32 s24, s5;
	s1 =	sshrl.u32 s23, $0x3;
	s21 =	smul.u32 s3, s22  }
0x2d8: {  	s26 =	scvt.f32.s32 s26;
	s30 =	sadd.s32 s29, s1;
	s19 =	smul.u32 s14, s28  }
0x2d9: {  	s1 =	simm.s32 $0xF180;
	s6 =	sadd.s32 s3, s6;
	s22 =	smul.u32 s17, s22  }
0x2da: {  	s3 =	simm.s32 @!p1 $0x0;
	s17 =	simm.s32 @!p1 $0x0;
	s28 =	smul.u32 s26, s28  }
0x2db: {  	[tilespmem:s1], [sflag:$0x1] =	stream.linear.gather [hbm4b:s30+s7], $0x508, $0x38;
	[tilespmem:$0x13D30] =	vst v63  }
0x2dc: {  	s3 =	sadd.s32 s8, s3;
	s6 =	sadd.s32 s13, s6;
	s13 =	simm.s32 @!p0 $0x0  }
0x2dd: {  	s0 =	sadd.s32 s0, s17;
	s17 =	smul.u32 s24, s25;
	s8 =	sadd.s32 s14, s6  }
0x2de: {  	s3 =	sadd.s32 s3, s13;
	s14 =	simm.s32 @!p2 $0x0;
	s6 =	simm.s32 $0x1  }
0x2df: {  	s24 =	simm.s32 @!p0 $0x0;
	s14 =	sadd.s32 s3, s14;
	_ =	swait.ge [sflag:s6], $0x508  }
0x2e0: {  	s3 =	sshrl.u32 s14, $0x3;
	s31 =	rddreg [dreg:$0x2];
	[sflag:s6] =	ssyncset.done $0x0  }
0x2e1: {  	s13 =	sadd.s32 s31, s3;
	[sflag:s6] =	ssyncadd.s32 $0xFFFFFAF8;
	s3 =	simm.s32 $0xE700  }
0x2e2: {  	[tilespmem:s3], [sflag:$0x1] =	stream.linear.gather [hbm4b:s13+s7], $0x508, $0x38;
	[tilespmem:$0x13D30] =	vst v63  }
0x2e3: {  	s0 =	sadd.s32 s0, s24;
	s13 =	sadd.s32 s26, s5;
	s26 =	simm.s32 @!p2 $0x0  }
0x2e4: {  	s24 =	sadd.s32 s0, s26;
	_ =	swait.ge [sflag:s6], $0x508  }
0x2e5: {  	[sflag:s6] =	ssyncset.done $0x0;
	s0 =	sshrl.u32 s24, $0x3;
	s29 =	rddreg [dreg:$0xa]  }
0x2e6: {  	s30 =	simm.s32 $0xEC08;
	[sflag:s6] =	ssyncadd.s32 $0xFFFFFAF8;
	s0 =	sadd.s32 s29, s0  }
0x2e7: {  	[tilespmem:s30], [sflag:$0x1] =	stream.linear.gather [hbm4b:s0+s7], $0x508, $0x38;
	[tilespmem:$0x13D30] =	vst v63  }
0x2e8: {  	_ =	swait.ge [sflag:s6], $0x508  }
0x2e9: {  	[sflag:s6] =	ssyncset.done $0x0  }
0x2ea: {  	s5 =	simm.s32 $0xC800;
	[sflag:s6] =	ssyncadd.s32 $0xFFFFFAF8  }
0x2eb: {  	v1 =	vld [tilespmem:s5+$0x0];
	_ =	sdelay $0x4  }
0x2ec: {  	v0 =	vimm.f32 $0.0e+00;
	vm8 =	veq.s32 v1, $0x1  }
0x2ed: {  	v2 =	vsel vm8, $0x3F800000, v0  }
0x2ee: {  	(xrf2) =	vadd.scan.msk.f32 $0xffff, v2;
	_ =	sdelay $0x3  }
0x2ef: {  	vm7 =	veq.s32 v1, $0x0  }
0x2f0: {  	v1 =	vimm.s32 $0x0;
	v3 =	vsel vm7, $0x3F800000, v0  }
0x2f1: {  	v4 =	vsel vm7, $0x3F800000, v1;
	(xrf2) =	vadd.scan.msk.f32 $0xffff, v3  }
0x2f2: {  	(xrf2) =	vadd.scan.msk.f32 $0xffff, v4;
	v4 =	vsel vm8, $0x3F800000, v1;
	_ =	sdelay $0x1  }
0x2f3: {  	s6 =	simm.s32 $0x1900  }
0x2f4: {  	v5 =	vld [tilespmem:s6+$0x0];
	(xrf2) =	vadd.scan.msk.f32 $0xffff, v4;
	v4, _, _ =	vpop (xrf2)  }
0x2f5: {  	v2 =	vsub.f32 v4, v2;
	_ =	sdelay $0x1  }
0x2f6: {  	s23 =	sand.u32 $0x7, s23;
	v4 =	vtrunc.f32 v2  }
0x2f7: {  	s0 =	sand.u32 $0x7, s14;
	v2 =	vmov s23;
	v4 =	vcvt.f32.s32 v4  }
0x2f8: {  	s14 =	sadd.s32 $0x0, s0;
	v5 =	vadd.s32 v2, v5  }
0x2f9: {  	v4 =	vadd.s32 s14, v4;
	_ =	sdelay $0x1  }
0x2fa: {  	s31 =	scvt.f32.s32 s15;
	v60, _, _ =	vpop (xrf2)  }
0x2fb: {  	v7, _, _ =	vpop (xrf2)  }
0x2fc: {  	s15 =	scvt.f32.s32 s16;
	s4 =	sadd.s32 s31, s4;
	(v2sf) =	vpush v7, $0xF;
	v61, _, _ =	vpop (xrf2);
	v5 =	vld.idx.msk [tilespmem:v5+s1+$0x0], $0xffff  }
0x2fd: {  	s4 =	sadd.s32 s21, s4;
	(v2sf) =	vpush v61, $0xF;
	v4 =	vld.idx.msk [tilespmem:v4+s3+$0x0], $0xffff  }
0x2fe: {  	s11 =	scvt.f32.s32 s11;
	s4 =	sadd.s32 s15, s4  }
0x2ff: {  	s4 =	sadd.s32 s20, s4  }
0x300: {  	s12 =	scvt.f32.s32 s12;
	s4 =	sadd.s32 s11, s4;
	v3 =	vsub.f32 v60, v3  }
0x301: {  	p4 =	sgt.s32 s8, $0x80;
	s20 =	sadd.s32 s19, s4  }
0x302: {  	s16 =	sadd.s32 s12, s2;
	s21 =	sand.u32 $0x7, s24;
	p5 =	sgt.s32 s20, $0x0;
	v3 =	vtrunc.f32 v3;
	v4 =	vadd.f32 v4, v5  }
0x303: {  	vm5 =	vmxor vm5, vm5;
	s2 =	sor.u32 $0x508, s21;
	p0 =	por !p4, !p5;
	s23 =	scvt.f32.s32 s10;
	v3 =	vcvt.f32.s32 v3  }
0x304: {  	vm6 =	vmmov vm5;
	s24 =	sadd.s32 s22, s16;
	s25 =	sadd.s32 $0x0, s2;
	p0 =	por !p0, !p0;
	v62 =	vshra.s32 v4, $0x1F  }
0x305: {  	s9 =	scvt.f32.s32 s9;
	vm6 =	vmneg @p0 vm6;
	s4 =	sadd.s32 s23, s24;
	v3 =	vadd.s32 s25, v3;
	v6 =	vand.u32 $0x7FFFFFFF, v62  }
0x306: {  	vm8 =	vmand vm6, vm8;
	s4 =	sadd.s32 s17, s4;
	v4 =	vxor.u32 v4, v6  }
0x307: {  	s10 =	ssub.s32 $0x100, s8;
	s9 =	sadd.s32 s9, s4;
	s4 =	simm.s32 $0xCD00;
	v4 =	vnsel vm8, $0x7FFFFFFF, v4  }
0x308: {  	v63 =	vsel vm8, $0x1, v1;
	s10 =	simm.s32 @p0 $0x80;
	s26 =	sadd.s32 s28, s9;
	s28 =	simm.s32 $0xD700;
	[tilespmem:s4+$0x0] =	vst v4  }
0x309: {  	p0 =	sgt.s32 s13, s10;
	p6 =	sgt.s32 s26, $0x0;
	[tilespmem:s28+$0x0] =	vst v63  }
0x30a: {  	p0 =	por !p6, !p0;
	v3 =	vld.idx.msk [tilespmem:v3+s3+$0x0], $0xffff  }
0x30b: {  	p0 =	por !p0, !p0;
	s29 =	spop (v2sf)  }
0x30c: {  	vm5 =	vmneg @p0 vm5;
	s30 =	spop (v2sf)  }
0x30d: {  	vm7 =	vmand vm5, vm7;
	s31 =	scvt.f32.s32 s29;
	s9 =	scvt.f32.s32 s30  }
0x30e: {  	s12 =	sand.u32 $0x7F0, s7;
	s8 =	simm.s32 $0x10;
	[dreg:$0x11] =	wrdreg s10;
	v4 =	vsel vm7, $0x1, v1  }
0x30f: {  	s10 =	simm.s32 $0xD710;
	s7 =	sadd.s32 $0x0, s31;
	s9 =	sadd.s32 $0x0, s9;
	[tilespmem:s12+$0xDC00] =	vst v4;
	v3 =	vadd.f32 v3, v5  }
.LBB2_17:
0x310: {  	s5 =	sadd.s32 $0x10, s5;
	s6 =	sadd.s32 $0x10, s6;
	s4 =	sadd.s32 $0x10, s4  }
0x311: {  	p0 =	sne.s32 s8, $0x4F0;
	s11 =	smov.u32 s8;
	s8 =	sadd.s32 $0x10, s8;
	v4 =	vshra.s32 v3, $0x1F  }
0x312: {  	v4 =	vand.u32 $0x7FFFFFFF, v4  }
0x313: {  	v3 =	vxor.u32 v3, v4  }
0x314: {  	v3 =	vnsel vm7, $0x7FFFFFFF, v3  }
0x315: {  	[tilespmem:s12+$0xD200] =	vst v3  }
0x316: {  	v3 =	vld [tilespmem:s5+$0x0];
	_ =	sdelay $0x4  }
0x317: {  	vm8 =	veq.s32 v3, $0x1  }
0x318: {  	v4 =	vsel vm8, $0x3F800000, v0  }
0x319: {  	vm7 =	veq.s32 v3, $0x0;
	(xrf2) =	vadd.scan.msk.f32 $0xffff, v4  }
0x31a: {  	v3 =	vsel vm7, $0x3F800000, v0;
	_ =	sdelay $0x1  }
0x31b: {  	(xrf2) =	vadd.scan.msk.f32 $0xffff, v3;
	_ =	sdelay $0x1  }
0x31c: {  	v5 =	vsel vm7, $0x3F800000, v1  }
0x31d: {  	v6 =	vld [tilespmem:s6+$0x0];
	(xrf2) =	vadd.scan.msk.f32 $0xffff, v5;
	_ =	sdelay $0x1  }
0x31e: {  	v7 =	vsel vm8, $0x3F800000, v1  }
0x31f: {  	(xrf2) =	vadd.scan.msk.f32 $0xffff, v7  }
0x320: {  	v5, _, _ =	vpop (xrf2)  }
0x321: {  	v6 =	vadd.s32 v2, v6;
	v4 =	vsub.f32 v5, v4;
	_ =	sdelay $0x1  }
0x322: {  	v4 =	vtrunc.f32 v4;
	v5, _, _ =	vpop (xrf2)  }
0x323: {  	s12 =	sadd.s32 s0, s9;
	v4 =	vcvt.f32.s32 v4;
	v3 =	vsub.f32 v5, v3;
	_ =	sdelay $0x1  }
0x324: {  	v4 =	vadd.s32 s12, v4;
	v3 =	vtrunc.f32 v3;
	v5, _, _ =	vpop (xrf2)  }
0x325: {  	v3 =	vcvt.f32.s32 v3;
	(v2sf) =	vpush v5, $0xF;
	_ =	sdelay $0x1  }
0x326: {  	v5, _, _ =	vpop (xrf2)  }
0x327: {  	v6 =	vld.idx.msk [tilespmem:v6+s1+$0x0], $0xffff;
	(v2sf) =	vpush v5, $0xF  }
0x328: {  	v4 =	vld.idx.msk [tilespmem:v4+s3+$0x0], $0xffff;
	_ =	sdelay $0x5  }
0x329: {  	v4 =	vadd.f32 v4, v6  }
0x32a: {  	s12 =	sadd.s32 s2, s7  }
0x32b: {  	v3 =	vadd.s32 s12, v3;
	v5 =	vshra.s32 v4, $0x1F  }
0x32c: {  	vm8 =	vmand vm6, vm8;
	v5 =	vand.u32 $0x7FFFFFFF, v5  }
0x32d: {  	v4 =	vxor.u32 v4, v5  }
0x32e: {  	v5 =	vsel vm8, $0x1, v1;
	v4 =	vnsel vm8, $0x7FFFFFFF, v4;
	s12 =	spop (v2sf)  }
0x32f: {  	[tilespmem:s4+$0x0] =	vst v4;
	s13 =	scvt.f32.s32 s12  }
0x330: {  	vm7 =	vmand vm5, vm7;
	[tilespmem:s10+$0x0] =	vst v5  }
0x331: {  	s12 =	sand.u32 $0x7F0, s11;
	v4 =	vsel vm7, $0x1, v1;
	v3 =	vld.idx.msk [tilespmem:v3+s3+$0x0], $0xffff;
	s7 =	sadd.s32 s13, s7;
	s11 =	spop (v2sf)  }
0x332: {  	[tilespmem:s12+$0xDC00] =	vst v4;
	s11 =	scvt.f32.s32 s11  }
.Ltmp10:
0x333: {  	(pc) =	sbr.rel @p0 .LBB2_17-.Ltmp10, $2  }
0x334: {  	s9 =	sadd.s32 s11, s9;
	_ =	sdelay $0x2  }
0x335: {  	s10 =	sadd.s32 $0x10, s10;
	v3 =	vadd.f32 v3, v6  }
0x336: {  	v0 =	vimm.f32 $1.500000000e+01  }
0x337: {  	v0 =	vsel vm0, $0x0, v0  }
0x338: {  	v0 =	vsel vm1, $0x3F800000, v0  }
0x339: {  	v0 =	vsel vm2, $0x40000000, v0  }
0x33a: {  	v0 =	vsel vm3, $0x40400000, v0  }
0x33b: {  	vm0 =	vcmask $0x1714;
	v0 =	vsel vm4, $0x40800000, v0  }
0x33c: {  	v0 =	vsel vm0, $0x40A00000, v0;
	vm0 =	vcmask $0x1B18  }
0x33d: {  	v0 =	vsel vm0, $0x40C00000, v0;
	vm0 =	vcmask $0x1F1C  }
0x33e: {  	v0 =	vsel vm0, $0x40E00000, v0;
	vm0 =	vcmask $0x2320  }
0x33f: {  	v1 =	vshra.s32 v3, $0x1F;
	v0 =	vsel vm0, $0x41000000, v0;
	vm0 =	vcmask $0x2724  }
0x340: {  	s0 =	stileid.u32;
	s1 =	rddreg [dreg:$0x18];
	v1 =	vand.u32 $0x7FFFFFFF, v1;
	v0 =	vsel vm0, $0x41100000, v0;
	vm0 =	vcmask $0x2B28  }
0x341: {  	s2 =	rddreg [dreg:$0x6];
	s0 =	sshll.u32 s0, $0x9;
	v1 =	vxor.u32 v3, v1;
	v0 =	vsel vm0, $0x41200000, v0;
	vm0 =	vcmask $0x2F2C  }
0x342: {  	s31 =	simm.s32 $0x0;
	s15 =	simm.s32 $0xE500;
	s0 =	sand.u32 $0x1000, s0;
	v2 =	vnsel vm7, $0x7FFFFFFF, v1;
	v1 =	vsel vm0, $0x41300000, v0;
	vm0 =	vcmask $0x3330  }
0x343: {  	s3 =	simm.s32 $0x0;
	s1 =	sand.u32 $0x380, s1;
	s0 =	sadd.s32 s0, s2;
	v0 =	vimm.s32 $0x0;
	v3 =	vsel vm0, $0x41400000, v1;
	vm0 =	vcmask $0x3734  }
0x344: {  	s9 =	simm.s32 $0x0;
	[dreg:$0x13] =	wrdreg s31;
	s0 =	sadd.s32 s1, s0;
	v1 =	vimm.s32 $0x1;
	v3 =	vsel vm0, $0x41500000, v3;
	vm0 =	vcmask $0x3B38  }
0x345: {  	s4 =	simm.s32 $0x0;
	s2 =	simm.s32 $0x0;
	[dreg:$0x12] =	wrdreg s0;
	[tilespmem:s12+$0xD200] =	vst v2;
	v2 =	vsel vm0, $0x41600000, v3;
	v3 =	vlaneseq.u32;
	vm0 =	vmmov $0x7fff  }
.LBB2_19:
0x346: {  	[tilespmem:$0xE500] =	vst v0  }
0x347: {  	[tilespmem:$0xE510] =	vst v0  }
0x348: {  	[tilespmem:$0xE520] =	vst v0  }
0x349: {  	[tilespmem:$0xE530] =	vst v0  }
0x34a: {  	[tilespmem:$0xE540] =	vst v0  }
0x34b: {  	[tilespmem:$0xE550] =	vst v0  }
0x34c: {  	[tilespmem:$0xE560] =	vst v0  }
0x34d: {  	[tilespmem:$0xE570] =	vst v0  }
0x34e: {  	[tilespmem:$0xE580] =	vst v0  }
0x34f: {  	[tilespmem:$0xE590] =	vst v0  }
0x350: {  	[tilespmem:$0xE5A0] =	vst v0  }
0x351: {  	[tilespmem:$0xE5B0] =	vst v0  }
0x352: {  	[tilespmem:$0xE5C0] =	vst v0  }
0x353: {  	[tilespmem:$0xE5D0] =	vst v0  }
0x354: {  	[tilespmem:$0xE5E0] =	vst v0  }
0x355: {  	[tilespmem:$0xE5F0] =	vst v0  }
0x356: {  	[tilespmem:$0xE600] =	vst v0  }
0x357: {  	[tilespmem:$0xE610] =	vst v0  }
0x358: {  	[tilespmem:$0xE620] =	vst v0  }
0x359: {  	[tilespmem:$0xE630] =	vst v0  }
0x35a: {  	[tilespmem:$0xE640] =	vst v0  }
0x35b: {  	[tilespmem:$0xE650] =	vst v0  }
0x35c: {  	[tilespmem:$0xE660] =	vst v0  }
0x35d: {  	[tilespmem:$0xE670] =	vst v0  }
0x35e: {  	[tilespmem:$0xE680] =	vst v0  }
0x35f: {  	[tilespmem:$0xE690] =	vst v0  }
0x360: {  	[tilespmem:$0xE6A0] =	vst v0  }
0x361: {  	[tilespmem:$0xE6B0] =	vst v0  }
0x362: {  	[tilespmem:$0xE6C0] =	vst v0;
	[dreg:$0x17] =	wrdreg s2  }
0x363: {  	s0 =	sshll.u32 s2, $0x3;
	[tilespmem:$0xE6D0] =	vst v0;
	[dreg:$0x15] =	wrdreg s4  }
0x364: {  	[tilespmem:$0xE6E0] =	vst v0;
	v6 =	vmov s4;
	[dreg:$0x14] =	wrdreg s3;
	s1 =	ssub.s32 $0x18, s0;
	s0 =	sxor.u32 $0x1F, s0  }
0x365: {  	[tilespmem:$0xE6F0] =	vst v0;
	v7 =	vmov s3;
	s2 =	simm.s32 $0x0;
	v4 =	vmov s1;
	v5 =	vmov s0;
	s0 =	simm.s32 $0xCD00;
	s1 =	simm.s32 $0xD700  }
.LBB2_20:
0x366: {  	v8 =	vld [tilespmem:s0+$0x0];
	_ =	sdelay $0x2  }
0x367: {  	v9 =	vld [tilespmem:s1+$0x0];
	_ =	sdelay $0x1  }
0x368: {  	v8 =	vxor.u32 $0x80000000, v8  }
0x369: {  	v10 =	vshrl.u32 v8, v5  }
0x36a: {  	v10 =	vshrl.u32 v10, $0x1  }
0x36b: {  	vm1 =	vne.s32 v9, $0x0;
	vm2 =	veq.s32 v10, v6  }
0x36c: {  	v8 =	vshrl.u32 v8, v4;
	vm1 =	vmand vm1, vm2  }
0x36d: {  	v8 =	vand.u32 $0xFF, v8;
	_ =	sdelay $0x4  }
0x36e: {  	s3 =	sand.u32 $0x7F0, s2;
	[tilespmem:v8+s15+$0x0] =	vst.idx.add.s32.msk vm1, v1  }
0x36f: {  	v8 =	vld [tilespmem:s3+$0xD200];
	_ =	sdelay $0x2  }
0x370: {  	v62 =	vld [tilespmem:s3+$0xDC00];
	_ =	sdelay $0x1  }
0x371: {  	v8 =	vxor.u32 $0x80000000, v8  }
0x372: {  	v63 =	vshrl.u32 v8, v5  }
0x373: {  	v10 =	vshrl.u32 v63, $0x1  }
0x374: {  	vm1 =	vne.s32 v62, $0x0;
	v8 =	vshrl.u32 v8, v4;
	vm2 =	veq.s32 v10, v7  }
0x375: {  	v8 =	vand.u32 $0xFF, v8;
	vm1 =	vmand vm1, vm2  }
0x376: {  	p0 =	sne.s32 s2, $0x4F0;
	v8 =	vor.u32 $0x100, v8  }
.Ltmp11:
0x377: {  	_ = 	snop;
	(pc) =	sbr.rel @p0 .LBB2_20-.Ltmp11, $2  }
0x378: {  	_ =	sdelay $0x2  }
0x379: {  	s0 =	sadd.s32 $0x10, s0;
	s1 =	sadd.s32 $0x10, s1;
	s2 =	sadd.s32 $0x10, s2;
	[tilespmem:v8+s15+$0x0] =	vst.idx.add.s32.msk vm1, v1  }
0x37a: {  	s0 =	rddreg [dreg:$0x12]  }
0x37b: {  	s1 =	simm.s32 $0x80;
	s2 =	simm.s32 $0x400;
	s29 =	simm.s32 $0x1  }
0x37c: {  	[spmem:s0] =	stream.strided.scatter [tilespmem:s15], [sflag:$0x1], $0x200, s2, s1, $0x38;
	[tilespmem:$0x13D30] =	vst v63  }
0x37d: {  	_ =	swait.ge [sflag:s29], $0x200  }
0x37e: {  	[sflag:s29] =	ssyncset.done $0x0  }
0x37f: {  	[sflag:s29] =	ssyncadd.s32 $0xFFFFFE00  }
0x380: {  	[bflag:$0x0] =	sbarrier.arrive $0xFFFF  }
0x381: {  	s31 =	simm.s32 $0x10B00;
	s30 =	rddreg [dreg:$0x6]  }
0x382: {  	[tilespmem:s31], [sflag:$0x1] =	stream.linear.gather [spmem:s30], $0x2000, $0x38;
	[tilespmem:$0x13D30] =	vst v63  }
0x383: {  	_ =	swait.ge [sflag:s29], $0x2000  }
0x384: {  	[sflag:s29] =	ssyncset.done $0x0  }
0x385: {  	s0 =	simm.s32 $0x0;
	s1 =	simm.s32 $0x0;
	[sflag:s29] =	ssyncadd.s32 $0xFFFFE000  }
.LBB2_22:
0x386: {  	s2 =	sshll.u32 s1, $0x9;
	s3 =	sshll.u32 s1, $0x7  }
0x387: {  	s2 =	sand.u32 $0x1000, s2;
	s3 =	sand.u32 $0x380, s3  }
0x388: {  	s2 =	sor.u32 s3, s2  }
0x389: {  	s4 =	sand.u32 $0xC00, s0;
	s2 =	sadd.s32 $0x10B00, s2  }
0x38a: {  	s5 =	sand.u32 $0x70, s0;
	s3 =	simm.s32 $0xE500;
	s4 =	sadd.s32 s4, s2  }
0x38b: {  	v4 =	vld [tilespmem:s3+$0x0];
	s4 =	sadd.s32 s5, s4  }
0x38c: {  	v5 =	vld [tilespmem:s4+$0x0];
	_ =	sdelay $0x2  }
0x38d: {  	p0 =	seq.s32 s1, $0x0  }
0x38e: {  	s7 =	simm.s32 $0x10;
	s5 =	simm.s32 $0x80;
	v4 =	vpsel p0, $0x0, v4  }
0x38f: {  	s6 =	simm.s32 $0x20;
	s8 =	sand.u32 $0xC00, s5;
	s4 =	simm.s32 $0xE510;
	v4 =	vadd.s32 v5, v4  }
.LBB2_23:
0x390: {  	p1 =	sne.s32 s6, $0x1F0;
	s7 =	sand.u32 $0x70, s7;
	s8 =	sadd.s32 s8, s2;
	[tilespmem:s3+$0x0] =	vst v4  }
0x391: {  	s3 =	smov.u32 s4;
	v4 =	vld [tilespmem:s4+$0x0];
	s8 =	sadd.s32 s7, s8;
	s7 =	smov.u32 s6  }
0x392: {  	v5 =	vld [tilespmem:s8+$0x0]  }
.Ltmp12:
0x393: {  	(pc) =	sbr.rel @p1 .LBB2_23-.Ltmp12, $3  }
0x394: {  	_ =	sdelay $0x1  }
0x395: {  	s5 =	sadd.s32 $0x80, s5;
	v4 =	vpsel p0, $0x0, v4  }
0x396: {  	s6 =	sadd.s32 $0x10, s6;
	s4 =	sadd.s32 $0x10, s4;
	s8 =	sand.u32 $0xC00, s5;
	v4 =	vadd.s32 v5, v4  }
0x397: {  	[tilespmem:s3+$0x0] =	vst v4  }
0x398: {  	v4 =	vld [tilespmem:s4+$0x0];
	_ =	sdelay $0x1  }
0x399: {  	s5 =	sand.u32 $0x70, s7;
	s2 =	sadd.s32 s8, s2  }
0x39a: {  	s2 =	sadd.s32 s5, s2  }
0x39b: {  	s1 =	sadd.s32 $0x1, s1;
	v5 =	vld [tilespmem:s2+$0x0]  }
0x39c: {  	v4 =	vpsel p0, $0x0, v4;
	p0 =	sne.s32 s1, $0x10  }
.Ltmp13:
0x39d: {  	_ = 	snop;
	(pc) =	sbr.rel @p0 .LBB2_22-.Ltmp13, $3  }
0x39e: {  	_ =	sdelay $0x1  }
0x39f: {  	v4 =	vadd.s32 v5, v4  }
0x3a0: {  	[tilespmem:s4+$0x0] =	vst v4  }
0x3a1: {  	s0 =	simm.s32 $0xE500  }
0x3a2: {  	v4 =	vld [tilespmem:s0+$0x0];
	_ =	sdelay $0x4  }
0x3a3: {  	v9 =	vcvt.s32.f32 v4;
	_ =	sdelay $0x1  }
0x3a4: {  	(xrf2) =	vadd.scan.msk.f32 $0xffff, v9;
	_ =	sdelay $0x2  }
0x3a5: {  	s23 =	simm.s32 $0xE510  }
0x3a6: {  	v4 =	vld [tilespmem:s23+$0x0];
	_ =	sdelay $0x4  }
0x3a7: {  	v10 =	vcvt.s32.f32 v4  }
0x3a8: {  	v11, _, _ =	vpop (xrf2)  }
0x3a9: {  	s24 =	simm.s32 $0xE520;
	(xrf2) =	vadd.scan.msk.f32 $0xffff, v10;
	v4 =	vsel vm0, $0x0, v11  }
0x3aa: {  	v5 =	vld [tilespmem:s24+$0x0];
	(xrf2) =	vadd.scan.msk.f32 $0xffff, v4;
	_ =	sdelay $0x4  }
0x3ab: {  	v5 =	vcvt.s32.f32 v5;
	_ =	sdelay $0x1  }
0x3ac: {  	(xrf2) =	vadd.scan.msk.f32 $0xffff, v5;
	_ =	sdelay $0x1  }
0x3ad: {  	v12, _, _ =	vpop (xrf2)  }
0x3ae: {  	s25 =	simm.s32 $0xE530;
	v4 =	vsel vm0, $0x0, v12;
	v6, _, _ =	vpop (xrf2)  }
0x3af: {  	(xrf2) =	vadd.scan.msk.f32 $0xffff, v4;
	v4 =	vld [tilespmem:s25+$0x0];
	(v2sf) =	vpush v6, $0xF;
	_ =	sdelay $0x4  }
0x3b0: {  	s17 =	simm.s32 $0x0;
	v6 =	vcvt.s32.f32 v4  }
0x3b1: {  	s26 =	ssub.s32 $0x80, s9;
	s1 =	scvt.s32.f32 s17;
	v8, _, _ =	vpop (xrf2)  }
0x3b2: {  	s0 =	scvt.s32.f32 s26;
	v7 =	vsel vm0, $0x0, v8;
	(xrf2) =	vadd.scan.msk.f32 $0xffff, v6  }
0x3b3: {  	v13 =	vadd.f32 s1, v11  }
0x3b4: {  	v4 =	vmov s0;
	(xrf2) =	vadd.scan.msk.f32 $0xffff, v7  }
0x3b5: {  	vm1 =	vge.f32 v13, v4;
	v7, _, _ =	vpop (xrf2)  }
0x3b6: {  	(v2sf) =	vpush v7, $0xF;
	v7 =	vnsel vm1, $0x41800000, v2  }
0x3b7: {  	s2 =	simm.s32 $0xE540;
	(xrf0) =	vmin.scan.msk.f32 $0xffff, v7  }
0x3b8: {  	v7 =	vld [tilespmem:s2+$0x0];
	_ =	sdelay $0x1  }
0x3b9: {  	s3 =	spop (v2sf)  }
0x3ba: {  	s0 =	scvt.f32.s32 s3  }
0x3bb: {  	v13, _, _ =	vpop (xrf2)  }
0x3bc: {  	v15 =	vcvt.s32.f32 v7;
	v14, _, _ =	vpop (xrf0);
	s20 =	sadd.s32 $0x0, s0  }
0x3bd: {  	v7, _, _ =	vpop (xrf2);
	(v2sf) =	vpush v14, $0xF;
	s0 =	scvt.s32.f32 s20  }
0x3be: {  	(xrf2) =	vadd.scan.msk.f32 $0xffff, v15;
	(v2sf) =	vpush v7, $0xF  }
0x3bf: {  	s4 =	simm.s32 $0xE550;
	v7 =	vsel vm0, $0x0, v13;
	v14 =	vadd.f32 s0, v12  }
0x3c0: {  	v16 =	vld [tilespmem:s4+$0x0];
	(xrf2) =	vadd.scan.msk.f32 $0xffff, v7  }
0x3c1: {  	vm1 =	vge.f32 v14, v4  }
0x3c2: {  	v7 =	vnsel vm1, $0x41800000, v2  }
0x3c3: {  	(xrf0) =	vmin.scan.msk.f32 $0xffff, v7  }
0x3c4: {  	s5 =	spop (v2sf)  }
0x3c5: {  	s0 =	scvt.f32.s32 s5;
	v14 =	vcvt.s32.f32 v16;
	_ =	sdelay $0x1  }
0x3c6: {  	s21 =	sadd.s32 s0, s20;
	(xrf2) =	vadd.scan.msk.f32 $0xffff, v14  }
0x3c7: {  	v55, _, _ =	vpop (xrf2);
	s0 =	scvt.s32.f32 s21  }
0x3c8: {  	v18, _, _ =	vpop (xrf0)  }
0x3c9: {  	s6 =	simm.s32 $0xE560;
	v7 =	vsel vm0, $0x0, v55;
	v19, _, _ =	vpop (xrf2);
	v17 =	vadd.f32 s0, v8;
	(v2sf) =	vpush v18, $0xF  }
0x3ca: {  	(xrf2) =	vadd.scan.msk.f32 $0xffff, v7;
	v7 =	vld [tilespmem:s6+$0x0];
	(v2sf) =	vpush v19, $0xF  }
0x3cb: {  	vm1 =	vge.f32 v17, v4;
	s7 =	spop (v2sf)  }
0x3cc: {  	v17 =	vnsel vm1, $0x41800000, v2;
	s8 =	spop (v2sf)  }
0x3cd: {  	s1 =	scvt.f32.s32 s8;
	(xrf0) =	vmin.scan.msk.f32 $0xffff, v17;
	_ =	sdelay $0x1  }
0x3ce: {  	v56 =	vcvt.s32.f32 v7;
	s25 =	sadd.s32 s1, s21  }
0x3cf: {  	s1 =	scvt.s32.f32 s25;
	v57, _, _ =	vpop (xrf2)  }
0x3d0: {  	(xrf2) =	vadd.scan.msk.f32 $0xffff, v56;
	v7 =	vsel vm0, $0x0, v57  }
0x3d1: {  	v58 =	vadd.f32 s1, v13  }
0x3d2: {  	v20, _, _ =	vpop (xrf0);
	(xrf2) =	vadd.scan.msk.f32 $0xffff, v7  }
0x3d3: {  	vm1 =	vge.f32 v58, v4;
	(v2sf) =	vpush v20, $0xF;
	v7, _, _ =	vpop (xrf2)  }
0x3d4: {  	(v2sf) =	vpush v7, $0xF;
	v7 =	vnsel vm1, $0x41800000, v2  }
0x3d5: {  	s0 =	scvt.f32.s32 s7;
	(xrf0) =	vmin.scan.msk.f32 $0xffff, v7;
	_ =	sdelay $0x1  }
0x3d6: {  	[dreg:$0x16] =	wrdreg s9;
	s9 =	simm.s32 $0xE570;
	v9 =	vsub.f32 v11, v9;
	v11 =	vmov s0;
	s10 =	spop (v2sf)  }
0x3d7: {  	v59 =	vld [tilespmem:s9+$0x0];
	vm1 =	veq.s32 v11, v3;
	s2 =	spop (v2sf)  }
0x3d8: {  	v9 =	vnsel vm1, $0x0, v9;
	s2 =	scvt.f32.s32 s2  }
0x3d9: {  	(xrf2) =	vadd.scan.msk.f32 $0xffff, v9;
	v7, _, _ =	vpop (xrf2)  }
0x3da: {  	v60, _, _ =	vpop (xrf0);
	s26 =	sadd.s32 s2, s25  }
0x3db: {  	v11, _, _ =	vpop (xrf2);
	(v2sf) =	vpush v60, $0xF;
	s11 =	scvt.f32.s32 s10;
	s12 =	scvt.s32.f32 s26  }
0x3dc: {  	(v2sf) =	vpush v11, $0xF;
	v11 =	vcvt.s32.f32 v59  }
0x3dd: {  	v9 =	vsub.f32 v12, v10;
	v10 =	vmov s11;
	v12 =	vadd.f32 s12, v55  }
0x3de: {  	(xrf2) =	vadd.scan.msk.f32 $0xffff, v11;
	vm1 =	veq.s32 v10, v3  }
0x3df: {  	s31 =	simm.s32 $0x40;
	p0 =	por $0x1, $0x1;
	s29 =	simm.s32 $0x70;
	v10 =	vsel vm0, $0x0, v7;
	v9 =	vnsel vm1, $0x0, v9;
	vm1 =	vge.f32 v12, v4  }
0x3e0: {  	s28 =	simm.s32 $0x80;
	s18 =	simm.s32 $0x0;
	s6 =	simm.s32 $0xE580;
	(xrf2) =	vadd.scan.msk.f32 $0xffff, v10;
	v10 =	vnsel vm1, $0x41800000, v2  }
0x3e1: {  	s22 =	simm.s32 $0xA0;
	s4 =	simm.s32 $0x30;
	s24 =	simm.s32 $0x60;
	(xrf2) =	vadd.scan.msk.f32 $0xffff, v9;
	v9 =	vld [tilespmem:s6+$0x0]  }
0x3e2: {  	s23 =	simm.s32 $0x90;
	p1 =	slt.s32 s0, $0x10;
	s5 =	spop (v2sf)  }
0x3e3: {  	s0 =	sadd.s32 $0x0, s0;
	p0 =	por !p0, !p1;
	s7 =	spop (v2sf);
	(xrf0) =	vmin.scan.msk.f32 $0xffff, v10;
	v10, _, _ =	vpop (xrf2)  }
0x3e4: {  	p0 =	por !p0, !p0;
	s1 =	simm.s32 $0x0;
	s13 =	scvt.f32.s32 s7;
	(v2sf) =	vpush v10, $0xF  }
0x3e5: {  	s3 =	simm.s32 $0x50;
	s18 =	smov.u32 @p0 s0;
	s1 =	simm.s32 @p0 $0x1  }
0x3e6: {  	v61 =	vsub.f32 v8, v5;
	p5 =	seq.s32 s1, $0x0;
	p2 =	slt.s32 s11, $0x10;
	s0 =	sadd.s32 s13, s26;
	v5 =	vcvt.s32.f32 v9  }
0x3e7: {  	p1 =	por !p5, !p2;
	s5 =	scvt.f32.s32 s5;
	s14 =	scvt.s32.f32 s0  }
0x3e8: {  	v13 =	vsub.f32 v13, v6;
	p0 =	por p0, p0;
	s2 =	simm.s32 $0xE590;
	p1 =	por !p1, !p1;
	(xrf2) =	vadd.scan.msk.f32 $0xffff, v5;
	v12, _, _ =	vpop (xrf2)  }
0x3e9: {  	p2 =	por p0, p0;
	s6 =	sadd.s32 $0x10, s11;
	s1 =	simm.s32 @p1 $0x1;
	v9 =	vsub.f32 v57, v14;
	v14 =	vmov s5;
	v6 =	vadd.f32 s14, v57;
	v10, _, _ =	vpop (xrf0)  }
0x3ea: {  	v8 =	vsub.f32 v55, v15;
	v15 =	vld [tilespmem:s2+$0x0];
	p6 =	seq.s32 s1, $0x0;
	s18 =	smov.u32 @p1 s6;
	p3 =	slt.s32 s5, $0x10;
	v62, _, _ =	vpop (xrf2);
	(v2sf) =	vpush v10, $0xF;
	v10 =	vsel vm0, $0x0, v12  }
0x3eb: {  	p1 =	por p1, p1;
	s12 =	simm.s32 $0x0;
	p3 =	por !p6, !p3;
	vm1 =	vge.f32 v6, v4;
	(xrf2) =	vadd.scan.msk.f32 $0xffff, v10;
	(v2sf) =	vpush v62, $0xF  }
0x3ec: {  	p0 =	por !p3, !p3;
	s5 =	sadd.s32 $0x20, s5;
	s16 =	spop (v2sf);
	v63 =	vnsel vm1, $0x41800000, v2;
	vm1 =	veq.s32 v14, v3;
	v14, _, _ =	vpop (xrf2)  }
0x3ed: {  	s1 =	simm.s32 @p0 $0x1;
	s19 =	spop (v2sf);
	s9 =	scvt.f32.s32 s16;
	(v2sf) =	vpush v14, $0xF  }
0x3ee: {  	s18 =	smov.u32 @p0 s5;
	s5 =	simm.s32 $0xB0;
	v6 =	vsub.f32 v12, v11;
	v11 =	vnsel vm1, $0x0, v61;
	(xrf0) =	vmin.scan.msk.f32 $0xffff, v63;
	s7 =	scvt.f32.s32 s19  }
0x3ef: {  	s30 =	smov.u32 s0;
	p3 =	seq.s32 s1, $0x0;
	v10 =	vsub.f32 v7, v56;
	p4 =	slt.s32 s9, $0x10;
	(xrf2) =	vadd.scan.msk.f32 $0xffff, v11;
	v11 =	vcvt.s32.f32 v15;
	v14 =	vmov s9  }
.LBB2_26:
0x3f0: {  	p5 =	sne.s32 s5, $0xF0;
	s0 =	sadd.s32 s7, s0;
	p4 =	por !p3, !p4  }
0x3f1: {  	s6 =	smov.u32 s23;
	s23 =	smov.u32 s22;
	s22 =	smov.u32 s5  }
0x3f2: {  	v15, _, _ =	vpop (xrf2);
	vm1 =	veq.s32 v14, v3;
	p3 =	por p2, p2;
	p2 =	por p1, p1;
	p1 =	por p0, p0  }
0x3f3: {  	(xrf2) =	vadd.scan.msk.f32 $0xffff, v11;
	v14 =	vsub.f32 v15, v5;
	s7 =	scvt.s32.f32 s0;
	p0 =	por !p4, !p4;
	v16 =	vnsel vm1, $0x0, v13;
	s8 =	spop (v2sf);
	v13 =	vmovc v8;
	v8 =	vmov v9  }
0x3f4: {  	s4 =	sadd.s32 s9, s4;
	v9 =	vmov v10;
	v10 =	vmov v6;
	v5 =	vmov v11;
	v17, _, _ =	vpop (xrf0);
	s1 =	simm.s32 @p0 $0x1;
	s8 =	scvt.f32.s32 s8  }
0x3f5: {  	v19 =	vsel vm0, $0x0, v15;
	s18 =	smov.u32 @p0 s4;
	s4 =	smov.u32 s31;
	s31 =	smov.u32 s3;
	v11, _, _ =	vpop (xrf2);
	v18 =	vadd.f32 s7, v7;
	(v2sf) =	vpush v17, $0xF  }
0x3f6: {  	s2 =	sadd.s32 $0x10, s2;
	v7 =	vmovc v12;
	v12 =	vmov v15;
	v6 =	vmov v14;
	(xrf2) =	vadd.scan.msk.f32 $0xffff, v19;
	(v2sf) =	vpush v11, $0xF;
	s3 =	sadd.s32 s8, s12;
	s12 =	smov.u32 s20  }
0x3f7: {  	s20 =	smov.u32 s21;
	s21 =	smov.u32 s25;
	v11 =	vld [tilespmem:s2+$0x0];
	vm1 =	vge.f32 v18, v4;
	s17 =	smov.u32 @p3 s3  }
.Ltmp14:
0x3f8: {  	s25 =	smov.u32 s26;
	s26 =	smov.u32 s30;
	v15 =	vnsel vm1, $0x41800000, v2;
	(pc) =	sbr.rel @p5 .LBB2_26-.Ltmp14, $4  }
0x3f9: {  	s30 =	smov.u32 s0;
	s3 =	smov.u32 s24;
	(xrf0) =	vmin.scan.msk.f32 $0xffff, v15;
	s7 =	spop (v2sf);
	v14, _, _ =	vpop (xrf2)  }
0x3fa: {  	s24 =	smov.u32 s29;
	s8 =	spop (v2sf);
	s9 =	scvt.f32.s32 s7;
	(xrf2) =	vadd.scan.msk.f32 $0xffff, v16;
	(v2sf) =	vpush v14, $0xF  }
0x3fb: {  	s29 =	smov.u32 s28;
	s28 =	smov.u32 s6;
	s7 =	scvt.f32.s32 s8  }
0x3fc: {  	s5 =	sadd.s32 $0x10, s5;
	p3 =	seq.s32 s1, $0x0;
	v11 =	vcvt.s32.f32 v11;
	p4 =	slt.s32 s9, $0x10;
	v14 =	vmov s9  }
0x3fd: {  	_ =	sdelay $0x2  }
0x3fe: {  	(xrf2) =	vadd.scan.msk.f32 $0xffff, v11;
	_ =	sdelay $0x1  }
0x3ff: {  	s2 =	sadd.s32 $0x10, s2;
	s6 =	sadd.s32 s7, s0  }
0x400: {  	s5 =	spop (v2sf);
	v15 =	vld [tilespmem:s2+$0x0];
	s16 =	scvt.s32.f32 s6  }
0x401: {  	s14 =	spop (v2sf)  }
0x402: {  	v16, _, _ =	vpop (xrf2);
	v7 =	vadd.f32 s16, v7;
	s19 =	spop (v2sf)  }
0x403: {  	vm1 =	veq.s32 v14, v3;
	[smem:$0x7F9] =	sst s5;
	v14 =	vsel vm0, $0x0, v16;
	s5 =	scvt.f32.s32 s19  }
0x404: {  	(xrf2) =	vadd.scan.msk.f32 $0xffff, v14  }
0x405: {  	v13 =	vnsel vm1, $0x0, v13;
	v17, _, _ =	vpop (xrf2);
	v14 =	vcvt.s32.f32 v15;
	s8 =	sadd.s32 s5, s6  }
0x406: {  	[dreg:$0x1a] =	wrdreg s6;
	vm1 =	vge.f32 v7, v4;
	v7, _, _ =	vpop (xrf2);
	(xrf2) =	vadd.scan.msk.f32 $0xffff, v13;
	s6 =	scvt.s32.f32 s8  }
0x407: {  	v13 =	vnsel vm1, $0x41800000, v2;
	v15, _, _ =	vpop (xrf2);
	(xrf2) =	vadd.scan.msk.f32 $0xffff, v14  }
0x408: {  	(xrf0) =	vmin.scan.msk.f32 $0xffff, v13;
	v13 =	vsel vm0, $0x0, v15;
	v12 =	vadd.f32 s6, v12  }
0x409: {  	(xrf2) =	vadd.scan.msk.f32 $0xffff, v13  }
0x40a: {  	vm1 =	vge.f32 v12, v4  }
0x40b: {  	v13, _, _ =	vpop (xrf0);
	v12 =	vnsel vm1, $0x41800000, v2  }
0x40c: {  	(v2sf) =	vpush v13, $0xF;
	(xrf0) =	vmin.scan.msk.f32 $0xffff, v12  }
0x40d: {  	(v2sf) =	vpush v17, $0xF  }
0x40e: {  	(v2sf) =	vpush v7, $0xF;
	v7, _, _ =	vpop (xrf2)  }
0x40f: {  	v12, _, _ =	vpop (xrf0)  }
0x410: {  	(v2sf) =	vpush v12, $0xF;
	v12, _, _ =	vpop (xrf2)  }
0x411: {  	(v2sf) =	vpush v7, $0xF;
	v7, _, _ =	vpop (xrf2)  }
0x412: {  	(v2sf) =	vpush v12, $0xF;
	v12, _, _ =	vpop (xrf0)  }
0x413: {  	v13, _, _ =	vpop (xrf2);
	(v2sf) =	vpush v12, $0xF  }
0x414: {  	(v2sf) =	vpush v13, $0xF;
	_ =	sdelay $0x6  }
0x415: {  	s7 =	spop (v2sf)  }
0x416: {  	s0 =	scvt.f32.s32 s14;
	s10 =	spop (v2sf)  }
0x417: {  	[dreg:$0x1c] =	wrdreg s8;
	s11 =	spop (v2sf)  }
0x418: {  	s5 =	scvt.f32.s32 s11;
	s13 =	spop (v2sf)  }
0x419: {  	[smem:$0x7FA] =	sst s7;
	s14 =	spop (v2sf)  }
0x41a: {  	s6 =	scvt.f32.s32 s10;
	s8 =	sadd.s32 s5, s8;
	s16 =	spop (v2sf)  }
0x41b: {  	v12 =	vmov s0;
	s5 =	scvt.s32.f32 s8;
	s10 =	spop (v2sf)  }
0x41c: {  	vm1 =	veq.s32 v12, v3;
	[dreg:$0x1f] =	wrdreg s10;
	s10 =	spop (v2sf)  }
0x41d: {  	v8 =	vnsel vm1, $0x0, v8;
	s2 =	scvt.f32.s32 s16;
	s19 =	spop (v2sf)  }
0x41e: {  	(xrf2) =	vadd.scan.msk.f32 $0xffff, v8;
	v8 =	vmov s6;
	s7 =	scvt.f32.s32 s14;
	v12 =	vadd.f32 s5, v16;
	s5 =	scvt.f32.s32 s19  }
0x41f: {  	[smem:$0x7FB] =	sst s13;
	vm1 =	veq.s32 v8, v3;
	v8 =	vsel vm0, $0x0, v7;
	s13 =	sadd.s32 s2, s8  }
0x420: {  	v9 =	vnsel vm1, $0x0, v9;
	(xrf2) =	vadd.scan.msk.f32 $0xffff, v8;
	v8 =	vmov s7;
	vm1 =	vge.f32 v12, v4;
	s11 =	scvt.s32.f32 s13;
	s2 =	sadd.s32 s5, s13  }
0x421: {  	(xrf2) =	vadd.scan.msk.f32 $0xffff, v9;
	v12 =	vnsel vm1, $0x41800000, v2;
	vm1 =	veq.s32 v8, v3;
	[dreg:$0x1b] =	wrdreg s2;
	s2 =	scvt.s32.f32 s2  }
0x422: {  	(xrf0) =	vmin.scan.msk.f32 $0xffff, v12;
	v9 =	vnsel vm1, $0x0, v10;
	v8 =	vadd.f32 s11, v15  }
0x423: {  	(xrf2) =	vadd.scan.msk.f32 $0xffff, v9;
	v9 =	vadd.f32 s2, v7  }
0x424: {  	vm1 =	vge.f32 v8, v4  }
0x425: {  	v8 =	vnsel vm1, $0x41800000, v2;
	vm1 =	vge.f32 v9, v4  }
0x426: {  	v4 =	vnsel vm1, $0x41800000, v2  }
0x427: {  	(xrf0) =	vmin.scan.msk.f32 $0xffff, v8  }
0x428: {  	v8, _, _ =	vpop (xrf2)  }
0x429: {  	(v2sf) =	vpush v8, $0xF;
	(xrf0) =	vmin.scan.msk.f32 $0xffff, v4;
	v4, _, _ =	vpop (xrf0)  }
0x42a: {  	v8, _, _ =	vpop (xrf2);
	(v2sf) =	vpush v4, $0xF  }
0x42b: {  	v4, _, _ =	vpop (xrf2);
	(v2sf) =	vpush v8, $0xF  }
0x42c: {  	(v2sf) =	vpush v4, $0xF  }
0x42d: {  	v8, _, _ =	vpop (xrf0)  }
0x42e: {  	(v2sf) =	vpush v8, $0xF  }
0x42f: {  	v4, _, _ =	vpop (xrf2)  }
0x430: {  	(v2sf) =	vpush v4, $0xF;
	v4, _, _ =	vpop (xrf0)  }
0x431: {  	(v2sf) =	vpush v4, $0xF;
	_ =	sdelay $0x6  }
0x432: {  	s14 =	spop (v2sf)  }
0x433: {  	s16 =	spop (v2sf)  }
0x434: {  	s11 =	spop (v2sf)  }
0x435: {  	s5 =	spop (v2sf)  }
0x436: {  	[smem:$0x7FD] =	sst s5;
	s5 =	scvt.f32.s32 s10  }
0x437: {  	s11 =	spop (v2sf);
	s10 =	scvt.f32.s32 s16  }
0x438: {  	v5 =	vsub.f32 v16, v5;
	s19 =	simm.s32 $0x0;
	s11 =	scvt.f32.s32 s11;
	v9 =	vmov s5  }
0x439: {  	v8 =	vsub.f32 v15, v11;
	[smem:$0x7FC] =	sst s14;
	s16 =	sand.u32 $0xF0, s19;
	s14 =	spop (v2sf);
	vm1 =	veq.s32 v9, v3;
	v9 =	vmov s10  }
0x43a: {  	v4 =	vld [tilespmem:s16+$0xE600];
	[dreg:$0x1e] =	wrdreg s14;
	s14 =	spop (v2sf);
	v6 =	vnsel vm1, $0x0, v6;
	vm1 =	veq.s32 v9, v3;
	v9 =	vmov s11  }
0x43b: {  	s14 =	scvt.f32.s32 s14;
	(xrf2) =	vadd.scan.msk.f32 $0xffff, v6;
	v5 =	vnsel vm1, $0x0, v5;
	vm1 =	veq.s32 v9, v3  }
0x43c: {  	(xrf2) =	vadd.scan.msk.f32 $0xffff, v5;
	v5 =	vnsel vm1, $0x0, v8  }
0x43d: {  	v7 =	vsub.f32 v7, v14;
	v6 =	vmov s14;
	(xrf2) =	vadd.scan.msk.f32 $0xffff, v5  }
0x43e: {  	s16 =	simm.s32 $0x10;
	vm1 =	veq.s32 v6, v3  }
0x43f: {  	s2 =	sand.u32 $0xF0, s16;
	v10 =	vcvt.s32.f32 v4;
	v5 =	vnsel vm1, $0x0, v7  }
0x440: {  	v4 =	vld [tilespmem:s2+$0xE600];
	(xrf2) =	vadd.scan.msk.f32 $0xffff, v5  }
0x441: {  	(xrf2) =	vadd.scan.msk.f32 $0xffff, v10;
	_ =	sdelay $0x3  }
0x442: {  	v7 =	vcvt.s32.f32 v4;
	v6, _, _ =	vpop (xrf2)  }
0x443: {  	v4, _, _ =	vpop (xrf2)  }
0x444: {  	v8, _, _ =	vpop (xrf2);
	(xrf2) =	vadd.scan.msk.f32 $0xffff, v7;
	_ =	sdelay $0x1  }
0x445: {  	s16 =	simm.s32 $0x20  }
0x446: {  	s2 =	sand.u32 $0xF0, s16;
	v12, _, _ =	vpop (xrf2)  }
0x447: {  	v5 =	vld [tilespmem:s2+$0xE600];
	v11, _, _ =	vpop (xrf2)  }
0x448: {  	v9 =	vsel vm0, $0x0, v11  }
0x449: {  	(xrf2) =	vadd.scan.msk.f32 $0xffff, v9;
	_ =	sdelay $0x2  }
0x44a: {  	v5 =	vcvt.s32.f32 v5  }
0x44b: {  	s2 =	simm.s32 $0x30;
	v9, _, _ =	vpop (xrf2)  }
0x44c: {  	s16 =	sand.u32 $0xF0, s2;
	(v2sf) =	vpush v6, $0xF;
	(xrf2) =	vadd.scan.msk.f32 $0xffff, v5;
	v6 =	vsel vm0, $0x0, v9  }
0x44d: {  	(v2sf) =	vpush v4, $0xF;
	v4 =	vld [tilespmem:s16+$0xE600];
	s16 =	sld [smem:$0x7F9];
	(xrf2) =	vadd.scan.msk.f32 $0xffff, v6;
	_ =	sdelay $0x2  }
0x44e: {  	p3 =	por !p3, !p4;
	(v2sf) =	vpush v8, $0xF;
	s16 =	scvt.f32.s32 s16  }
0x44f: {  	s4 =	sadd.s32 s9, s4;
	p3 =	por !p3, !p3;
	(v2sf) =	vpush v12, $0xF;
	v6, _, _ =	vpop (xrf2)  }
0x450: {  	s18 =	smov.u32 @p3 s4;
	s4 =	sadd.s32 s16, s12;
	s12 =	rddreg [dreg:$0x11];
	(v2sf) =	vpush v6, $0xF  }
0x451: {  	p2 =	por p2, p2;
	s16 =	rddreg [dreg:$0x13]  }
0x452: {  	s17 =	smov.u32 @p2 s4;
	s4 =	ssub.s32 s12, s16;
	s16 =	sld [smem:$0x7FA]  }
0x453: {  	s12 =	scvt.s32.f32 s19  }
0x454: {  	p1 =	por p1, p1;
	s4 =	scvt.s32.f32 s4;
	v8, _, _ =	vpop (xrf2)  }
0x455: {  	p4 =	por p1, p1;
	s1 =	simm.s32 @p3 $0x1;
	v12 =	vadd.f32 s12, v11;
	s9 =	scvt.f32.s32 s16;
	v6 =	vcvt.s32.f32 v4;
	v14, _, _ =	vpop (xrf2)  }
0x456: {  	p3 =	por p3, p3;
	p5 =	seq.s32 s1, $0x0;
	p6 =	slt.s32 s0, $0x10;
	v4 =	vmov s4;
	(v2sf) =	vpush v14, $0xF  }
0x457: {  	p2 =	por !p5, !p6;
	s4 =	sadd.s32 s9, s20;
	s20 =	simm.s32 $0x40;
	vm1 =	vge.f32 v12, v4;
	(xrf2) =	vadd.scan.msk.f32 $0xffff, v6;
	v13 =	vsel vm0, $0x0, v8  }
0x458: {  	s0 =	sadd.s32 s0, s31;
	p1 =	por !p2, !p2;
	s9 =	sand.u32 $0xF0, s20;
	v12 =	vnsel vm1, $0x41800000, v2;
	(xrf2) =	vadd.scan.msk.f32 $0xffff, v13  }
0x459: {  	s3 =	sadd.s32 s6, s3;
	s1 =	simm.s32 @p1 $0x1;
	s12 =	sld [smem:$0x7FB];
	(xrf0) =	vmin.scan.msk.f32 $0xffff, v12;
	v12 =	vld [tilespmem:s9+$0xE600]  }
0x45a: {  	p5 =	por p0, p0;
	s18 =	smov.u32 @p1 s0;
	p6 =	seq.s32 s1, $0x0  }
0x45b: {  	s17 =	smov.u32 @p4 s4;
	p4 =	slt.s32 s6, $0x10;
	s6 =	spop (v2sf)  }
0x45c: {  	s16 =	scvt.f32.s32 s12;
	p2 =	por !p6, !p4;
	s4 =	spop (v2sf)  }
0x45d: {  	p4 =	por p5, p5;
	p0 =	por !p2, !p2;
	s0 =	spop (v2sf)  }
0x45e: {  	p5 =	slt.s32 s7, $0x10;
	s18 =	smov.u32 @p0 s3;
	s3 =	spop (v2sf);
	v12 =	vcvt.s32.f32 v12  }
0x45f: {  	s7 =	sadd.s32 s7, s24;
	s9 =	sadd.s32 s16, s21;
	s21 =	spop (v2sf)  }
0x460: {  	p2 =	por p4, p4;
	v14, _, _ =	vpop (xrf0);
	(xrf2) =	vadd.scan.msk.f32 $0xffff, v12;
	s16 =	scvt.f32.s32 s21;
	s21 =	rddreg [dreg:$0x1f]  }
0x461: {  	s17 =	smov.u32 @p2 s9;
	v13, _, _ =	vpop (xrf2);
	s9 =	scvt.f32.s32 s21;
	s21 =	simm.s32 $0x50  }
0x462: {  	s1 =	simm.s32 @p0 $0x1;
	(v2sf) =	vpush v14, $0xF;
	v15, _, _ =	vpop (xrf2);
	s24 =	sadd.s32 $0x0, s16;
	s16 =	sand.u32 $0xF0, s21  }
0x463: {  	p3 =	por p3, p3;
	p6 =	seq.s32 s1, $0x0;
	(v2sf) =	vpush v15, $0xF;
	s12 =	scvt.s32.f32 s24;
	v15 =	vld [tilespmem:s16+$0xE600]  }
0x464: {  	p3 =	por p3, p3;
	p2 =	por !p6, !p5;
	s9 =	sadd.s32 s9, s25  }
0x465: {  	p2 =	por !p2, !p2;
	v54 =	vsel vm0, $0x0, v13;
	s17 =	smov.u32 @p3 s9;
	v14 =	vadd.f32 s12, v9;
	s9 =	spop (v2sf)  }
0x466: {  	p0 =	por p0, p0;
	s18 =	smov.u32 @p2 s7;
	(xrf2) =	vadd.scan.msk.f32 $0xffff, v54;
	s7 =	scvt.f32.s32 s9  }
0x467: {  	s0 =	scvt.f32.s32 s0;
	p0 =	por p0, p0;
	p5 =	slt.s32 s5, $0x10;
	vm1 =	vge.f32 v14, v4  }
0x468: {  	s5 =	sadd.s32 s5, s29;
	s1 =	simm.s32 @p2 $0x1;
	v14 =	vnsel vm1, $0x41800000, v2;
	v15 =	vcvt.s32.f32 v15;
	s25 =	sadd.s32 s7, s24  }
0x469: {  	p2 =	por p2, p2;
	s12 =	sld [smem:$0x7FC];
	(xrf0) =	vmin.scan.msk.f32 $0xffff, v14;
	s16 =	scvt.s32.f32 s25  }
0x46a: {  	p6 =	por p1, p1;
	p4 =	seq.s32 s1, $0x0;
	p2 =	por p2, p2;
	v55, _, _ =	vpop (xrf2);
	(xrf2) =	vadd.scan.msk.f32 $0xffff, v15  }
0x46b: {  	s0 =	sadd.s32 s0, s13;
	p2 =	por p2, p2;
	p3 =	por !p4, !p5;
	v56 =	vsel vm0, $0x0, v55;
	v14 =	vadd.f32 s16, v8  }
0x46c: {  	p4 =	por p6, p6;
	p1 =	por !p3, !p3;
	s9 =	scvt.f32.s32 s12;
	(xrf2) =	vadd.scan.msk.f32 $0xffff, v56  }
0x46d: {  	p6 =	slt.s32 s10, $0x10;
	p3 =	por p4, p4;
	s1 =	simm.s32 @p1 $0x1;
	vm1 =	vge.f32 v14, v4  }
0x46e: {  	p5 =	seq.s32 s1, $0x0;
	s7 =	sadd.s32 s9, s26;
	s26 =	simm.s32 $0x60;
	v58 =	vnsel vm1, $0x41800000, v2  }
0x46f: {  	s18 =	smov.u32 @p1 s5;
	p4 =	por !p5, !p6;
	s9 =	sand.u32 $0xF0, s26;
	v18, _, _ =	vpop (xrf0);
	(xrf0) =	vmin.scan.msk.f32 $0xffff, v58  }
0x470: {  	s17 =	smov.u32 @p3 s7;
	s7 =	sadd.s32 s10, s28;
	p3 =	por !p4, !p4;
	v57 =	vld [tilespmem:s9+$0xE600];
	(v2sf) =	vpush v18, $0xF;
	v14, _, _ =	vpop (xrf2)  }
0x471: {  	p1 =	por p1, p1;
	s18 =	smov.u32 @p3 s7;
	s7 =	spop (v2sf);
	(v2sf) =	vpush v14, $0xF  }
0x472: {  	p1 =	por p1, p1;
	p6 =	slt.s32 s11, $0x10;
	s12 =	spop (v2sf)  }
0x473: {  	s10 =	sld [smem:$0x7FD];
	s1 =	simm.s32 @p3 $0x1;
	s9 =	scvt.f32.s32 s12  }
0x474: {  	p1 =	por p1, p1;
	p3 =	por p3, p3;
	p5 =	seq.s32 s1, $0x0;
	v59, _, _ =	vpop (xrf2)  }
0x475: {  	s16 =	rddreg [dreg:$0x1e];
	p3 =	por p3, p3;
	v17 =	vcvt.s32.f32 v57;
	s28 =	sadd.s32 s9, s25;
	v19, _, _ =	vpop (xrf0)  }
0x476: {  	s5 =	scvt.f32.s32 s10;
	s9 =	sadd.s32 s11, s23;
	s23 =	scvt.s32.f32 s28;
	v60, _, _ =	vpop (xrf2);
	(v2sf) =	vpush v19, $0xF  }
0x477: {  	p4 =	por !p5, !p6;
	p5 =	por p0, p0;
	s10 =	scvt.f32.s32 s16;
	(xrf2) =	vadd.scan.msk.f32 $0xffff, v17;
	(v2sf) =	vpush v60, $0xF  }
0x478: {  	s16 =	scvt.f32.s32 s6;
	s6 =	scvt.f32.s32 s4;
	p0 =	por !p4, !p4;
	v20 =	vsel vm0, $0x0, v59;
	v14 =	vadd.f32 s23, v13  }
0x479: {  	s5 =	sadd.s32 s5, s30;
	s1 =	simm.s32 @p0 $0x1;
	p6 =	por p0, p0;
	(xrf2) =	vadd.scan.msk.f32 $0xffff, v20  }
0x47a: {  	s30 =	simm.s32 $0x80;
	s17 =	smov.u32 @p5 s5;
	s12 =	rddreg [dreg:$0x1a];
	vm1 =	vge.f32 v14, v4  }
0x47b: {  	s5 =	sadd.s32 s10, s12;
	s10 =	scvt.f32.s32 s7;
	s23 =	rddreg [dreg:$0x1c];
	v14 =	vnsel vm1, $0x41800000, v2  }
0x47c: {  	p4 =	seq.s32 s1, $0x0;
	s1 =	sadd.s32 s16, s23;
	s23 =	simm.s32 $0x70;
	(xrf0) =	vmin.scan.msk.f32 $0xffff, v14  }
0x47d: {  	v10 =	vsub.f32 v11, v10;
	p5 =	slt.s32 s14, $0x10;
	s18 =	smov.u32 @p0 s9;
	v11 =	vmov s10;
	s9 =	sand.u32 $0xF0, s23  }
0x47e: {  	s17 =	smov.u32 @p2 s5;
	p2 =	por !p4, !p5;
	s5 =	sadd.s32 s14, s22;
	v61 =	vld [tilespmem:s9+$0xE600];
	vm1 =	veq.s32 v11, v3  }
0x47f: {  	p5 =	por p6, p6;
	s17 =	smov.u32 @p1 s1;
	v10 =	vnsel vm1, $0x0, v10;
	s11 =	spop (v2sf)  }
0x480: {  	p1 =	por p3, p3;
	s1 =	sadd.s32 s6, s8;
	(xrf2) =	vadd.scan.msk.f32 $0xffff, v10;
	s12 =	spop (v2sf)  }
0x481: {  	s14 =	scvt.f32.s32 s3;
	s17 =	smov.u32 @p1 s1;
	v14, _, _ =	vpop (xrf2);
	s1 =	scvt.f32.s32 s12  }
0x482: {  	s22 =	simm.s32 $0x0;
	p0 =	por !p2, !p2;
	s3 =	sadd.s32 $0x0, s10;
	v62, _, _ =	vpop (xrf0)  }
0x483: {  	p6 =	por p0, p0;
	v19 =	vcvt.s32.f32 v61;
	v11, _, _ =	vpop (xrf2);
	s16 =	scvt.f32.s32 s11;
	(v2sf) =	vpush v62, $0xF;
	s29 =	sadd.s32 s1, s28  }
0x484: {  	s18 =	smov.u32 @p0 s5;
	p4 =	por p6, p6;
	(v2sf) =	vpush v11, $0xF;
	s1 =	scvt.s32.f32 s29  }
0x485: {  	v7 =	vsub.f32 v9, v7;
	p6 =	slt.s32 s10, $0x10;
	s10 =	sand.u32 $0xF0, s30;
	(xrf2) =	vadd.scan.msk.f32 $0xffff, v19;
	v9 =	vmov s16;
	s9 =	spop (v2sf)  }
0x486: {  	s8 =	rddreg [dreg:$0x1b];
	p1 =	por p5, p5;
	vm1 =	veq.s32 v9, v3;
	v9 =	vsel vm0, $0x0, v14;
	v10 =	vadd.f32 s1, v55;
	s11 =	spop (v2sf)  }
0x487: {  	p5 =	por $0x1, $0x1;
	s17 =	smov.u32 @p1 s0;
	(xrf2) =	vadd.scan.msk.f32 $0xffff, v9;
	v7 =	vnsel vm1, $0x0, v7;
	s12 =	scvt.f32.s32 s11  }
0x488: {  	p1 =	por p4, p4;
	s0 =	sadd.s32 s14, s8;
	p4 =	por !p5, !p6;
	(xrf2) =	vadd.scan.msk.f32 $0xffff, v7;
	v7 =	vld [tilespmem:s10+$0xE600];
	vm1 =	vge.f32 v10, v4  }
0x489: {  	p0 =	por !p4, !p4;
	s17 =	smov.u32 @p1 s0;
	v9 =	vnsel vm1, $0x41800000, v2;
	s0 =	sadd.s32 s12, s29  }
0x48a: {  	s22 =	simm.s32 @p0 $0x1;
	v10 =	vsub.f32 v13, v6;
	v6, _, _ =	vpop (xrf2);
	(xrf0) =	vmin.scan.msk.f32 $0xffff, v9;
	s6 =	scvt.s32.f32 s0  }
0x48b: {  	p5 =	seq.s32 s22, $0x0;
	p6 =	slt.s32 s16, $0x10;
	(v2sf) =	vpush v6, $0xF  }
0x48c: {  	p2 =	por !p5, !p6;
	s4 =	scvt.f32.s32 s9;
	v9 =	vadd.f32 s6, v59  }
0x48d: {  	s31 =	simm.s32 $0xA0;
	v63 =	vsub.f32 v8, v5;
	p1 =	por !p2, !p2;
	v5 =	vcvt.s32.f32 v7  }
0x48e: {  	s5 =	sadd.s32 $0x10, s16;
	p5 =	por p0, p0;
	s22 =	simm.s32 @p1 $0x1;
	v6 =	vmov s4;
	vm1 =	vge.f32 v9, v4  }
0x48f: {  	p2 =	por p5, p5;
	p3 =	seq.s32 s22, $0x0;
	s1 =	simm.s32 $0x0;
	v7 =	vsub.f32 v59, v15;
	v11, _, _ =	vpop (xrf2);
	(xrf2) =	vadd.scan.msk.f32 $0xffff, v5;
	v15 =	vnsel vm1, $0x41800000, v2  }
0x490: {  	v8 =	vsub.f32 v55, v12;
	s1 =	smov.u32 @p0 s3;
	s3 =	simm.s32 $0x90;
	s9 =	simm.s32 $0x0;
	v13 =	vsel vm0, $0x0, v11;
	v12, _, _ =	vpop (xrf0)  }
0x491: {  	s1 =	smov.u32 @p1 s5;
	p1 =	por p1, p1;
	p4 =	slt.s32 s4, $0x10;
	vm1 =	veq.s32 v6, v3;
	v6, _, _ =	vpop (xrf2);
	(xrf2) =	vadd.scan.msk.f32 $0xffff, v13;
	(v2sf) =	vpush v12, $0xF  }
0x492: {  	s14 =	sand.u32 $0xF0, s3;
	p6 =	por !p3, !p4;
	s13 =	spop (v2sf);
	(xrf0) =	vmin.scan.msk.f32 $0xffff, v15;
	(v2sf) =	vpush v6, $0xF;
	v15, _, _ =	vpop (xrf2)  }
0x493: {  	s5 =	simm.s32 $0xB0;
	p0 =	por !p6, !p6;
	s16 =	spop (v2sf);
	v12 =	vld [tilespmem:s14+$0xE600];
	(v2sf) =	vpush v15, $0xF  }
0x494: {  	s4 =	sadd.s32 $0x20, s4;
	s22 =	simm.s32 @p0 $0x1;
	v13 =	vnsel vm1, $0x0, v63;
	s11 =	scvt.f32.s32 s13  }
0x495: {  	s1 =	smov.u32 @p0 s4;
	s4 =	smov.u32 s0;
	v9 =	vsub.f32 v14, v17;
	v6 =	vsub.f32 v11, v19;
	s7 =	scvt.f32.s32 s16;
	(xrf2) =	vadd.scan.msk.f32 $0xffff, v13  }
.LBB2_28:
0x496: {  	p3 =	sne.s32 s5, $0xF0;
	p5 =	seq.s32 s22, $0x0;
	p6 =	slt.s32 s11, $0x10  }
0x497: {  	s6 =	smov.u32 s3;
	s3 =	smov.u32 s31;
	s31 =	smov.u32 s5  }
0x498: {  	v17 =	vcvt.s32.f32 v12;
	v13 =	vmov s11;
	p4 =	por p2, p2;
	p2 =	por p1, p1;
	p1 =	por p0, p0  }
0x499: {  	v15, _, _ =	vpop (xrf2);
	s0 =	sadd.s32 s7, s0;
	p0 =	por !p5, !p6;
	vm1 =	veq.s32 v13, v3;
	s7 =	sadd.s32 s11, s2  }
0x49a: {  	(xrf2) =	vadd.scan.msk.f32 $0xffff, v17;
	v13 =	vsub.f32 v15, v5;
	s8 =	scvt.s32.f32 s0;
	p0 =	por !p0, !p0;
	v16 =	vnsel vm1, $0x0, v10;
	s2 =	spop (v2sf);
	v5 =	vmovc v17;
	v10 =	vmov v8  }
0x49b: {  	v8 =	vmov v7;
	v7 =	vmov v9;
	v9 =	vmov v6;
	v12, _, _ =	vpop (xrf0);
	s22 =	simm.s32 @p0 $0x1;
	s10 =	scvt.f32.s32 s2;
	s2 =	smov.u32 s20  }
0x49c: {  	v19 =	vsel vm0, $0x0, v15;
	s1 =	smov.u32 @p0 s7;
	s20 =	smov.u32 s21;
	s21 =	smov.u32 s26;
	v17, _, _ =	vpop (xrf2);
	v18 =	vadd.f32 s8, v14;
	(v2sf) =	vpush v12, $0xF  }
0x49d: {  	s7 =	sand.u32 $0xF0, s3;
	v14 =	vmovc v11;
	v11 =	vmov v15;
	v6 =	vmov v13;
	(xrf2) =	vadd.scan.msk.f32 $0xffff, v19;
	(v2sf) =	vpush v17, $0xF;
	s8 =	sadd.s32 s10, s9;
	s9 =	smov.u32 s24  }
.Ltmp15:
0x49e: {  	s24 =	smov.u32 s25;
	v12 =	vld [tilespmem:s7+$0xE600];
	vm1 =	vge.f32 v18, v4;
	s19 =	smov.u32 @p4 s8;
	(pc) =	sbr.rel @p3 .LBB2_28-.Ltmp15, $4  }
0x49f: {  	s25 =	smov.u32 s28;
	s28 =	smov.u32 s29;
	s29 =	smov.u32 s4;
	v15 =	vnsel vm1, $0x41800000, v2  }
0x4a0: {  	s26 =	smov.u32 s23;
	s4 =	smov.u32 s0;
	(xrf0) =	vmin.scan.msk.f32 $0xffff, v15;
	s7 =	spop (v2sf);
	v13, _, _ =	vpop (xrf2)  }
0x4a1: {  	s23 =	smov.u32 s30;
	s8 =	spop (v2sf);
	s11 =	scvt.f32.s32 s7;
	(xrf2) =	vadd.scan.msk.f32 $0xffff, v16;
	(v2sf) =	vpush v13, $0xF  }
0x4a2: {  	s5 =	sadd.s32 $0x10, s5;
	s30 =	smov.u32 s6;
	s7 =	scvt.f32.s32 s8  }
0x4a3: {  	_ =	sdelay $0x1  }
0x4a4: {  	v12 =	vcvt.s32.f32 v12;
	_ =	sdelay $0x1  }
0x4a5: {  	(xrf2) =	vadd.scan.msk.f32 $0xffff, v12;
	_ =	sdelay $0x1  }
0x4a6: {  	s5 =	sand.u32 $0xF0, s31  }
0x4a7: {  	s13 =	spop (v2sf);
	v13 =	vld [tilespmem:s5+$0xE600]  }
0x4a8: {  	s7 =	sadd.s32 s7, s0;
	s8 =	spop (v2sf)  }
0x4a9: {  	s10 =	scvt.s32.f32 s7;
	s6 =	spop (v2sf)  }
0x4aa: {  	v15 =	vmov s11;
	v16, _, _ =	vpop (xrf2);
	s6 =	scvt.f32.s32 s6  }
0x4ab: {  	vm1 =	veq.s32 v15, v3;
	v42 =	vsel vm0, $0x0, v16;
	v14 =	vadd.f32 s10, v14  }
0x4ac: {  	v17 =	vnsel vm1, $0x0, v10;
	(xrf2) =	vadd.scan.msk.f32 $0xffff, v42;
	v18, _, _ =	vpop (xrf2);
	v43 =	vcvt.s32.f32 v13;
	s10 =	sadd.s32 s6, s7  }
0x4ad: {  	(xrf2) =	vadd.scan.msk.f32 $0xffff, v17;
	vm1 =	vge.f32 v14, v4;
	v44, _, _ =	vpop (xrf2);
	s12 =	scvt.s32.f32 s10  }
0x4ae: {  	v14 =	vnsel vm1, $0x41800000, v2;
	(xrf2) =	vadd.scan.msk.f32 $0xffff, v43;
	v45, _, _ =	vpop (xrf2)  }
0x4af: {  	(xrf0) =	vmin.scan.msk.f32 $0xffff, v14;
	v46 =	vsel vm0, $0x0, v45;
	v11 =	vadd.f32 s12, v11  }
0x4b0: {  	(xrf2) =	vadd.scan.msk.f32 $0xffff, v46  }
0x4b1: {  	vm1 =	vge.f32 v11, v4  }
0x4b2: {  	v47, _, _ =	vpop (xrf0);
	v48 =	vnsel vm1, $0x41800000, v2  }
0x4b3: {  	(v2sf) =	vpush v47, $0xF;
	(xrf0) =	vmin.scan.msk.f32 $0xffff, v48  }
0x4b4: {  	(v2sf) =	vpush v18, $0xF  }
0x4b5: {  	(v2sf) =	vpush v44, $0xF;
	v49, _, _ =	vpop (xrf0)  }
0x4b6: {  	v50, _, _ =	vpop (xrf2);
	(v2sf) =	vpush v49, $0xF  }
0x4b7: {  	v51, _, _ =	vpop (xrf2);
	(v2sf) =	vpush v50, $0xF  }
0x4b8: {  	v52, _, _ =	vpop (xrf2)  }
0x4b9: {  	(v2sf) =	vpush v51, $0xF;
	v53, _, _ =	vpop (xrf0)  }
0x4ba: {  	v54, _, _ =	vpop (xrf2);
	(v2sf) =	vpush v53, $0xF  }
0x4bb: {  	(v2sf) =	vpush v54, $0xF;
	_ =	sdelay $0x5  }
0x4bc: {  	[dreg:$0x1d] =	wrdreg s7;
	s12 =	spop (v2sf)  }
0x4bd: {  	s0 =	scvt.f32.s32 s8;
	s14 =	spop (v2sf)  }
0x4be: {  	[smem:$0x7F7] =	sst s10;
	s16 =	spop (v2sf)  }
0x4bf: {  	s8 =	spop (v2sf);
	s6 =	scvt.f32.s32 s16  }
0x4c0: {  	v55 =	vmov s0;
	s16 =	scvt.f32.s32 s14;
	s7 =	spop (v2sf)  }
0x4c1: {  	vm1 =	veq.s32 v55, v3;
	[smem:$0x7F5] =	sst s8;
	s10 =	sadd.s32 s6, s10;
	s8 =	spop (v2sf)  }
0x4c2: {  	v8 =	vnsel vm1, $0x0, v8;
	s5 =	scvt.f32.s32 s8;
	s8 =	scvt.s32.f32 s10  }
0x4c3: {  	(xrf2) =	vadd.scan.msk.f32 $0xffff, v8;
	s14 =	spop (v2sf)  }
0x4c4: {  	v58 =	vsel vm0, $0x0, v52;
	v56 =	vmov s16;
	[smem:$0x7F6] =	sst s14;
	v57 =	vadd.f32 s8, v16;
	s6 =	spop (v2sf)  }
0x4c5: {  	(xrf2) =	vadd.scan.msk.f32 $0xffff, v58;
	vm1 =	veq.s32 v56, v3;
	s14 =	scvt.f32.s32 s7;
	s7 =	sadd.s32 s5, s10;
	s8 =	spop (v2sf)  }
0x4c6: {  	v7 =	vnsel vm1, $0x0, v7;
	vm1 =	vge.f32 v57, v4;
	s5 =	scvt.f32.s32 s8;
	s8 =	scvt.s32.f32 s7  }
0x4c7: {  	(xrf2) =	vadd.scan.msk.f32 $0xffff, v7;
	v59 =	vmov s14;
	v11 =	vnsel vm1, $0x41800000, v2  }
0x4c8: {  	vm1 =	veq.s32 v59, v3;
	(xrf0) =	vmin.scan.msk.f32 $0xffff, v11;
	v60 =	vadd.f32 s8, v45;
	s5 =	sadd.s32 s5, s7  }
0x4c9: {  	v7 =	vnsel vm1, $0x0, v9;
	[smem:$0x7F8] =	sst s5;
	s5 =	scvt.s32.f32 s5  }
0x4ca: {  	(xrf2) =	vadd.scan.msk.f32 $0xffff, v7;
	vm1 =	vge.f32 v60, v4  }
0x4cb: {  	v61 =	vadd.f32 s5, v52;
	v8 =	vnsel vm1, $0x41800000, v2  }
0x4cc: {  	(xrf0) =	vmin.scan.msk.f32 $0xffff, v8  }
0x4cd: {  	vm1 =	vge.f32 v61, v4;
	v4, _, _ =	vpop (xrf2)  }
0x4ce: {  	v7 =	vnsel vm1, $0x41800000, v2;
	(v2sf) =	vpush v4, $0xF;
	v4, _, _ =	vpop (xrf0)  }
0x4cf: {  	v62, _, _ =	vpop (xrf2);
	(xrf0) =	vmin.scan.msk.f32 $0xffff, v7;
	(v2sf) =	vpush v4, $0xF  }
0x4d0: {  	(v2sf) =	vpush v62, $0xF  }
0x4d1: {  	v4, _, _ =	vpop (xrf2)  }
0x4d2: {  	(v2sf) =	vpush v4, $0xF;
	v63, _, _ =	vpop (xrf0)  }
0x4d3: {  	(v2sf) =	vpush v63, $0xF  }
0x4d4: {  	v4, _, _ =	vpop (xrf2)  }
0x4d5: {  	(v2sf) =	vpush v4, $0xF;
	v4, _, _ =	vpop (xrf0)  }
0x4d6: {  	(v2sf) =	vpush v4, $0xF;
	_ =	sdelay $0x2  }
0x4d7: {  	p3 =	seq.s32 s22, $0x0  }
0x4d8: {  	p4 =	slt.s32 s11, $0x10;
	s2 =	sadd.s32 s11, s2;
	p2 =	por p2, p2  }
0x4d9: {  	p1 =	por p1, p1;
	p0 =	por p0, p0;
	p3 =	por !p3, !p4  }
0x4da: {  	s13 =	scvt.f32.s32 s13;
	p0 =	por p0, p0;
	p3 =	por !p3, !p3  }
0x4db: {  	p0 =	por p0, p0;
	s8 =	scvt.f32.s32 s6;
	s5 =	spop (v2sf)  }
0x4dc: {  	s1 =	smov.u32 @p3 s2;
	s2 =	sadd.s32 s13, s9;
	s6 =	spop (v2sf)  }
0x4dd: {  	s22 =	simm.s32 @p3 $0x1;
	p3 =	por p3, p3;
	v4 =	vmov s8;
	s9 =	spop (v2sf)  }
0x4de: {  	p4 =	seq.s32 s22, $0x0;
	p5 =	slt.s32 s0, $0x10;
	vm1 =	veq.s32 v4, v3;
	s9 =	scvt.f32.s32 s6  }
0x4df: {  	s19 =	smov.u32 @p2 s2;
	p2 =	por !p4, !p5;
	v4 =	vnsel vm1, $0x0, v6;
	s13 =	spop (v2sf)  }
0x4e0: {  	v5 =	vsub.f32 v16, v5;
	s0 =	sadd.s32 s0, s20;
	p2 =	por !p2, !p2;
	(xrf2) =	vadd.scan.msk.f32 $0xffff, v4;
	v4 =	vmov s9;
	s11 =	spop (v2sf)  }
0x4e1: {  	p3 =	por p3, p3;
	s1 =	smov.u32 @p2 s0;
	vm1 =	veq.s32 v4, v3;
	s11 =	scvt.f32.s32 s11  }
0x4e2: {  	s22 =	simm.s32 @p2 $0x1;
	p2 =	por p2, p2;
	s0 =	spop (v2sf);
	v4 =	vnsel vm1, $0x0, v5  }
0x4e3: {  	p6 =	seq.s32 s22, $0x0;
	p5 =	slt.s32 s16, $0x10;
	v5 =	vsub.f32 v45, v12;
	(xrf2) =	vadd.scan.msk.f32 $0xffff, v4;
	v4 =	vmov s11;
	s20 =	spop (v2sf)  }
0x4e4: {  	p2 =	por p2, p2;
	p4 =	por !p6, !p5;
	vm1 =	veq.s32 v4, v3;
	s2 =	scvt.f32.s32 s20  }
0x4e5: {  	p5 =	por p1, p1;
	p1 =	por !p4, !p4;
	s6 =	scvt.f32.s32 s12;
	v4 =	vnsel vm1, $0x0, v5  }
0x4e6: {  	p2 =	por p2, p2;
	s22 =	simm.s32 @p1 $0x1;
	s5 =	scvt.f32.s32 s5;
	v5 =	vsub.f32 v52, v43;
	(xrf2) =	vadd.scan.msk.f32 $0xffff, v4;
	v4 =	vmov s2  }
0x4e7: {  	s12 =	sadd.s32 s16, s21;
	s6 =	sadd.s32 s6, s24;
	s24 =	sld [smem:$0x7F5];
	vm1 =	veq.s32 v4, v3  }
0x4e8: {  	p6 =	slt.s32 s14, $0x10;
	s1 =	smov.u32 @p1 s12;
	p1 =	por p1, p1;
	v4 =	vnsel vm1, $0x0, v5  }
0x4e9: {  	s5 =	sadd.s32 s5, s29;
	s21 =	sld [smem:$0x7F7];
	p1 =	por p1, p1;
	(xrf2) =	vadd.scan.msk.f32 $0xffff, v4  }
0x4ea: {  	s19 =	smov.u32 @p5 s6;
	p5 =	seq.s32 s22, $0x0;
	s16 =	scvt.f32.s32 s24  }
0x4eb: {  	p4 =	por !p5, !p6;
	p6 =	slt.s32 s8, $0x10;
	s8 =	sadd.s32 s8, s23  }
0x4ec: {  	s0 =	scvt.f32.s32 s0;
	s6 =	sadd.s32 s16, s25;
	s25 =	sld [smem:$0x7F6]  }
0x4ed: {  	s3 =	sadd.s32 s11, s3;
	s16 =	rddreg [dreg:$0x1d];
	s19 =	smov.u32 @p0 s6;
	v4, _, _ =	vpop (xrf2)  }
0x4ee: {  	s6 =	sadd.s32 s14, s26;
	p0 =	por !p4, !p4;
	s14 =	scvt.f32.s32 s13;
	(v2sf) =	vpush v4, $0xF  }
0x4ef: {  	s0 =	sadd.s32 s0, s16;
	s26 =	rddreg [dreg:$0x15];
	s1 =	smov.u32 @p0 s6;
	v4, _, _ =	vpop (xrf2)  }
0x4f0: {  	s22 =	simm.s32 @p0 $0x1;
	p0 =	por p0, p0;
	s12 =	scvt.f32.s32 s25;
	(v2sf) =	vpush v4, $0xF  }
0x4f1: {  	p5 =	seq.s32 s22, $0x0;
	s4 =	sadd.s32 s14, s4;
	p0 =	por p0, p0;
	v4, _, _ =	vpop (xrf2)  }
0x4f2: {  	s25 =	sld [smem:$0x7F8];
	p4 =	por !p5, !p6;
	p5 =	por p3, p3;
	(v2sf) =	vpush v4, $0xF  }
0x4f3: {  	p6 =	slt.s32 s9, $0x10;
	p0 =	por p0, p0;
	p3 =	por !p4, !p4;
	v4, _, _ =	vpop (xrf2)  }
0x4f4: {  	s6 =	sadd.s32 s12, s28;
	s28 =	rddreg [dreg:$0x17];
	s22 =	simm.s32 @p3 $0x1;
	(v2sf) =	vpush v4, $0xF  }
0x4f5: {  	s19 =	smov.u32 @p5 s6;
	s1 =	smov.u32 @p3 s8;
	p5 =	seq.s32 s22, $0x0  }
0x4f6: {  	p3 =	por p3, p3;
	s19 =	smov.u32 @p2 s5;
	p4 =	por !p5, !p6  }
0x4f7: {  	s5 =	sadd.s32 s9, s30;
	p3 =	por p3, p3;
	p2 =	por !p4, !p4  }
0x4f8: {  	p6 =	slt.s32 s11, $0x10;
	p3 =	por p3, p3;
	s22 =	simm.s32 @p2 $0x1  }
0x4f9: {  	s1 =	smov.u32 @p2 s5;
	p2 =	por p2, p2;
	p5 =	seq.s32 s22, $0x0  }
0x4fa: {  	p2 =	por p2, p2;
	p4 =	por !p5, !p6;
	p5 =	por p1, p1  }
0x4fb: {  	p6 =	slt.s32 s2, $0x10;
	s2 =	sadd.s32 s2, s31;
	p1 =	por !p4, !p4  }
0x4fc: {  	p2 =	por p2, p2;
	s19 =	smov.u32 @p5 s4;
	s1 =	smov.u32 @p1 s3  }
0x4fd: {  	s22 =	simm.s32 @p1 $0x1;
	s19 =	smov.u32 @p0 s0;
	s20 =	spop (v2sf)  }
0x4fe: {  	p1 =	por p1, p1;
	p5 =	seq.s32 s22, $0x0;
	s3 =	scvt.f32.s32 s20  }
0x4ff: {  	p1 =	por p1, p1;
	p0 =	por !p5, !p6;
	s22 =	spop (v2sf)  }
0x500: {  	p0 =	por !p0, !p0;
	s0 =	sadd.s32 s3, s21;
	s3 =	scvt.f32.s32 s22  }
0x501: {  	p1 =	por p1, p1;
	p5 =	por p0, p0;
	s23 =	spop (v2sf)  }
0x502: {  	s19 =	smov.u32 @p3 s0;
	s0 =	sadd.s32 s3, s10;
	s3 =	scvt.f32.s32 s23  }
0x503: {  	s1 =	smov.u32 @p0 s2;
	s2 =	sshll.u32 s26, $0x8;
	s24 =	spop (v2sf)  }
0x504: {  	s19 =	smov.u32 @p2 s0;
	s0 =	sadd.s32 s3, s7;
	s3 =	scvt.f32.s32 s24  }
0x505: {  	p6 =	por p5, p5;
	s4 =	sor.u32 s2, s18;
	s2 =	sadd.s32 $0x1, s28  }
0x506: {  	p0 =	por p6, p6;
	s19 =	smov.u32 @p1 s0;
	s0 =	sadd.s32 s3, s25  }
0x507: {  	s30 =	rddreg [dreg:$0x14];
	s19 =	smov.u32 @p0 s0;
	p0 =	sne.s32 s2, $0x4  }
.Ltmp16:
0x508: {  	s31 =	rddreg [dreg:$0x13];
	s0 =	sshll.u32 s30, $0x8;
	(pc) =	sbr.rel @p0 .LBB2_19-.Ltmp16, $4  }
0x509: {  	s3 =	sor.u32 s0, s1;
	s0 =	sadd.s32 s31, s19  }
0x50a: {  	[dreg:$0x13] =	wrdreg s0  }
0x50b: {  	s29 =	rddreg [dreg:$0x16];
	[bflag:$0x0] =	sbarrier.arrive $0xFFFF  }
0x50c: {  	s9 =	sadd.s32 s29, s17;
	s5 =	stileid.u32  }
0x50d: {  	s0 =	simm.s32 $0xD700  }
0x50e: {  	s1 =	simm.s32 $0x0;
	s2 =	simm.s32 $0xCD00;
	v2 =	vld [tilespmem:s0+$0x0]  }
0x50f: {  	v3 =	vld [tilespmem:s2+$0x0];
	s28 =	sand.u32 $0x7F0, s1  }
0x510: {  	v4 =	vld [tilespmem:s28+$0xDC00]  }
0x511: {  	v5 =	vld [tilespmem:s28+$0xD200];
	_ =	sdelay $0x1  }
0x512: {  	s0 =	simm.s32 $0xC800  }
0x513: {  	s29 =	sxor.u32 $0x80000000, s4;
	s30 =	sxor.u32 $0x80000000, s3;
	v6 =	vld [tilespmem:s0+$0x0]  }
0x514: {  	v1 =	vmov s29;
	v0 =	vmov s30;
	vm0 =	vne.s32 v2, $0x0  }
0x515: {  	vm1 =	vgt.s32 v3, v1;
	vm2 =	vne.s32 v4, $0x0;
	vm3 =	vgt.s32 v5, v0  }
0x516: {  	vm0 =	vmand vm0, vm1;
	vm15 =	vmand vm2, vm3  }
0x517: {  	vm0 =	vmor vm0, vm15  }
0x518: {  	v2 =	vsel vm0, $0xFFFFFFFF, v6  }
0x519: {  	s1 =	simm.s32 $0xD710;
	[tilespmem:s0+$0x0] =	vst v2  }
0x51a: {  	s31 =	simm.s32 $0x10;
	s2 =	simm.s32 $0xCD10;
	v2 =	vld [tilespmem:s1+$0x0]  }
0x51b: {  	s4 =	sand.u32 $0x7F0, s31;
	v3 =	vld [tilespmem:s2+$0x0]  }
0x51c: {  	s3 =	simm.s32 $0x20;
	v4 =	vld [tilespmem:s4+$0xDC00]  }
.LBB2_31:
0x51d: {  	p0 =	sne.s32 s3, $0x4F0;
	v5 =	vld [tilespmem:s4+$0xD200];
	_ =	sdelay $0x1  }
0x51e: {  	s0 =	sadd.s32 $0x10, s0  }
0x51f: {  	v6 =	vld [tilespmem:s0+$0x0]  }
0x520: {  	vm0 =	vne.s32 v2, $0x0  }
0x521: {  	vm1 =	vgt.s32 v3, v1;
	vm2 =	vne.s32 v4, $0x0;
	vm3 =	vgt.s32 v5, v0  }
0x522: {  	vm0 =	vmand vm0, vm1;
	vm1 =	vmand vm2, vm3  }
0x523: {  	vm0 =	vmor vm0, vm1  }
.Ltmp17:
0x524: {  	v2 =	vsel vm0, $0xFFFFFFFF, v6;
	(pc) =	sbr.rel @p0 .LBB2_31-.Ltmp17, $4  }
0x525: {  	s1 =	sadd.s32 $0x10, s1;
	[tilespmem:s0+$0x0] =	vst v2  }
0x526: {  	s2 =	sadd.s32 $0x10, s2;
	v2 =	vld [tilespmem:s1+$0x0]  }
0x527: {  	s4 =	sand.u32 $0x7F0, s3;
	v3 =	vld [tilespmem:s2+$0x0]  }
0x528: {  	s3 =	sadd.s32 $0x10, s3;
	v4 =	vld [tilespmem:s4+$0xDC00]  }
0x529: {  	v5 =	vld [tilespmem:s4+$0xD200];
	_ =	sdelay $0x1  }
0x52a: {  	s0 =	sadd.s32 $0x10, s0  }
0x52b: {  	v6 =	vld [tilespmem:s0+$0x0]  }
0x52c: {  	vm0 =	vne.s32 v2, $0x0  }
0x52d: {  	vm1 =	vgt.s32 v3, v1;
	vm2 =	vne.s32 v4, $0x0;
	vm3 =	vgt.s32 v5, v0  }
0x52e: {  	vm0 =	vmand vm0, vm1;
	vm15 =	vmand vm2, vm3  }
0x52f: {  	s29 =	rddreg [dreg:$0x3];
	vm0 =	vmor vm0, vm15  }
0x530: {  	s1 =	rddreg [dreg:$0x9];
	s30 =	simm.s32 $0x0;
	v63 =	vsel vm0, $0xFFFFFFFF, v6  }
0x531: {  	s2 =	simm.s32 $0xC800;
	s31 =	simm.s32 $0x1;
	[tilespmem:s0+$0x0] =	vst v63;
	s0 =	sadd.s32 s29, s1  }
0x532: {  	[hbm4b:s0+s30] =	stream.linear.scatter [tilespmem:s2], [sflag:$0x1], $0x500, $0x38;
	[tilespmem:$0x13D30] =	vst v63  }
0x533: {  	_ =	swait.ge [sflag:s31], $0x500  }
0x534: {  	[sflag:s31] =	ssyncset.done $0x0  }
0x535: {  	[sflag:s31] =	ssyncadd.s32 $0xFFFFFB00  }
0x536: {  	_ =	sfence.sel $0x180000  }
0x537: {  	[bflag:$0x0] =	sbarrier.arrive $0xFFFF  }
0x538: {  	_ =	strace $0x90000047  }
0x539: {  	[bflag:$0x2] =	sbarrier.arrive $0xFFFF  }
0x53a: {  	p0 =	sne.s32 s5, $0x0;
	s0 =	rddreg [dreg:$0x7]  }
0x53b: {  	s0 =	sadd.s32 @!p0 $0x100000, s0  }
0x53c: {  	[sflag:s0] =	ssyncadd.tile.s32 @!p0 $0x1;
	_ =	shalt  }
.Lfunc_end2:
_tile_overlayer_lowered:
.L_overlay_start_2:
0x53d: {  	(tag) =	ssettag $0x2  }
0x53e: {  	s0 =	rddreg [dreg:$0x0];
	s2 =	stileid.u32  }
0x53f: {  	s1 =	rddreg [dreg:$0x1];
	p0 =	sne.s32 s2, $0x0  }
0x540: {  	s3 =	rddreg [dreg:$0x2];
	[bflag:$0x3] =	sbarrier.arrive $0xFFFF;
	s2 =	simm.s32 @!p0 $0x1C01  }
0x541: {  	[timem:s3], [sflag:s2] =	dma.local @!p0 [hbm:s0], s1  }
0x542: {  	s0 =	simm.s32 @!p0 $0x1  }
0x543: {  	_ =	swait.ge @!p0 [sflag:s0], s1  }
0x544: {  	s1 =	ssub.s32 @!p0 $0x0, s1;
	[sflag:s0] =	ssyncset.done @!p0 $0x0  }
0x545: {  	[sflag:s0] =	ssyncadd.s32 @!p0 s1  }
0x546: {  	[bflag:$0x3] =	sbarrier.arrive $0xFFFF  }
0x547: {  	_ =	shalt  }

</sc_bundles>
